<compile_context>
chip_gen: v7x
topology: tpu7x:2x2x1
jax: 0.10.2.dev20260603
libtpu: 0.0.44.dev20260713+nightly
codegen_flags: <defaults>
</compile_context>

<pallas_src>
import functools

import jax
import jax.numpy as jnp
from jax import lax
from jax.experimental import pallas as pl
from jax.experimental.pallas import tpu as pltpu
from jax.experimental.pallas import tpu_sc as plsc

NC = 2
NS = 16
CHUNK = 128
BLK = 4


def _cdiv(a, b):
    return (a + b - 1) // b


def _sc_deg(dst2d, n_nodes):
    n_chunks = dst2d.shape[0]
    ct = n_chunks // (NC * NS)
    hr = _cdiv(n_nodes + 1, 128)

    mesh = plsc.VectorSubcoreMesh(core_axis_name="c", subcore_axis_name="s", num_cores=NC, num_subcores=NS)

    @functools.partial(
        pl.kernel,
        out_type=jax.ShapeDtypeStruct((NC * NS, hr, 128), jnp.float32),
        mesh=mesh,
        compiler_params=pltpu.CompilerParams(needs_layout_passes=False),
        scratch_types=[
            pltpu.VMEM((hr, 128), jnp.float32),
            pltpu.VMEM((ct, CHUNK), jnp.int32),
        ],
    )
    def deg_kernel(dst_hbm, deg_out, hist, dbuf):
        c = lax.axis_index("c")
        s = lax.axis_index("s")
        wid = s * NC + c

        def zero_body(i, _):
            hist[i // 8, pl.ds((i % 8) * 16, 16)] = jnp.zeros((16,), jnp.float32)
            return _

        lax.fori_loop(0, hr * 8, zero_body, 0)

        pltpu.sync_copy(dst_hbm.at[pl.ds(wid * ct, ct)], dbuf)

        ones = jnp.ones((16,), jnp.float32)

        def acc_body(i, _):
            row = i // (CHUNK // 16)
            grp = i % (CHUNK // 16)
            idx = dbuf[row, pl.ds(grp * 16, 16)]
            plsc.addupdate_scatter(
                hist,
                [lax.shift_right_logical(idx, 7), lax.bitwise_and(idx, 127)],
                ones)
            return _

        lax.fori_loop(0, ct * (CHUNK // 16), acc_body, 0)

        pltpu.sync_copy(hist, deg_out.at[wid])

    return deg_kernel(dst2d)


def _sc_scatter(h_stacked, comb, n_nodes):
    n_chunks = comb.shape[1] // 2
    ct = n_chunks // NS
    iblk = 8
    gct = ct // iblk
    acc_r = _cdiv(n_nodes + 8, NS * 8) * NS * 8
    zr = acc_r // NS
    wr_a = _cdiv(n_nodes // NS, 8) * 8
    wr_b = n_nodes - (NS - 1) * wr_a

    mesh = plsc.VectorSubcoreMesh(core_axis_name="c", subcore_axis_name="s", num_cores=NC, num_subcores=NS)

    @functools.partial(
        pl.kernel,
        out_type=jax.ShapeDtypeStruct((NC * n_nodes, 128), jnp.float32),
        mesh=mesh,
        scratch_types=[
            pltpu.VMEM_SHARED((acc_r, 128), jnp.float32),
            pltpu.VMEM((2 * CHUNK, 128), jnp.float32),
            pltpu.VMEM((3, 2 * iblk, CHUNK), jnp.int32),
            pltpu.SemaphoreType.DMA,
            pltpu.SemaphoreType.DMA,
            pltpu.SemaphoreType.DMA,
            pltpu.SemaphoreType.DMA,
        ],
    )
    def scat_kernel(h_hbm, comb_hbm, out_hbm, acc, rowbuf, idxb,
                    gsem0, gsem1, ssem0, ssem1):
        c = lax.axis_index("c")
        s = lax.axis_index("s")
        gsems = (gsem0, gsem1)
        ssems = (ssem0, ssem1)

        def buf(a):
            return rowbuf.at[pl.ds(a * CHUNK, CHUNK)]

        def fire_g(a, gslot, row):
            pltpu.async_copy(h_hbm.at[idxb.at[gslot, row]], buf(a), gsems[a])

        def wait_g(a):
            pltpu.make_async_copy(h_hbm.at[pl.ds(0, CHUNK)], buf(a),
                                  gsems[a]).wait()

        def fire_s(a, gslot, row):
            pltpu.async_copy(buf(a), acc.at[idxb.at[gslot, row]], ssems[a],
                             add=True)

        def wait_s(a):
            pltpu.make_async_copy(h_hbm.at[pl.ds(0, CHUNK)],
                                  acc.at[pl.ds(0, CHUNK)], ssems[a]).wait()

        def load_group(g, gslot):
            off = pl.multiple_of((s * gct + g) * 2 * iblk, 8)
            pltpu.sync_copy(comb_hbm.at[c, pl.ds(off, 2 * iblk)],
                            idxb.at[gslot])

        def zb_body(i, _):
            rowbuf[i // 8, pl.ds((i % 8) * 16, 16)] = jnp.zeros((16,), jnp.float32)
            return _

        lax.fori_loop(0, CHUNK * 8, zb_body, 0)

        base = pl.multiple_of(s * zr, 8)
        nfull, rem = zr // CHUNK, zr % CHUNK
        for k in range(nfull):
            pltpu.sync_copy(rowbuf.at[pl.ds(0, CHUNK)],
                            acc.at[pl.ds(base + k * CHUNK, CHUNK)])
        if rem:
            pltpu.sync_copy(rowbuf.at[pl.ds(0, rem)],
                            acc.at[pl.ds(base + nfull * CHUNK, rem)])
        plsc.subcore_barrier()

        load_group(0, 0)
        fire_g(0, 0, 0)

        def outer(b, carry):
            gb = b % 3

            @pl.when(b < gct - 1)
            def _():
                load_group(b + 1, (b + 1) % 3)

            for j in range(iblk):
                a = j % 2
                wait_g(a)
                fire_s(a, gb, 2 * j + 1)
                if j < iblk - 1:
                    if j == 0:
                        @pl.when(b > 0)
                        def _():
                            wait_s(1 - a)
                    else:
                        wait_s(1 - a)
                    fire_g(1 - a, gb, 2 * (j + 1))
                else:
                    @pl.when(b < gct - 1)
                    def _():
                        wait_s(1 - a)
                        fire_g(1 - a, (b + 1) % 3, 0)
            return carry

        lax.fori_loop(0, gct, outer, 0)

        wait_s(0)
        wait_s(1)
        plsc.subcore_barrier()
        rd = pl.multiple_of(s * wr_a, 8)
        wo = pl.multiple_of(c * n_nodes + s * wr_a, 8)

        @pl.when(s < NS - 1)
        def _():
            pltpu.sync_copy(acc.at[pl.ds(rd, wr_a)], out_hbm.at[pl.ds(wo, wr_a)])

        @pl.when(s == NS - 1)
        def _():
            pltpu.sync_copy(acc.at[pl.ds(rd, wr_b)], out_hbm.at[pl.ds(wo, wr_b)])

    return scat_kernel(h_stacked, comb)


def _tc_dinv(degp, n):
    w = degp.shape[1]

    def body(degp_ref, o_ref):
        deg = jnp.sum(degp_ref[...], axis=0)[:n]
        o_ref[...] = lax.rsqrt(1.0 + deg)[:, None]

    return pl.pallas_call(
        body,
        grid=(1,),
        in_specs=[pl.BlockSpec((NC * NS, w), lambda i: (0, 0))],
        out_specs=pl.BlockSpec((n, 1), lambda i: (0, 0)),
        out_shape=jax.ShapeDtypeStruct((n, 1), jnp.float32),
    )(degp)


def _tc_first(x, w1, dinv, bn):
    n, d_in = x.shape
    nb = n // bn

    def body(x_ref, w_ref, dinv_ref, o_ref):
        h = jnp.dot(x_ref[...], w_ref[...], preferred_element_type=jnp.float32)
        o_ref[...] = h * dinv_ref[...]

    return pl.pallas_call(
        body,
        grid=(nb, NC),
        in_specs=[
            pl.BlockSpec((bn, d_in), lambda i, c: (i, 0)),
            pl.BlockSpec((d_in, 128), lambda i, c: (0, c)),
            pl.BlockSpec((bn, 1), lambda i, c: (i, 0)),
        ],
        out_specs=pl.BlockSpec((bn, 128), lambda i, c, _nb=nb: (c * _nb + i, 0)),
        out_shape=jax.ShapeDtypeStruct((NC * n, 128), jnp.float32),
    )(x, w1, dinv)


def _tc_mid(sacc, hprev, dinv, w, n, bn):
    nb = n // bn

    def body(sa_ref, sb_ref, ha_ref, hb_ref, w_ref, dinv_ref, o_ref):
        dv = dinv_ref[...]
        z0 = jnp.maximum((sa_ref[...] + ha_ref[...]) * dv, 0.0)
        z1 = jnp.maximum((sb_ref[...] + hb_ref[...]) * dv, 0.0)
        h = (jnp.dot(z0, w_ref[0:128, :], preferred_element_type=jnp.float32)
             + jnp.dot(z1, w_ref[128:256, :], preferred_element_type=jnp.float32))
        o_ref[...] = h * dv

    half_a = pl.BlockSpec((bn, 128), lambda i, c: (i, 0))
    half_b = pl.BlockSpec((bn, 128), lambda i, c, _nb=nb: (_nb + i, 0))
    return pl.pallas_call(
        body,
        grid=(nb, NC),
        in_specs=[
            half_a, half_b, half_a, half_b,
            pl.BlockSpec((256, 128), lambda i, c: (0, c)),
            pl.BlockSpec((bn, 1), lambda i, c: (i, 0)),
        ],
        out_specs=pl.BlockSpec((bn, 128), lambda i, c, _nb=nb: (c * _nb + i, 0)),
        out_shape=jax.ShapeDtypeStruct((NC * n, 128), jnp.float32),
    )(sacc, sacc, hprev, hprev, w, dinv)


def _tc_final(sacc, hprev, dinv, n, bn):
    nb = n // bn

    def body(sa_ref, sb_ref, ha_ref, hb_ref, dinv_ref, o_ref):
        dv = dinv_ref[...]
        o_ref[:, 0:128] = (sa_ref[...] + ha_ref[...]) * dv
        o_ref[:, 128:256] = (sb_ref[...] + hb_ref[...]) * dv

    half_a = pl.BlockSpec((bn, 128), lambda i: (i, 0))
    half_b = pl.BlockSpec((bn, 128), lambda i, _nb=nb: (_nb + i, 0))
    return pl.pallas_call(
        body,
        grid=(nb,),
        in_specs=[
            half_a, half_b, half_a, half_b,
            pl.BlockSpec((bn, 1), lambda i: (i, 0)),
        ],
        out_specs=pl.BlockSpec((bn, 256), lambda i: (i, 0)),
        out_shape=jax.ShapeDtypeStruct((n, 256), jnp.float32),
    )(sacc, sacc, hprev, hprev, dinv)


def kernel(x, edge_index, W1, W2, W3):
    n = x.shape[0]
    e = edge_index.shape[1]
    ei = edge_index.astype(jnp.int32)
    src, dst = ei[0], ei[1]

    quantum = NC * NS * CHUNK * BLK
    ep = _cdiv(e, quantum) * quantum
    pad = ep - e
    src_p = jnp.concatenate([src, jnp.zeros((pad,), jnp.int32)])
    dst_p = jnp.concatenate([dst, jnp.full((pad,), n, jnp.int32)])
    src2 = jnp.stack([src_p, src_p + n]).reshape(NC, ep // CHUNK, CHUNK)
    dst2d = dst_p.reshape(ep // CHUNK, CHUNK)
    comb = jnp.stack(
        [src2, jnp.broadcast_to(dst2d, src2.shape)], axis=2,
    ).reshape(NC, 2 * (ep // CHUNK), CHUNK)

    bn = 1000
    degp = _sc_deg(dst2d, n)
    degp = degp.reshape(degp.shape[0], -1)
    dinv = _tc_dinv(degp, n)

    h1 = _tc_first(x, W1, dinv, bn)
    s1 = _sc_scatter(h1, comb, n)
    h2 = _tc_mid(s1, h1, dinv, W2, n, bn)
    s2 = _sc_scatter(h2, comb, n)
    h3 = _tc_mid(s2, h2, dinv, W3, n, bn)
    s3 = _sc_scatter(h3, comb, n)
    return _tc_final(s3, h3, dinv, n, bn)

# --- scband reference (transcript-rebuilt; emitter-appended) ---
"""Pipeline reference for scband-gnn-24369644438205 (READ-ONLY COPY).

The authoritative reference and input builder live on the scoring server;
editing this copy changes nothing except your own understanding.
"""

import jax, jax.numpy as jnp
import numpy as np

N_NODES = 10000
N_EDGES = 320000


def gcn_conv(x, edge_index, W, num_nodes):
    # PyG-style GCNConv, bias=False: add self-loops, symmetric normalization,
    # linear transform, then scatter-add aggregation to destination nodes.
    src = edge_index[0]
    dst = edge_index[1]
    loop = jnp.arange(num_nodes, dtype=edge_index.dtype)
    src = jnp.concatenate([src, loop])
    dst = jnp.concatenate([dst, loop])
    h = x @ W
    deg = jnp.zeros((num_nodes,), dtype=h.dtype).at[dst].add(1.0)
    deg_inv_sqrt = jnp.where(deg > 0, deg ** -0.5, 0.0)
    norm = deg_inv_sqrt[src] * deg_inv_sqrt[dst]
    msgs = h[src] * norm[:, None]
    out = jnp.zeros((num_nodes, h.shape[1]), dtype=h.dtype).at[dst].add(msgs)
    return out


def setup_inputs(seed: int = 0) -> dict:
    key = jax.random.key(seed)
    k_x, k_e, k1, k2, k3 = jax.random.split(key, 5)
    x = jax.random.normal(k_x, (N_NODES, 128), dtype=jnp.float32)
    edge_index = jax.random.randint(k_e, (2, N_EDGES), 0, N_NODES, dtype=jnp.int64)
    # Glorot-uniform-ish init for GCNConv weights (bias=False)
    def glorot(k, fan_in, fan_out):
        lim = np.sqrt(6.0 / (fan_in + fan_out))
        return jax.random.uniform(k, (fan_in, fan_out), dtype=jnp.float32, minval=-lim, maxval=lim)
    W1 = glorot(k1, 128, 256)
    W2 = glorot(k2, 256, 256)
    W3 = glorot(k3, 256, 256)
    return {"x": x, "edge_index": edge_index, "W1": W1, "W2": W2, "W3": W3}


def reference(x, edge_index, W1, W2, W3):
    num_nodes = x.shape[0]
    h = gcn_conv(x, edge_index, W1, num_nodes)
    h = jax.nn.relu(h)
    h = gcn_conv(h, edge_index, W2, num_nodes)
    h = jax.nn.relu(h)
    h = gcn_conv(h, edge_index, W3, num_nodes)
    return h

if __name__ == "__main__":
    import jax
    _d = setup_inputs()
    print(jax.jit(kernel)(*tuple(_d.values())))

</pallas_src>

<mosaic_0001>
#map = affine_map<(d0, d1) -> (0, 0)>
#map1 = affine_map<(d0, d1) -> (0, 0, 0)>
module attributes {stable_mosaic.version = 14 : i64} {
  func.func @deg_kernel(%arg0: i32, %arg1: i32, %arg2: memref<2560x128xi32, #tpu.memory_space<hbm>>, %arg3: memref<32x79x128xf32, #tpu.memory_space<hbm>>, %arg4: memref<79x128xf32, #tpu.memory_space<vmem>>, %arg5: memref<80x128xi32, #tpu.memory_space<vmem>>) attributes {dimension_semantics = [#tpu.dimension_semantics<core_parallel>, #tpu.dimension_semantics<subcore_parallel>], iteration_bounds = array<i64: 2, 16>, scalar_prefetch = 0 : i64, scratch_operands = 2 : i64, tpu.core_type = #tpu.core_type<sc_vector_subcore>, window_params = [{transform_indices = #map}, {transform_indices = #map1}]} {
    %mul3A = arith.constant 2 : i32
    %mul3A_0 = arith.muli %arg1, %mul3A : i32
    %add3A = arith.addi %mul3A_0, %arg0 : i32
    %scan3A = arith.constant 0 : i32
    %scan3A_1 = arith.constant 0 : i32
    %scan3A_2 = arith.constant 632 : i32
    %scan3A_3 = arith.addi %scan3A_1, %scan3A_2 : i32
    %scan3A_4 = arith.constant 1 : i32
    scf.for %scan3A_15 = %scan3A_1 to %scan3A_3 step %scan3A_4  : i32 {
      %broadcast_in_dim3A_16 = arith.constant 0.000000e+00 : f32
      %broadcast_in_dim3A_17 = vector.broadcast %broadcast_in_dim3A_16 : f32 to vector<16xf32>
      %jit3A = arith.constant 8 : i32
      %div3A = arith.divsi %scan3A_15, %jit3A : i32
      %sign3A = arith.constant 0 : i32
      %sign3A_18 = arith.cmpi sgt, %scan3A_15, %sign3A : i32
      %sign3A_19 = arith.extui %sign3A_18 : i1 to i32
      %sign3A_20 = arith.constant 0 : i32
      %sign3A_21 = arith.cmpi slt, %scan3A_15, %sign3A_20 : i32
      %sign3A_22 = arith.extui %sign3A_21 : i1 to i32
      %sign3A_23 = arith.subi %sign3A_19, %sign3A_22 : i32
      %sign3A_24 = arith.constant 0 : i32
      %sign3A_25 = arith.cmpi sgt, %jit3A, %sign3A_24 : i32
      %sign3A_26 = arith.extui %sign3A_25 : i1 to i32
      %sign3A_27 = arith.constant 0 : i32
      %sign3A_28 = arith.cmpi slt, %jit3A, %sign3A_27 : i32
      %sign3A_29 = arith.extui %sign3A_28 : i1 to i32
      %sign3A_30 = arith.subi %sign3A_26, %sign3A_29 : i32
      %ne3A = arith.cmpi ne, %sign3A_23, %sign3A_30 : i32
      %rem3A = arith.remsi %scan3A_15, %jit3A : i32
      %ne3A_31 = arith.constant 0 : i32
      %ne3A_32 = arith.cmpi ne, %rem3A, %ne3A_31 : i32
      %and3A = arith.andi %ne3A, %ne3A_32 : i1
      %sub3A = arith.constant 1 : i32
      %sub3A_33 = arith.subi %div3A, %sub3A : i32
      %select_n3A = arith.select %and3A, %sub3A_33, %div3A : i32
      %jit3A_34 = arith.constant 8 : i32
      %eq3A = arith.constant 0 : i32
      %eq3A_35 = arith.cmpi eq, %jit3A_34, %eq3A : i32
      %jit3A_36 = arith.constant 1 : i32
      %select_n3A_37 = arith.select %eq3A_35, %jit3A_36, %jit3A_34 : i32
      %rem3A_38 = arith.remsi %scan3A_15, %select_n3A_37 : i32
      %ne3A_39 = arith.constant 0 : i32
      %ne3A_40 = arith.cmpi ne, %rem3A_38, %ne3A_39 : i32
      %lt3A = arith.constant 0 : i32
      %lt3A_41 = arith.cmpi slt, %rem3A_38, %lt3A : i32
      %lt3A_42 = arith.constant 0 : i32
      %lt3A_43 = arith.cmpi slt, %select_n3A_37, %lt3A_42 : i32
      %ne3A_44 = arith.xori %lt3A_41, %lt3A_43 : i1
      %and3A_45 = arith.andi %ne3A_44, %ne3A_40 : i1
      %add3A_46 = arith.addi %rem3A_38, %select_n3A_37 : i32
      %select_n3A_47 = arith.select %and3A_45, %add3A_46, %rem3A_38 : i32
      %mul3A_48 = arith.constant 16 : i32
      %mul3A_49 = arith.muli %select_n3A_47, %mul3A_48 : i32
      %swap3A = arith.index_cast %select_n3A : i32 to index
      %swap3A_50 = arith.index_cast %mul3A_49 : i32 to index
      %swap3A_51 = tpu.vector_load %arg4[%swap3A, %swap3A_50] {strides = array<i32>} : memref<79x128xf32, #tpu.memory_space<vmem>>, vector<16xf32>,
      tpu.vector_store %arg4[%swap3A, %swap3A_50], %broadcast_in_dim3A_17 {strides = array<i32>} : memref<79x128xf32, #tpu.memory_space<vmem>>, vector<16xf32>,
    }
    %scan3A_5 = arith.constant 632 : i32
    %mul3A_6 = arith.constant 80 : i32
    %mul3A_7 = arith.muli %add3A, %mul3A_6 : i32
    "tpu.region"() ({
      %run_scoped3A = tpu.sem_alloc : memref<!tpu.dma_semaphore, #tpu.memory_space<semaphore_mem>>
      %dma_start3A = arith.constant 0 : i32
      %dma_start3A_15 = tpu.memref_slice %arg2[%mul3A_7, %dma_start3A] : memref<2560x128xi32, #tpu.memory_space<hbm>> -> memref<80x128xi32, #tpu.memory_space<hbm>>
      %dma_start3A_16 = arith.constant 0 : i32
      %dma_start3A_17 = tpu.memref_slice %arg2[%mul3A_7, %dma_start3A_16] : memref<2560x128xi32, #tpu.memory_space<hbm>> -> memref<80x128xi32, #tpu.memory_space<hbm>>
      tpu.enqueue_dma source(%dma_start3A_17 : memref<80x128xi32, #tpu.memory_space<hbm>>) target(%arg5 : memref<80x128xi32, #tpu.memory_space<vmem>>) target_semaphore(%run_scoped3A : memref<!tpu.dma_semaphore, #tpu.memory_space<semaphore_mem>>)
      %dma_wait3A = arith.constant 0 : i32
      %dma_wait3A_18 = tpu.memref_slice %arg2[%mul3A_7, %dma_wait3A] : memref<2560x128xi32, #tpu.memory_space<hbm>> -> memref<80x128xi32, #tpu.memory_space<hbm>>
      %dma_wait3A_19 = arith.constant 0 : i32
      %dma_wait3A_20 = tpu.memref_slice %arg2[%mul3A_7, %dma_wait3A_19] : memref<2560x128xi32, #tpu.memory_space<hbm>> -> memref<80x128xi32, #tpu.memory_space<hbm>>
      tpu.wait_dma2 semaphore(%run_scoped3A : memref<!tpu.dma_semaphore, #tpu.memory_space<semaphore_mem>>) src(%dma_wait3A_20 : memref<80x128xi32, #tpu.memory_space<hbm>>) dst(%arg5 : memref<80x128xi32, #tpu.memory_space<vmem>>)
      tpu.yield
    }) : () -> ()
    %broadcast_in_dim3A = arith.constant 1.000000e+00 : f32
    %broadcast_in_dim3A_8 = vector.broadcast %broadcast_in_dim3A : f32 to vector<16xf32>
    %scan3A_9 = arith.constant 0 : i32
    %scan3A_10 = arith.constant 0 : i32
    %scan3A_11 = arith.constant 640 : i32
    %scan3A_12 = arith.addi %scan3A_10, %scan3A_11 : i32
    %scan3A_13 = arith.constant 1 : i32
    scf.for %scan3A_15 = %scan3A_10 to %scan3A_12 step %scan3A_13  : i32 {
      %jit3A = arith.constant 8 : i32
      %div3A = arith.divsi %scan3A_15, %jit3A : i32
      %sign3A = arith.constant 0 : i32
      %sign3A_16 = arith.cmpi sgt, %scan3A_15, %sign3A : i32
      %sign3A_17 = arith.extui %sign3A_16 : i1 to i32
      %sign3A_18 = arith.constant 0 : i32
      %sign3A_19 = arith.cmpi slt, %scan3A_15, %sign3A_18 : i32
      %sign3A_20 = arith.extui %sign3A_19 : i1 to i32
      %sign3A_21 = arith.subi %sign3A_17, %sign3A_20 : i32
      %sign3A_22 = arith.constant 0 : i32
      %sign3A_23 = arith.cmpi sgt, %jit3A, %sign3A_22 : i32
      %sign3A_24 = arith.extui %sign3A_23 : i1 to i32
      %sign3A_25 = arith.constant 0 : i32
      %sign3A_26 = arith.cmpi slt, %jit3A, %sign3A_25 : i32
      %sign3A_27 = arith.extui %sign3A_26 : i1 to i32
      %sign3A_28 = arith.subi %sign3A_24, %sign3A_27 : i32
      %ne3A = arith.cmpi ne, %sign3A_21, %sign3A_28 : i32
      %rem3A = arith.remsi %scan3A_15, %jit3A : i32
      %ne3A_29 = arith.constant 0 : i32
      %ne3A_30 = arith.cmpi ne, %rem3A, %ne3A_29 : i32
      %and3A = arith.andi %ne3A, %ne3A_30 : i1
      %sub3A = arith.constant 1 : i32
      %sub3A_31 = arith.subi %div3A, %sub3A : i32
      %select_n3A = arith.select %and3A, %sub3A_31, %div3A : i32
      %jit3A_32 = arith.constant 8 : i32
      %eq3A = arith.constant 0 : i32
      %eq3A_33 = arith.cmpi eq, %jit3A_32, %eq3A : i32
      %jit3A_34 = arith.constant 1 : i32
      %select_n3A_35 = arith.select %eq3A_33, %jit3A_34, %jit3A_32 : i32
      %rem3A_36 = arith.remsi %scan3A_15, %select_n3A_35 : i32
      %ne3A_37 = arith.constant 0 : i32
      %ne3A_38 = arith.cmpi ne, %rem3A_36, %ne3A_37 : i32
      %lt3A = arith.constant 0 : i32
      %lt3A_39 = arith.cmpi slt, %rem3A_36, %lt3A : i32
      %lt3A_40 = arith.constant 0 : i32
      %lt3A_41 = arith.cmpi slt, %select_n3A_35, %lt3A_40 : i32
      %ne3A_42 = arith.xori %lt3A_39, %lt3A_41 : i1
      %and3A_43 = arith.andi %ne3A_42, %ne3A_38 : i1
      %add3A_44 = arith.addi %rem3A_36, %select_n3A_35 : i32
      %select_n3A_45 = arith.select %and3A_43, %add3A_44, %rem3A_36 : i32
      %mul3A_46 = arith.constant 16 : i32
      %mul3A_47 = arith.muli %select_n3A_45, %mul3A_46 : i32
      %get3A = arith.index_cast %select_n3A : i32 to index
      %get3A_48 = arith.index_cast %mul3A_47 : i32 to index
      %get3A_49 = tpu.vector_load %arg5[%get3A, %get3A_48] {strides = array<i32>} : memref<80x128xi32, #tpu.memory_space<vmem>>, vector<16xi32>,
      %shift_right_logical3A = arith.constant 7 : i32
      %shift_right_logical3A_50 = vector.broadcast %shift_right_logical3A : i32 to vector<16xi32>
      %shift_right_logical3A_51 = arith.shrui %get3A_49, %shift_right_logical3A_50 : vector<16xi32>
      %and3A_52 = arith.constant 127 : i32
      %and3A_53 = vector.broadcast %and3A_52 : i32 to vector<16xi32>
      %and3A_54 = arith.andi %get3A_49, %and3A_53 : vector<16xi32>
      tpu.vector_store_idx %arg4[%shift_right_logical3A_51, %and3A_54], %broadcast_in_dim3A_8 {add = true} : memref<79x128xf32, #tpu.memory_space<vmem>>[vector<16xi32>, vector<16xi32>], vector<16xf32>,
    }
    %scan3A_14 = arith.constant 640 : i32
    "tpu.region"() ({
      %run_scoped3A = tpu.sem_alloc : memref<!tpu.dma_semaphore, #tpu.memory_space<semaphore_mem>>
      %dma_start3A = arith.constant 0 : i32
      %dma_start3A_15 = arith.constant 0 : i32
      %dma_start3A_16 = tpu.memref_slice %arg3[%add3A, %dma_start3A, %dma_start3A_15] : memref<32x79x128xf32, #tpu.memory_space<hbm>> -> memref<1x79x128xf32, #tpu.memory_space<hbm>>
      %dma_start3A_17 = tpu.memref_squeeze %dma_start3A_16 : memref<1x79x128xf32, #tpu.memory_space<hbm>> -> memref<79x128xf32, #tpu.memory_space<hbm>>
      %dma_start3A_18 = arith.constant 0 : i32
      %dma_start3A_19 = arith.constant 0 : i32
      %dma_start3A_20 = tpu.memref_slice %arg3[%add3A, %dma_start3A_18, %dma_start3A_19] : memref<32x79x128xf32, #tpu.memory_space<hbm>> -> memref<1x79x128xf32, #tpu.memory_space<hbm>>
      %dma_start3A_21 = tpu.memref_squeeze %dma_start3A_20 : memref<1x79x128xf32, #tpu.memory_space<hbm>> -> memref<79x128xf32, #tpu.memory_space<hbm>>
      tpu.enqueue_dma source(%arg4 : memref<79x128xf32, #tpu.memory_space<vmem>>) target(%dma_start3A_21 : memref<79x128xf32, #tpu.memory_space<hbm>>) target_semaphore(%run_scoped3A : memref<!tpu.dma_semaphore, #tpu.memory_space<semaphore_mem>>)
      %dma_wait3A = arith.constant 0 : i32
      %dma_wait3A_22 = arith.constant 0 : i32
      %dma_wait3A_23 = tpu.memref_slice %arg3[%add3A, %dma_wait3A, %dma_wait3A_22] : memref<32x79x128xf32, #tpu.memory_space<hbm>> -> memref<1x79x128xf32, #tpu.memory_space<hbm>>
      %dma_wait3A_24 = tpu.memref_squeeze %dma_wait3A_23 : memref<1x79x128xf32, #tpu.memory_space<hbm>> -> memref<79x128xf32, #tpu.memory_space<hbm>>
      %dma_wait3A_25 = arith.constant 0 : i32
      %dma_wait3A_26 = arith.constant 0 : i32
      %dma_wait3A_27 = tpu.memref_slice %arg3[%add3A, %dma_wait3A_25, %dma_wait3A_26] : memref<32x79x128xf32, #tpu.memory_space<hbm>> -> memref<1x79x128xf32, #tpu.memory_space<hbm>>
      %dma_wait3A_28 = tpu.memref_squeeze %dma_wait3A_27 : memref<1x79x128xf32, #tpu.memory_space<hbm>> -> memref<79x128xf32, #tpu.memory_space<hbm>>
      tpu.wait_dma2 semaphore(%run_scoped3A : memref<!tpu.dma_semaphore, #tpu.memory_space<semaphore_mem>>) src(%arg4 : memref<79x128xf32, #tpu.memory_space<vmem>>) dst(%dma_wait3A_28 : memref<79x128xf32, #tpu.memory_space<hbm>>)
      tpu.yield
    }) : () -> ()
    return
  }
}

#map = affine_map<(d0, d1) -> (0, 0)>
#map1 = affine_map<(d0, d1) -> (0, 0, 0)>
module attributes {stable_mosaic.version = 14 : i64} {
  func.func @scat_kernel(%arg0: i32, %arg1: i32, %arg2: memref<20000x128xf32, #tpu.memory_space<hbm>>, %arg3: memref<2x5120x128xi32, #tpu.memory_space<hbm>>, %arg4: memref<20000x128xf32, #tpu.memory_space<hbm>>, %arg5: memref<10112x128xf32, #tpu.memory_space<vmem_shared>>, %arg6: memref<256x128xf32, #tpu.memory_space<vmem>>, %arg7: memref<3x16x128xi32, #tpu.memory_space<vmem>>, %arg8: memref<!tpu.dma_semaphore, #tpu.memory_space<semaphore_mem>>, %arg9: memref<!tpu.dma_semaphore, #tpu.memory_space<semaphore_mem>>, %arg10: memref<!tpu.dma_semaphore, #tpu.memory_space<semaphore_mem>>, %arg11: memref<!tpu.dma_semaphore, #tpu.memory_space<semaphore_mem>>) attributes {dimension_semantics = [#tpu.dimension_semantics<core_parallel>, #tpu.dimension_semantics<subcore_parallel>], iteration_bounds = array<i64: 2, 16>, scalar_prefetch = 0 : i64, scratch_operands = 7 : i64, tpu.core_type = #tpu.core_type<sc_vector_subcore>, window_params = [{transform_indices = #map}, {transform_indices = #map1}, {transform_indices = #map}]} {
    %scan3A = arith.constant 0 : i32
    %scan3A_0 = arith.constant 0 : i32
    %scan3A_1 = arith.constant 1024 : i32
    %scan3A_2 = arith.addi %scan3A_0, %scan3A_1 : i32
    %scan3A_3 = arith.constant 1 : i32
    scf.for %scan3A_67 = %scan3A_0 to %scan3A_2 step %scan3A_3  : i32 {
      %broadcast_in_dim3A = arith.constant 0.000000e+00 : f32
      %broadcast_in_dim3A_68 = vector.broadcast %broadcast_in_dim3A : f32 to vector<16xf32>
      %jit3A = arith.constant 8 : i32
      %div3A = arith.divsi %scan3A_67, %jit3A : i32
      %sign3A = arith.constant 0 : i32
      %sign3A_69 = arith.cmpi sgt, %scan3A_67, %sign3A : i32
      %sign3A_70 = arith.extui %sign3A_69 : i1 to i32
      %sign3A_71 = arith.constant 0 : i32
      %sign3A_72 = arith.cmpi slt, %scan3A_67, %sign3A_71 : i32
      %sign3A_73 = arith.extui %sign3A_72 : i1 to i32
      %sign3A_74 = arith.subi %sign3A_70, %sign3A_73 : i32
      %sign3A_75 = arith.constant 0 : i32
      %sign3A_76 = arith.cmpi sgt, %jit3A, %sign3A_75 : i32
      %sign3A_77 = arith.extui %sign3A_76 : i1 to i32
      %sign3A_78 = arith.constant 0 : i32
      %sign3A_79 = arith.cmpi slt, %jit3A, %sign3A_78 : i32
      %sign3A_80 = arith.extui %sign3A_79 : i1 to i32
      %sign3A_81 = arith.subi %sign3A_77, %sign3A_80 : i32
      %ne3A = arith.cmpi ne, %sign3A_74, %sign3A_81 : i32
      %rem3A = arith.remsi %scan3A_67, %jit3A : i32
      %ne3A_82 = arith.constant 0 : i32
      %ne3A_83 = arith.cmpi ne, %rem3A, %ne3A_82 : i32
      %and3A = arith.andi %ne3A, %ne3A_83 : i1
      %sub3A = arith.constant 1 : i32
      %sub3A_84 = arith.subi %div3A, %sub3A : i32
      %select_n3A = arith.select %and3A, %sub3A_84, %div3A : i32
      %jit3A_85 = arith.constant 8 : i32
      %eq3A_86 = arith.constant 0 : i32
      %eq3A_87 = arith.cmpi eq, %jit3A_85, %eq3A_86 : i32
      %jit3A_88 = arith.constant 1 : i32
      %select_n3A_89 = arith.select %eq3A_87, %jit3A_88, %jit3A_85 : i32
      %rem3A_90 = arith.remsi %scan3A_67, %select_n3A_89 : i32
      %ne3A_91 = arith.constant 0 : i32
      %ne3A_92 = arith.cmpi ne, %rem3A_90, %ne3A_91 : i32
      %lt3A_93 = arith.constant 0 : i32
      %lt3A_94 = arith.cmpi slt, %rem3A_90, %lt3A_93 : i32
      %lt3A_95 = arith.constant 0 : i32
      %lt3A_96 = arith.cmpi slt, %select_n3A_89, %lt3A_95 : i32
      %ne3A_97 = arith.xori %lt3A_94, %lt3A_96 : i1
      %and3A_98 = arith.andi %ne3A_97, %ne3A_92 : i1
      %add3A_99 = arith.addi %rem3A_90, %select_n3A_89 : i32
      %select_n3A_100 = arith.select %and3A_98, %add3A_99, %rem3A_90 : i32
      %mul3A_101 = arith.constant 16 : i32
      %mul3A_102 = arith.muli %select_n3A_100, %mul3A_101 : i32
      %swap3A = arith.index_cast %select_n3A : i32 to index
      %swap3A_103 = arith.index_cast %mul3A_102 : i32 to index
      %swap3A_104 = tpu.vector_load %arg6[%swap3A, %swap3A_103] {strides = array<i32>} : memref<256x128xf32, #tpu.memory_space<vmem>>, vector<1x16xf32>,
      %swap3A_105 = vector.shape_cast %swap3A_104 : vector<1x16xf32> to vector<16xf32>
      %swap3A_106 = vector.shape_cast %broadcast_in_dim3A_68 : vector<16xf32> to vector<1x16xf32>
      tpu.vector_store %arg6[%swap3A, %swap3A_103], %swap3A_106 {strides = array<i32>} : memref<256x128xf32, #tpu.memory_space<vmem>>, vector<1x16xf32>,
    }
    %scan3A_4 = arith.constant 1024 : i32
    %mul3A = arith.constant 632 : i32
    %mul3A_5 = arith.muli %arg1, %mul3A : i32
    %multiple_of3A = tpu.assume_multiple %mul3A_5, 8 : i32
    %add3A = arith.constant 0 : i32
    %add3A_6 = arith.addi %multiple_of3A, %add3A : i32
    "tpu.region"() ({
      %run_scoped3A_67 = tpu.sem_alloc : memref<!tpu.dma_semaphore, #tpu.memory_space<semaphore_mem>>
      %dma_start3A_68 = arith.constant 0 : i32
      %dma_start3A_69 = arith.constant 0 : i32
      %dma_start3A_70 = tpu.memref_slice %arg6[%dma_start3A_68, %dma_start3A_69] : memref<256x128xf32, #tpu.memory_space<vmem>> -> memref<128x128xf32, #tpu.memory_space<vmem>>
      %dma_start3A_71 = arith.constant 0 : i32
      %dma_start3A_72 = tpu.memref_slice %arg5[%add3A_6, %dma_start3A_71] : memref<10112x128xf32, #tpu.memory_space<vmem_shared>> -> memref<128x128xf32, #tpu.memory_space<vmem_shared>>
      %dma_start3A_73 = arith.constant 0 : i32
      %dma_start3A_74 = tpu.memref_slice %arg5[%add3A_6, %dma_start3A_73] : memref<10112x128xf32, #tpu.memory_space<vmem_shared>> -> memref<128x128xf32, #tpu.memory_space<vmem_shared>>
      %dma_start3A_75 = arith.constant 0 : i32
      %dma_start3A_76 = arith.constant 0 : i32
      %dma_start3A_77 = tpu.memref_slice %arg6[%dma_start3A_75, %dma_start3A_76] : memref<256x128xf32, #tpu.memory_space<vmem>> -> memref<128x128xf32, #tpu.memory_space<vmem>>
      tpu.enqueue_dma source(%dma_start3A_77 : memref<128x128xf32, #tpu.memory_space<vmem>>) target(%dma_start3A_74 : memref<128x128xf32, #tpu.memory_space<vmem_shared>>) target_semaphore(%run_scoped3A_67 : memref<!tpu.dma_semaphore, #tpu.memory_space<semaphore_mem>>)
      %dma_wait3A_78 = arith.constant 0 : i32
      %dma_wait3A_79 = arith.constant 0 : i32
      %dma_wait3A_80 = tpu.memref_slice %arg6[%dma_wait3A_78, %dma_wait3A_79] : memref<256x128xf32, #tpu.memory_space<vmem>> -> memref<128x128xf32, #tpu.memory_space<vmem>>
      %dma_wait3A_81 = arith.constant 0 : i32
      %dma_wait3A_82 = tpu.memref_slice %arg5[%add3A_6, %dma_wait3A_81] : memref<10112x128xf32, #tpu.memory_space<vmem_shared>> -> memref<128x128xf32, #tpu.memory_space<vmem_shared>>
      %dma_wait3A_83 = arith.constant 0 : i32
      %dma_wait3A_84 = tpu.memref_slice %arg5[%add3A_6, %dma_wait3A_83] : memref<10112x128xf32, #tpu.memory_space<vmem_shared>> -> memref<128x128xf32, #tpu.memory_space<vmem_shared>>
      %dma_wait3A_85 = arith.constant 0 : i32
      %dma_wait3A_86 = arith.constant 0 : i32
      %dma_wait3A_87 = tpu.memref_slice %arg6[%dma_wait3A_85, %dma_wait3A_86] : memref<256x128xf32, #tpu.memory_space<vmem>> -> memref<128x128xf32, #tpu.memory_space<vmem>>
      tpu.wait_dma2 semaphore(%run_scoped3A_67 : memref<!tpu.dma_semaphore, #tpu.memory_space<semaphore_mem>>) src(%dma_wait3A_87 : memref<128x128xf32, #tpu.memory_space<vmem>>) dst(%dma_wait3A_84 : memref<128x128xf32, #tpu.memory_space<vmem_shared>>)
      tpu.yield
    }) : () -> ()
    %add3A_7 = arith.constant 128 : i32
    %add3A_8 = arith.addi %multiple_of3A, %add3A_7 : i32
    "tpu.region"() ({
      %run_scoped3A_67 = tpu.sem_alloc : memref<!tpu.dma_semaphore, #tpu.memory_space<semaphore_mem>>
      %dma_start3A_68 = arith.constant 0 : i32
      %dma_start3A_69 = arith.constant 0 : i32
      %dma_start3A_70 = tpu.memref_slice %arg6[%dma_start3A_68, %dma_start3A_69] : memref<256x128xf32, #tpu.memory_space<vmem>> -> memref<128x128xf32, #tpu.memory_space<vmem>>
      %dma_start3A_71 = arith.constant 0 : i32
      %dma_start3A_72 = tpu.memref_slice %arg5[%add3A_8, %dma_start3A_71] : memref<10112x128xf32, #tpu.memory_space<vmem_shared>> -> memref<128x128xf32, #tpu.memory_space<vmem_shared>>
      %dma_start3A_73 = arith.constant 0 : i32
      %dma_start3A_74 = tpu.memref_slice %arg5[%add3A_8, %dma_start3A_73] : memref<10112x128xf32, #tpu.memory_space<vmem_shared>> -> memref<128x128xf32, #tpu.memory_space<vmem_shared>>
      %dma_start3A_75 = arith.constant 0 : i32
      %dma_start3A_76 = arith.constant 0 : i32
      %dma_start3A_77 = tpu.memref_slice %arg6[%dma_start3A_75, %dma_start3A_76] : memref<256x128xf32, #tpu.memory_space<vmem>> -> memref<128x128xf32, #tpu.memory_space<vmem>>
      tpu.enqueue_dma source(%dma_start3A_77 : memref<128x128xf32, #tpu.memory_space<vmem>>) target(%dma_start3A_74 : memref<128x128xf32, #tpu.memory_space<vmem_shared>>) target_semaphore(%run_scoped3A_67 : memref<!tpu.dma_semaphore, #tpu.memory_space<semaphore_mem>>)
      %dma_wait3A_78 = arith.constant 0 : i32
      %dma_wait3A_79 = arith.constant 0 : i32
      %dma_wait3A_80 = tpu.memref_slice %arg6[%dma_wait3A_78, %dma_wait3A_79] : memref<256x128xf32, #tpu.memory_space<vmem>> -> memref<128x128xf32, #tpu.memory_space<vmem>>
      %dma_wait3A_81 = arith.constant 0 : i32
      %dma_wait3A_82 = tpu.memref_slice %arg5[%add3A_8, %dma_wait3A_81] : memref<10112x128xf32, #tpu.memory_space<vmem_shared>> -> memref<128x128xf32, #tpu.memory_space<vmem_shared>>
      %dma_wait3A_83 = arith.constant 0 : i32
      %dma_wait3A_84 = tpu.memref_slice %arg5[%add3A_8, %dma_wait3A_83] : memref<10112x128xf32, #tpu.memory_space<vmem_shared>> -> memref<128x128xf32, #tpu.memory_space<vmem_shared>>
      %dma_wait3A_85 = arith.constant 0 : i32
      %dma_wait3A_86 = arith.constant 0 : i32
      %dma_wait3A_87 = tpu.memref_slice %arg6[%dma_wait3A_85, %dma_wait3A_86] : memref<256x128xf32, #tpu.memory_space<vmem>> -> memref<128x128xf32, #tpu.memory_space<vmem>>
      tpu.wait_dma2 semaphore(%run_scoped3A_67 : memref<!tpu.dma_semaphore, #tpu.memory_space<semaphore_mem>>) src(%dma_wait3A_87 : memref<128x128xf32, #tpu.memory_space<vmem>>) dst(%dma_wait3A_84 : memref<128x128xf32, #tpu.memory_space<vmem_shared>>)
      tpu.yield
    }) : () -> ()
    %add3A_9 = arith.constant 256 : i32
    %add3A_10 = arith.addi %multiple_of3A, %add3A_9 : i32
    "tpu.region"() ({
      %run_scoped3A_67 = tpu.sem_alloc : memref<!tpu.dma_semaphore, #tpu.memory_space<semaphore_mem>>
      %dma_start3A_68 = arith.constant 0 : i32
      %dma_start3A_69 = arith.constant 0 : i32
      %dma_start3A_70 = tpu.memref_slice %arg6[%dma_start3A_68, %dma_start3A_69] : memref<256x128xf32, #tpu.memory_space<vmem>> -> memref<128x128xf32, #tpu.memory_space<vmem>>
      %dma_start3A_71 = arith.constant 0 : i32
      %dma_start3A_72 = tpu.memref_slice %arg5[%add3A_10, %dma_start3A_71] : memref<10112x128xf32, #tpu.memory_space<vmem_shared>> -> memref<128x128xf32, #tpu.memory_space<vmem_shared>>
      %dma_start3A_73 = arith.constant 0 : i32
      %dma_start3A_74 = tpu.memref_slice %arg5[%add3A_10, %dma_start3A_73] : memref<10112x128xf32, #tpu.memory_space<vmem_shared>> -> memref<128x128xf32, #tpu.memory_space<vmem_shared>>
      %dma_start3A_75 = arith.constant 0 : i32
      %dma_start3A_76 = arith.constant 0 : i32
      %dma_start3A_77 = tpu.memref_slice %arg6[%dma_start3A_75, %dma_start3A_76] : memref<256x128xf32, #tpu.memory_space<vmem>> -> memref<128x128xf32, #tpu.memory_space<vmem>>
      tpu.enqueue_dma source(%dma_start3A_77 : memref<128x128xf32, #tpu.memory_space<vmem>>) target(%dma_start3A_74 : memref<128x128xf32, #tpu.memory_space<vmem_shared>>) target_semaphore(%run_scoped3A_67 : memref<!tpu.dma_semaphore, #tpu.memory_space<semaphore_mem>>)
      %dma_wait3A_78 = arith.constant 0 : i32
      %dma_wait3A_79 = arith.constant 0 : i32
      %dma_wait3A_80 = tpu.memref_slice %arg6[%dma_wait3A_78, %dma_wait3A_79] : memref<256x128xf32, #tpu.memory_space<vmem>> -> memref<128x128xf32, #tpu.memory_space<vmem>>
      %dma_wait3A_81 = arith.constant 0 : i32
      %dma_wait3A_82 = tpu.memref_slice %arg5[%add3A_10, %dma_wait3A_81] : memref<10112x128xf32, #tpu.memory_space<vmem_shared>> -> memref<128x128xf32, #tpu.memory_space<vmem_shared>>
      %dma_wait3A_83 = arith.constant 0 : i32
      %dma_wait3A_84 = tpu.memref_slice %arg5[%add3A_10, %dma_wait3A_83] : memref<10112x128xf32, #tpu.memory_space<vmem_shared>> -> memref<128x128xf32, #tpu.memory_space<vmem_shared>>
      %dma_wait3A_85 = arith.constant 0 : i32
      %dma_wait3A_86 = arith.constant 0 : i32
      %dma_wait3A_87 = tpu.memref_slice %arg6[%dma_wait3A_85, %dma_wait3A_86] : memref<256x128xf32, #tpu.memory_space<vmem>> -> memref<128x128xf32, #tpu.memory_space<vmem>>
      tpu.wait_dma2 semaphore(%run_scoped3A_67 : memref<!tpu.dma_semaphore, #tpu.memory_space<semaphore_mem>>) src(%dma_wait3A_87 : memref<128x128xf32, #tpu.memory_space<vmem>>) dst(%dma_wait3A_84 : memref<128x128xf32, #tpu.memory_space<vmem_shared>>)
      tpu.yield
    }) : () -> ()
    %add3A_11 = arith.constant 384 : i32
    %add3A_12 = arith.addi %multiple_of3A, %add3A_11 : i32
    "tpu.region"() ({
      %run_scoped3A_67 = tpu.sem_alloc : memref<!tpu.dma_semaphore, #tpu.memory_space<semaphore_mem>>
      %dma_start3A_68 = arith.constant 0 : i32
      %dma_start3A_69 = arith.constant 0 : i32
      %dma_start3A_70 = tpu.memref_slice %arg6[%dma_start3A_68, %dma_start3A_69] : memref<256x128xf32, #tpu.memory_space<vmem>> -> memref<128x128xf32, #tpu.memory_space<vmem>>
      %dma_start3A_71 = arith.constant 0 : i32
      %dma_start3A_72 = tpu.memref_slice %arg5[%add3A_12, %dma_start3A_71] : memref<10112x128xf32, #tpu.memory_space<vmem_shared>> -> memref<128x128xf32, #tpu.memory_space<vmem_shared>>
      %dma_start3A_73 = arith.constant 0 : i32
      %dma_start3A_74 = tpu.memref_slice %arg5[%add3A_12, %dma_start3A_73] : memref<10112x128xf32, #tpu.memory_space<vmem_shared>> -> memref<128x128xf32, #tpu.memory_space<vmem_shared>>
      %dma_start3A_75 = arith.constant 0 : i32
      %dma_start3A_76 = arith.constant 0 : i32
      %dma_start3A_77 = tpu.memref_slice %arg6[%dma_start3A_75, %dma_start3A_76] : memref<256x128xf32, #tpu.memory_space<vmem>> -> memref<128x128xf32, #tpu.memory_space<vmem>>
      tpu.enqueue_dma source(%dma_start3A_77 : memref<128x128xf32, #tpu.memory_space<vmem>>) target(%dma_start3A_74 : memref<128x128xf32, #tpu.memory_space<vmem_shared>>) target_semaphore(%run_scoped3A_67 : memref<!tpu.dma_semaphore, #tpu.memory_space<semaphore_mem>>)
      %dma_wait3A_78 = arith.constant 0 : i32
      %dma_wait3A_79 = arith.constant 0 : i32
      %dma_wait3A_80 = tpu.memref_slice %arg6[%dma_wait3A_78, %dma_wait3A_79] : memref<256x128xf32, #tpu.memory_space<vmem>> -> memref<128x128xf32, #tpu.memory_space<vmem>>
      %dma_wait3A_81 = arith.constant 0 : i32
      %dma_wait3A_82 = tpu.memref_slice %arg5[%add3A_12, %dma_wait3A_81] : memref<10112x128xf32, #tpu.memory_space<vmem_shared>> -> memref<128x128xf32, #tpu.memory_space<vmem_shared>>
      %dma_wait3A_83 = arith.constant 0 : i32
      %dma_wait3A_84 = tpu.memref_slice %arg5[%add3A_12, %dma_wait3A_83] : memref<10112x128xf32, #tpu.memory_space<vmem_shared>> -> memref<128x128xf32, #tpu.memory_space<vmem_shared>>
      %dma_wait3A_85 = arith.constant 0 : i32
      %dma_wait3A_86 = arith.constant 0 : i32
      %dma_wait3A_87 = tpu.memref_slice %arg6[%dma_wait3A_85, %dma_wait3A_86] : memref<256x128xf32, #tpu.memory_space<vmem>> -> memref<128x128xf32, #tpu.memory_space<vmem>>
      tpu.wait_dma2 semaphore(%run_scoped3A_67 : memref<!tpu.dma_semaphore, #tpu.memory_space<semaphore_mem>>) src(%dma_wait3A_87 : memref<128x128xf32, #tpu.memory_space<vmem>>) dst(%dma_wait3A_84 : memref<128x128xf32, #tpu.memory_space<vmem_shared>>)
      tpu.yield
    }) : () -> ()
    %add3A_13 = arith.constant 512 : i32
    %add3A_14 = arith.addi %multiple_of3A, %add3A_13 : i32
    "tpu.region"() ({
      %run_scoped3A_67 = tpu.sem_alloc : memref<!tpu.dma_semaphore, #tpu.memory_space<semaphore_mem>>
      %dma_start3A_68 = arith.constant 0 : i32
      %dma_start3A_69 = arith.constant 0 : i32
      %dma_start3A_70 = tpu.memref_slice %arg6[%dma_start3A_68, %dma_start3A_69] : memref<256x128xf32, #tpu.memory_space<vmem>> -> memref<120x128xf32, #tpu.memory_space<vmem>>
      %dma_start3A_71 = arith.constant 0 : i32
      %dma_start3A_72 = tpu.memref_slice %arg5[%add3A_14, %dma_start3A_71] : memref<10112x128xf32, #tpu.memory_space<vmem_shared>> -> memref<120x128xf32, #tpu.memory_space<vmem_shared>>
      %dma_start3A_73 = arith.constant 0 : i32
      %dma_start3A_74 = tpu.memref_slice %arg5[%add3A_14, %dma_start3A_73] : memref<10112x128xf32, #tpu.memory_space<vmem_shared>> -> memref<120x128xf32, #tpu.memory_space<vmem_shared>>
      %dma_start3A_75 = arith.constant 0 : i32
      %dma_start3A_76 = arith.constant 0 : i32
      %dma_start3A_77 = tpu.memref_slice %arg6[%dma_start3A_75, %dma_start3A_76] : memref<256x128xf32, #tpu.memory_space<vmem>> -> memref<120x128xf32, #tpu.memory_space<vmem>>
      tpu.enqueue_dma source(%dma_start3A_77 : memref<120x128xf32, #tpu.memory_space<vmem>>) target(%dma_start3A_74 : memref<120x128xf32, #tpu.memory_space<vmem_shared>>) target_semaphore(%run_scoped3A_67 : memref<!tpu.dma_semaphore, #tpu.memory_space<semaphore_mem>>)
      %dma_wait3A_78 = arith.constant 0 : i32
      %dma_wait3A_79 = arith.constant 0 : i32
      %dma_wait3A_80 = tpu.memref_slice %arg6[%dma_wait3A_78, %dma_wait3A_79] : memref<256x128xf32, #tpu.memory_space<vmem>> -> memref<120x128xf32, #tpu.memory_space<vmem>>
      %dma_wait3A_81 = arith.constant 0 : i32
      %dma_wait3A_82 = tpu.memref_slice %arg5[%add3A_14, %dma_wait3A_81] : memref<10112x128xf32, #tpu.memory_space<vmem_shared>> -> memref<120x128xf32, #tpu.memory_space<vmem_shared>>
      %dma_wait3A_83 = arith.constant 0 : i32
      %dma_wait3A_84 = tpu.memref_slice %arg5[%add3A_14, %dma_wait3A_83] : memref<10112x128xf32, #tpu.memory_space<vmem_shared>> -> memref<120x128xf32, #tpu.memory_space<vmem_shared>>
      %dma_wait3A_85 = arith.constant 0 : i32
      %dma_wait3A_86 = arith.constant 0 : i32
      %dma_wait3A_87 = tpu.memref_slice %arg6[%dma_wait3A_85, %dma_wait3A_86] : memref<256x128xf32, #tpu.memory_space<vmem>> -> memref<120x128xf32, #tpu.memory_space<vmem>>
      tpu.wait_dma2 semaphore(%run_scoped3A_67 : memref<!tpu.dma_semaphore, #tpu.memory_space<semaphore_mem>>) src(%dma_wait3A_87 : memref<120x128xf32, #tpu.memory_space<vmem>>) dst(%dma_wait3A_84 : memref<120x128xf32, #tpu.memory_space<vmem_shared>>)
      tpu.yield
    }) : () -> ()
    %barrier3A = arith.constant 0 : index
    tpu.barrier barrier_id(%barrier3A)
    %mul3A_15 = arith.constant 20 : i32
    %mul3A_16 = arith.muli %arg1, %mul3A_15 : i32
    %add3A_17 = arith.constant 0 : i32
    %add3A_18 = arith.addi %mul3A_16, %add3A_17 : i32
    %mul3A_19 = arith.constant 2 : i32
    %mul3A_20 = arith.muli %add3A_18, %mul3A_19 : i32
    %mul3A_21 = arith.constant 8 : i32
    %mul3A_22 = arith.muli %mul3A_20, %mul3A_21 : i32
    %multiple_of3A_23 = tpu.assume_multiple %mul3A_22, 8 : i32
    %run_scoped3A = arith.constant 0 : i32
    "tpu.region"() ({
      %run_scoped3A_67 = tpu.sem_alloc : memref<!tpu.dma_semaphore, #tpu.memory_space<semaphore_mem>>
      %dma_start3A_68 = arith.constant 0 : i32
      %dma_start3A_69 = arith.constant 0 : i32
      %dma_start3A_70 = tpu.memref_slice %arg7[%run_scoped3A, %dma_start3A_68, %dma_start3A_69] : memref<3x16x128xi32, #tpu.memory_space<vmem>> -> memref<1x16x128xi32, #tpu.memory_space<vmem>>
      %dma_start3A_71 = tpu.memref_squeeze %dma_start3A_70 : memref<1x16x128xi32, #tpu.memory_space<vmem>> -> memref<16x128xi32, #tpu.memory_space<vmem>>
      %dma_start3A_72 = arith.constant 0 : i32
      %dma_start3A_73 = tpu.memref_slice %arg3[%arg0, %multiple_of3A_23, %dma_start3A_72] : memref<2x5120x128xi32, #tpu.memory_space<hbm>> -> memref<1x16x128xi32, #tpu.memory_space<hbm>>
      %dma_start3A_74 = tpu.memref_squeeze %dma_start3A_73 : memref<1x16x128xi32, #tpu.memory_space<hbm>> -> memref<16x128xi32, #tpu.memory_space<hbm>>
      %dma_start3A_75 = arith.constant 0 : i32
      %dma_start3A_76 = arith.constant 0 : i32
      %dma_start3A_77 = tpu.memref_slice %arg7[%run_scoped3A, %dma_start3A_75, %dma_start3A_76] : memref<3x16x128xi32, #tpu.memory_space<vmem>> -> memref<1x16x128xi32, #tpu.memory_space<vmem>>
      %dma_start3A_78 = tpu.memref_squeeze %dma_start3A_77 : memref<1x16x128xi32, #tpu.memory_space<vmem>> -> memref<16x128xi32, #tpu.memory_space<vmem>>
      %dma_start3A_79 = arith.constant 0 : i32
      %dma_start3A_80 = tpu.memref_slice %arg3[%arg0, %multiple_of3A_23, %dma_start3A_79] : memref<2x5120x128xi32, #tpu.memory_space<hbm>> -> memref<1x16x128xi32, #tpu.memory_space<hbm>>
      %dma_start3A_81 = tpu.memref_squeeze %dma_start3A_80 : memref<1x16x128xi32, #tpu.memory_space<hbm>> -> memref<16x128xi32, #tpu.memory_space<hbm>>
      tpu.enqueue_dma source(%dma_start3A_81 : memref<16x128xi32, #tpu.memory_space<hbm>>) target(%dma_start3A_78 : memref<16x128xi32, #tpu.memory_space<vmem>>) target_semaphore(%run_scoped3A_67 : memref<!tpu.dma_semaphore, #tpu.memory_space<semaphore_mem>>)
      %dma_wait3A_82 = arith.constant 0 : i32
      %dma_wait3A_83 = arith.constant 0 : i32
      %dma_wait3A_84 = tpu.memref_slice %arg7[%run_scoped3A, %dma_wait3A_82, %dma_wait3A_83] : memref<3x16x128xi32, #tpu.memory_space<vmem>> -> memref<1x16x128xi32, #tpu.memory_space<vmem>>
      %dma_wait3A_85 = tpu.memref_squeeze %dma_wait3A_84 : memref<1x16x128xi32, #tpu.memory_space<vmem>> -> memref<16x128xi32, #tpu.memory_space<vmem>>
      %dma_wait3A_86 = arith.constant 0 : i32
      %dma_wait3A_87 = tpu.memref_slice %arg3[%arg0, %multiple_of3A_23, %dma_wait3A_86] : memref<2x5120x128xi32, #tpu.memory_space<hbm>> -> memref<1x16x128xi32, #tpu.memory_space<hbm>>
      %dma_wait3A_88 = tpu.memref_squeeze %dma_wait3A_87 : memref<1x16x128xi32, #tpu.memory_space<hbm>> -> memref<16x128xi32, #tpu.memory_space<hbm>>
      %dma_wait3A_89 = arith.constant 0 : i32
      %dma_wait3A_90 = arith.constant 0 : i32
      %dma_wait3A_91 = tpu.memref_slice %arg7[%run_scoped3A, %dma_wait3A_89, %dma_wait3A_90] : memref<3x16x128xi32, #tpu.memory_space<vmem>> -> memref<1x16x128xi32, #tpu.memory_space<vmem>>
      %dma_wait3A_92 = tpu.memref_squeeze %dma_wait3A_91 : memref<1x16x128xi32, #tpu.memory_space<vmem>> -> memref<16x128xi32, #tpu.memory_space<vmem>>
      %dma_wait3A_93 = arith.constant 0 : i32
      %dma_wait3A_94 = tpu.memref_slice %arg3[%arg0, %multiple_of3A_23, %dma_wait3A_93] : memref<2x5120x128xi32, #tpu.memory_space<hbm>> -> memref<1x16x128xi32, #tpu.memory_space<hbm>>
      %dma_wait3A_95 = tpu.memref_squeeze %dma_wait3A_94 : memref<1x16x128xi32, #tpu.memory_space<hbm>> -> memref<16x128xi32, #tpu.memory_space<hbm>>
      tpu.wait_dma2 semaphore(%run_scoped3A_67 : memref<!tpu.dma_semaphore, #tpu.memory_space<semaphore_mem>>) src(%dma_wait3A_95 : memref<16x128xi32, #tpu.memory_space<hbm>>) dst(%dma_wait3A_92 : memref<16x128xi32, #tpu.memory_space<vmem>>)
      tpu.yield
    }) : () -> ()
    %dma_start3A = arith.constant 0 : i32
    %dma_start3A_24 = arith.constant 0 : i32
    %dma_start3A_25 = arith.constant 0 : i32
    %dma_start3A_26 = arith.constant 0 : i32
    %dma_start3A_27 = tpu.memref_slice %arg6[%dma_start3A_25, %dma_start3A_26] : memref<256x128xf32, #tpu.memory_space<vmem>> -> memref<128x128xf32, #tpu.memory_space<vmem>>
    %dma_start3A_28 = arith.constant 0 : i32
    %dma_start3A_29 = tpu.memref_slice %arg7[%dma_start3A, %dma_start3A_24, %dma_start3A_28] : memref<3x16x128xi32, #tpu.memory_space<vmem>> -> memref<1x1x128xi32, #tpu.memory_space<vmem>>
    %dma_start3A_30 = tpu.memref_squeeze %dma_start3A_29 : memref<1x1x128xi32, #tpu.memory_space<vmem>> -> memref<128xi32, #tpu.memory_space<vmem>>
    %dma_start3A_31 = arith.constant 0 : i32
    %dma_start3A_32 = arith.constant 0 : i32
    %dma_start3A_33 = tpu.memref_slice %arg2[%dma_start3A_31, %dma_start3A_32] : memref<20000x128xf32, #tpu.memory_space<hbm>> -> memref<20000x128xf32, #tpu.memory_space<hbm>>
    tpu.enqueue_indirect_dma source(%dma_start3A_33 : memref<20000x128xf32, #tpu.memory_space<hbm>>) target(%dma_start3A_27 : memref<128x128xf32, #tpu.memory_space<vmem>>) offsets(%dma_start3A_30 : memref<128xi32, #tpu.memory_space<vmem>>) semaphore(%arg8 : memref<!tpu.dma_semaphore, #tpu.memory_space<semaphore_mem>>)
    %scan3A_34 = arith.constant 0 : i32
    %scan3A_35 = arith.constant 0 : i32
    %scan3A_36 = arith.constant 20 : i32
    %scan3A_37 = arith.addi %scan3A_35, %scan3A_36 : i32
    %scan3A_38 = arith.constant 1 : i32
    scf.for %scan3A_67 = %scan3A_35 to %scan3A_37 step %scan3A_38  : i32 {
      %jit3A = arith.constant 3 : i32
      %eq3A_68 = arith.constant 0 : i32
      %eq3A_69 = arith.cmpi eq, %jit3A, %eq3A_68 : i32
      %jit3A_70 = arith.constant 1 : i32
      %select_n3A = arith.select %eq3A_69, %jit3A_70, %jit3A : i32
      %rem3A = arith.remsi %scan3A_67, %select_n3A : i32
      %ne3A = arith.constant 0 : i32
      %ne3A_71 = arith.cmpi ne, %rem3A, %ne3A : i32
      %lt3A_72 = arith.constant 0 : i32
      %lt3A_73 = arith.cmpi slt, %rem3A, %lt3A_72 : i32
      %lt3A_74 = arith.constant 0 : i32
      %lt3A_75 = arith.cmpi slt, %select_n3A, %lt3A_74 : i32
      %ne3A_76 = arith.xori %lt3A_73, %lt3A_75 : i1
      %and3A = arith.andi %ne3A_76, %ne3A_71 : i1
      %add3A_77 = arith.addi %rem3A, %select_n3A : i32
      %select_n3A_78 = arith.select %and3A, %add3A_77, %rem3A : i32
      %lt3A_79 = arith.constant 19 : i32
      %lt3A_80 = arith.cmpi slt, %scan3A_67, %lt3A_79 : i32
      %convert_element_type3A_81 = arith.extui %lt3A_80 : i1 to i32
      %cond3A_82 = arith.constant 0 : i32
      %cond3A_83 = arith.cmpi ne, %convert_element_type3A_81, %cond3A_82 : i32
      scf.if %cond3A_83 {
        %add3A_375 = arith.constant 1 : i32
        %add3A_376 = arith.addi %scan3A_67, %add3A_375 : i32
        %add3A_377 = arith.constant 1 : i32
        %add3A_378 = arith.addi %scan3A_67, %add3A_377 : i32
        %jit3A_379 = arith.constant 3 : i32
        %eq3A_380 = arith.constant 0 : i32
        %eq3A_381 = arith.cmpi eq, %jit3A_379, %eq3A_380 : i32
        %jit3A_382 = arith.constant 1 : i32
        %select_n3A_383 = arith.select %eq3A_381, %jit3A_382, %jit3A_379 : i32
        %rem3A_384 = arith.remsi %add3A_378, %select_n3A_383 : i32
        %ne3A_385 = arith.constant 0 : i32
        %ne3A_386 = arith.cmpi ne, %rem3A_384, %ne3A_385 : i32
        %lt3A_387 = arith.constant 0 : i32
        %lt3A_388 = arith.cmpi slt, %rem3A_384, %lt3A_387 : i32
        %lt3A_389 = arith.constant 0 : i32
        %lt3A_390 = arith.cmpi slt, %select_n3A_383, %lt3A_389 : i32
        %ne3A_391 = arith.xori %lt3A_388, %lt3A_390 : i1
        %and3A_392 = arith.andi %ne3A_391, %ne3A_386 : i1
        %add3A_393 = arith.addi %rem3A_384, %select_n3A_383 : i32
        %select_n3A_394 = arith.select %and3A_392, %add3A_393, %rem3A_384 : i32
        %mul3A_395 = arith.constant 20 : i32
        %mul3A_396 = arith.muli %arg1, %mul3A_395 : i32
        %add3A_397 = arith.addi %mul3A_396, %add3A_376 : i32
        %mul3A_398 = arith.constant 2 : i32
        %mul3A_399 = arith.muli %add3A_397, %mul3A_398 : i32
        %mul3A_400 = arith.constant 8 : i32
        %mul3A_401 = arith.muli %mul3A_399, %mul3A_400 : i32
        %multiple_of3A_402 = tpu.assume_multiple %mul3A_401, 8 : i32
        "tpu.region"() ({
          %run_scoped3A_403 = tpu.sem_alloc : memref<!tpu.dma_semaphore, #tpu.memory_space<semaphore_mem>>
          %dma_start3A_404 = arith.constant 0 : i32
          %dma_start3A_405 = arith.constant 0 : i32
          %dma_start3A_406 = tpu.memref_slice %arg7[%select_n3A_394, %dma_start3A_404, %dma_start3A_405] : memref<3x16x128xi32, #tpu.memory_space<vmem>> -> memref<1x16x128xi32, #tpu.memory_space<vmem>>
          %dma_start3A_407 = tpu.memref_squeeze %dma_start3A_406 : memref<1x16x128xi32, #tpu.memory_space<vmem>> -> memref<16x128xi32, #tpu.memory_space<vmem>>
          %dma_start3A_408 = arith.constant 0 : i32
          %dma_start3A_409 = tpu.memref_slice %arg3[%arg0, %multiple_of3A_402, %dma_start3A_408] : memref<2x5120x128xi32, #tpu.memory_space<hbm>> -> memref<1x16x128xi32, #tpu.memory_space<hbm>>
          %dma_start3A_410 = tpu.memref_squeeze %dma_start3A_409 : memref<1x16x128xi32, #tpu.memory_space<hbm>> -> memref<16x128xi32, #tpu.memory_space<hbm>>
          %dma_start3A_411 = arith.constant 0 : i32
          %dma_start3A_412 = arith.constant 0 : i32
          %dma_start3A_413 = tpu.memref_slice %arg7[%select_n3A_394, %dma_start3A_411, %dma_start3A_412] : memref<3x16x128xi32, #tpu.memory_space<vmem>> -> memref<1x16x128xi32, #tpu.memory_space<vmem>>
          %dma_start3A_414 = tpu.memref_squeeze %dma_start3A_413 : memref<1x16x128xi32, #tpu.memory_space<vmem>> -> memref<16x128xi32, #tpu.memory_space<vmem>>
          %dma_start3A_415 = arith.constant 0 : i32
          %dma_start3A_416 = tpu.memref_slice %arg3[%arg0, %multiple_of3A_402, %dma_start3A_415] : memref<2x5120x128xi32, #tpu.memory_space<hbm>> -> memref<1x16x128xi32, #tpu.memory_space<hbm>>
          %dma_start3A_417 = tpu.memref_squeeze %dma_start3A_416 : memref<1x16x128xi32, #tpu.memory_space<hbm>> -> memref<16x128xi32, #tpu.memory_space<hbm>>
          tpu.enqueue_dma source(%dma_start3A_417 : memref<16x128xi32, #tpu.memory_space<hbm>>) target(%dma_start3A_414 : memref<16x128xi32, #tpu.memory_space<vmem>>) target_semaphore(%run_scoped3A_403 : memref<!tpu.dma_semaphore, #tpu.memory_space<semaphore_mem>>)
          %dma_wait3A_418 = arith.constant 0 : i32
          %dma_wait3A_419 = arith.constant 0 : i32
          %dma_wait3A_420 = tpu.memref_slice %arg7[%select_n3A_394, %dma_wait3A_418, %dma_wait3A_419] : memref<3x16x128xi32, #tpu.memory_space<vmem>> -> memref<1x16x128xi32, #tpu.memory_space<vmem>>
          %dma_wait3A_421 = tpu.memref_squeeze %dma_wait3A_420 : memref<1x16x128xi32, #tpu.memory_space<vmem>> -> memref<16x128xi32, #tpu.memory_space<vmem>>
          %dma_wait3A_422 = arith.constant 0 : i32
          %dma_wait3A_423 = tpu.memref_slice %arg3[%arg0, %multiple_of3A_402, %dma_wait3A_422] : memref<2x5120x128xi32, #tpu.memory_space<hbm>> -> memref<1x16x128xi32, #tpu.memory_space<hbm>>
          %dma_wait3A_424 = tpu.memref_squeeze %dma_wait3A_423 : memref<1x16x128xi32, #tpu.memory_space<hbm>> -> memref<16x128xi32, #tpu.memory_space<hbm>>
          %dma_wait3A_425 = arith.constant 0 : i32
          %dma_wait3A_426 = arith.constant 0 : i32
          %dma_wait3A_427 = tpu.memref_slice %arg7[%select_n3A_394, %dma_wait3A_425, %dma_wait3A_426] : memref<3x16x128xi32, #tpu.memory_space<vmem>> -> memref<1x16x128xi32, #tpu.memory_space<vmem>>
          %dma_wait3A_428 = tpu.memref_squeeze %dma_wait3A_427 : memref<1x16x128xi32, #tpu.memory_space<vmem>> -> memref<16x128xi32, #tpu.memory_space<vmem>>
          %dma_wait3A_429 = arith.constant 0 : i32
          %dma_wait3A_430 = tpu.memref_slice %arg3[%arg0, %multiple_of3A_402, %dma_wait3A_429] : memref<2x5120x128xi32, #tpu.memory_space<hbm>> -> memref<1x16x128xi32, #tpu.memory_space<hbm>>
          %dma_wait3A_431 = tpu.memref_squeeze %dma_wait3A_430 : memref<1x16x128xi32, #tpu.memory_space<hbm>> -> memref<16x128xi32, #tpu.memory_space<hbm>>
          tpu.wait_dma2 semaphore(%run_scoped3A_403 : memref<!tpu.dma_semaphore, #tpu.memory_space<semaphore_mem>>) src(%dma_wait3A_431 : memref<16x128xi32, #tpu.memory_space<hbm>>) dst(%dma_wait3A_428 : memref<16x128xi32, #tpu.memory_space<vmem>>)
          tpu.yield
        }) : () -> ()
      } else {
      }
      %dma_wait3A_84 = arith.constant 0 : i32
      %dma_wait3A_85 = arith.constant 0 : i32
      %dma_wait3A_86 = tpu.memref_slice %arg6[%dma_wait3A_84, %dma_wait3A_85] : memref<256x128xf32, #tpu.memory_space<vmem>> -> memref<128x128xf32, #tpu.memory_space<vmem>>
      %dma_wait3A_87 = arith.constant 0 : i32
      %dma_wait3A_88 = arith.constant 0 : i32
      %dma_wait3A_89 = tpu.memref_slice %arg2[%dma_wait3A_87, %dma_wait3A_88] : memref<20000x128xf32, #tpu.memory_space<hbm>> -> memref<128x128xf32, #tpu.memory_space<hbm>>
      %dma_wait3A_90 = arith.constant 0 : i32
      %dma_wait3A_91 = arith.constant 0 : i32
      %dma_wait3A_92 = tpu.memref_slice %arg6[%dma_wait3A_90, %dma_wait3A_91] : memref<256x128xf32, #tpu.memory_space<vmem>> -> memref<128x128xf32, #tpu.memory_space<vmem>>
      %dma_wait3A_93 = arith.constant 0 : i32
      %dma_wait3A_94 = arith.constant 0 : i32
      %dma_wait3A_95 = tpu.memref_slice %arg2[%dma_wait3A_93, %dma_wait3A_94] : memref<20000x128xf32, #tpu.memory_space<hbm>> -> memref<128x128xf32, #tpu.memory_space<hbm>>
      tpu.wait_dma2 semaphore(%arg8 : memref<!tpu.dma_semaphore, #tpu.memory_space<semaphore_mem>>) src(%dma_wait3A_95 : memref<128x128xf32, #tpu.memory_space<hbm>>) dst(%dma_wait3A_92 : memref<128x128xf32, #tpu.memory_space<vmem>>)
      %dma_start3A_96 = arith.constant 1 : i32
      %dma_start3A_97 = arith.constant 0 : i32
      %dma_start3A_98 = arith.constant 0 : i32
      %dma_start3A_99 = tpu.memref_slice %arg6[%dma_start3A_97, %dma_start3A_98] : memref<256x128xf32, #tpu.memory_space<vmem>> -> memref<128x128xf32, #tpu.memory_space<vmem>>
      %dma_start3A_100 = arith.constant 0 : i32
      %dma_start3A_101 = tpu.memref_slice %arg7[%select_n3A_78, %dma_start3A_96, %dma_start3A_100] : memref<3x16x128xi32, #tpu.memory_space<vmem>> -> memref<1x1x128xi32, #tpu.memory_space<vmem>>
      %dma_start3A_102 = tpu.memref_squeeze %dma_start3A_101 : memref<1x1x128xi32, #tpu.memory_space<vmem>> -> memref<128xi32, #tpu.memory_space<vmem>>
      %dma_start3A_103 = arith.constant 0 : i32
      %dma_start3A_104 = arith.constant 0 : i32
      %dma_start3A_105 = tpu.memref_slice %arg5[%dma_start3A_103, %dma_start3A_104] : memref<10112x128xf32, #tpu.memory_space<vmem_shared>> -> memref<10112x128xf32, #tpu.memory_space<vmem_shared>>
      tpu.enqueue_indirect_dma source(%dma_start3A_99 : memref<128x128xf32, #tpu.memory_space<vmem>>) target(%dma_start3A_105 : memref<10112x128xf32, #tpu.memory_space<vmem_shared>>) offsets(%dma_start3A_102 : memref<128xi32, #tpu.memory_space<vmem>>) semaphore(%arg10 : memref<!tpu.dma_semaphore, #tpu.memory_space<semaphore_mem>>) {add = true}
      %gt3A = arith.constant 0 : i32
      %gt3A_106 = arith.cmpi sgt, %scan3A_67, %gt3A : i32
      %convert_element_type3A_107 = arith.extui %gt3A_106 : i1 to i32
      %cond3A_108 = arith.constant 0 : i32
      %cond3A_109 = arith.cmpi ne, %convert_element_type3A_107, %cond3A_108 : i32
      scf.if %cond3A_109 {
        %dma_wait3A_375 = arith.constant 0 : i32
        %dma_wait3A_376 = arith.constant 0 : i32
        %dma_wait3A_377 = tpu.memref_slice %arg5[%dma_wait3A_375, %dma_wait3A_376] : memref<10112x128xf32, #tpu.memory_space<vmem_shared>> -> memref<128x128xf32, #tpu.memory_space<vmem_shared>>
        %dma_wait3A_378 = arith.constant 0 : i32
        %dma_wait3A_379 = arith.constant 0 : i32
        %dma_wait3A_380 = tpu.memref_slice %arg2[%dma_wait3A_378, %dma_wait3A_379] : memref<20000x128xf32, #tpu.memory_space<hbm>> -> memref<128x128xf32, #tpu.memory_space<hbm>>
        tpu.wait_dma2 semaphore(%arg11 : memref<!tpu.dma_semaphore, #tpu.memory_space<semaphore_mem>>) src(%dma_wait3A_380 : memref<128x128xf32, #tpu.memory_space<hbm>>) dst(%dma_wait3A_377 : memref<128x128xf32, #tpu.memory_space<vmem_shared>>)
      } else {
      }
      %dma_start3A_110 = arith.constant 2 : i32
      %dma_start3A_111 = arith.constant 128 : i32
      %dma_start3A_112 = arith.constant 0 : i32
      %dma_start3A_113 = tpu.memref_slice %arg6[%dma_start3A_111, %dma_start3A_112] : memref<256x128xf32, #tpu.memory_space<vmem>> -> memref<128x128xf32, #tpu.memory_space<vmem>>
      %dma_start3A_114 = arith.constant 0 : i32
      %dma_start3A_115 = tpu.memref_slice %arg7[%select_n3A_78, %dma_start3A_110, %dma_start3A_114] : memref<3x16x128xi32, #tpu.memory_space<vmem>> -> memref<1x1x128xi32, #tpu.memory_space<vmem>>
      %dma_start3A_116 = tpu.memref_squeeze %dma_start3A_115 : memref<1x1x128xi32, #tpu.memory_space<vmem>> -> memref<128xi32, #tpu.memory_space<vmem>>
      %dma_start3A_117 = arith.constant 0 : i32
      %dma_start3A_118 = arith.constant 0 : i32
      %dma_start3A_119 = tpu.memref_slice %arg2[%dma_start3A_117, %dma_start3A_118] : memref<20000x128xf32, #tpu.memory_space<hbm>> -> memref<20000x128xf32, #tpu.memory_space<hbm>>
      tpu.enqueue_indirect_dma source(%dma_start3A_119 : memref<20000x128xf32, #tpu.memory_space<hbm>>) target(%dma_start3A_113 : memref<128x128xf32, #tpu.memory_space<vmem>>) offsets(%dma_start3A_116 : memref<128xi32, #tpu.memory_space<vmem>>) semaphore(%arg9 : memref<!tpu.dma_semaphore, #tpu.memory_space<semaphore_mem>>)
      %dma_wait3A_120 = arith.constant 128 : i32
      %dma_wait3A_121 = arith.constant 0 : i32
      %dma_wait3A_122 = tpu.memref_slice %arg6[%dma_wait3A_120, %dma_wait3A_121] : memref<256x128xf32, #tpu.memory_space<vmem>> -> memref<128x128xf32, #tpu.memory_space<vmem>>
      %dma_wait3A_123 = arith.constant 0 : i32
      %dma_wait3A_124 = arith.constant 0 : i32
      %dma_wait3A_125 = tpu.memref_slice %arg2[%dma_wait3A_123, %dma_wait3A_124] : memref<20000x128xf32, #tpu.memory_space<hbm>> -> memref<128x128xf32, #tpu.memory_space<hbm>>
      %dma_wait3A_126 = arith.constant 128 : i32
      %dma_wait3A_127 = arith.constant 0 : i32
      %dma_wait3A_128 = tpu.memref_slice %arg6[%dma_wait3A_126, %dma_wait3A_127] : memref<256x128xf32, #tpu.memory_space<vmem>> -> memref<128x128xf32, #tpu.memory_space<vmem>>
      %dma_wait3A_129 = arith.constant 0 : i32
      %dma_wait3A_130 = arith.constant 0 : i32
      %dma_wait3A_131 = tpu.memref_slice %arg2[%dma_wait3A_129, %dma_wait3A_130] : memref<20000x128xf32, #tpu.memory_space<hbm>> -> memref<128x128xf32, #tpu.memory_space<hbm>>
      tpu.wait_dma2 semaphore(%arg9 : memref<!tpu.dma_semaphore, #tpu.memory_space<semaphore_mem>>) src(%dma_wait3A_131 : memref<128x128xf32, #tpu.memory_space<hbm>>) dst(%dma_wait3A_128 : memref<128x128xf32, #tpu.memory_space<vmem>>)
      %dma_start3A_132 = arith.constant 3 : i32
      %dma_start3A_133 = arith.constant 128 : i32
      %dma_start3A_134 = arith.constant 0 : i32
      %dma_start3A_135 = tpu.memref_slice %arg6[%dma_start3A_133, %dma_start3A_134] : memref<256x128xf32, #tpu.memory_space<vmem>> -> memref<128x128xf32, #tpu.memory_space<vmem>>
      %dma_start3A_136 = arith.constant 0 : i32
      %dma_start3A_137 = tpu.memref_slice %arg7[%select_n3A_78, %dma_start3A_132, %dma_start3A_136] : memref<3x16x128xi32, #tpu.memory_space<vmem>> -> memref<1x1x128xi32, #tpu.memory_space<vmem>>
      %dma_start3A_138 = tpu.memref_squeeze %dma_start3A_137 : memref<1x1x128xi32, #tpu.memory_space<vmem>> -> memref<128xi32, #tpu.memory_space<vmem>>
      %dma_start3A_139 = arith.constant 0 : i32
      %dma_start3A_140 = arith.constant 0 : i32
      %dma_start3A_141 = tpu.memref_slice %arg5[%dma_start3A_139, %dma_start3A_140] : memref<10112x128xf32, #tpu.memory_space<vmem_shared>> -> memref<10112x128xf32, #tpu.memory_space<vmem_shared>>
      tpu.enqueue_indirect_dma source(%dma_start3A_135 : memref<128x128xf32, #tpu.memory_space<vmem>>) target(%dma_start3A_141 : memref<10112x128xf32, #tpu.memory_space<vmem_shared>>) offsets(%dma_start3A_138 : memref<128xi32, #tpu.memory_space<vmem>>) semaphore(%arg11 : memref<!tpu.dma_semaphore, #tpu.memory_space<semaphore_mem>>) {add = true}
      %dma_wait3A_142 = arith.constant 0 : i32
      %dma_wait3A_143 = arith.constant 0 : i32
      %dma_wait3A_144 = tpu.memref_slice %arg5[%dma_wait3A_142, %dma_wait3A_143] : memref<10112x128xf32, #tpu.memory_space<vmem_shared>> -> memref<128x128xf32, #tpu.memory_space<vmem_shared>>
      %dma_wait3A_145 = arith.constant 0 : i32
      %dma_wait3A_146 = arith.constant 0 : i32
      %dma_wait3A_147 = tpu.memref_slice %arg2[%dma_wait3A_145, %dma_wait3A_146] : memref<20000x128xf32, #tpu.memory_space<hbm>> -> memref<128x128xf32, #tpu.memory_space<hbm>>
      tpu.wait_dma2 semaphore(%arg10 : memref<!tpu.dma_semaphore, #tpu.memory_space<semaphore_mem>>) src(%dma_wait3A_147 : memref<128x128xf32, #tpu.memory_space<hbm>>) dst(%dma_wait3A_144 : memref<128x128xf32, #tpu.memory_space<vmem_shared>>)
      %dma_start3A_148 = arith.constant 4 : i32
      %dma_start3A_149 = arith.constant 0 : i32
      %dma_start3A_150 = arith.constant 0 : i32
      %dma_start3A_151 = tpu.memref_slice %arg6[%dma_start3A_149, %dma_start3A_150] : memref<256x128xf32, #tpu.memory_space<vmem>> -> memref<128x128xf32, #tpu.memory_space<vmem>>
      %dma_start3A_152 = arith.constant 0 : i32
      %dma_start3A_153 = tpu.memref_slice %arg7[%select_n3A_78, %dma_start3A_148, %dma_start3A_152] : memref<3x16x128xi32, #tpu.memory_space<vmem>> -> memref<1x1x128xi32, #tpu.memory_space<vmem>>
      %dma_start3A_154 = tpu.memref_squeeze %dma_start3A_153 : memref<1x1x128xi32, #tpu.memory_space<vmem>> -> memref<128xi32, #tpu.memory_space<vmem>>
      %dma_start3A_155 = arith.constant 0 : i32
      %dma_start3A_156 = arith.constant 0 : i32
      %dma_start3A_157 = tpu.memref_slice %arg2[%dma_start3A_155, %dma_start3A_156] : memref<20000x128xf32, #tpu.memory_space<hbm>> -> memref<20000x128xf32, #tpu.memory_space<hbm>>
      tpu.enqueue_indirect_dma source(%dma_start3A_157 : memref<20000x128xf32, #tpu.memory_space<hbm>>) target(%dma_start3A_151 : memref<128x128xf32, #tpu.memory_space<vmem>>) offsets(%dma_start3A_154 : memref<128xi32, #tpu.memory_space<vmem>>) semaphore(%arg8 : memref<!tpu.dma_semaphore, #tpu.memory_space<semaphore_mem>>)
      %dma_wait3A_158 = arith.constant 0 : i32
      %dma_wait3A_159 = arith.constant 0 : i32
      %dma_wait3A_160 = tpu.memref_slice %arg6[%dma_wait3A_158, %dma_wait3A_159] : memref<256x128xf32, #tpu.memory_space<vmem>> -> memref<128x128xf32, #tpu.memory_space<vmem>>
      %dma_wait3A_161 = arith.constant 0 : i32
      %dma_wait3A_162 = arith.constant 0 : i32
      %dma_wait3A_163 = tpu.memref_slice %arg2[%dma_wait3A_161, %dma_wait3A_162] : memref<20000x128xf32, #tpu.memory_space<hbm>> -> memref<128x128xf32, #tpu.memory_space<hbm>>
      %dma_wait3A_164 = arith.constant 0 : i32
      %dma_wait3A_165 = arith.constant 0 : i32
      %dma_wait3A_166 = tpu.memref_slice %arg6[%dma_wait3A_164, %dma_wait3A_165] : memref<256x128xf32, #tpu.memory_space<vmem>> -> memref<128x128xf32, #tpu.memory_space<vmem>>
      %dma_wait3A_167 = arith.constant 0 : i32
      %dma_wait3A_168 = arith.constant 0 : i32
      %dma_wait3A_169 = tpu.memref_slice %arg2[%dma_wait3A_167, %dma_wait3A_168] : memref<20000x128xf32, #tpu.memory_space<hbm>> -> memref<128x128xf32, #tpu.memory_space<hbm>>
      tpu.wait_dma2 semaphore(%arg8 : memref<!tpu.dma_semaphore, #tpu.memory_space<semaphore_mem>>) src(%dma_wait3A_169 : memref<128x128xf32, #tpu.memory_space<hbm>>) dst(%dma_wait3A_166 : memref<128x128xf32, #tpu.memory_space<vmem>>)
      %dma_start3A_170 = arith.constant 5 : i32
      %dma_start3A_171 = arith.constant 0 : i32
      %dma_start3A_172 = arith.constant 0 : i32
      %dma_start3A_173 = tpu.memref_slice %arg6[%dma_start3A_171, %dma_start3A_172] : memref<256x128xf32, #tpu.memory_space<vmem>> -> memref<128x128xf32, #tpu.memory_space<vmem>>
      %dma_start3A_174 = arith.constant 0 : i32
      %dma_start3A_175 = tpu.memref_slice %arg7[%select_n3A_78, %dma_start3A_170, %dma_start3A_174] : memref<3x16x128xi32, #tpu.memory_space<vmem>> -> memref<1x1x128xi32, #tpu.memory_space<vmem>>
      %dma_start3A_176 = tpu.memref_squeeze %dma_start3A_175 : memref<1x1x128xi32, #tpu.memory_space<vmem>> -> memref<128xi32, #tpu.memory_space<vmem>>
      %dma_start3A_177 = arith.constant 0 : i32
      %dma_start3A_178 = arith.constant 0 : i32
      %dma_start3A_179 = tpu.memref_slice %arg5[%dma_start3A_177, %dma_start3A_178] : memref<10112x128xf32, #tpu.memory_space<vmem_shared>> -> memref<10112x128xf32, #tpu.memory_space<vmem_shared>>
      tpu.enqueue_indirect_dma source(%dma_start3A_173 : memref<128x128xf32, #tpu.memory_space<vmem>>) target(%dma_start3A_179 : memref<10112x128xf32, #tpu.memory_space<vmem_shared>>) offsets(%dma_start3A_176 : memref<128xi32, #tpu.memory_space<vmem>>) semaphore(%arg10 : memref<!tpu.dma_semaphore, #tpu.memory_space<semaphore_mem>>) {add = true}
      %dma_wait3A_180 = arith.constant 0 : i32
      %dma_wait3A_181 = arith.constant 0 : i32
      %dma_wait3A_182 = tpu.memref_slice %arg5[%dma_wait3A_180, %dma_wait3A_181] : memref<10112x128xf32, #tpu.memory_space<vmem_shared>> -> memref<128x128xf32, #tpu.memory_space<vmem_shared>>
      %dma_wait3A_183 = arith.constant 0 : i32
      %dma_wait3A_184 = arith.constant 0 : i32
      %dma_wait3A_185 = tpu.memref_slice %arg2[%dma_wait3A_183, %dma_wait3A_184] : memref<20000x128xf32, #tpu.memory_space<hbm>> -> memref<128x128xf32, #tpu.memory_space<hbm>>
      tpu.wait_dma2 semaphore(%arg11 : memref<!tpu.dma_semaphore, #tpu.memory_space<semaphore_mem>>) src(%dma_wait3A_185 : memref<128x128xf32, #tpu.memory_space<hbm>>) dst(%dma_wait3A_182 : memref<128x128xf32, #tpu.memory_space<vmem_shared>>)
      %dma_start3A_186 = arith.constant 6 : i32
      %dma_start3A_187 = arith.constant 128 : i32
      %dma_start3A_188 = arith.constant 0 : i32
      %dma_start3A_189 = tpu.memref_slice %arg6[%dma_start3A_187, %dma_start3A_188] : memref<256x128xf32, #tpu.memory_space<vmem>> -> memref<128x128xf32, #tpu.memory_space<vmem>>
      %dma_start3A_190 = arith.constant 0 : i32
      %dma_start3A_191 = tpu.memref_slice %arg7[%select_n3A_78, %dma_start3A_186, %dma_start3A_190] : memref<3x16x128xi32, #tpu.memory_space<vmem>> -> memref<1x1x128xi32, #tpu.memory_space<vmem>>
      %dma_start3A_192 = tpu.memref_squeeze %dma_start3A_191 : memref<1x1x128xi32, #tpu.memory_space<vmem>> -> memref<128xi32, #tpu.memory_space<vmem>>
      %dma_start3A_193 = arith.constant 0 : i32
      %dma_start3A_194 = arith.constant 0 : i32
      %dma_start3A_195 = tpu.memref_slice %arg2[%dma_start3A_193, %dma_start3A_194] : memref<20000x128xf32, #tpu.memory_space<hbm>> -> memref<20000x128xf32, #tpu.memory_space<hbm>>
      tpu.enqueue_indirect_dma source(%dma_start3A_195 : memref<20000x128xf32, #tpu.memory_space<hbm>>) target(%dma_start3A_189 : memref<128x128xf32, #tpu.memory_space<vmem>>) offsets(%dma_start3A_192 : memref<128xi32, #tpu.memory_space<vmem>>) semaphore(%arg9 : memref<!tpu.dma_semaphore, #tpu.memory_space<semaphore_mem>>)
      %dma_wait3A_196 = arith.constant 128 : i32
      %dma_wait3A_197 = arith.constant 0 : i32
      %dma_wait3A_198 = tpu.memref_slice %arg6[%dma_wait3A_196, %dma_wait3A_197] : memref<256x128xf32, #tpu.memory_space<vmem>> -> memref<128x128xf32, #tpu.memory_space<vmem>>
      %dma_wait3A_199 = arith.constant 0 : i32
      %dma_wait3A_200 = arith.constant 0 : i32
      %dma_wait3A_201 = tpu.memref_slice %arg2[%dma_wait3A_199, %dma_wait3A_200] : memref<20000x128xf32, #tpu.memory_space<hbm>> -> memref<128x128xf32, #tpu.memory_space<hbm>>
      %dma_wait3A_202 = arith.constant 128 : i32
      %dma_wait3A_203 = arith.constant 0 : i32
      %dma_wait3A_204 = tpu.memref_slice %arg6[%dma_wait3A_202, %dma_wait3A_203] : memref<256x128xf32, #tpu.memory_space<vmem>> -> memref<128x128xf32, #tpu.memory_space<vmem>>
      %dma_wait3A_205 = arith.constant 0 : i32
      %dma_wait3A_206 = arith.constant 0 : i32
      %dma_wait3A_207 = tpu.memref_slice %arg2[%dma_wait3A_205, %dma_wait3A_206] : memref<20000x128xf32, #tpu.memory_space<hbm>> -> memref<128x128xf32, #tpu.memory_space<hbm>>
      tpu.wait_dma2 semaphore(%arg9 : memref<!tpu.dma_semaphore, #tpu.memory_space<semaphore_mem>>) src(%dma_wait3A_207 : memref<128x128xf32, #tpu.memory_space<hbm>>) dst(%dma_wait3A_204 : memref<128x128xf32, #tpu.memory_space<vmem>>)
      %dma_start3A_208 = arith.constant 7 : i32
      %dma_start3A_209 = arith.constant 128 : i32
      %dma_start3A_210 = arith.constant 0 : i32
      %dma_start3A_211 = tpu.memref_slice %arg6[%dma_start3A_209, %dma_start3A_210] : memref<256x128xf32, #tpu.memory_space<vmem>> -> memref<128x128xf32, #tpu.memory_space<vmem>>
      %dma_start3A_212 = arith.constant 0 : i32
      %dma_start3A_213 = tpu.memref_slice %arg7[%select_n3A_78, %dma_start3A_208, %dma_start3A_212] : memref<3x16x128xi32, #tpu.memory_space<vmem>> -> memref<1x1x128xi32, #tpu.memory_space<vmem>>
      %dma_start3A_214 = tpu.memref_squeeze %dma_start3A_213 : memref<1x1x128xi32, #tpu.memory_space<vmem>> -> memref<128xi32, #tpu.memory_space<vmem>>
      %dma_start3A_215 = arith.constant 0 : i32
      %dma_start3A_216 = arith.constant 0 : i32
      %dma_start3A_217 = tpu.memref_slice %arg5[%dma_start3A_215, %dma_start3A_216] : memref<10112x128xf32, #tpu.memory_space<vmem_shared>> -> memref<10112x128xf32, #tpu.memory_space<vmem_shared>>
      tpu.enqueue_indirect_dma source(%dma_start3A_211 : memref<128x128xf32, #tpu.memory_space<vmem>>) target(%dma_start3A_217 : memref<10112x128xf32, #tpu.memory_space<vmem_shared>>) offsets(%dma_start3A_214 : memref<128xi32, #tpu.memory_space<vmem>>) semaphore(%arg11 : memref<!tpu.dma_semaphore, #tpu.memory_space<semaphore_mem>>) {add = true}
      %dma_wait3A_218 = arith.constant 0 : i32
      %dma_wait3A_219 = arith.constant 0 : i32
      %dma_wait3A_220 = tpu.memref_slice %arg5[%dma_wait3A_218, %dma_wait3A_219] : memref<10112x128xf32, #tpu.memory_space<vmem_shared>> -> memref<128x128xf32, #tpu.memory_space<vmem_shared>>
      %dma_wait3A_221 = arith.constant 0 : i32
      %dma_wait3A_222 = arith.constant 0 : i32
      %dma_wait3A_223 = tpu.memref_slice %arg2[%dma_wait3A_221, %dma_wait3A_222] : memref<20000x128xf32, #tpu.memory_space<hbm>> -> memref<128x128xf32, #tpu.memory_space<hbm>>
      tpu.wait_dma2 semaphore(%arg10 : memref<!tpu.dma_semaphore, #tpu.memory_space<semaphore_mem>>) src(%dma_wait3A_223 : memref<128x128xf32, #tpu.memory_space<hbm>>) dst(%dma_wait3A_220 : memref<128x128xf32, #tpu.memory_space<vmem_shared>>)
      %dma_start3A_224 = arith.constant 8 : i32
      %dma_start3A_225 = arith.constant 0 : i32
      %dma_start3A_226 = arith.constant 0 : i32
      %dma_start3A_227 = tpu.memref_slice %arg6[%dma_start3A_225, %dma_start3A_226] : memref<256x128xf32, #tpu.memory_space<vmem>> -> memref<128x128xf32, #tpu.memory_space<vmem>>
      %dma_start3A_228 = arith.constant 0 : i32
      %dma_start3A_229 = tpu.memref_slice %arg7[%select_n3A_78, %dma_start3A_224, %dma_start3A_228] : memref<3x16x128xi32, #tpu.memory_space<vmem>> -> memref<1x1x128xi32, #tpu.memory_space<vmem>>
      %dma_start3A_230 = tpu.memref_squeeze %dma_start3A_229 : memref<1x1x128xi32, #tpu.memory_space<vmem>> -> memref<128xi32, #tpu.memory_space<vmem>>
      %dma_start3A_231 = arith.constant 0 : i32
      %dma_start3A_232 = arith.constant 0 : i32
      %dma_start3A_233 = tpu.memref_slice %arg2[%dma_start3A_231, %dma_start3A_232] : memref<20000x128xf32, #tpu.memory_space<hbm>> -> memref<20000x128xf32, #tpu.memory_space<hbm>>
      tpu.enqueue_indirect_dma source(%dma_start3A_233 : memref<20000x128xf32, #tpu.memory_space<hbm>>) target(%dma_start3A_227 : memref<128x128xf32, #tpu.memory_space<vmem>>) offsets(%dma_start3A_230 : memref<128xi32, #tpu.memory_space<vmem>>) semaphore(%arg8 : memref<!tpu.dma_semaphore, #tpu.memory_space<semaphore_mem>>)
      %dma_wait3A_234 = arith.constant 0 : i32
      %dma_wait3A_235 = arith.constant 0 : i32
      %dma_wait3A_236 = tpu.memref_slice %arg6[%dma_wait3A_234, %dma_wait3A_235] : memref<256x128xf32, #tpu.memory_space<vmem>> -> memref<128x128xf32, #tpu.memory_space<vmem>>
      %dma_wait3A_237 = arith.constant 0 : i32
      %dma_wait3A_238 = arith.constant 0 : i32
      %dma_wait3A_239 = tpu.memref_slice %arg2[%dma_wait3A_237, %dma_wait3A_238] : memref<20000x128xf32, #tpu.memory_space<hbm>> -> memref<128x128xf32, #tpu.memory_space<hbm>>
      %dma_wait3A_240 = arith.constant 0 : i32
      %dma_wait3A_241 = arith.constant 0 : i32
      %dma_wait3A_242 = tpu.memref_slice %arg6[%dma_wait3A_240, %dma_wait3A_241] : memref<256x128xf32, #tpu.memory_space<vmem>> -> memref<128x128xf32, #tpu.memory_space<vmem>>
      %dma_wait3A_243 = arith.constant 0 : i32
      %dma_wait3A_244 = arith.constant 0 : i32
      %dma_wait3A_245 = tpu.memref_slice %arg2[%dma_wait3A_243, %dma_wait3A_244] : memref<20000x128xf32, #tpu.memory_space<hbm>> -> memref<128x128xf32, #tpu.memory_space<hbm>>
      tpu.wait_dma2 semaphore(%arg8 : memref<!tpu.dma_semaphore, #tpu.memory_space<semaphore_mem>>) src(%dma_wait3A_245 : memref<128x128xf32, #tpu.memory_space<hbm>>) dst(%dma_wait3A_242 : memref<128x128xf32, #tpu.memory_space<vmem>>)
      %dma_start3A_246 = arith.constant 9 : i32
      %dma_start3A_247 = arith.constant 0 : i32
      %dma_start3A_248 = arith.constant 0 : i32
      %dma_start3A_249 = tpu.memref_slice %arg6[%dma_start3A_247, %dma_start3A_248] : memref<256x128xf32, #tpu.memory_space<vmem>> -> memref<128x128xf32, #tpu.memory_space<vmem>>
      %dma_start3A_250 = arith.constant 0 : i32
      %dma_start3A_251 = tpu.memref_slice %arg7[%select_n3A_78, %dma_start3A_246, %dma_start3A_250] : memref<3x16x128xi32, #tpu.memory_space<vmem>> -> memref<1x1x128xi32, #tpu.memory_space<vmem>>
      %dma_start3A_252 = tpu.memref_squeeze %dma_start3A_251 : memref<1x1x128xi32, #tpu.memory_space<vmem>> -> memref<128xi32, #tpu.memory_space<vmem>>
      %dma_start3A_253 = arith.constant 0 : i32
      %dma_start3A_254 = arith.constant 0 : i32
      %dma_start3A_255 = tpu.memref_slice %arg5[%dma_start3A_253, %dma_start3A_254] : memref<10112x128xf32, #tpu.memory_space<vmem_shared>> -> memref<10112x128xf32, #tpu.memory_space<vmem_shared>>
      tpu.enqueue_indirect_dma source(%dma_start3A_249 : memref<128x128xf32, #tpu.memory_space<vmem>>) target(%dma_start3A_255 : memref<10112x128xf32, #tpu.memory_space<vmem_shared>>) offsets(%dma_start3A_252 : memref<128xi32, #tpu.memory_space<vmem>>) semaphore(%arg10 : memref<!tpu.dma_semaphore, #tpu.memory_space<semaphore_mem>>) {add = true}
      %dma_wait3A_256 = arith.constant 0 : i32
      %dma_wait3A_257 = arith.constant 0 : i32
      %dma_wait3A_258 = tpu.memref_slice %arg5[%dma_wait3A_256, %dma_wait3A_257] : memref<10112x128xf32, #tpu.memory_space<vmem_shared>> -> memref<128x128xf32, #tpu.memory_space<vmem_shared>>
      %dma_wait3A_259 = arith.constant 0 : i32
      %dma_wait3A_260 = arith.constant 0 : i32
      %dma_wait3A_261 = tpu.memref_slice %arg2[%dma_wait3A_259, %dma_wait3A_260] : memref<20000x128xf32, #tpu.memory_space<hbm>> -> memref<128x128xf32, #tpu.memory_space<hbm>>
      tpu.wait_dma2 semaphore(%arg11 : memref<!tpu.dma_semaphore, #tpu.memory_space<semaphore_mem>>) src(%dma_wait3A_261 : memref<128x128xf32, #tpu.memory_space<hbm>>) dst(%dma_wait3A_258 : memref<128x128xf32, #tpu.memory_space<vmem_shared>>)
      %dma_start3A_262 = arith.constant 10 : i32
      %dma_start3A_263 = arith.constant 128 : i32
      %dma_start3A_264 = arith.constant 0 : i32
      %dma_start3A_265 = tpu.memref_slice %arg6[%dma_start3A_263, %dma_start3A_264] : memref<256x128xf32, #tpu.memory_space<vmem>> -> memref<128x128xf32, #tpu.memory_space<vmem>>
      %dma_start3A_266 = arith.constant 0 : i32
      %dma_start3A_267 = tpu.memref_slice %arg7[%select_n3A_78, %dma_start3A_262, %dma_start3A_266] : memref<3x16x128xi32, #tpu.memory_space<vmem>> -> memref<1x1x128xi32, #tpu.memory_space<vmem>>
      %dma_start3A_268 = tpu.memref_squeeze %dma_start3A_267 : memref<1x1x128xi32, #tpu.memory_space<vmem>> -> memref<128xi32, #tpu.memory_space<vmem>>
      %dma_start3A_269 = arith.constant 0 : i32
      %dma_start3A_270 = arith.constant 0 : i32
      %dma_start3A_271 = tpu.memref_slice %arg2[%dma_start3A_269, %dma_start3A_270] : memref<20000x128xf32, #tpu.memory_space<hbm>> -> memref<20000x128xf32, #tpu.memory_space<hbm>>
      tpu.enqueue_indirect_dma source(%dma_start3A_271 : memref<20000x128xf32, #tpu.memory_space<hbm>>) target(%dma_start3A_265 : memref<128x128xf32, #tpu.memory_space<vmem>>) offsets(%dma_start3A_268 : memref<128xi32, #tpu.memory_space<vmem>>) semaphore(%arg9 : memref<!tpu.dma_semaphore, #tpu.memory_space<semaphore_mem>>)
      %dma_wait3A_272 = arith.constant 128 : i32
      %dma_wait3A_273 = arith.constant 0 : i32
      %dma_wait3A_274 = tpu.memref_slice %arg6[%dma_wait3A_272, %dma_wait3A_273] : memref<256x128xf32, #tpu.memory_space<vmem>> -> memref<128x128xf32, #tpu.memory_space<vmem>>
      %dma_wait3A_275 = arith.constant 0 : i32
      %dma_wait3A_276 = arith.constant 0 : i32
      %dma_wait3A_277 = tpu.memref_slice %arg2[%dma_wait3A_275, %dma_wait3A_276] : memref<20000x128xf32, #tpu.memory_space<hbm>> -> memref<128x128xf32, #tpu.memory_space<hbm>>
      %dma_wait3A_278 = arith.constant 128 : i32
      %dma_wait3A_279 = arith.constant 0 : i32
      %dma_wait3A_280 = tpu.memref_slice %arg6[%dma_wait3A_278, %dma_wait3A_279] : memref<256x128xf32, #tpu.memory_space<vmem>> -> memref<128x128xf32, #tpu.memory_space<vmem>>
      %dma_wait3A_281 = arith.constant 0 : i32
      %dma_wait3A_282 = arith.constant 0 : i32
      %dma_wait3A_283 = tpu.memref_slice %arg2[%dma_wait3A_281, %dma_wait3A_282] : memref<20000x128xf32, #tpu.memory_space<hbm>> -> memref<128x128xf32, #tpu.memory_space<hbm>>
      tpu.wait_dma2 semaphore(%arg9 : memref<!tpu.dma_semaphore, #tpu.memory_space<semaphore_mem>>) src(%dma_wait3A_283 : memref<128x128xf32, #tpu.memory_space<hbm>>) dst(%dma_wait3A_280 : memref<128x128xf32, #tpu.memory_space<vmem>>)
      %dma_start3A_284 = arith.constant 11 : i32
      %dma_start3A_285 = arith.constant 128 : i32
      %dma_start3A_286 = arith.constant 0 : i32
      %dma_start3A_287 = tpu.memref_slice %arg6[%dma_start3A_285, %dma_start3A_286] : memref<256x128xf32, #tpu.memory_space<vmem>> -> memref<128x128xf32, #tpu.memory_space<vmem>>
      %dma_start3A_288 = arith.constant 0 : i32
      %dma_start3A_289 = tpu.memref_slice %arg7[%select_n3A_78, %dma_start3A_284, %dma_start3A_288] : memref<3x16x128xi32, #tpu.memory_space<vmem>> -> memref<1x1x128xi32, #tpu.memory_space<vmem>>
      %dma_start3A_290 = tpu.memref_squeeze %dma_start3A_289 : memref<1x1x128xi32, #tpu.memory_space<vmem>> -> memref<128xi32, #tpu.memory_space<vmem>>
      %dma_start3A_291 = arith.constant 0 : i32
      %dma_start3A_292 = arith.constant 0 : i32
      %dma_start3A_293 = tpu.memref_slice %arg5[%dma_start3A_291, %dma_start3A_292] : memref<10112x128xf32, #tpu.memory_space<vmem_shared>> -> memref<10112x128xf32, #tpu.memory_space<vmem_shared>>
      tpu.enqueue_indirect_dma source(%dma_start3A_287 : memref<128x128xf32, #tpu.memory_space<vmem>>) target(%dma_start3A_293 : memref<10112x128xf32, #tpu.memory_space<vmem_shared>>) offsets(%dma_start3A_290 : memref<128xi32, #tpu.memory_space<vmem>>) semaphore(%arg11 : memref<!tpu.dma_semaphore, #tpu.memory_space<semaphore_mem>>) {add = true}
      %dma_wait3A_294 = arith.constant 0 : i32
      %dma_wait3A_295 = arith.constant 0 : i32
      %dma_wait3A_296 = tpu.memref_slice %arg5[%dma_wait3A_294, %dma_wait3A_295] : memref<10112x128xf32, #tpu.memory_space<vmem_shared>> -> memref<128x128xf32, #tpu.memory_space<vmem_shared>>
      %dma_wait3A_297 = arith.constant 0 : i32
      %dma_wait3A_298 = arith.constant 0 : i32
      %dma_wait3A_299 = tpu.memref_slice %arg2[%dma_wait3A_297, %dma_wait3A_298] : memref<20000x128xf32, #tpu.memory_space<hbm>> -> memref<128x128xf32, #tpu.memory_space<hbm>>
      tpu.wait_dma2 semaphore(%arg10 : memref<!tpu.dma_semaphore, #tpu.memory_space<semaphore_mem>>) src(%dma_wait3A_299 : memref<128x128xf32, #tpu.memory_space<hbm>>) dst(%dma_wait3A_296 : memref<128x128xf32, #tpu.memory_space<vmem_shared>>)
      %dma_start3A_300 = arith.constant 12 : i32
      %dma_start3A_301 = arith.constant 0 : i32
      %dma_start3A_302 = arith.constant 0 : i32
      %dma_start3A_303 = tpu.memref_slice %arg6[%dma_start3A_301, %dma_start3A_302] : memref<256x128xf32, #tpu.memory_space<vmem>> -> memref<128x128xf32, #tpu.memory_space<vmem>>
      %dma_start3A_304 = arith.constant 0 : i32
      %dma_start3A_305 = tpu.memref_slice %arg7[%select_n3A_78, %dma_start3A_300, %dma_start3A_304] : memref<3x16x128xi32, #tpu.memory_space<vmem>> -> memref<1x1x128xi32, #tpu.memory_space<vmem>>
      %dma_start3A_306 = tpu.memref_squeeze %dma_start3A_305 : memref<1x1x128xi32, #tpu.memory_space<vmem>> -> memref<128xi32, #tpu.memory_space<vmem>>
      %dma_start3A_307 = arith.constant 0 : i32
      %dma_start3A_308 = arith.constant 0 : i32
      %dma_start3A_309 = tpu.memref_slice %arg2[%dma_start3A_307, %dma_start3A_308] : memref<20000x128xf32, #tpu.memory_space<hbm>> -> memref<20000x128xf32, #tpu.memory_space<hbm>>
      tpu.enqueue_indirect_dma source(%dma_start3A_309 : memref<20000x128xf32, #tpu.memory_space<hbm>>) target(%dma_start3A_303 : memref<128x128xf32, #tpu.memory_space<vmem>>) offsets(%dma_start3A_306 : memref<128xi32, #tpu.memory_space<vmem>>) semaphore(%arg8 : memref<!tpu.dma_semaphore, #tpu.memory_space<semaphore_mem>>)
      %dma_wait3A_310 = arith.constant 0 : i32
      %dma_wait3A_311 = arith.constant 0 : i32
      %dma_wait3A_312 = tpu.memref_slice %arg6[%dma_wait3A_310, %dma_wait3A_311] : memref<256x128xf32, #tpu.memory_space<vmem>> -> memref<128x128xf32, #tpu.memory_space<vmem>>
      %dma_wait3A_313 = arith.constant 0 : i32
      %dma_wait3A_314 = arith.constant 0 : i32
      %dma_wait3A_315 = tpu.memref_slice %arg2[%dma_wait3A_313, %dma_wait3A_314] : memref<20000x128xf32, #tpu.memory_space<hbm>> -> memref<128x128xf32, #tpu.memory_space<hbm>>
      %dma_wait3A_316 = arith.constant 0 : i32
      %dma_wait3A_317 = arith.constant 0 : i32
      %dma_wait3A_318 = tpu.memref_slice %arg6[%dma_wait3A_316, %dma_wait3A_317] : memref<256x128xf32, #tpu.memory_space<vmem>> -> memref<128x128xf32, #tpu.memory_space<vmem>>
      %dma_wait3A_319 = arith.constant 0 : i32
      %dma_wait3A_320 = arith.constant 0 : i32
      %dma_wait3A_321 = tpu.memref_slice %arg2[%dma_wait3A_319, %dma_wait3A_320] : memref<20000x128xf32, #tpu.memory_space<hbm>> -> memref<128x128xf32, #tpu.memory_space<hbm>>
      tpu.wait_dma2 semaphore(%arg8 : memref<!tpu.dma_semaphore, #tpu.memory_space<semaphore_mem>>) src(%dma_wait3A_321 : memref<128x128xf32, #tpu.memory_space<hbm>>) dst(%dma_wait3A_318 : memref<128x128xf32, #tpu.memory_space<vmem>>)
      %dma_start3A_322 = arith.constant 13 : i32
      %dma_start3A_323 = arith.constant 0 : i32
      %dma_start3A_324 = arith.constant 0 : i32
      %dma_start3A_325 = tpu.memref_slice %arg6[%dma_start3A_323, %dma_start3A_324] : memref<256x128xf32, #tpu.memory_space<vmem>> -> memref<128x128xf32, #tpu.memory_space<vmem>>
      %dma_start3A_326 = arith.constant 0 : i32
      %dma_start3A_327 = tpu.memref_slice %arg7[%select_n3A_78, %dma_start3A_322, %dma_start3A_326] : memref<3x16x128xi32, #tpu.memory_space<vmem>> -> memref<1x1x128xi32, #tpu.memory_space<vmem>>
      %dma_start3A_328 = tpu.memref_squeeze %dma_start3A_327 : memref<1x1x128xi32, #tpu.memory_space<vmem>> -> memref<128xi32, #tpu.memory_space<vmem>>
      %dma_start3A_329 = arith.constant 0 : i32
      %dma_start3A_330 = arith.constant 0 : i32
      %dma_start3A_331 = tpu.memref_slice %arg5[%dma_start3A_329, %dma_start3A_330] : memref<10112x128xf32, #tpu.memory_space<vmem_shared>> -> memref<10112x128xf32, #tpu.memory_space<vmem_shared>>
      tpu.enqueue_indirect_dma source(%dma_start3A_325 : memref<128x128xf32, #tpu.memory_space<vmem>>) target(%dma_start3A_331 : memref<10112x128xf32, #tpu.memory_space<vmem_shared>>) offsets(%dma_start3A_328 : memref<128xi32, #tpu.memory_space<vmem>>) semaphore(%arg10 : memref<!tpu.dma_semaphore, #tpu.memory_space<semaphore_mem>>) {add = true}
      %dma_wait3A_332 = arith.constant 0 : i32
      %dma_wait3A_333 = arith.constant 0 : i32
      %dma_wait3A_334 = tpu.memref_slice %arg5[%dma_wait3A_332, %dma_wait3A_333] : memref<10112x128xf32, #tpu.memory_space<vmem_shared>> -> memref<128x128xf32, #tpu.memory_space<vmem_shared>>
      %dma_wait3A_335 = arith.constant 0 : i32
      %dma_wait3A_336 = arith.constant 0 : i32
      %dma_wait3A_337 = tpu.memref_slice %arg2[%dma_wait3A_335, %dma_wait3A_336] : memref<20000x128xf32, #tpu.memory_space<hbm>> -> memref<128x128xf32, #tpu.memory_space<hbm>>
      tpu.wait_dma2 semaphore(%arg11 : memref<!tpu.dma_semaphore, #tpu.memory_space<semaphore_mem>>) src(%dma_wait3A_337 : memref<128x128xf32, #tpu.memory_space<hbm>>) dst(%dma_wait3A_334 : memref<128x128xf32, #tpu.memory_space<vmem_shared>>)
      %dma_start3A_338 = arith.constant 14 : i32
      %dma_start3A_339 = arith.constant 128 : i32
      %dma_start3A_340 = arith.constant 0 : i32
      %dma_start3A_341 = tpu.memref_slice %arg6[%dma_start3A_339, %dma_start3A_340] : memref<256x128xf32, #tpu.memory_space<vmem>> -> memref<128x128xf32, #tpu.memory_space<vmem>>
      %dma_start3A_342 = arith.constant 0 : i32
      %dma_start3A_343 = tpu.memref_slice %arg7[%select_n3A_78, %dma_start3A_338, %dma_start3A_342] : memref<3x16x128xi32, #tpu.memory_space<vmem>> -> memref<1x1x128xi32, #tpu.memory_space<vmem>>
      %dma_start3A_344 = tpu.memref_squeeze %dma_start3A_343 : memref<1x1x128xi32, #tpu.memory_space<vmem>> -> memref<128xi32, #tpu.memory_space<vmem>>
      %dma_start3A_345 = arith.constant 0 : i32
      %dma_start3A_346 = arith.constant 0 : i32
      %dma_start3A_347 = tpu.memref_slice %arg2[%dma_start3A_345, %dma_start3A_346] : memref<20000x128xf32, #tpu.memory_space<hbm>> -> memref<20000x128xf32, #tpu.memory_space<hbm>>
      tpu.enqueue_indirect_dma source(%dma_start3A_347 : memref<20000x128xf32, #tpu.memory_space<hbm>>) target(%dma_start3A_341 : memref<128x128xf32, #tpu.memory_space<vmem>>) offsets(%dma_start3A_344 : memref<128xi32, #tpu.memory_space<vmem>>) semaphore(%arg9 : memref<!tpu.dma_semaphore, #tpu.memory_space<semaphore_mem>>)
      %dma_wait3A_348 = arith.constant 128 : i32
      %dma_wait3A_349 = arith.constant 0 : i32
      %dma_wait3A_350 = tpu.memref_slice %arg6[%dma_wait3A_348, %dma_wait3A_349] : memref<256x128xf32, #tpu.memory_space<vmem>> -> memref<128x128xf32, #tpu.memory_space<vmem>>
      %dma_wait3A_351 = arith.constant 0 : i32
      %dma_wait3A_352 = arith.constant 0 : i32
      %dma_wait3A_353 = tpu.memref_slice %arg2[%dma_wait3A_351, %dma_wait3A_352] : memref<20000x128xf32, #tpu.memory_space<hbm>> -> memref<128x128xf32, #tpu.memory_space<hbm>>
      %dma_wait3A_354 = arith.constant 128 : i32
      %dma_wait3A_355 = arith.constant 0 : i32
      %dma_wait3A_356 = tpu.memref_slice %arg6[%dma_wait3A_354, %dma_wait3A_355] : memref<256x128xf32, #tpu.memory_space<vmem>> -> memref<128x128xf32, #tpu.memory_space<vmem>>
      %dma_wait3A_357 = arith.constant 0 : i32
      %dma_wait3A_358 = arith.constant 0 : i32
      %dma_wait3A_359 = tpu.memref_slice %arg2[%dma_wait3A_357, %dma_wait3A_358] : memref<20000x128xf32, #tpu.memory_space<hbm>> -> memref<128x128xf32, #tpu.memory_space<hbm>>
      tpu.wait_dma2 semaphore(%arg9 : memref<!tpu.dma_semaphore, #tpu.memory_space<semaphore_mem>>) src(%dma_wait3A_359 : memref<128x128xf32, #tpu.memory_space<hbm>>) dst(%dma_wait3A_356 : memref<128x128xf32, #tpu.memory_space<vmem>>)
      %dma_start3A_360 = arith.constant 15 : i32
      %dma_start3A_361 = arith.constant 128 : i32
      %dma_start3A_362 = arith.constant 0 : i32
      %dma_start3A_363 = tpu.memref_slice %arg6[%dma_start3A_361, %dma_start3A_362] : memref<256x128xf32, #tpu.memory_space<vmem>> -> memref<128x128xf32, #tpu.memory_space<vmem>>
      %dma_start3A_364 = arith.constant 0 : i32
      %dma_start3A_365 = tpu.memref_slice %arg7[%select_n3A_78, %dma_start3A_360, %dma_start3A_364] : memref<3x16x128xi32, #tpu.memory_space<vmem>> -> memref<1x1x128xi32, #tpu.memory_space<vmem>>
      %dma_start3A_366 = tpu.memref_squeeze %dma_start3A_365 : memref<1x1x128xi32, #tpu.memory_space<vmem>> -> memref<128xi32, #tpu.memory_space<vmem>>
      %dma_start3A_367 = arith.constant 0 : i32
      %dma_start3A_368 = arith.constant 0 : i32
      %dma_start3A_369 = tpu.memref_slice %arg5[%dma_start3A_367, %dma_start3A_368] : memref<10112x128xf32, #tpu.memory_space<vmem_shared>> -> memref<10112x128xf32, #tpu.memory_space<vmem_shared>>
      tpu.enqueue_indirect_dma source(%dma_start3A_363 : memref<128x128xf32, #tpu.memory_space<vmem>>) target(%dma_start3A_369 : memref<10112x128xf32, #tpu.memory_space<vmem_shared>>) offsets(%dma_start3A_366 : memref<128xi32, #tpu.memory_space<vmem>>) semaphore(%arg11 : memref<!tpu.dma_semaphore, #tpu.memory_space<semaphore_mem>>) {add = true}
      %lt3A_370 = arith.constant 19 : i32
      %lt3A_371 = arith.cmpi slt, %scan3A_67, %lt3A_370 : i32
      %convert_element_type3A_372 = arith.extui %lt3A_371 : i1 to i32
      %cond3A_373 = arith.constant 0 : i32
      %cond3A_374 = arith.cmpi ne, %convert_element_type3A_372, %cond3A_373 : i32
      scf.if %cond3A_374 {
        %dma_wait3A_375 = arith.constant 0 : i32
        %dma_wait3A_376 = arith.constant 0 : i32
        %dma_wait3A_377 = tpu.memref_slice %arg5[%dma_wait3A_375, %dma_wait3A_376] : memref<10112x128xf32, #tpu.memory_space<vmem_shared>> -> memref<128x128xf32, #tpu.memory_space<vmem_shared>>
        %dma_wait3A_378 = arith.constant 0 : i32
        %dma_wait3A_379 = arith.constant 0 : i32
        %dma_wait3A_380 = tpu.memref_slice %arg2[%dma_wait3A_378, %dma_wait3A_379] : memref<20000x128xf32, #tpu.memory_space<hbm>> -> memref<128x128xf32, #tpu.memory_space<hbm>>
        tpu.wait_dma2 semaphore(%arg10 : memref<!tpu.dma_semaphore, #tpu.memory_space<semaphore_mem>>) src(%dma_wait3A_380 : memref<128x128xf32, #tpu.memory_space<hbm>>) dst(%dma_wait3A_377 : memref<128x128xf32, #tpu.memory_space<vmem_shared>>)
        %add3A_381 = arith.constant 1 : i32
        %add3A_382 = arith.addi %scan3A_67, %add3A_381 : i32
        %jit3A_383 = arith.constant 3 : i32
        %eq3A_384 = arith.constant 0 : i32
        %eq3A_385 = arith.cmpi eq, %jit3A_383, %eq3A_384 : i32
        %jit3A_386 = arith.constant 1 : i32
        %select_n3A_387 = arith.select %eq3A_385, %jit3A_386, %jit3A_383 : i32
        %rem3A_388 = arith.remsi %add3A_382, %select_n3A_387 : i32
        %ne3A_389 = arith.constant 0 : i32
        %ne3A_390 = arith.cmpi ne, %rem3A_388, %ne3A_389 : i32
        %lt3A_391 = arith.constant 0 : i32
        %lt3A_392 = arith.cmpi slt, %rem3A_388, %lt3A_391 : i32
        %lt3A_393 = arith.constant 0 : i32
        %lt3A_394 = arith.cmpi slt, %select_n3A_387, %lt3A_393 : i32
        %ne3A_395 = arith.xori %lt3A_392, %lt3A_394 : i1
        %and3A_396 = arith.andi %ne3A_395, %ne3A_390 : i1
        %add3A_397 = arith.addi %rem3A_388, %select_n3A_387 : i32
        %select_n3A_398 = arith.select %and3A_396, %add3A_397, %rem3A_388 : i32
        %dma_start3A_399 = arith.constant 0 : i32
        %dma_start3A_400 = arith.constant 0 : i32
        %dma_start3A_401 = arith.constant 0 : i32
        %dma_start3A_402 = tpu.memref_slice %arg6[%dma_start3A_400, %dma_start3A_401] : memref<256x128xf32, #tpu.memory_space<vmem>> -> memref<128x128xf32, #tpu.memory_space<vmem>>
        %dma_start3A_403 = arith.constant 0 : i32
        %dma_start3A_404 = tpu.memref_slice %arg7[%select_n3A_398, %dma_start3A_399, %dma_start3A_403] : memref<3x16x128xi32, #tpu.memory_space<vmem>> -> memref<1x1x128xi32, #tpu.memory_space<vmem>>
        %dma_start3A_405 = tpu.memref_squeeze %dma_start3A_404 : memref<1x1x128xi32, #tpu.memory_space<vmem>> -> memref<128xi32, #tpu.memory_space<vmem>>
        %dma_start3A_406 = arith.constant 0 : i32
        %dma_start3A_407 = arith.constant 0 : i32
        %dma_start3A_408 = tpu.memref_slice %arg2[%dma_start3A_406, %dma_start3A_407] : memref<20000x128xf32, #tpu.memory_space<hbm>> -> memref<20000x128xf32, #tpu.memory_space<hbm>>
        tpu.enqueue_indirect_dma source(%dma_start3A_408 : memref<20000x128xf32, #tpu.memory_space<hbm>>) target(%dma_start3A_402 : memref<128x128xf32, #tpu.memory_space<vmem>>) offsets(%dma_start3A_405 : memref<128xi32, #tpu.memory_space<vmem>>) semaphore(%arg8 : memref<!tpu.dma_semaphore, #tpu.memory_space<semaphore_mem>>)
      } else {
      }
    }
    %scan3A_39 = arith.constant 20 : i32
    %dma_wait3A = arith.constant 0 : i32
    %dma_wait3A_40 = arith.constant 0 : i32
    %dma_wait3A_41 = tpu.memref_slice %arg5[%dma_wait3A, %dma_wait3A_40] : memref<10112x128xf32, #tpu.memory_space<vmem_shared>> -> memref<128x128xf32, #tpu.memory_space<vmem_shared>>
    %dma_wait3A_42 = arith.constant 0 : i32
    %dma_wait3A_43 = arith.constant 0 : i32
    %dma_wait3A_44 = tpu.memref_slice %arg2[%dma_wait3A_42, %dma_wait3A_43] : memref<20000x128xf32, #tpu.memory_space<hbm>> -> memref<128x128xf32, #tpu.memory_space<hbm>>
    tpu.wait_dma2 semaphore(%arg10 : memref<!tpu.dma_semaphore, #tpu.memory_space<semaphore_mem>>) src(%dma_wait3A_44 : memref<128x128xf32, #tpu.memory_space<hbm>>) dst(%dma_wait3A_41 : memref<128x128xf32, #tpu.memory_space<vmem_shared>>)
    %dma_wait3A_45 = arith.constant 0 : i32
    %dma_wait3A_46 = arith.constant 0 : i32
    %dma_wait3A_47 = tpu.memref_slice %arg5[%dma_wait3A_45, %dma_wait3A_46] : memref<10112x128xf32, #tpu.memory_space<vmem_shared>> -> memref<128x128xf32, #tpu.memory_space<vmem_shared>>
    %dma_wait3A_48 = arith.constant 0 : i32
    %dma_wait3A_49 = arith.constant 0 : i32
    %dma_wait3A_50 = tpu.memref_slice %arg2[%dma_wait3A_48, %dma_wait3A_49] : memref<20000x128xf32, #tpu.memory_space<hbm>> -> memref<128x128xf32, #tpu.memory_space<hbm>>
    tpu.wait_dma2 semaphore(%arg11 : memref<!tpu.dma_semaphore, #tpu.memory_space<semaphore_mem>>) src(%dma_wait3A_50 : memref<128x128xf32, #tpu.memory_space<hbm>>) dst(%dma_wait3A_47 : memref<128x128xf32, #tpu.memory_space<vmem_shared>>)
    %barrier3A_51 = arith.constant 0 : index
    tpu.barrier barrier_id(%barrier3A_51)
    %mul3A_52 = arith.constant 632 : i32
    %mul3A_53 = arith.muli %arg1, %mul3A_52 : i32
    %multiple_of3A_54 = tpu.assume_multiple %mul3A_53, 8 : i32
    %mul3A_55 = arith.constant 10000 : i32
    %mul3A_56 = arith.muli %arg0, %mul3A_55 : i32
    %mul3A_57 = arith.constant 632 : i32
    %mul3A_58 = arith.muli %arg1, %mul3A_57 : i32
    %add3A_59 = arith.addi %mul3A_56, %mul3A_58 : i32
    %multiple_of3A_60 = tpu.assume_multiple %add3A_59, 8 : i32
    %lt3A = arith.constant 15 : i32
    %lt3A_61 = arith.cmpi slt, %arg1, %lt3A : i32
    %convert_element_type3A = arith.extui %lt3A_61 : i1 to i32
    %cond3A = arith.constant 0 : i32
    %cond3A_62 = arith.cmpi ne, %convert_element_type3A, %cond3A : i32
    scf.if %cond3A_62 {
      "tpu.region"() ({
        %run_scoped3A_67 = tpu.sem_alloc : memref<!tpu.dma_semaphore, #tpu.memory_space<semaphore_mem>>
        %dma_start3A_68 = arith.constant 0 : i32
        %dma_start3A_69 = tpu.memref_slice %arg4[%multiple_of3A_60, %dma_start3A_68] : memref<20000x128xf32, #tpu.memory_space<hbm>> -> memref<632x128xf32, #tpu.memory_space<hbm>>
        %dma_start3A_70 = arith.constant 0 : i32
        %dma_start3A_71 = tpu.memref_slice %arg5[%multiple_of3A_54, %dma_start3A_70] : memref<10112x128xf32, #tpu.memory_space<vmem_shared>> -> memref<632x128xf32, #tpu.memory_space<vmem_shared>>
        tpu.enqueue_dma source(%dma_start3A_71 : memref<632x128xf32, #tpu.memory_space<vmem_shared>>) target(%dma_start3A_69 : memref<632x128xf32, #tpu.memory_space<hbm>>) target_semaphore(%run_scoped3A_67 : memref<!tpu.dma_semaphore, #tpu.memory_space<semaphore_mem>>)
        %dma_wait3A_72 = arith.constant 0 : i32
        %dma_wait3A_73 = tpu.memref_slice %arg4[%multiple_of3A_60, %dma_wait3A_72] : memref<20000x128xf32, #tpu.memory_space<hbm>> -> memref<632x128xf32, #tpu.memory_space<hbm>>
        %dma_wait3A_74 = arith.constant 0 : i32
        %dma_wait3A_75 = tpu.memref_slice %arg5[%multiple_of3A_54, %dma_wait3A_74] : memref<10112x128xf32, #tpu.memory_space<vmem_shared>> -> memref<632x128xf32, #tpu.memory_space<vmem_shared>>
        tpu.wait_dma2 semaphore(%run_scoped3A_67 : memref<!tpu.dma_semaphore, #tpu.memory_space<semaphore_mem>>) src(%dma_wait3A_75 : memref<632x128xf32, #tpu.memory_space<vmem_shared>>) dst(%dma_wait3A_73 : memref<632x128xf32, #tpu.memory_space<hbm>>)
        tpu.yield
      }) : () -> ()
    } else {
    }
    %eq3A = arith.constant 15 : i32
    %eq3A_63 = arith.cmpi eq, %arg1, %eq3A : i32
    %convert_element_type3A_64 = arith.extui %eq3A_63 : i1 to i32
    %cond3A_65 = arith.constant 0 : i32
    %cond3A_66 = arith.cmpi ne, %convert_element_type3A_64, %cond3A_65 : i32
    scf.if %cond3A_66 {
      "tpu.region"() ({
        %run_scoped3A_67 = tpu.sem_alloc : memref<!tpu.dma_semaphore, #tpu.memory_space<semaphore_mem>>
        %dma_start3A_68 = arith.constant 0 : i32
        %dma_start3A_69 = tpu.memref_slice %arg4[%multiple_of3A_60, %dma_start3A_68] : memref<20000x128xf32, #tpu.memory_space<hbm>> -> memref<520x128xf32, #tpu.memory_space<hbm>>
        %dma_start3A_70 = arith.constant 0 : i32
        %dma_start3A_71 = tpu.memref_slice %arg5[%multiple_of3A_54, %dma_start3A_70] : memref<10112x128xf32, #tpu.memory_space<vmem_shared>> -> memref<520x128xf32, #tpu.memory_space<vmem_shared>>
        tpu.enqueue_dma source(%dma_start3A_71 : memref<520x128xf32, #tpu.memory_space<vmem_shared>>) target(%dma_start3A_69 : memref<520x128xf32, #tpu.memory_space<hbm>>) target_semaphore(%run_scoped3A_67 : memref<!tpu.dma_semaphore, #tpu.memory_space<semaphore_mem>>)
        %dma_wait3A_72 = arith.constant 0 : i32
        %dma_wait3A_73 = tpu.memref_slice %arg4[%multiple_of3A_60, %dma_wait3A_72] : memref<20000x128xf32, #tpu.memory_space<hbm>> -> memref<520x128xf32, #tpu.memory_space<hbm>>
        %dma_wait3A_74 = arith.constant 0 : i32
        %dma_wait3A_75 = tpu.memref_slice %arg5[%multiple_of3A_54, %dma_wait3A_74] : memref<10112x128xf32, #tpu.memory_space<vmem_shared>> -> memref<520x128xf32, #tpu.memory_space<vmem_shared>>
        tpu.wait_dma2 semaphore(%run_scoped3A_67 : memref<!tpu.dma_semaphore, #tpu.memory_space<semaphore_mem>>) src(%dma_wait3A_75 : memref<520x128xf32, #tpu.memory_space<vmem_shared>>) dst(%dma_wait3A_73 : memref<520x128xf32, #tpu.memory_space<hbm>>)
        tpu.yield
      }) : () -> ()
    } else {
    }
    return
  }
}

#map = affine_map<(d0, d1) -> (0, 0)>
#map1 = affine_map<(d0, d1) -> (0, 0, 0)>
module attributes {stable_mosaic.version = 14 : i64} {
  func.func @scat_kernel(%arg0: i32, %arg1: i32, %arg2: memref<20000x128xf32, #tpu.memory_space<hbm>>, %arg3: memref<2x5120x128xi32, #tpu.memory_space<hbm>>, %arg4: memref<20000x128xf32, #tpu.memory_space<hbm>>, %arg5: memref<10112x128xf32, #tpu.memory_space<vmem_shared>>, %arg6: memref<256x128xf32, #tpu.memory_space<vmem>>, %arg7: memref<3x16x128xi32, #tpu.memory_space<vmem>>, %arg8: memref<!tpu.dma_semaphore, #tpu.memory_space<semaphore_mem>>, %arg9: memref<!tpu.dma_semaphore, #tpu.memory_space<semaphore_mem>>, %arg10: memref<!tpu.dma_semaphore, #tpu.memory_space<semaphore_mem>>, %arg11: memref<!tpu.dma_semaphore, #tpu.memory_space<semaphore_mem>>) attributes {dimension_semantics = [#tpu.dimension_semantics<core_parallel>, #tpu.dimension_semantics<subcore_parallel>], iteration_bounds = array<i64: 2, 16>, scalar_prefetch = 0 : i64, scratch_operands = 7 : i64, tpu.core_type = #tpu.core_type<sc_vector_subcore>, window_params = [{transform_indices = #map}, {transform_indices = #map1}, {transform_indices = #map}]} {
    %scan3A = arith.constant 0 : i32
    %scan3A_0 = arith.constant 0 : i32
    %scan3A_1 = arith.constant 1024 : i32
    %scan3A_2 = arith.addi %scan3A_0, %scan3A_1 : i32
    %scan3A_3 = arith.constant 1 : i32
    scf.for %scan3A_67 = %scan3A_0 to %scan3A_2 step %scan3A_3  : i32 {
      %broadcast_in_dim3A = arith.constant 0.000000e+00 : f32
      %broadcast_in_dim3A_68 = vector.broadcast %broadcast_in_dim3A : f32 to vector<16xf32>
      %jit3A = arith.constant 8 : i32
      %div3A = arith.divsi %scan3A_67, %jit3A : i32
      %sign3A = arith.constant 0 : i32
      %sign3A_69 = arith.cmpi sgt, %scan3A_67, %sign3A : i32
      %sign3A_70 = arith.extui %sign3A_69 : i1 to i32
      %sign3A_71 = arith.constant 0 : i32
      %sign3A_72 = arith.cmpi slt, %scan3A_67, %sign3A_71 : i32
      %sign3A_73 = arith.extui %sign3A_72 : i1 to i32
      %sign3A_74 = arith.subi %sign3A_70, %sign3A_73 : i32
      %sign3A_75 = arith.constant 0 : i32
      %sign3A_76 = arith.cmpi sgt, %jit3A, %sign3A_75 : i32
      %sign3A_77 = arith.extui %sign3A_76 : i1 to i32
      %sign3A_78 = arith.constant 0 : i32
      %sign3A_79 = arith.cmpi slt, %jit3A, %sign3A_78 : i32
      %sign3A_80 = arith.extui %sign3A_79 : i1 to i32
      %sign3A_81 = arith.subi %sign3A_77, %sign3A_80 : i32
      %ne3A = arith.cmpi ne, %sign3A_74, %sign3A_81 : i32
      %rem3A = arith.remsi %scan3A_67, %jit3A : i32
      %ne3A_82 = arith.constant 0 : i32
      %ne3A_83 = arith.cmpi ne, %rem3A, %ne3A_82 : i32
      %and3A = arith.andi %ne3A, %ne3A_83 : i1
      %sub3A = arith.constant 1 : i32
      %sub3A_84 = arith.subi %div3A, %sub3A : i32
      %select_n3A = arith.select %and3A, %sub3A_84, %div3A : i32
      %jit3A_85 = arith.constant 8 : i32
      %eq3A_86 = arith.constant 0 : i32
      %eq3A_87 = arith.cmpi eq, %jit3A_85, %eq3A_86 : i32
      %jit3A_88 = arith.constant 1 : i32
      %select_n3A_89 = arith.select %eq3A_87, %jit3A_88, %jit3A_85 : i32
      %rem3A_90 = arith.remsi %scan3A_67, %select_n3A_89 : i32
      %ne3A_91 = arith.constant 0 : i32
      %ne3A_92 = arith.cmpi ne, %rem3A_90, %ne3A_91 : i32
      %lt3A_93 = arith.constant 0 : i32
      %lt3A_94 = arith.cmpi slt, %rem3A_90, %lt3A_93 : i32
      %lt3A_95 = arith.constant 0 : i32
      %lt3A_96 = arith.cmpi slt, %select_n3A_89, %lt3A_95 : i32
      %ne3A_97 = arith.xori %lt3A_94, %lt3A_96 : i1
      %and3A_98 = arith.andi %ne3A_97, %ne3A_92 : i1
      %add3A_99 = arith.addi %rem3A_90, %select_n3A_89 : i32
      %select_n3A_100 = arith.select %and3A_98, %add3A_99, %rem3A_90 : i32
      %mul3A_101 = arith.constant 16 : i32
      %mul3A_102 = arith.muli %select_n3A_100, %mul3A_101 : i32
      %swap3A = arith.index_cast %select_n3A : i32 to index
      %swap3A_103 = arith.index_cast %mul3A_102 : i32 to index
      %swap3A_104 = tpu.vector_load %arg6[%swap3A, %swap3A_103] {strides = array<i32>} : memref<256x128xf32, #tpu.memory_space<vmem>>, vector<1x16xf32>,
      %swap3A_105 = vector.shape_cast %swap3A_104 : vector<1x16xf32> to vector<16xf32>
      %swap3A_106 = vector.shape_cast %broadcast_in_dim3A_68 : vector<16xf32> to vector<1x16xf32>
      tpu.vector_store %arg6[%swap3A, %swap3A_103], %swap3A_106 {strides = array<i32>} : memref<256x128xf32, #tpu.memory_space<vmem>>, vector<1x16xf32>,
    }
    %scan3A_4 = arith.constant 1024 : i32
    %mul3A = arith.constant 632 : i32
    %mul3A_5 = arith.muli %arg1, %mul3A : i32
    %multiple_of3A = tpu.assume_multiple %mul3A_5, 8 : i32
    %add3A = arith.constant 0 : i32
    %add3A_6 = arith.addi %multiple_of3A, %add3A : i32
    "tpu.region"() ({
      %run_scoped3A_67 = tpu.sem_alloc : memref<!tpu.dma_semaphore, #tpu.memory_space<semaphore_mem>>
      %dma_start3A_68 = arith.constant 0 : i32
      %dma_start3A_69 = arith.constant 0 : i32
      %dma_start3A_70 = tpu.memref_slice %arg6[%dma_start3A_68, %dma_start3A_69] : memref<256x128xf32, #tpu.memory_space<vmem>> -> memref<128x128xf32, #tpu.memory_space<vmem>>
      %dma_start3A_71 = arith.constant 0 : i32
      %dma_start3A_72 = tpu.memref_slice %arg5[%add3A_6, %dma_start3A_71] : memref<10112x128xf32, #tpu.memory_space<vmem_shared>> -> memref<128x128xf32, #tpu.memory_space<vmem_shared>>
      %dma_start3A_73 = arith.constant 0 : i32
      %dma_start3A_74 = tpu.memref_slice %arg5[%add3A_6, %dma_start3A_73] : memref<10112x128xf32, #tpu.memory_space<vmem_shared>> -> memref<128x128xf32, #tpu.memory_space<vmem_shared>>
      %dma_start3A_75 = arith.constant 0 : i32
      %dma_start3A_76 = arith.constant 0 : i32
      %dma_start3A_77 = tpu.memref_slice %arg6[%dma_start3A_75, %dma_start3A_76] : memref<256x128xf32, #tpu.memory_space<vmem>> -> memref<128x128xf32, #tpu.memory_space<vmem>>
      tpu.enqueue_dma source(%dma_start3A_77 : memref<128x128xf32, #tpu.memory_space<vmem>>) target(%dma_start3A_74 : memref<128x128xf32, #tpu.memory_space<vmem_shared>>) target_semaphore(%run_scoped3A_67 : memref<!tpu.dma_semaphore, #tpu.memory_space<semaphore_mem>>)
      %dma_wait3A_78 = arith.constant 0 : i32
      %dma_wait3A_79 = arith.constant 0 : i32
      %dma_wait3A_80 = tpu.memref_slice %arg6[%dma_wait3A_78, %dma_wait3A_79] : memref<256x128xf32, #tpu.memory_space<vmem>> -> memref<128x128xf32, #tpu.memory_space<vmem>>
      %dma_wait3A_81 = arith.constant 0 : i32
      %dma_wait3A_82 = tpu.memref_slice %arg5[%add3A_6, %dma_wait3A_81] : memref<10112x128xf32, #tpu.memory_space<vmem_shared>> -> memref<128x128xf32, #tpu.memory_space<vmem_shared>>
      %dma_wait3A_83 = arith.constant 0 : i32
      %dma_wait3A_84 = tpu.memref_slice %arg5[%add3A_6, %dma_wait3A_83] : memref<10112x128xf32, #tpu.memory_space<vmem_shared>> -> memref<128x128xf32, #tpu.memory_space<vmem_shared>>
      %dma_wait3A_85 = arith.constant 0 : i32
      %dma_wait3A_86 = arith.constant 0 : i32
      %dma_wait3A_87 = tpu.memref_slice %arg6[%dma_wait3A_85, %dma_wait3A_86] : memref<256x128xf32, #tpu.memory_space<vmem>> -> memref<128x128xf32, #tpu.memory_space<vmem>>
      tpu.wait_dma2 semaphore(%run_scoped3A_67 : memref<!tpu.dma_semaphore, #tpu.memory_space<semaphore_mem>>) src(%dma_wait3A_87 : memref<128x128xf32, #tpu.memory_space<vmem>>) dst(%dma_wait3A_84 : memref<128x128xf32, #tpu.memory_space<vmem_shared>>)
      tpu.yield
    }) : () -> ()
    %add3A_7 = arith.constant 128 : i32
    %add3A_8 = arith.addi %multiple_of3A, %add3A_7 : i32
    "tpu.region"() ({
      %run_scoped3A_67 = tpu.sem_alloc : memref<!tpu.dma_semaphore, #tpu.memory_space<semaphore_mem>>
      %dma_start3A_68 = arith.constant 0 : i32
      %dma_start3A_69 = arith.constant 0 : i32
      %dma_start3A_70 = tpu.memref_slice %arg6[%dma_start3A_68, %dma_start3A_69] : memref<256x128xf32, #tpu.memory_space<vmem>> -> memref<128x128xf32, #tpu.memory_space<vmem>>
      %dma_start3A_71 = arith.constant 0 : i32
      %dma_start3A_72 = tpu.memref_slice %arg5[%add3A_8, %dma_start3A_71] : memref<10112x128xf32, #tpu.memory_space<vmem_shared>> -> memref<128x128xf32, #tpu.memory_space<vmem_shared>>
      %dma_start3A_73 = arith.constant 0 : i32
      %dma_start3A_74 = tpu.memref_slice %arg5[%add3A_8, %dma_start3A_73] : memref<10112x128xf32, #tpu.memory_space<vmem_shared>> -> memref<128x128xf32, #tpu.memory_space<vmem_shared>>
      %dma_start3A_75 = arith.constant 0 : i32
      %dma_start3A_76 = arith.constant 0 : i32
      %dma_start3A_77 = tpu.memref_slice %arg6[%dma_start3A_75, %dma_start3A_76] : memref<256x128xf32, #tpu.memory_space<vmem>> -> memref<128x128xf32, #tpu.memory_space<vmem>>
      tpu.enqueue_dma source(%dma_start3A_77 : memref<128x128xf32, #tpu.memory_space<vmem>>) target(%dma_start3A_74 : memref<128x128xf32, #tpu.memory_space<vmem_shared>>) target_semaphore(%run_scoped3A_67 : memref<!tpu.dma_semaphore, #tpu.memory_space<semaphore_mem>>)
      %dma_wait3A_78 = arith.constant 0 : i32
      %dma_wait3A_79 = arith.constant 0 : i32
      %dma_wait3A_80 = tpu.memref_slice %arg6[%dma_wait3A_78, %dma_wait3A_79] : memref<256x128xf32, #tpu.memory_space<vmem>> -> memref<128x128xf32, #tpu.memory_space<vmem>>
      %dma_wait3A_81 = arith.constant 0 : i32
      %dma_wait3A_82 = tpu.memref_slice %arg5[%add3A_8, %dma_wait3A_81] : memref<10112x128xf32, #tpu.memory_space<vmem_shared>> -> memref<128x128xf32, #tpu.memory_space<vmem_shared>>
      %dma_wait3A_83 = arith.constant 0 : i32
      %dma_wait3A_84 = tpu.memref_slice %arg5[%add3A_8, %dma_wait3A_83] : memref<10112x128xf32, #tpu.memory_space<vmem_shared>> -> memref<128x128xf32, #tpu.memory_space<vmem_shared>>
      %dma_wait3A_85 = arith.constant 0 : i32
      %dma_wait3A_86 = arith.constant 0 : i32
      %dma_wait3A_87 = tpu.memref_slice %arg6[%dma_wait3A_85, %dma_wait3A_86] : memref<256x128xf32, #tpu.memory_space<vmem>> -> memref<128x128xf32, #tpu.memory_space<vmem>>
      tpu.wait_dma2 semaphore(%run_scoped3A_67 : memref<!tpu.dma_semaphore, #tpu.memory_space<semaphore_mem>>) src(%dma_wait3A_87 : memref<128x128xf32, #tpu.memory_space<vmem>>) dst(%dma_wait3A_84 : memref<128x128xf32, #tpu.memory_space<vmem_shared>>)
      tpu.yield
    }) : () -> ()
    %add3A_9 = arith.constant 256 : i32
    %add3A_10 = arith.addi %multiple_of3A, %add3A_9 : i32
    "tpu.region"() ({
      %run_scoped3A_67 = tpu.sem_alloc : memref<!tpu.dma_semaphore, #tpu.memory_space<semaphore_mem>>
      %dma_start3A_68 = arith.constant 0 : i32
      %dma_start3A_69 = arith.constant 0 : i32
      %dma_start3A_70 = tpu.memref_slice %arg6[%dma_start3A_68, %dma_start3A_69] : memref<256x128xf32, #tpu.memory_space<vmem>> -> memref<128x128xf32, #tpu.memory_space<vmem>>
      %dma_start3A_71 = arith.constant 0 : i32
      %dma_start3A_72 = tpu.memref_slice %arg5[%add3A_10, %dma_start3A_71] : memref<10112x128xf32, #tpu.memory_space<vmem_shared>> -> memref<128x128xf32, #tpu.memory_space<vmem_shared>>
      %dma_start3A_73 = arith.constant 0 : i32
      %dma_start3A_74 = tpu.memref_slice %arg5[%add3A_10, %dma_start3A_73] : memref<10112x128xf32, #tpu.memory_space<vmem_shared>> -> memref<128x128xf32, #tpu.memory_space<vmem_shared>>
      %dma_start3A_75 = arith.constant 0 : i32
      %dma_start3A_76 = arith.constant 0 : i32
      %dma_start3A_77 = tpu.memref_slice %arg6[%dma_start3A_75, %dma_start3A_76] : memref<256x128xf32, #tpu.memory_space<vmem>> -> memref<128x128xf32, #tpu.memory_space<vmem>>
      tpu.enqueue_dma source(%dma_start3A_77 : memref<128x128xf32, #tpu.memory_space<vmem>>) target(%dma_start3A_74 : memref<128x128xf32, #tpu.memory_space<vmem_shared>>) target_semaphore(%run_scoped3A_67 : memref<!tpu.dma_semaphore, #tpu.memory_space<semaphore_mem>>)
      %dma_wait3A_78 = arith.constant 0 : i32
      %dma_wait3A_79 = arith.constant 0 : i32
      %dma_wait3A_80 = tpu.memref_slice %arg6[%dma_wait3A_78, %dma_wait3A_79] : memref<256x128xf32, #tpu.memory_space<vmem>> -> memref<128x128xf32, #tpu.memory_space<vmem>>
      %dma_wait3A_81 = arith.constant 0 : i32
      %dma_wait3A_82 = tpu.memref_slice %arg5[%add3A_10, %dma_wait3A_81] : memref<10112x128xf32, #tpu.memory_space<vmem_shared>> -> memref<128x128xf32, #tpu.memory_space<vmem_shared>>
      %dma_wait3A_83 = arith.constant 0 : i32
      %dma_wait3A_84 = tpu.memref_slice %arg5[%add3A_10, %dma_wait3A_83] : memref<10112x128xf32, #tpu.memory_space<vmem_shared>> -> memref<128x128xf32, #tpu.memory_space<vmem_shared>>
      %dma_wait3A_85 = arith.constant 0 : i32
      %dma_wait3A_86 = arith.constant 0 : i32
      %dma_wait3A_87 = tpu.memref_slice %arg6[%dma_wait3A_85, %dma_wait3A_86] : memref<256x128xf32, #tpu.memory_space<vmem>> -> memref<128x128xf32, #tpu.memory_space<vmem>>
      tpu.wait_dma2 semaphore(%run_scoped3A_67 : memref<!tpu.dma_semaphore, #tpu.memory_space<semaphore_mem>>) src(%dma_wait3A_87 : memref<128x128xf32, #tpu.memory_space<vmem>>) dst(%dma_wait3A_84 : memref<128x128xf32, #tpu.memory_space<vmem_shared>>)
      tpu.yield
    }) : () -> ()
    %add3A_11 = arith.constant 384 : i32
    %add3A_12 = arith.addi %multiple_of3A, %add3A_11 : i32
    "tpu.region"() ({
      %run_scoped3A_67 = tpu.sem_alloc : memref<!tpu.dma_semaphore, #tpu.memory_space<semaphore_mem>>
      %dma_start3A_68 = arith.constant 0 : i32
      %dma_start3A_69 = arith.constant 0 : i32
      %dma_start3A_70 = tpu.memref_slice %arg6[%dma_start3A_68, %dma_start3A_69] : memref<256x128xf32, #tpu.memory_space<vmem>> -> memref<128x128xf32, #tpu.memory_space<vmem>>
      %dma_start3A_71 = arith.constant 0 : i32
      %dma_start3A_72 = tpu.memref_slice %arg5[%add3A_12, %dma_start3A_71] : memref<10112x128xf32, #tpu.memory_space<vmem_shared>> -> memref<128x128xf32, #tpu.memory_space<vmem_shared>>
      %dma_start3A_73 = arith.constant 0 : i32
      %dma_start3A_74 = tpu.memref_slice %arg5[%add3A_12, %dma_start3A_73] : memref<10112x128xf32, #tpu.memory_space<vmem_shared>> -> memref<128x128xf32, #tpu.memory_space<vmem_shared>>
      %dma_start3A_75 = arith.constant 0 : i32
      %dma_start3A_76 = arith.constant 0 : i32
      %dma_start3A_77 = tpu.memref_slice %arg6[%dma_start3A_75, %dma_start3A_76] : memref<256x128xf32, #tpu.memory_space<vmem>> -> memref<128x128xf32, #tpu.memory_space<vmem>>
      tpu.enqueue_dma source(%dma_start3A_77 : memref<128x128xf32, #tpu.memory_space<vmem>>) target(%dma_start3A_74 : memref<128x128xf32, #tpu.memory_space<vmem_shared>>) target_semaphore(%run_scoped3A_67 : memref<!tpu.dma_semaphore, #tpu.memory_space<semaphore_mem>>)
      %dma_wait3A_78 = arith.constant 0 : i32
      %dma_wait3A_79 = arith.constant 0 : i32
      %dma_wait3A_80 = tpu.memref_slice %arg6[%dma_wait3A_78, %dma_wait3A_79] : memref<256x128xf32, #tpu.memory_space<vmem>> -> memref<128x128xf32, #tpu.memory_space<vmem>>
      %dma_wait3A_81 = arith.constant 0 : i32
      %dma_wait3A_82 = tpu.memref_slice %arg5[%add3A_12, %dma_wait3A_81] : memref<10112x128xf32, #tpu.memory_space<vmem_shared>> -> memref<128x128xf32, #tpu.memory_space<vmem_shared>>
      %dma_wait3A_83 = arith.constant 0 : i32
      %dma_wait3A_84 = tpu.memref_slice %arg5[%add3A_12, %dma_wait3A_83] : memref<10112x128xf32, #tpu.memory_space<vmem_shared>> -> memref<128x128xf32, #tpu.memory_space<vmem_shared>>
      %dma_wait3A_85 = arith.constant 0 : i32
      %dma_wait3A_86 = arith.constant 0 : i32
      %dma_wait3A_87 = tpu.memref_slice %arg6[%dma_wait3A_85, %dma_wait3A_86] : memref<256x128xf32, #tpu.memory_space<vmem>> -> memref<128x128xf32, #tpu.memory_space<vmem>>
      tpu.wait_dma2 semaphore(%run_scoped3A_67 : memref<!tpu.dma_semaphore, #tpu.memory_space<semaphore_mem>>) src(%dma_wait3A_87 : memref<128x128xf32, #tpu.memory_space<vmem>>) dst(%dma_wait3A_84 : memref<128x128xf32, #tpu.memory_space<vmem_shared>>)
      tpu.yield
    }) : () -> ()
    %add3A_13 = arith.constant 512 : i32
    %add3A_14 = arith.addi %multiple_of3A, %add3A_13 : i32
    "tpu.region"() ({
      %run_scoped3A_67 = tpu.sem_alloc : memref<!tpu.dma_semaphore, #tpu.memory_space<semaphore_mem>>
      %dma_start3A_68 = arith.constant 0 : i32
      %dma_start3A_69 = arith.constant 0 : i32
      %dma_start3A_70 = tpu.memref_slice %arg6[%dma_start3A_68, %dma_start3A_69] : memref<256x128xf32, #tpu.memory_space<vmem>> -> memref<120x128xf32, #tpu.memory_space<vmem>>
      %dma_start3A_71 = arith.constant 0 : i32
      %dma_start3A_72 = tpu.memref_slice %arg5[%add3A_14, %dma_start3A_71] : memref<10112x128xf32, #tpu.memory_space<vmem_shared>> -> memref<120x128xf32, #tpu.memory_space<vmem_shared>>
      %dma_start3A_73 = arith.constant 0 : i32
      %dma_start3A_74 = tpu.memref_slice %arg5[%add3A_14, %dma_start3A_73] : memref<10112x128xf32, #tpu.memory_space<vmem_shared>> -> memref<120x128xf32, #tpu.memory_space<vmem_shared>>
      %dma_start3A_75 = arith.constant 0 : i32
      %dma_start3A_76 = arith.constant 0 : i32
      %dma_start3A_77 = tpu.memref_slice %arg6[%dma_start3A_75, %dma_start3A_76] : memref<256x128xf32, #tpu.memory_space<vmem>> -> memref<120x128xf32, #tpu.memory_space<vmem>>
      tpu.enqueue_dma source(%dma_start3A_77 : memref<120x128xf32, #tpu.memory_space<vmem>>) target(%dma_start3A_74 : memref<120x128xf32, #tpu.memory_space<vmem_shared>>) target_semaphore(%run_scoped3A_67 : memref<!tpu.dma_semaphore, #tpu.memory_space<semaphore_mem>>)
      %dma_wait3A_78 = arith.constant 0 : i32
      %dma_wait3A_79 = arith.constant 0 : i32
      %dma_wait3A_80 = tpu.memref_slice %arg6[%dma_wait3A_78, %dma_wait3A_79] : memref<256x128xf32, #tpu.memory_space<vmem>> -> memref<120x128xf32, #tpu.memory_space<vmem>>
      %dma_wait3A_81 = arith.constant 0 : i32
      %dma_wait3A_82 = tpu.memref_slice %arg5[%add3A_14, %dma_wait3A_81] : memref<10112x128xf32, #tpu.memory_space<vmem_shared>> -> memref<120x128xf32, #tpu.memory_space<vmem_shared>>
      %dma_wait3A_83 = arith.constant 0 : i32
      %dma_wait3A_84 = tpu.memref_slice %arg5[%add3A_14, %dma_wait3A_83] : memref<10112x128xf32, #tpu.memory_space<vmem_shared>> -> memref<120x128xf32, #tpu.memory_space<vmem_shared>>
      %dma_wait3A_85 = arith.constant 0 : i32
      %dma_wait3A_86 = arith.constant 0 : i32
      %dma_wait3A_87 = tpu.memref_slice %arg6[%dma_wait3A_85, %dma_wait3A_86] : memref<256x128xf32, #tpu.memory_space<vmem>> -> memref<120x128xf32, #tpu.memory_space<vmem>>
      tpu.wait_dma2 semaphore(%run_scoped3A_67 : memref<!tpu.dma_semaphore, #tpu.memory_space<semaphore_mem>>) src(%dma_wait3A_87 : memref<120x128xf32, #tpu.memory_space<vmem>>) dst(%dma_wait3A_84 : memref<120x128xf32, #tpu.memory_space<vmem_shared>>)
      tpu.yield
    }) : () -> ()
    %barrier3A = arith.constant 0 : index
    tpu.barrier barrier_id(%barrier3A)
    %mul3A_15 = arith.constant 20 : i32
    %mul3A_16 = arith.muli %arg1, %mul3A_15 : i32
    %add3A_17 = arith.constant 0 : i32
    %add3A_18 = arith.addi %mul3A_16, %add3A_17 : i32
    %mul3A_19 = arith.constant 2 : i32
    %mul3A_20 = arith.muli %add3A_18, %mul3A_19 : i32
    %mul3A_21 = arith.constant 8 : i32
    %mul3A_22 = arith.muli %mul3A_20, %mul3A_21 : i32
    %multiple_of3A_23 = tpu.assume_multiple %mul3A_22, 8 : i32
    %run_scoped3A = arith.constant 0 : i32
    "tpu.region"() ({
      %run_scoped3A_67 = tpu.sem_alloc : memref<!tpu.dma_semaphore, #tpu.memory_space<semaphore_mem>>
      %dma_start3A_68 = arith.constant 0 : i32
      %dma_start3A_69 = arith.constant 0 : i32
      %dma_start3A_70 = tpu.memref_slice %arg7[%run_scoped3A, %dma_start3A_68, %dma_start3A_69] : memref<3x16x128xi32, #tpu.memory_space<vmem>> -> memref<1x16x128xi32, #tpu.memory_space<vmem>>
      %dma_start3A_71 = tpu.memref_squeeze %dma_start3A_70 : memref<1x16x128xi32, #tpu.memory_space<vmem>> -> memref<16x128xi32, #tpu.memory_space<vmem>>
      %dma_start3A_72 = arith.constant 0 : i32
      %dma_start3A_73 = tpu.memref_slice %arg3[%arg0, %multiple_of3A_23, %dma_start3A_72] : memref<2x5120x128xi32, #tpu.memory_space<hbm>> -> memref<1x16x128xi32, #tpu.memory_space<hbm>>
      %dma_start3A_74 = tpu.memref_squeeze %dma_start3A_73 : memref<1x16x128xi32, #tpu.memory_space<hbm>> -> memref<16x128xi32, #tpu.memory_space<hbm>>
      %dma_start3A_75 = arith.constant 0 : i32
      %dma_start3A_76 = arith.constant 0 : i32
      %dma_start3A_77 = tpu.memref_slice %arg7[%run_scoped3A, %dma_start3A_75, %dma_start3A_76] : memref<3x16x128xi32, #tpu.memory_space<vmem>> -> memref<1x16x128xi32, #tpu.memory_space<vmem>>
      %dma_start3A_78 = tpu.memref_squeeze %dma_start3A_77 : memref<1x16x128xi32, #tpu.memory_space<vmem>> -> memref<16x128xi32, #tpu.memory_space<vmem>>
      %dma_start3A_79 = arith.constant 0 : i32
      %dma_start3A_80 = tpu.memref_slice %arg3[%arg0, %multiple_of3A_23, %dma_start3A_79] : memref<2x5120x128xi32, #tpu.memory_space<hbm>> -> memref<1x16x128xi32, #tpu.memory_space<hbm>>
      %dma_start3A_81 = tpu.memref_squeeze %dma_start3A_80 : memref<1x16x128xi32, #tpu.memory_space<hbm>> -> memref<16x128xi32, #tpu.memory_space<hbm>>
      tpu.enqueue_dma source(%dma_start3A_81 : memref<16x128xi32, #tpu.memory_space<hbm>>) target(%dma_start3A_78 : memref<16x128xi32, #tpu.memory_space<vmem>>) target_semaphore(%run_scoped3A_67 : memref<!tpu.dma_semaphore, #tpu.memory_space<semaphore_mem>>)
      %dma_wait3A_82 = arith.constant 0 : i32
      %dma_wait3A_83 = arith.constant 0 : i32
      %dma_wait3A_84 = tpu.memref_slice %arg7[%run_scoped3A, %dma_wait3A_82, %dma_wait3A_83] : memref<3x16x128xi32, #tpu.memory_space<vmem>> -> memref<1x16x128xi32, #tpu.memory_space<vmem>>
      %dma_wait3A_85 = tpu.memref_squeeze %dma_wait3A_84 : memref<1x16x128xi32, #tpu.memory_space<vmem>> -> memref<16x128xi32, #tpu.memory_space<vmem>>
      %dma_wait3A_86 = arith.constant 0 : i32
      %dma_wait3A_87 = tpu.memref_slice %arg3[%arg0, %multiple_of3A_23, %dma_wait3A_86] : memref<2x5120x128xi32, #tpu.memory_space<hbm>> -> memref<1x16x128xi32, #tpu.memory_space<hbm>>
      %dma_wait3A_88 = tpu.memref_squeeze %dma_wait3A_87 : memref<1x16x128xi32, #tpu.memory_space<hbm>> -> memref<16x128xi32, #tpu.memory_space<hbm>>
      %dma_wait3A_89 = arith.constant 0 : i32
      %dma_wait3A_90 = arith.constant 0 : i32
      %dma_wait3A_91 = tpu.memref_slice %arg7[%run_scoped3A, %dma_wait3A_89, %dma_wait3A_90] : memref<3x16x128xi32, #tpu.memory_space<vmem>> -> memref<1x16x128xi32, #tpu.memory_space<vmem>>
      %dma_wait3A_92 = tpu.memref_squeeze %dma_wait3A_91 : memref<1x16x128xi32, #tpu.memory_space<vmem>> -> memref<16x128xi32, #tpu.memory_space<vmem>>
      %dma_wait3A_93 = arith.constant 0 : i32
      %dma_wait3A_94 = tpu.memref_slice %arg3[%arg0, %multiple_of3A_23, %dma_wait3A_93] : memref<2x5120x128xi32, #tpu.memory_space<hbm>> -> memref<1x16x128xi32, #tpu.memory_space<hbm>>
      %dma_wait3A_95 = tpu.memref_squeeze %dma_wait3A_94 : memref<1x16x128xi32, #tpu.memory_space<hbm>> -> memref<16x128xi32, #tpu.memory_space<hbm>>
      tpu.wait_dma2 semaphore(%run_scoped3A_67 : memref<!tpu.dma_semaphore, #tpu.memory_space<semaphore_mem>>) src(%dma_wait3A_95 : memref<16x128xi32, #tpu.memory_space<hbm>>) dst(%dma_wait3A_92 : memref<16x128xi32, #tpu.memory_space<vmem>>)
      tpu.yield
    }) : () -> ()
    %dma_start3A = arith.constant 0 : i32
    %dma_start3A_24 = arith.constant 0 : i32
    %dma_start3A_25 = arith.constant 0 : i32
    %dma_start3A_26 = arith.constant 0 : i32
    %dma_start3A_27 = tpu.memref_slice %arg6[%dma_start3A_25, %dma_start3A_26] : memref<256x128xf32, #tpu.memory_space<vmem>> -> memref<128x128xf32, #tpu.memory_space<vmem>>
    %dma_start3A_28 = arith.constant 0 : i32
    %dma_start3A_29 = tpu.memref_slice %arg7[%dma_start3A, %dma_start3A_24, %dma_start3A_28] : memref<3x16x128xi32, #tpu.memory_space<vmem>> -> memref<1x1x128xi32, #tpu.memory_space<vmem>>
    %dma_start3A_30 = tpu.memref_squeeze %dma_start3A_29 : memref<1x1x128xi32, #tpu.memory_space<vmem>> -> memref<128xi32, #tpu.memory_space<vmem>>
    %dma_start3A_31 = arith.constant 0 : i32
    %dma_start3A_32 = arith.constant 0 : i32
    %dma_start3A_33 = tpu.memref_slice %arg2[%dma_start3A_31, %dma_start3A_32] : memref<20000x128xf32, #tpu.memory_space<hbm>> -> memref<20000x128xf32, #tpu.memory_space<hbm>>
    tpu.enqueue_indirect_dma source(%dma_start3A_33 : memref<20000x128xf32, #tpu.memory_space<hbm>>) target(%dma_start3A_27 : memref<128x128xf32, #tpu.memory_space<vmem>>) offsets(%dma_start3A_30 : memref<128xi32, #tpu.memory_space<vmem>>) semaphore(%arg8 : memref<!tpu.dma_semaphore, #tpu.memory_space<semaphore_mem>>)
    %scan3A_34 = arith.constant 0 : i32
    %scan3A_35 = arith.constant 0 : i32
    %scan3A_36 = arith.constant 20 : i32
    %scan3A_37 = arith.addi %scan3A_35, %scan3A_36 : i32
    %scan3A_38 = arith.constant 1 : i32
    scf.for %scan3A_67 = %scan3A_35 to %scan3A_37 step %scan3A_38  : i32 {
      %jit3A = arith.constant 3 : i32
      %eq3A_68 = arith.constant 0 : i32
      %eq3A_69 = arith.cmpi eq, %jit3A, %eq3A_68 : i32
      %jit3A_70 = arith.constant 1 : i32
      %select_n3A = arith.select %eq3A_69, %jit3A_70, %jit3A : i32
      %rem3A = arith.remsi %scan3A_67, %select_n3A : i32
      %ne3A = arith.constant 0 : i32
      %ne3A_71 = arith.cmpi ne, %rem3A, %ne3A : i32
      %lt3A_72 = arith.constant 0 : i32
      %lt3A_73 = arith.cmpi slt, %rem3A, %lt3A_72 : i32
      %lt3A_74 = arith.constant 0 : i32
      %lt3A_75 = arith.cmpi slt, %select_n3A, %lt3A_74 : i32
      %ne3A_76 = arith.xori %lt3A_73, %lt3A_75 : i1
      %and3A = arith.andi %ne3A_76, %ne3A_71 : i1
      %add3A_77 = arith.addi %rem3A, %select_n3A : i32
      %select_n3A_78 = arith.select %and3A, %add3A_77, %rem3A : i32
      %lt3A_79 = arith.constant 19 : i32
      %lt3A_80 = arith.cmpi slt, %scan3A_67, %lt3A_79 : i32
      %convert_element_type3A_81 = arith.extui %lt3A_80 : i1 to i32
      %cond3A_82 = arith.constant 0 : i32
      %cond3A_83 = arith.cmpi ne, %convert_element_type3A_81, %cond3A_82 : i32
      scf.if %cond3A_83 {
        %add3A_375 = arith.constant 1 : i32
        %add3A_376 = arith.addi %scan3A_67, %add3A_375 : i32
        %add3A_377 = arith.constant 1 : i32
        %add3A_378 = arith.addi %scan3A_67, %add3A_377 : i32
        %jit3A_379 = arith.constant 3 : i32
        %eq3A_380 = arith.constant 0 : i32
        %eq3A_381 = arith.cmpi eq, %jit3A_379, %eq3A_380 : i32
        %jit3A_382 = arith.constant 1 : i32
        %select_n3A_383 = arith.select %eq3A_381, %jit3A_382, %jit3A_379 : i32
        %rem3A_384 = arith.remsi %add3A_378, %select_n3A_383 : i32
        %ne3A_385 = arith.constant 0 : i32
        %ne3A_386 = arith.cmpi ne, %rem3A_384, %ne3A_385 : i32
        %lt3A_387 = arith.constant 0 : i32
        %lt3A_388 = arith.cmpi slt, %rem3A_384, %lt3A_387 : i32
        %lt3A_389 = arith.constant 0 : i32
        %lt3A_390 = arith.cmpi slt, %select_n3A_383, %lt3A_389 : i32
        %ne3A_391 = arith.xori %lt3A_388, %lt3A_390 : i1
        %and3A_392 = arith.andi %ne3A_391, %ne3A_386 : i1
        %add3A_393 = arith.addi %rem3A_384, %select_n3A_383 : i32
        %select_n3A_394 = arith.select %and3A_392, %add3A_393, %rem3A_384 : i32
        %mul3A_395 = arith.constant 20 : i32
        %mul3A_396 = arith.muli %arg1, %mul3A_395 : i32
        %add3A_397 = arith.addi %mul3A_396, %add3A_376 : i32
        %mul3A_398 = arith.constant 2 : i32
        %mul3A_399 = arith.muli %add3A_397, %mul3A_398 : i32
        %mul3A_400 = arith.constant 8 : i32
        %mul3A_401 = arith.muli %mul3A_399, %mul3A_400 : i32
        %multiple_of3A_402 = tpu.assume_multiple %mul3A_401, 8 : i32
        "tpu.region"() ({
          %run_scoped3A_403 = tpu.sem_alloc : memref<!tpu.dma_semaphore, #tpu.memory_space<semaphore_mem>>
          %dma_start3A_404 = arith.constant 0 : i32
          %dma_start3A_405 = arith.constant 0 : i32
          %dma_start3A_406 = tpu.memref_slice %arg7[%select_n3A_394, %dma_start3A_404, %dma_start3A_405] : memref<3x16x128xi32, #tpu.memory_space<vmem>> -> memref<1x16x128xi32, #tpu.memory_space<vmem>>
          %dma_start3A_407 = tpu.memref_squeeze %dma_start3A_406 : memref<1x16x128xi32, #tpu.memory_space<vmem>> -> memref<16x128xi32, #tpu.memory_space<vmem>>
          %dma_start3A_408 = arith.constant 0 : i32
          %dma_start3A_409 = tpu.memref_slice %arg3[%arg0, %multiple_of3A_402, %dma_start3A_408] : memref<2x5120x128xi32, #tpu.memory_space<hbm>> -> memref<1x16x128xi32, #tpu.memory_space<hbm>>
          %dma_start3A_410 = tpu.memref_squeeze %dma_start3A_409 : memref<1x16x128xi32, #tpu.memory_space<hbm>> -> memref<16x128xi32, #tpu.memory_space<hbm>>
          %dma_start3A_411 = arith.constant 0 : i32
          %dma_start3A_412 = arith.constant 0 : i32
          %dma_start3A_413 = tpu.memref_slice %arg7[%select_n3A_394, %dma_start3A_411, %dma_start3A_412] : memref<3x16x128xi32, #tpu.memory_space<vmem>> -> memref<1x16x128xi32, #tpu.memory_space<vmem>>
          %dma_start3A_414 = tpu.memref_squeeze %dma_start3A_413 : memref<1x16x128xi32, #tpu.memory_space<vmem>> -> memref<16x128xi32, #tpu.memory_space<vmem>>
          %dma_start3A_415 = arith.constant 0 : i32
          %dma_start3A_416 = tpu.memref_slice %arg3[%arg0, %multiple_of3A_402, %dma_start3A_415] : memref<2x5120x128xi32, #tpu.memory_space<hbm>> -> memref<1x16x128xi32, #tpu.memory_space<hbm>>
          %dma_start3A_417 = tpu.memref_squeeze %dma_start3A_416 : memref<1x16x128xi32, #tpu.memory_space<hbm>> -> memref<16x128xi32, #tpu.memory_space<hbm>>
          tpu.enqueue_dma source(%dma_start3A_417 : memref<16x128xi32, #tpu.memory_space<hbm>>) target(%dma_start3A_414 : memref<16x128xi32, #tpu.memory_space<vmem>>) target_semaphore(%run_scoped3A_403 : memref<!tpu.dma_semaphore, #tpu.memory_space<semaphore_mem>>)
          %dma_wait3A_418 = arith.constant 0 : i32
          %dma_wait3A_419 = arith.constant 0 : i32
          %dma_wait3A_420 = tpu.memref_slice %arg7[%select_n3A_394, %dma_wait3A_418, %dma_wait3A_419] : memref<3x16x128xi32, #tpu.memory_space<vmem>> -> memref<1x16x128xi32, #tpu.memory_space<vmem>>
          %dma_wait3A_421 = tpu.memref_squeeze %dma_wait3A_420 : memref<1x16x128xi32, #tpu.memory_space<vmem>> -> memref<16x128xi32, #tpu.memory_space<vmem>>
          %dma_wait3A_422 = arith.constant 0 : i32
          %dma_wait3A_423 = tpu.memref_slice %arg3[%arg0, %multiple_of3A_402, %dma_wait3A_422] : memref<2x5120x128xi32, #tpu.memory_space<hbm>> -> memref<1x16x128xi32, #tpu.memory_space<hbm>>
          %dma_wait3A_424 = tpu.memref_squeeze %dma_wait3A_423 : memref<1x16x128xi32, #tpu.memory_space<hbm>> -> memref<16x128xi32, #tpu.memory_space<hbm>>
          %dma_wait3A_425 = arith.constant 0 : i32
          %dma_wait3A_426 = arith.constant 0 : i32
          %dma_wait3A_427 = tpu.memref_slice %arg7[%select_n3A_394, %dma_wait3A_425, %dma_wait3A_426] : memref<3x16x128xi32, #tpu.memory_space<vmem>> -> memref<1x16x128xi32, #tpu.memory_space<vmem>>
          %dma_wait3A_428 = tpu.memref_squeeze %dma_wait3A_427 : memref<1x16x128xi32, #tpu.memory_space<vmem>> -> memref<16x128xi32, #tpu.memory_space<vmem>>
          %dma_wait3A_429 = arith.constant 0 : i32
          %dma_wait3A_430 = tpu.memref_slice %arg3[%arg0, %multiple_of3A_402, %dma_wait3A_429] : memref<2x5120x128xi32, #tpu.memory_space<hbm>> -> memref<1x16x128xi32, #tpu.memory_space<hbm>>
          %dma_wait3A_431 = tpu.memref_squeeze %dma_wait3A_430 : memref<1x16x128xi32, #tpu.memory_space<hbm>> -> memref<16x128xi32, #tpu.memory_space<hbm>>
          tpu.wait_dma2 semaphore(%run_scoped3A_403 : memref<!tpu.dma_semaphore, #tpu.memory_space<semaphore_mem>>) src(%dma_wait3A_431 : memref<16x128xi32, #tpu.memory_space<hbm>>) dst(%dma_wait3A_428 : memref<16x128xi32, #tpu.memory_space<vmem>>)
          tpu.yield
        }) : () -> ()
      } else {
      }
      %dma_wait3A_84 = arith.constant 0 : i32
      %dma_wait3A_85 = arith.constant 0 : i32
      %dma_wait3A_86 = tpu.memref_slice %arg6[%dma_wait3A_84, %dma_wait3A_85] : memref<256x128xf32, #tpu.memory_space<vmem>> -> memref<128x128xf32, #tpu.memory_space<vmem>>
      %dma_wait3A_87 = arith.constant 0 : i32
      %dma_wait3A_88 = arith.constant 0 : i32
      %dma_wait3A_89 = tpu.memref_slice %arg2[%dma_wait3A_87, %dma_wait3A_88] : memref<20000x128xf32, #tpu.memory_space<hbm>> -> memref<128x128xf32, #tpu.memory_space<hbm>>
      %dma_wait3A_90 = arith.constant 0 : i32
      %dma_wait3A_91 = arith.constant 0 : i32
      %dma_wait3A_92 = tpu.memref_slice %arg6[%dma_wait3A_90, %dma_wait3A_91] : memref<256x128xf32, #tpu.memory_space<vmem>> -> memref<128x128xf32, #tpu.memory_space<vmem>>
      %dma_wait3A_93 = arith.constant 0 : i32
      %dma_wait3A_94 = arith.constant 0 : i32
      %dma_wait3A_95 = tpu.memref_slice %arg2[%dma_wait3A_93, %dma_wait3A_94] : memref<20000x128xf32, #tpu.memory_space<hbm>> -> memref<128x128xf32, #tpu.memory_space<hbm>>
      tpu.wait_dma2 semaphore(%arg8 : memref<!tpu.dma_semaphore, #tpu.memory_space<semaphore_mem>>) src(%dma_wait3A_95 : memref<128x128xf32, #tpu.memory_space<hbm>>) dst(%dma_wait3A_92 : memref<128x128xf32, #tpu.memory_space<vmem>>)
      %dma_start3A_96 = arith.constant 1 : i32
      %dma_start3A_97 = arith.constant 0 : i32
      %dma_start3A_98 = arith.constant 0 : i32
      %dma_start3A_99 = tpu.memref_slice %arg6[%dma_start3A_97, %dma_start3A_98] : memref<256x128xf32, #tpu.memory_space<vmem>> -> memref<128x128xf32, #tpu.memory_space<vmem>>
      %dma_start3A_100 = arith.constant 0 : i32
      %dma_start3A_101 = tpu.memref_slice %arg7[%select_n3A_78, %dma_start3A_96, %dma_start3A_100] : memref<3x16x128xi32, #tpu.memory_space<vmem>> -> memref<1x1x128xi32, #tpu.memory_space<vmem>>
      %dma_start3A_102 = tpu.memref_squeeze %dma_start3A_101 : memref<1x1x128xi32, #tpu.memory_space<vmem>> -> memref<128xi32, #tpu.memory_space<vmem>>
      %dma_start3A_103 = arith.constant 0 : i32
      %dma_start3A_104 = arith.constant 0 : i32
      %dma_start3A_105 = tpu.memref_slice %arg5[%dma_start3A_103, %dma_start3A_104] : memref<10112x128xf32, #tpu.memory_space<vmem_shared>> -> memref<10112x128xf32, #tpu.memory_space<vmem_shared>>
      tpu.enqueue_indirect_dma source(%dma_start3A_99 : memref<128x128xf32, #tpu.memory_space<vmem>>) target(%dma_start3A_105 : memref<10112x128xf32, #tpu.memory_space<vmem_shared>>) offsets(%dma_start3A_102 : memref<128xi32, #tpu.memory_space<vmem>>) semaphore(%arg10 : memref<!tpu.dma_semaphore, #tpu.memory_space<semaphore_mem>>) {add = true}
      %gt3A = arith.constant 0 : i32
      %gt3A_106 = arith.cmpi sgt, %scan3A_67, %gt3A : i32
      %convert_element_type3A_107 = arith.extui %gt3A_106 : i1 to i32
      %cond3A_108 = arith.constant 0 : i32
      %cond3A_109 = arith.cmpi ne, %convert_element_type3A_107, %cond3A_108 : i32
      scf.if %cond3A_109 {
        %dma_wait3A_375 = arith.constant 0 : i32
        %dma_wait3A_376 = arith.constant 0 : i32
        %dma_wait3A_377 = tpu.memref_slice %arg5[%dma_wait3A_375, %dma_wait3A_376] : memref<10112x128xf32, #tpu.memory_space<vmem_shared>> -> memref<128x128xf32, #tpu.memory_space<vmem_shared>>
        %dma_wait3A_378 = arith.constant 0 : i32
        %dma_wait3A_379 = arith.constant 0 : i32
        %dma_wait3A_380 = tpu.memref_slice %arg2[%dma_wait3A_378, %dma_wait3A_379] : memref<20000x128xf32, #tpu.memory_space<hbm>> -> memref<128x128xf32, #tpu.memory_space<hbm>>
        tpu.wait_dma2 semaphore(%arg11 : memref<!tpu.dma_semaphore, #tpu.memory_space<semaphore_mem>>) src(%dma_wait3A_380 : memref<128x128xf32, #tpu.memory_space<hbm>>) dst(%dma_wait3A_377 : memref<128x128xf32, #tpu.memory_space<vmem_shared>>)
      } else {
      }
      %dma_start3A_110 = arith.constant 2 : i32
      %dma_start3A_111 = arith.constant 128 : i32
      %dma_start3A_112 = arith.constant 0 : i32
      %dma_start3A_113 = tpu.memref_slice %arg6[%dma_start3A_111, %dma_start3A_112] : memref<256x128xf32, #tpu.memory_space<vmem>> -> memref<128x128xf32, #tpu.memory_space<vmem>>
      %dma_start3A_114 = arith.constant 0 : i32
      %dma_start3A_115 = tpu.memref_slice %arg7[%select_n3A_78, %dma_start3A_110, %dma_start3A_114] : memref<3x16x128xi32, #tpu.memory_space<vmem>> -> memref<1x1x128xi32, #tpu.memory_space<vmem>>
      %dma_start3A_116 = tpu.memref_squeeze %dma_start3A_115 : memref<1x1x128xi32, #tpu.memory_space<vmem>> -> memref<128xi32, #tpu.memory_space<vmem>>
      %dma_start3A_117 = arith.constant 0 : i32
      %dma_start3A_118 = arith.constant 0 : i32
      %dma_start3A_119 = tpu.memref_slice %arg2[%dma_start3A_117, %dma_start3A_118] : memref<20000x128xf32, #tpu.memory_space<hbm>> -> memref<20000x128xf32, #tpu.memory_space<hbm>>
      tpu.enqueue_indirect_dma source(%dma_start3A_119 : memref<20000x128xf32, #tpu.memory_space<hbm>>) target(%dma_start3A_113 : memref<128x128xf32, #tpu.memory_space<vmem>>) offsets(%dma_start3A_116 : memref<128xi32, #tpu.memory_space<vmem>>) semaphore(%arg9 : memref<!tpu.dma_semaphore, #tpu.memory_space<semaphore_mem>>)
      %dma_wait3A_120 = arith.constant 128 : i32
      %dma_wait3A_121 = arith.constant 0 : i32
      %dma_wait3A_122 = tpu.memref_slice %arg6[%dma_wait3A_120, %dma_wait3A_121] : memref<256x128xf32, #tpu.memory_space<vmem>> -> memref<128x128xf32, #tpu.memory_space<vmem>>
      %dma_wait3A_123 = arith.constant 0 : i32
      %dma_wait3A_124 = arith.constant 0 : i32
      %dma_wait3A_125 = tpu.memref_slice %arg2[%dma_wait3A_123, %dma_wait3A_124] : memref<20000x128xf32, #tpu.memory_space<hbm>> -> memref<128x128xf32, #tpu.memory_space<hbm>>
      %dma_wait3A_126 = arith.constant 128 : i32
      %dma_wait3A_127 = arith.constant 0 : i32
      %dma_wait3A_128 = tpu.memref_slice %arg6[%dma_wait3A_126, %dma_wait3A_127] : memref<256x128xf32, #tpu.memory_space<vmem>> -> memref<128x128xf32, #tpu.memory_space<vmem>>
      %dma_wait3A_129 = arith.constant 0 : i32
      %dma_wait3A_130 = arith.constant 0 : i32
      %dma_wait3A_131 = tpu.memref_slice %arg2[%dma_wait3A_129, %dma_wait3A_130] : memref<20000x128xf32, #tpu.memory_space<hbm>> -> memref<128x128xf32, #tpu.memory_space<hbm>>
      tpu.wait_dma2 semaphore(%arg9 : memref<!tpu.dma_semaphore, #tpu.memory_space<semaphore_mem>>) src(%dma_wait3A_131 : memref<128x128xf32, #tpu.memory_space<hbm>>) dst(%dma_wait3A_128 : memref<128x128xf32, #tpu.memory_space<vmem>>)
      %dma_start3A_132 = arith.constant 3 : i32
      %dma_start3A_133 = arith.constant 128 : i32
      %dma_start3A_134 = arith.constant 0 : i32
      %dma_start3A_135 = tpu.memref_slice %arg6[%dma_start3A_133, %dma_start3A_134] : memref<256x128xf32, #tpu.memory_space<vmem>> -> memref<128x128xf32, #tpu.memory_space<vmem>>
      %dma_start3A_136 = arith.constant 0 : i32
      %dma_start3A_137 = tpu.memref_slice %arg7[%select_n3A_78, %dma_start3A_132, %dma_start3A_136] : memref<3x16x128xi32, #tpu.memory_space<vmem>> -> memref<1x1x128xi32, #tpu.memory_space<vmem>>
      %dma_start3A_138 = tpu.memref_squeeze %dma_start3A_137 : memref<1x1x128xi32, #tpu.memory_space<vmem>> -> memref<128xi32, #tpu.memory_space<vmem>>
      %dma_start3A_139 = arith.constant 0 : i32
      %dma_start3A_140 = arith.constant 0 : i32
      %dma_start3A_141 = tpu.memref_slice %arg5[%dma_start3A_139, %dma_start3A_140] : memref<10112x128xf32, #tpu.memory_space<vmem_shared>> -> memref<10112x128xf32, #tpu.memory_space<vmem_shared>>
      tpu.enqueue_indirect_dma source(%dma_start3A_135 : memref<128x128xf32, #tpu.memory_space<vmem>>) target(%dma_start3A_141 : memref<10112x128xf32, #tpu.memory_space<vmem_shared>>) offsets(%dma_start3A_138 : memref<128xi32, #tpu.memory_space<vmem>>) semaphore(%arg11 : memref<!tpu.dma_semaphore, #tpu.memory_space<semaphore_mem>>) {add = true}
      %dma_wait3A_142 = arith.constant 0 : i32
      %dma_wait3A_143 = arith.constant 0 : i32
      %dma_wait3A_144 = tpu.memref_slice %arg5[%dma_wait3A_142, %dma_wait3A_143] : memref<10112x128xf32, #tpu.memory_space<vmem_shared>> -> memref<128x128xf32, #tpu.memory_space<vmem_shared>>
      %dma_wait3A_145 = arith.constant 0 : i32
      %dma_wait3A_146 = arith.constant 0 : i32
      %dma_wait3A_147 = tpu.memref_slice %arg2[%dma_wait3A_145, %dma_wait3A_146] : memref<20000x128xf32, #tpu.memory_space<hbm>> -> memref<128x128xf32, #tpu.memory_space<hbm>>
      tpu.wait_dma2 semaphore(%arg10 : memref<!tpu.dma_semaphore, #tpu.memory_space<semaphore_mem>>) src(%dma_wait3A_147 : memref<128x128xf32, #tpu.memory_space<hbm>>) dst(%dma_wait3A_144 : memref<128x128xf32, #tpu.memory_space<vmem_shared>>)
      %dma_start3A_148 = arith.constant 4 : i32
      %dma_start3A_149 = arith.constant 0 : i32
      %dma_start3A_150 = arith.constant 0 : i32
      %dma_start3A_151 = tpu.memref_slice %arg6[%dma_start3A_149, %dma_start3A_150] : memref<256x128xf32, #tpu.memory_space<vmem>> -> memref<128x128xf32, #tpu.memory_space<vmem>>
      %dma_start3A_152 = arith.constant 0 : i32
      %dma_start3A_153 = tpu.memref_slice %arg7[%select_n3A_78, %dma_start3A_148, %dma_start3A_152] : memref<3x16x128xi32, #tpu.memory_space<vmem>> -> memref<1x1x128xi32, #tpu.memory_space<vmem>>
      %dma_start3A_154 = tpu.memref_squeeze %dma_start3A_153 : memref<1x1x128xi32, #tpu.memory_space<vmem>> -> memref<128xi32, #tpu.memory_space<vmem>>
      %dma_start3A_155 = arith.constant 0 : i32
      %dma_start3A_156 = arith.constant 0 : i32
      %dma_start3A_157 = tpu.memref_slice %arg2[%dma_start3A_155, %dma_start3A_156] : memref<20000x128xf32, #tpu.memory_space<hbm>> -> memref<20000x128xf32, #tpu.memory_space<hbm>>
      tpu.enqueue_indirect_dma source(%dma_start3A_157 : memref<20000x128xf32, #tpu.memory_space<hbm>>) target(%dma_start3A_151 : memref<128x128xf32, #tpu.memory_space<vmem>>) offsets(%dma_start3A_154 : memref<128xi32, #tpu.memory_space<vmem>>) semaphore(%arg8 : memref<!tpu.dma_semaphore, #tpu.memory_space<semaphore_mem>>)
      %dma_wait3A_158 = arith.constant 0 : i32
      %dma_wait3A_159 = arith.constant 0 : i32
      %dma_wait3A_160 = tpu.memref_slice %arg6[%dma_wait3A_158, %dma_wait3A_159] : memref<256x128xf32, #tpu.memory_space<vmem>> -> memref<128x128xf32, #tpu.memory_space<vmem>>
      %dma_wait3A_161 = arith.constant 0 : i32
      %dma_wait3A_162 = arith.constant 0 : i32
      %dma_wait3A_163 = tpu.memref_slice %arg2[%dma_wait3A_161, %dma_wait3A_162] : memref<20000x128xf32, #tpu.memory_space<hbm>> -> memref<128x128xf32, #tpu.memory_space<hbm>>
      %dma_wait3A_164 = arith.constant 0 : i32
      %dma_wait3A_165 = arith.constant 0 : i32
      %dma_wait3A_166 = tpu.memref_slice %arg6[%dma_wait3A_164, %dma_wait3A_165] : memref<256x128xf32, #tpu.memory_space<vmem>> -> memref<128x128xf32, #tpu.memory_space<vmem>>
      %dma_wait3A_167 = arith.constant 0 : i32
      %dma_wait3A_168 = arith.constant 0 : i32
      %dma_wait3A_169 = tpu.memref_slice %arg2[%dma_wait3A_167, %dma_wait3A_168] : memref<20000x128xf32, #tpu.memory_space<hbm>> -> memref<128x128xf32, #tpu.memory_space<hbm>>
      tpu.wait_dma2 semaphore(%arg8 : memref<!tpu.dma_semaphore, #tpu.memory_space<semaphore_mem>>) src(%dma_wait3A_169 : memref<128x128xf32, #tpu.memory_space<hbm>>) dst(%dma_wait3A_166 : memref<128x128xf32, #tpu.memory_space<vmem>>)
      %dma_start3A_170 = arith.constant 5 : i32
      %dma_start3A_171 = arith.constant 0 : i32
      %dma_start3A_172 = arith.constant 0 : i32
      %dma_start3A_173 = tpu.memref_slice %arg6[%dma_start3A_171, %dma_start3A_172] : memref<256x128xf32, #tpu.memory_space<vmem>> -> memref<128x128xf32, #tpu.memory_space<vmem>>
      %dma_start3A_174 = arith.constant 0 : i32
      %dma_start3A_175 = tpu.memref_slice %arg7[%select_n3A_78, %dma_start3A_170, %dma_start3A_174] : memref<3x16x128xi32, #tpu.memory_space<vmem>> -> memref<1x1x128xi32, #tpu.memory_space<vmem>>
      %dma_start3A_176 = tpu.memref_squeeze %dma_start3A_175 : memref<1x1x128xi32, #tpu.memory_space<vmem>> -> memref<128xi32, #tpu.memory_space<vmem>>
      %dma_start3A_177 = arith.constant 0 : i32
      %dma_start3A_178 = arith.constant 0 : i32
      %dma_start3A_179 = tpu.memref_slice %arg5[%dma_start3A_177, %dma_start3A_178] : memref<10112x128xf32, #tpu.memory_space<vmem_shared>> -> memref<10112x128xf32, #tpu.memory_space<vmem_shared>>
      tpu.enqueue_indirect_dma source(%dma_start3A_173 : memref<128x128xf32, #tpu.memory_space<vmem>>) target(%dma_start3A_179 : memref<10112x128xf32, #tpu.memory_space<vmem_shared>>) offsets(%dma_start3A_176 : memref<128xi32, #tpu.memory_space<vmem>>) semaphore(%arg10 : memref<!tpu.dma_semaphore, #tpu.memory_space<semaphore_mem>>) {add = true}
      %dma_wait3A_180 = arith.constant 0 : i32
      %dma_wait3A_181 = arith.constant 0 : i32
      %dma_wait3A_182 = tpu.memref_slice %arg5[%dma_wait3A_180, %dma_wait3A_181] : memref<10112x128xf32, #tpu.memory_space<vmem_shared>> -> memref<128x128xf32, #tpu.memory_space<vmem_shared>>
      %dma_wait3A_183 = arith.constant 0 : i32
      %dma_wait3A_184 = arith.constant 0 : i32
      %dma_wait3A_185 = tpu.memref_slice %arg2[%dma_wait3A_183, %dma_wait3A_184] : memref<20000x128xf32, #tpu.memory_space<hbm>> -> memref<128x128xf32, #tpu.memory_space<hbm>>
      tpu.wait_dma2 semaphore(%arg11 : memref<!tpu.dma_semaphore, #tpu.memory_space<semaphore_mem>>) src(%dma_wait3A_185 : memref<128x128xf32, #tpu.memory_space<hbm>>) dst(%dma_wait3A_182 : memref<128x128xf32, #tpu.memory_space<vmem_shared>>)
      %dma_start3A_186 = arith.constant 6 : i32
      %dma_start3A_187 = arith.constant 128 : i32
      %dma_start3A_188 = arith.constant 0 : i32
      %dma_start3A_189 = tpu.memref_slice %arg6[%dma_start3A_187, %dma_start3A_188] : memref<256x128xf32, #tpu.memory_space<vmem>> -> memref<128x128xf32, #tpu.memory_space<vmem>>
      %dma_start3A_190 = arith.constant 0 : i32
      %dma_start3A_191 = tpu.memref_slice %arg7[%select_n3A_78, %dma_start3A_186, %dma_start3A_190] : memref<3x16x128xi32, #tpu.memory_space<vmem>> -> memref<1x1x128xi32, #tpu.memory_space<vmem>>
      %dma_start3A_192 = tpu.memref_squeeze %dma_start3A_191 : memref<1x1x128xi32, #tpu.memory_space<vmem>> -> memref<128xi32, #tpu.memory_space<vmem>>
      %dma_start3A_193 = arith.constant 0 : i32
      %dma_start3A_194 = arith.constant 0 : i32
      %dma_start3A_195 = tpu.memref_slice %arg2[%dma_start3A_193, %dma_start3A_194] : memref<20000x128xf32, #tpu.memory_space<hbm>> -> memref<20000x128xf32, #tpu.memory_space<hbm>>
      tpu.enqueue_indirect_dma source(%dma_start3A_195 : memref<20000x128xf32, #tpu.memory_space<hbm>>) target(%dma_start3A_189 : memref<128x128xf32, #tpu.memory_space<vmem>>) offsets(%dma_start3A_192 : memref<128xi32, #tpu.memory_space<vmem>>) semaphore(%arg9 : memref<!tpu.dma_semaphore, #tpu.memory_space<semaphore_mem>>)
      %dma_wait3A_196 = arith.constant 128 : i32
      %dma_wait3A_197 = arith.constant 0 : i32
      %dma_wait3A_198 = tpu.memref_slice %arg6[%dma_wait3A_196, %dma_wait3A_197] : memref<256x128xf32, #tpu.memory_space<vmem>> -> memref<128x128xf32, #tpu.memory_space<vmem>>
      %dma_wait3A_199 = arith.constant 0 : i32
      %dma_wait3A_200 = arith.constant 0 : i32
      %dma_wait3A_201 = tpu.memref_slice %arg2[%dma_wait3A_199, %dma_wait3A_200] : memref<20000x128xf32, #tpu.memory_space<hbm>> -> memref<128x128xf32, #tpu.memory_space<hbm>>
      %dma_wait3A_202 = arith.constant 128 : i32
      %dma_wait3A_203 = arith.constant 0 : i32
      %dma_wait3A_204 = tpu.memref_slice %arg6[%dma_wait3A_202, %dma_wait3A_203] : memref<256x128xf32, #tpu.memory_space<vmem>> -> memref<128x128xf32, #tpu.memory_space<vmem>>
      %dma_wait3A_205 = arith.constant 0 : i32
      %dma_wait3A_206 = arith.constant 0 : i32
      %dma_wait3A_207 = tpu.memref_slice %arg2[%dma_wait3A_205, %dma_wait3A_206] : memref<20000x128xf32, #tpu.memory_space<hbm>> -> memref<128x128xf32, #tpu.memory_space<hbm>>
      tpu.wait_dma2 semaphore(%arg9 : memref<!tpu.dma_semaphore, #tpu.memory_space<semaphore_mem>>) src(%dma_wait3A_207 : memref<128x128xf32, #tpu.memory_space<hbm>>) dst(%dma_wait3A_204 : memref<128x128xf32, #tpu.memory_space<vmem>>)
      %dma_start3A_208 = arith.constant 7 : i32
      %dma_start3A_209 = arith.constant 128 : i32
      %dma_start3A_210 = arith.constant 0 : i32
      %dma_start3A_211 = tpu.memref_slice %arg6[%dma_start3A_209, %dma_start3A_210] : memref<256x128xf32, #tpu.memory_space<vmem>> -> memref<128x128xf32, #tpu.memory_space<vmem>>
      %dma_start3A_212 = arith.constant 0 : i32
      %dma_start3A_213 = tpu.memref_slice %arg7[%select_n3A_78, %dma_start3A_208, %dma_start3A_212] : memref<3x16x128xi32, #tpu.memory_space<vmem>> -> memref<1x1x128xi32, #tpu.memory_space<vmem>>
      %dma_start3A_214 = tpu.memref_squeeze %dma_start3A_213 : memref<1x1x128xi32, #tpu.memory_space<vmem>> -> memref<128xi32, #tpu.memory_space<vmem>>
      %dma_start3A_215 = arith.constant 0 : i32
      %dma_start3A_216 = arith.constant 0 : i32
      %dma_start3A_217 = tpu.memref_slice %arg5[%dma_start3A_215, %dma_start3A_216] : memref<10112x128xf32, #tpu.memory_space<vmem_shared>> -> memref<10112x128xf32, #tpu.memory_space<vmem_shared>>
      tpu.enqueue_indirect_dma source(%dma_start3A_211 : memref<128x128xf32, #tpu.memory_space<vmem>>) target(%dma_start3A_217 : memref<10112x128xf32, #tpu.memory_space<vmem_shared>>) offsets(%dma_start3A_214 : memref<128xi32, #tpu.memory_space<vmem>>) semaphore(%arg11 : memref<!tpu.dma_semaphore, #tpu.memory_space<semaphore_mem>>) {add = true}
      %dma_wait3A_218 = arith.constant 0 : i32
      %dma_wait3A_219 = arith.constant 0 : i32
      %dma_wait3A_220 = tpu.memref_slice %arg5[%dma_wait3A_218, %dma_wait3A_219] : memref<10112x128xf32, #tpu.memory_space<vmem_shared>> -> memref<128x128xf32, #tpu.memory_space<vmem_shared>>
      %dma_wait3A_221 = arith.constant 0 : i32
      %dma_wait3A_222 = arith.constant 0 : i32
      %dma_wait3A_223 = tpu.memref_slice %arg2[%dma_wait3A_221, %dma_wait3A_222] : memref<20000x128xf32, #tpu.memory_space<hbm>> -> memref<128x128xf32, #tpu.memory_space<hbm>>
      tpu.wait_dma2 semaphore(%arg10 : memref<!tpu.dma_semaphore, #tpu.memory_space<semaphore_mem>>) src(%dma_wait3A_223 : memref<128x128xf32, #tpu.memory_space<hbm>>) dst(%dma_wait3A_220 : memref<128x128xf32, #tpu.memory_space<vmem_shared>>)
      %dma_start3A_224 = arith.constant 8 : i32
      %dma_start3A_225 = arith.constant 0 : i32
      %dma_start3A_226 = arith.constant 0 : i32
      %dma_start3A_227 = tpu.memref_slice %arg6[%dma_start3A_225, %dma_start3A_226] : memref<256x128xf32, #tpu.memory_space<vmem>> -> memref<128x128xf32, #tpu.memory_space<vmem>>
      %dma_start3A_228 = arith.constant 0 : i32
      %dma_start3A_229 = tpu.memref_slice %arg7[%select_n3A_78, %dma_start3A_224, %dma_start3A_228] : memref<3x16x128xi32, #tpu.memory_space<vmem>> -> memref<1x1x128xi32, #tpu.memory_space<vmem>>
      %dma_start3A_230 = tpu.memref_squeeze %dma_start3A_229 : memref<1x1x128xi32, #tpu.memory_space<vmem>> -> memref<128xi32, #tpu.memory_space<vmem>>
      %dma_start3A_231 = arith.constant 0 : i32
      %dma_start3A_232 = arith.constant 0 : i32
      %dma_start3A_233 = tpu.memref_slice %arg2[%dma_start3A_231, %dma_start3A_232] : memref<20000x128xf32, #tpu.memory_space<hbm>> -> memref<20000x128xf32, #tpu.memory_space<hbm>>
      tpu.enqueue_indirect_dma source(%dma_start3A_233 : memref<20000x128xf32, #tpu.memory_space<hbm>>) target(%dma_start3A_227 : memref<128x128xf32, #tpu.memory_space<vmem>>) offsets(%dma_start3A_230 : memref<128xi32, #tpu.memory_space<vmem>>) semaphore(%arg8 : memref<!tpu.dma_semaphore, #tpu.memory_space<semaphore_mem>>)
      %dma_wait3A_234 = arith.constant 0 : i32
      %dma_wait3A_235 = arith.constant 0 : i32
      %dma_wait3A_236 = tpu.memref_slice %arg6[%dma_wait3A_234, %dma_wait3A_235] : memref<256x128xf32, #tpu.memory_space<vmem>> -> memref<128x128xf32, #tpu.memory_space<vmem>>
      %dma_wait3A_237 = arith.constant 0 : i32
      %dma_wait3A_238 = arith.constant 0 : i32
      %dma_wait3A_239 = tpu.memref_slice %arg2[%dma_wait3A_237, %dma_wait3A_238] : memref<20000x128xf32, #tpu.memory_space<hbm>> -> memref<128x128xf32, #tpu.memory_space<hbm>>
      %dma_wait3A_240 = arith.constant 0 : i32
      %dma_wait3A_241 = arith.constant 0 : i32
      %dma_wait3A_242 = tpu.memref_slice %arg6[%dma_wait3A_240, %dma_wait3A_241] : memref<256x128xf32, #tpu.memory_space<vmem>> -> memref<128x128xf32, #tpu.memory_space<vmem>>
      %dma_wait3A_243 = arith.constant 0 : i32
      %dma_wait3A_244 = arith.constant 0 : i32
      %dma_wait3A_245 = tpu.memref_slice %arg2[%dma_wait3A_243, %dma_wait3A_244] : memref<20000x128xf32, #tpu.memory_space<hbm>> -> memref<128x128xf32, #tpu.memory_space<hbm>>
      tpu.wait_dma2 semaphore(%arg8 : memref<!tpu.dma_semaphore, #tpu.memory_space<semaphore_mem>>) src(%dma_wait3A_245 : memref<128x128xf32, #tpu.memory_space<hbm>>) dst(%dma_wait3A_242 : memref<128x128xf32, #tpu.memory_space<vmem>>)
      %dma_start3A_246 = arith.constant 9 : i32
      %dma_start3A_247 = arith.constant 0 : i32
      %dma_start3A_248 = arith.constant 0 : i32
      %dma_start3A_249 = tpu.memref_slice %arg6[%dma_start3A_247, %dma_start3A_248] : memref<256x128xf32, #tpu.memory_space<vmem>> -> memref<128x128xf32, #tpu.memory_space<vmem>>
      %dma_start3A_250 = arith.constant 0 : i32
      %dma_start3A_251 = tpu.memref_slice %arg7[%select_n3A_78, %dma_start3A_246, %dma_start3A_250] : memref<3x16x128xi32, #tpu.memory_space<vmem>> -> memref<1x1x128xi32, #tpu.memory_space<vmem>>
      %dma_start3A_252 = tpu.memref_squeeze %dma_start3A_251 : memref<1x1x128xi32, #tpu.memory_space<vmem>> -> memref<128xi32, #tpu.memory_space<vmem>>
      %dma_start3A_253 = arith.constant 0 : i32
      %dma_start3A_254 = arith.constant 0 : i32
      %dma_start3A_255 = tpu.memref_slice %arg5[%dma_start3A_253, %dma_start3A_254] : memref<10112x128xf32, #tpu.memory_space<vmem_shared>> -> memref<10112x128xf32, #tpu.memory_space<vmem_shared>>
      tpu.enqueue_indirect_dma source(%dma_start3A_249 : memref<128x128xf32, #tpu.memory_space<vmem>>) target(%dma_start3A_255 : memref<10112x128xf32, #tpu.memory_space<vmem_shared>>) offsets(%dma_start3A_252 : memref<128xi32, #tpu.memory_space<vmem>>) semaphore(%arg10 : memref<!tpu.dma_semaphore, #tpu.memory_space<semaphore_mem>>) {add = true}
      %dma_wait3A_256 = arith.constant 0 : i32
      %dma_wait3A_257 = arith.constant 0 : i32
      %dma_wait3A_258 = tpu.memref_slice %arg5[%dma_wait3A_256, %dma_wait3A_257] : memref<10112x128xf32, #tpu.memory_space<vmem_shared>> -> memref<128x128xf32, #tpu.memory_space<vmem_shared>>
      %dma_wait3A_259 = arith.constant 0 : i32
      %dma_wait3A_260 = arith.constant 0 : i32
      %dma_wait3A_261 = tpu.memref_slice %arg2[%dma_wait3A_259, %dma_wait3A_260] : memref<20000x128xf32, #tpu.memory_space<hbm>> -> memref<128x128xf32, #tpu.memory_space<hbm>>
      tpu.wait_dma2 semaphore(%arg11 : memref<!tpu.dma_semaphore, #tpu.memory_space<semaphore_mem>>) src(%dma_wait3A_261 : memref<128x128xf32, #tpu.memory_space<hbm>>) dst(%dma_wait3A_258 : memref<128x128xf32, #tpu.memory_space<vmem_shared>>)
      %dma_start3A_262 = arith.constant 10 : i32
      %dma_start3A_263 = arith.constant 128 : i32
      %dma_start3A_264 = arith.constant 0 : i32
      %dma_start3A_265 = tpu.memref_slice %arg6[%dma_start3A_263, %dma_start3A_264] : memref<256x128xf32, #tpu.memory_space<vmem>> -> memref<128x128xf32, #tpu.memory_space<vmem>>
      %dma_start3A_266 = arith.constant 0 : i32
      %dma_start3A_267 = tpu.memref_slice %arg7[%select_n3A_78, %dma_start3A_262, %dma_start3A_266] : memref<3x16x128xi32, #tpu.memory_space<vmem>> -> memref<1x1x128xi32, #tpu.memory_space<vmem>>
      %dma_start3A_268 = tpu.memref_squeeze %dma_start3A_267 : memref<1x1x128xi32, #tpu.memory_space<vmem>> -> memref<128xi32, #tpu.memory_space<vmem>>
      %dma_start3A_269 = arith.constant 0 : i32
      %dma_start3A_270 = arith.constant 0 : i32
      %dma_start3A_271 = tpu.memref_slice %arg2[%dma_start3A_269, %dma_start3A_270] : memref<20000x128xf32, #tpu.memory_space<hbm>> -> memref<20000x128xf32, #tpu.memory_space<hbm>>
      tpu.enqueue_indirect_dma source(%dma_start3A_271 : memref<20000x128xf32, #tpu.memory_space<hbm>>) target(%dma_start3A_265 : memref<128x128xf32, #tpu.memory_space<vmem>>) offsets(%dma_start3A_268 : memref<128xi32, #tpu.memory_space<vmem>>) semaphore(%arg9 : memref<!tpu.dma_semaphore, #tpu.memory_space<semaphore_mem>>)
      %dma_wait3A_272 = arith.constant 128 : i32
      %dma_wait3A_273 = arith.constant 0 : i32
      %dma_wait3A_274 = tpu.memref_slice %arg6[%dma_wait3A_272, %dma_wait3A_273] : memref<256x128xf32, #tpu.memory_space<vmem>> -> memref<128x128xf32, #tpu.memory_space<vmem>>
      %dma_wait3A_275 = arith.constant 0 : i32
      %dma_wait3A_276 = arith.constant 0 : i32
      %dma_wait3A_277 = tpu.memref_slice %arg2[%dma_wait3A_275, %dma_wait3A_276] : memref<20000x128xf32, #tpu.memory_space<hbm>> -> memref<128x128xf32, #tpu.memory_space<hbm>>
      %dma_wait3A_278 = arith.constant 128 : i32
      %dma_wait3A_279 = arith.constant 0 : i32
      %dma_wait3A_280 = tpu.memref_slice %arg6[%dma_wait3A_278, %dma_wait3A_279] : memref<256x128xf32, #tpu.memory_space<vmem>> -> memref<128x128xf32, #tpu.memory_space<vmem>>
      %dma_wait3A_281 = arith.constant 0 : i32
      %dma_wait3A_282 = arith.constant 0 : i32
      %dma_wait3A_283 = tpu.memref_slice %arg2[%dma_wait3A_281, %dma_wait3A_282] : memref<20000x128xf32, #tpu.memory_space<hbm>> -> memref<128x128xf32, #tpu.memory_space<hbm>>
      tpu.wait_dma2 semaphore(%arg9 : memref<!tpu.dma_semaphore, #tpu.memory_space<semaphore_mem>>) src(%dma_wait3A_283 : memref<128x128xf32, #tpu.memory_space<hbm>>) dst(%dma_wait3A_280 : memref<128x128xf32, #tpu.memory_space<vmem>>)
      %dma_start3A_284 = arith.constant 11 : i32
      %dma_start3A_285 = arith.constant 128 : i32
      %dma_start3A_286 = arith.constant 0 : i32
      %dma_start3A_287 = tpu.memref_slice %arg6[%dma_start3A_285, %dma_start3A_286] : memref<256x128xf32, #tpu.memory_space<vmem>> -> memref<128x128xf32, #tpu.memory_space<vmem>>
      %dma_start3A_288 = arith.constant 0 : i32
      %dma_start3A_289 = tpu.memref_slice %arg7[%select_n3A_78, %dma_start3A_284, %dma_start3A_288] : memref<3x16x128xi32, #tpu.memory_space<vmem>> -> memref<1x1x128xi32, #tpu.memory_space<vmem>>
      %dma_start3A_290 = tpu.memref_squeeze %dma_start3A_289 : memref<1x1x128xi32, #tpu.memory_space<vmem>> -> memref<128xi32, #tpu.memory_space<vmem>>
      %dma_start3A_291 = arith.constant 0 : i32
      %dma_start3A_292 = arith.constant 0 : i32
      %dma_start3A_293 = tpu.memref_slice %arg5[%dma_start3A_291, %dma_start3A_292] : memref<10112x128xf32, #tpu.memory_space<vmem_shared>> -> memref<10112x128xf32, #tpu.memory_space<vmem_shared>>
      tpu.enqueue_indirect_dma source(%dma_start3A_287 : memref<128x128xf32, #tpu.memory_space<vmem>>) target(%dma_start3A_293 : memref<10112x128xf32, #tpu.memory_space<vmem_shared>>) offsets(%dma_start3A_290 : memref<128xi32, #tpu.memory_space<vmem>>) semaphore(%arg11 : memref<!tpu.dma_semaphore, #tpu.memory_space<semaphore_mem>>) {add = true}
      %dma_wait3A_294 = arith.constant 0 : i32
      %dma_wait3A_295 = arith.constant 0 : i32
      %dma_wait3A_296 = tpu.memref_slice %arg5[%dma_wait3A_294, %dma_wait3A_295] : memref<10112x128xf32, #tpu.memory_space<vmem_shared>> -> memref<128x128xf32, #tpu.memory_space<vmem_shared>>
      %dma_wait3A_297 = arith.constant 0 : i32
      %dma_wait3A_298 = arith.constant 0 : i32
      %dma_wait3A_299 = tpu.memref_slice %arg2[%dma_wait3A_297, %dma_wait3A_298] : memref<20000x128xf32, #tpu.memory_space<hbm>> -> memref<128x128xf32, #tpu.memory_space<hbm>>
      tpu.wait_dma2 semaphore(%arg10 : memref<!tpu.dma_semaphore, #tpu.memory_space<semaphore_mem>>) src(%dma_wait3A_299 : memref<128x128xf32, #tpu.memory_space<hbm>>) dst(%dma_wait3A_296 : memref<128x128xf32, #tpu.memory_space<vmem_shared>>)
      %dma_start3A_300 = arith.constant 12 : i32
      %dma_start3A_301 = arith.constant 0 : i32
      %dma_start3A_302 = arith.constant 0 : i32
      %dma_start3A_303 = tpu.memref_slice %arg6[%dma_start3A_301, %dma_start3A_302] : memref<256x128xf32, #tpu.memory_space<vmem>> -> memref<128x128xf32, #tpu.memory_space<vmem>>
      %dma_start3A_304 = arith.constant 0 : i32
      %dma_start3A_305 = tpu.memref_slice %arg7[%select_n3A_78, %dma_start3A_300, %dma_start3A_304] : memref<3x16x128xi32, #tpu.memory_space<vmem>> -> memref<1x1x128xi32, #tpu.memory_space<vmem>>
      %dma_start3A_306 = tpu.memref_squeeze %dma_start3A_305 : memref<1x1x128xi32, #tpu.memory_space<vmem>> -> memref<128xi32, #tpu.memory_space<vmem>>
      %dma_start3A_307 = arith.constant 0 : i32
      %dma_start3A_308 = arith.constant 0 : i32
      %dma_start3A_309 = tpu.memref_slice %arg2[%dma_start3A_307, %dma_start3A_308] : memref<20000x128xf32, #tpu.memory_space<hbm>> -> memref<20000x128xf32, #tpu.memory_space<hbm>>
      tpu.enqueue_indirect_dma source(%dma_start3A_309 : memref<20000x128xf32, #tpu.memory_space<hbm>>) target(%dma_start3A_303 : memref<128x128xf32, #tpu.memory_space<vmem>>) offsets(%dma_start3A_306 : memref<128xi32, #tpu.memory_space<vmem>>) semaphore(%arg8 : memref<!tpu.dma_semaphore, #tpu.memory_space<semaphore_mem>>)
      %dma_wait3A_310 = arith.constant 0 : i32
      %dma_wait3A_311 = arith.constant 0 : i32
      %dma_wait3A_312 = tpu.memref_slice %arg6[%dma_wait3A_310, %dma_wait3A_311] : memref<256x128xf32, #tpu.memory_space<vmem>> -> memref<128x128xf32, #tpu.memory_space<vmem>>
      %dma_wait3A_313 = arith.constant 0 : i32
      %dma_wait3A_314 = arith.constant 0 : i32
      %dma_wait3A_315 = tpu.memref_slice %arg2[%dma_wait3A_313, %dma_wait3A_314] : memref<20000x128xf32, #tpu.memory_space<hbm>> -> memref<128x128xf32, #tpu.memory_space<hbm>>
      %dma_wait3A_316 = arith.constant 0 : i32
      %dma_wait3A_317 = arith.constant 0 : i32
      %dma_wait3A_318 = tpu.memref_slice %arg6[%dma_wait3A_316, %dma_wait3A_317] : memref<256x128xf32, #tpu.memory_space<vmem>> -> memref<128x128xf32, #tpu.memory_space<vmem>>
      %dma_wait3A_319 = arith.constant 0 : i32
      %dma_wait3A_320 = arith.constant 0 : i32
      %dma_wait3A_321 = tpu.memref_slice %arg2[%dma_wait3A_319, %dma_wait3A_320] : memref<20000x128xf32, #tpu.memory_space<hbm>> -> memref<128x128xf32, #tpu.memory_space<hbm>>
      tpu.wait_dma2 semaphore(%arg8 : memref<!tpu.dma_semaphore, #tpu.memory_space<semaphore_mem>>) src(%dma_wait3A_321 : memref<128x128xf32, #tpu.memory_space<hbm>>) dst(%dma_wait3A_318 : memref<128x128xf32, #tpu.memory_space<vmem>>)
      %dma_start3A_322 = arith.constant 13 : i32
      %dma_start3A_323 = arith.constant 0 : i32
      %dma_start3A_324 = arith.constant 0 : i32
      %dma_start3A_325 = tpu.memref_slice %arg6[%dma_start3A_323, %dma_start3A_324] : memref<256x128xf32, #tpu.memory_space<vmem>> -> memref<128x128xf32, #tpu.memory_space<vmem>>
      %dma_start3A_326 = arith.constant 0 : i32
      %dma_start3A_327 = tpu.memref_slice %arg7[%select_n3A_78, %dma_start3A_322, %dma_start3A_326] : memref<3x16x128xi32, #tpu.memory_space<vmem>> -> memref<1x1x128xi32, #tpu.memory_space<vmem>>
      %dma_start3A_328 = tpu.memref_squeeze %dma_start3A_327 : memref<1x1x128xi32, #tpu.memory_space<vmem>> -> memref<128xi32, #tpu.memory_space<vmem>>
      %dma_start3A_329 = arith.constant 0 : i32
      %dma_start3A_330 = arith.constant 0 : i32
      %dma_start3A_331 = tpu.memref_slice %arg5[%dma_start3A_329, %dma_start3A_330] : memref<10112x128xf32, #tpu.memory_space<vmem_shared>> -> memref<10112x128xf32, #tpu.memory_space<vmem_shared>>
      tpu.enqueue_indirect_dma source(%dma_start3A_325 : memref<128x128xf32, #tpu.memory_space<vmem>>) target(%dma_start3A_331 : memref<10112x128xf32, #tpu.memory_space<vmem_shared>>) offsets(%dma_start3A_328 : memref<128xi32, #tpu.memory_space<vmem>>) semaphore(%arg10 : memref<!tpu.dma_semaphore, #tpu.memory_space<semaphore_mem>>) {add = true}
      %dma_wait3A_332 = arith.constant 0 : i32
      %dma_wait3A_333 = arith.constant 0 : i32
      %dma_wait3A_334 = tpu.memref_slice %arg5[%dma_wait3A_332, %dma_wait3A_333] : memref<10112x128xf32, #tpu.memory_space<vmem_shared>> -> memref<128x128xf32, #tpu.memory_space<vmem_shared>>
      %dma_wait3A_335 = arith.constant 0 : i32
      %dma_wait3A_336 = arith.constant 0 : i32
      %dma_wait3A_337 = tpu.memref_slice %arg2[%dma_wait3A_335, %dma_wait3A_336] : memref<20000x128xf32, #tpu.memory_space<hbm>> -> memref<128x128xf32, #tpu.memory_space<hbm>>
      tpu.wait_dma2 semaphore(%arg11 : memref<!tpu.dma_semaphore, #tpu.memory_space<semaphore_mem>>) src(%dma_wait3A_337 : memref<128x128xf32, #tpu.memory_space<hbm>>) dst(%dma_wait3A_334 : memref<128x128xf32, #tpu.memory_space<vmem_shared>>)
      %dma_start3A_338 = arith.constant 14 : i32
      %dma_start3A_339 = arith.constant 128 : i32
      %dma_start3A_340 = arith.constant 0 : i32
      %dma_start3A_341 = tpu.memref_slice %arg6[%dma_start3A_339, %dma_start3A_340] : memref<256x128xf32, #tpu.memory_space<vmem>> -> memref<128x128xf32, #tpu.memory_space<vmem>>
      %dma_start3A_342 = arith.constant 0 : i32
      %dma_start3A_343 = tpu.memref_slice %arg7[%select_n3A_78, %dma_start3A_338, %dma_start3A_342] : memref<3x16x128xi32, #tpu.memory_space<vmem>> -> memref<1x1x128xi32, #tpu.memory_space<vmem>>
      %dma_start3A_344 = tpu.memref_squeeze %dma_start3A_343 : memref<1x1x128xi32, #tpu.memory_space<vmem>> -> memref<128xi32, #tpu.memory_space<vmem>>
      %dma_start3A_345 = arith.constant 0 : i32
      %dma_start3A_346 = arith.constant 0 : i32
      %dma_start3A_347 = tpu.memref_slice %arg2[%dma_start3A_345, %dma_start3A_346] : memref<20000x128xf32, #tpu.memory_space<hbm>> -> memref<20000x128xf32, #tpu.memory_space<hbm>>
      tpu.enqueue_indirect_dma source(%dma_start3A_347 : memref<20000x128xf32, #tpu.memory_space<hbm>>) target(%dma_start3A_341 : memref<128x128xf32, #tpu.memory_space<vmem>>) offsets(%dma_start3A_344 : memref<128xi32, #tpu.memory_space<vmem>>) semaphore(%arg9 : memref<!tpu.dma_semaphore, #tpu.memory_space<semaphore_mem>>)
      %dma_wait3A_348 = arith.constant 128 : i32
      %dma_wait3A_349 = arith.constant 0 : i32
      %dma_wait3A_350 = tpu.memref_slice %arg6[%dma_wait3A_348, %dma_wait3A_349] : memref<256x128xf32, #tpu.memory_space<vmem>> -> memref<128x128xf32, #tpu.memory_space<vmem>>
      %dma_wait3A_351 = arith.constant 0 : i32
      %dma_wait3A_352 = arith.constant 0 : i32
      %dma_wait3A_353 = tpu.memref_slice %arg2[%dma_wait3A_351, %dma_wait3A_352] : memref<20000x128xf32, #tpu.memory_space<hbm>> -> memref<128x128xf32, #tpu.memory_space<hbm>>
      %dma_wait3A_354 = arith.constant 128 : i32
      %dma_wait3A_355 = arith.constant 0 : i32
      %dma_wait3A_356 = tpu.memref_slice %arg6[%dma_wait3A_354, %dma_wait3A_355] : memref<256x128xf32, #tpu.memory_space<vmem>> -> memref<128x128xf32, #tpu.memory_space<vmem>>
      %dma_wait3A_357 = arith.constant 0 : i32
      %dma_wait3A_358 = arith.constant 0 : i32
      %dma_wait3A_359 = tpu.memref_slice %arg2[%dma_wait3A_357, %dma_wait3A_358] : memref<20000x128xf32, #tpu.memory_space<hbm>> -> memref<128x128xf32, #tpu.memory_space<hbm>>
      tpu.wait_dma2 semaphore(%arg9 : memref<!tpu.dma_semaphore, #tpu.memory_space<semaphore_mem>>) src(%dma_wait3A_359 : memref<128x128xf32, #tpu.memory_space<hbm>>) dst(%dma_wait3A_356 : memref<128x128xf32, #tpu.memory_space<vmem>>)
      %dma_start3A_360 = arith.constant 15 : i32
      %dma_start3A_361 = arith.constant 128 : i32
      %dma_start3A_362 = arith.constant 0 : i32
      %dma_start3A_363 = tpu.memref_slice %arg6[%dma_start3A_361, %dma_start3A_362] : memref<256x128xf32, #tpu.memory_space<vmem>> -> memref<128x128xf32, #tpu.memory_space<vmem>>
      %dma_start3A_364 = arith.constant 0 : i32
      %dma_start3A_365 = tpu.memref_slice %arg7[%select_n3A_78, %dma_start3A_360, %dma_start3A_364] : memref<3x16x128xi32, #tpu.memory_space<vmem>> -> memref<1x1x128xi32, #tpu.memory_space<vmem>>
      %dma_start3A_366 = tpu.memref_squeeze %dma_start3A_365 : memref<1x1x128xi32, #tpu.memory_space<vmem>> -> memref<128xi32, #tpu.memory_space<vmem>>
      %dma_start3A_367 = arith.constant 0 : i32
      %dma_start3A_368 = arith.constant 0 : i32
      %dma_start3A_369 = tpu.memref_slice %arg5[%dma_start3A_367, %dma_start3A_368] : memref<10112x128xf32, #tpu.memory_space<vmem_shared>> -> memref<10112x128xf32, #tpu.memory_space<vmem_shared>>
      tpu.enqueue_indirect_dma source(%dma_start3A_363 : memref<128x128xf32, #tpu.memory_space<vmem>>) target(%dma_start3A_369 : memref<10112x128xf32, #tpu.memory_space<vmem_shared>>) offsets(%dma_start3A_366 : memref<128xi32, #tpu.memory_space<vmem>>) semaphore(%arg11 : memref<!tpu.dma_semaphore, #tpu.memory_space<semaphore_mem>>) {add = true}
      %lt3A_370 = arith.constant 19 : i32
      %lt3A_371 = arith.cmpi slt, %scan3A_67, %lt3A_370 : i32
      %convert_element_type3A_372 = arith.extui %lt3A_371 : i1 to i32
      %cond3A_373 = arith.constant 0 : i32
      %cond3A_374 = arith.cmpi ne, %convert_element_type3A_372, %cond3A_373 : i32
      scf.if %cond3A_374 {
        %dma_wait3A_375 = arith.constant 0 : i32
        %dma_wait3A_376 = arith.constant 0 : i32
        %dma_wait3A_377 = tpu.memref_slice %arg5[%dma_wait3A_375, %dma_wait3A_376] : memref<10112x128xf32, #tpu.memory_space<vmem_shared>> -> memref<128x128xf32, #tpu.memory_space<vmem_shared>>
        %dma_wait3A_378 = arith.constant 0 : i32
        %dma_wait3A_379 = arith.constant 0 : i32
        %dma_wait3A_380 = tpu.memref_slice %arg2[%dma_wait3A_378, %dma_wait3A_379] : memref<20000x128xf32, #tpu.memory_space<hbm>> -> memref<128x128xf32, #tpu.memory_space<hbm>>
        tpu.wait_dma2 semaphore(%arg10 : memref<!tpu.dma_semaphore, #tpu.memory_space<semaphore_mem>>) src(%dma_wait3A_380 : memref<128x128xf32, #tpu.memory_space<hbm>>) dst(%dma_wait3A_377 : memref<128x128xf32, #tpu.memory_space<vmem_shared>>)
        %add3A_381 = arith.constant 1 : i32
        %add3A_382 = arith.addi %scan3A_67, %add3A_381 : i32
        %jit3A_383 = arith.constant 3 : i32
        %eq3A_384 = arith.constant 0 : i32
        %eq3A_385 = arith.cmpi eq, %jit3A_383, %eq3A_384 : i32
        %jit3A_386 = arith.constant 1 : i32
        %select_n3A_387 = arith.select %eq3A_385, %jit3A_386, %jit3A_383 : i32
        %rem3A_388 = arith.remsi %add3A_382, %select_n3A_387 : i32
        %ne3A_389 = arith.constant 0 : i32
        %ne3A_390 = arith.cmpi ne, %rem3A_388, %ne3A_389 : i32
        %lt3A_391 = arith.constant 0 : i32
        %lt3A_392 = arith.cmpi slt, %rem3A_388, %lt3A_391 : i32
        %lt3A_393 = arith.constant 0 : i32
        %lt3A_394 = arith.cmpi slt, %select_n3A_387, %lt3A_393 : i32
        %ne3A_395 = arith.xori %lt3A_392, %lt3A_394 : i1
        %and3A_396 = arith.andi %ne3A_395, %ne3A_390 : i1
        %add3A_397 = arith.addi %rem3A_388, %select_n3A_387 : i32
        %select_n3A_398 = arith.select %and3A_396, %add3A_397, %rem3A_388 : i32
        %dma_start3A_399 = arith.constant 0 : i32
        %dma_start3A_400 = arith.constant 0 : i32
        %dma_start3A_401 = arith.constant 0 : i32
        %dma_start3A_402 = tpu.memref_slice %arg6[%dma_start3A_400, %dma_start3A_401] : memref<256x128xf32, #tpu.memory_space<vmem>> -> memref<128x128xf32, #tpu.memory_space<vmem>>
        %dma_start3A_403 = arith.constant 0 : i32
        %dma_start3A_404 = tpu.memref_slice %arg7[%select_n3A_398, %dma_start3A_399, %dma_start3A_403] : memref<3x16x128xi32, #tpu.memory_space<vmem>> -> memref<1x1x128xi32, #tpu.memory_space<vmem>>
        %dma_start3A_405 = tpu.memref_squeeze %dma_start3A_404 : memref<1x1x128xi32, #tpu.memory_space<vmem>> -> memref<128xi32, #tpu.memory_space<vmem>>
        %dma_start3A_406 = arith.constant 0 : i32
        %dma_start3A_407 = arith.constant 0 : i32
        %dma_start3A_408 = tpu.memref_slice %arg2[%dma_start3A_406, %dma_start3A_407] : memref<20000x128xf32, #tpu.memory_space<hbm>> -> memref<20000x128xf32, #tpu.memory_space<hbm>>
        tpu.enqueue_indirect_dma source(%dma_start3A_408 : memref<20000x128xf32, #tpu.memory_space<hbm>>) target(%dma_start3A_402 : memref<128x128xf32, #tpu.memory_space<vmem>>) offsets(%dma_start3A_405 : memref<128xi32, #tpu.memory_space<vmem>>) semaphore(%arg8 : memref<!tpu.dma_semaphore, #tpu.memory_space<semaphore_mem>>)
      } else {
      }
    }
    %scan3A_39 = arith.constant 20 : i32
    %dma_wait3A = arith.constant 0 : i32
    %dma_wait3A_40 = arith.constant 0 : i32
    %dma_wait3A_41 = tpu.memref_slice %arg5[%dma_wait3A, %dma_wait3A_40] : memref<10112x128xf32, #tpu.memory_space<vmem_shared>> -> memref<128x128xf32, #tpu.memory_space<vmem_shared>>
    %dma_wait3A_42 = arith.constant 0 : i32
    %dma_wait3A_43 = arith.constant 0 : i32
    %dma_wait3A_44 = tpu.memref_slice %arg2[%dma_wait3A_42, %dma_wait3A_43] : memref<20000x128xf32, #tpu.memory_space<hbm>> -> memref<128x128xf32, #tpu.memory_space<hbm>>
    tpu.wait_dma2 semaphore(%arg10 : memref<!tpu.dma_semaphore, #tpu.memory_space<semaphore_mem>>) src(%dma_wait3A_44 : memref<128x128xf32, #tpu.memory_space<hbm>>) dst(%dma_wait3A_41 : memref<128x128xf32, #tpu.memory_space<vmem_shared>>)
    %dma_wait3A_45 = arith.constant 0 : i32
    %dma_wait3A_46 = arith.constant 0 : i32
    %dma_wait3A_47 = tpu.memref_slice %arg5[%dma_wait3A_45, %dma_wait3A_46] : memref<10112x128xf32, #tpu.memory_space<vmem_shared>> -> memref<128x128xf32, #tpu.memory_space<vmem_shared>>
    %dma_wait3A_48 = arith.constant 0 : i32
    %dma_wait3A_49 = arith.constant 0 : i32
    %dma_wait3A_50 = tpu.memref_slice %arg2[%dma_wait3A_48, %dma_wait3A_49] : memref<20000x128xf32, #tpu.memory_space<hbm>> -> memref<128x128xf32, #tpu.memory_space<hbm>>
    tpu.wait_dma2 semaphore(%arg11 : memref<!tpu.dma_semaphore, #tpu.memory_space<semaphore_mem>>) src(%dma_wait3A_50 : memref<128x128xf32, #tpu.memory_space<hbm>>) dst(%dma_wait3A_47 : memref<128x128xf32, #tpu.memory_space<vmem_shared>>)
    %barrier3A_51 = arith.constant 0 : index
    tpu.barrier barrier_id(%barrier3A_51)
    %mul3A_52 = arith.constant 632 : i32
    %mul3A_53 = arith.muli %arg1, %mul3A_52 : i32
    %multiple_of3A_54 = tpu.assume_multiple %mul3A_53, 8 : i32
    %mul3A_55 = arith.constant 10000 : i32
    %mul3A_56 = arith.muli %arg0, %mul3A_55 : i32
    %mul3A_57 = arith.constant 632 : i32
    %mul3A_58 = arith.muli %arg1, %mul3A_57 : i32
    %add3A_59 = arith.addi %mul3A_56, %mul3A_58 : i32
    %multiple_of3A_60 = tpu.assume_multiple %add3A_59, 8 : i32
    %lt3A = arith.constant 15 : i32
    %lt3A_61 = arith.cmpi slt, %arg1, %lt3A : i32
    %convert_element_type3A = arith.extui %lt3A_61 : i1 to i32
    %cond3A = arith.constant 0 : i32
    %cond3A_62 = arith.cmpi ne, %convert_element_type3A, %cond3A : i32
    scf.if %cond3A_62 {
      "tpu.region"() ({
        %run_scoped3A_67 = tpu.sem_alloc : memref<!tpu.dma_semaphore, #tpu.memory_space<semaphore_mem>>
        %dma_start3A_68 = arith.constant 0 : i32
        %dma_start3A_69 = tpu.memref_slice %arg4[%multiple_of3A_60, %dma_start3A_68] : memref<20000x128xf32, #tpu.memory_space<hbm>> -> memref<632x128xf32, #tpu.memory_space<hbm>>
        %dma_start3A_70 = arith.constant 0 : i32
        %dma_start3A_71 = tpu.memref_slice %arg5[%multiple_of3A_54, %dma_start3A_70] : memref<10112x128xf32, #tpu.memory_space<vmem_shared>> -> memref<632x128xf32, #tpu.memory_space<vmem_shared>>
        tpu.enqueue_dma source(%dma_start3A_71 : memref<632x128xf32, #tpu.memory_space<vmem_shared>>) target(%dma_start3A_69 : memref<632x128xf32, #tpu.memory_space<hbm>>) target_semaphore(%run_scoped3A_67 : memref<!tpu.dma_semaphore, #tpu.memory_space<semaphore_mem>>)
        %dma_wait3A_72 = arith.constant 0 : i32
        %dma_wait3A_73 = tpu.memref_slice %arg4[%multiple_of3A_60, %dma_wait3A_72] : memref<20000x128xf32, #tpu.memory_space<hbm>> -> memref<632x128xf32, #tpu.memory_space<hbm>>
        %dma_wait3A_74 = arith.constant 0 : i32
        %dma_wait3A_75 = tpu.memref_slice %arg5[%multiple_of3A_54, %dma_wait3A_74] : memref<10112x128xf32, #tpu.memory_space<vmem_shared>> -> memref<632x128xf32, #tpu.memory_space<vmem_shared>>
        tpu.wait_dma2 semaphore(%run_scoped3A_67 : memref<!tpu.dma_semaphore, #tpu.memory_space<semaphore_mem>>) src(%dma_wait3A_75 : memref<632x128xf32, #tpu.memory_space<vmem_shared>>) dst(%dma_wait3A_73 : memref<632x128xf32, #tpu.memory_space<hbm>>)
        tpu.yield
      }) : () -> ()
    } else {
    }
    %eq3A = arith.constant 15 : i32
    %eq3A_63 = arith.cmpi eq, %arg1, %eq3A : i32
    %convert_element_type3A_64 = arith.extui %eq3A_63 : i1 to i32
    %cond3A_65 = arith.constant 0 : i32
    %cond3A_66 = arith.cmpi ne, %convert_element_type3A_64, %cond3A_65 : i32
    scf.if %cond3A_66 {
      "tpu.region"() ({
        %run_scoped3A_67 = tpu.sem_alloc : memref<!tpu.dma_semaphore, #tpu.memory_space<semaphore_mem>>
        %dma_start3A_68 = arith.constant 0 : i32
        %dma_start3A_69 = tpu.memref_slice %arg4[%multiple_of3A_60, %dma_start3A_68] : memref<20000x128xf32, #tpu.memory_space<hbm>> -> memref<520x128xf32, #tpu.memory_space<hbm>>
        %dma_start3A_70 = arith.constant 0 : i32
        %dma_start3A_71 = tpu.memref_slice %arg5[%multiple_of3A_54, %dma_start3A_70] : memref<10112x128xf32, #tpu.memory_space<vmem_shared>> -> memref<520x128xf32, #tpu.memory_space<vmem_shared>>
        tpu.enqueue_dma source(%dma_start3A_71 : memref<520x128xf32, #tpu.memory_space<vmem_shared>>) target(%dma_start3A_69 : memref<520x128xf32, #tpu.memory_space<hbm>>) target_semaphore(%run_scoped3A_67 : memref<!tpu.dma_semaphore, #tpu.memory_space<semaphore_mem>>)
        %dma_wait3A_72 = arith.constant 0 : i32
        %dma_wait3A_73 = tpu.memref_slice %arg4[%multiple_of3A_60, %dma_wait3A_72] : memref<20000x128xf32, #tpu.memory_space<hbm>> -> memref<520x128xf32, #tpu.memory_space<hbm>>
        %dma_wait3A_74 = arith.constant 0 : i32
        %dma_wait3A_75 = tpu.memref_slice %arg5[%multiple_of3A_54, %dma_wait3A_74] : memref<10112x128xf32, #tpu.memory_space<vmem_shared>> -> memref<520x128xf32, #tpu.memory_space<vmem_shared>>
        tpu.wait_dma2 semaphore(%run_scoped3A_67 : memref<!tpu.dma_semaphore, #tpu.memory_space<semaphore_mem>>) src(%dma_wait3A_75 : memref<520x128xf32, #tpu.memory_space<vmem_shared>>) dst(%dma_wait3A_73 : memref<520x128xf32, #tpu.memory_space<hbm>>)
        tpu.yield
      }) : () -> ()
    } else {
    }
    return
  }
}

#map = affine_map<(d0, d1) -> (0, 0)>
#map1 = affine_map<(d0, d1) -> (0, 0, 0)>
module attributes {stable_mosaic.version = 14 : i64} {
  func.func @scat_kernel(%arg0: i32, %arg1: i32, %arg2: memref<20000x128xf32, #tpu.memory_space<hbm>>, %arg3: memref<2x5120x128xi32, #tpu.memory_space<hbm>>, %arg4: memref<20000x128xf32, #tpu.memory_space<hbm>>, %arg5: memref<10112x128xf32, #tpu.memory_space<vmem_shared>>, %arg6: memref<256x128xf32, #tpu.memory_space<vmem>>, %arg7: memref<3x16x128xi32, #tpu.memory_space<vmem>>, %arg8: memref<!tpu.dma_semaphore, #tpu.memory_space<semaphore_mem>>, %arg9: memref<!tpu.dma_semaphore, #tpu.memory_space<semaphore_mem>>, %arg10: memref<!tpu.dma_semaphore, #tpu.memory_space<semaphore_mem>>, %arg11: memref<!tpu.dma_semaphore, #tpu.memory_space<semaphore_mem>>) attributes {dimension_semantics = [#tpu.dimension_semantics<core_parallel>, #tpu.dimension_semantics<subcore_parallel>], iteration_bounds = array<i64: 2, 16>, scalar_prefetch = 0 : i64, scratch_operands = 7 : i64, tpu.core_type = #tpu.core_type<sc_vector_subcore>, window_params = [{transform_indices = #map}, {transform_indices = #map1}, {transform_indices = #map}]} {
    %scan3A = arith.constant 0 : i32
    %scan3A_0 = arith.constant 0 : i32
    %scan3A_1 = arith.constant 1024 : i32
    %scan3A_2 = arith.addi %scan3A_0, %scan3A_1 : i32
    %scan3A_3 = arith.constant 1 : i32
    scf.for %scan3A_67 = %scan3A_0 to %scan3A_2 step %scan3A_3  : i32 {
      %broadcast_in_dim3A = arith.constant 0.000000e+00 : f32
      %broadcast_in_dim3A_68 = vector.broadcast %broadcast_in_dim3A : f32 to vector<16xf32>
      %jit3A = arith.constant 8 : i32
      %div3A = arith.divsi %scan3A_67, %jit3A : i32
      %sign3A = arith.constant 0 : i32
      %sign3A_69 = arith.cmpi sgt, %scan3A_67, %sign3A : i32
      %sign3A_70 = arith.extui %sign3A_69 : i1 to i32
      %sign3A_71 = arith.constant 0 : i32
      %sign3A_72 = arith.cmpi slt, %scan3A_67, %sign3A_71 : i32
      %sign3A_73 = arith.extui %sign3A_72 : i1 to i32
      %sign3A_74 = arith.subi %sign3A_70, %sign3A_73 : i32
      %sign3A_75 = arith.constant 0 : i32
      %sign3A_76 = arith.cmpi sgt, %jit3A, %sign3A_75 : i32
      %sign3A_77 = arith.extui %sign3A_76 : i1 to i32
      %sign3A_78 = arith.constant 0 : i32
      %sign3A_79 = arith.cmpi slt, %jit3A, %sign3A_78 : i32
      %sign3A_80 = arith.extui %sign3A_79 : i1 to i32
      %sign3A_81 = arith.subi %sign3A_77, %sign3A_80 : i32
      %ne3A = arith.cmpi ne, %sign3A_74, %sign3A_81 : i32
      %rem3A = arith.remsi %scan3A_67, %jit3A : i32
      %ne3A_82 = arith.constant 0 : i32
      %ne3A_83 = arith.cmpi ne, %rem3A, %ne3A_82 : i32
      %and3A = arith.andi %ne3A, %ne3A_83 : i1
      %sub3A = arith.constant 1 : i32
      %sub3A_84 = arith.subi %div3A, %sub3A : i32
      %select_n3A = arith.select %and3A, %sub3A_84, %div3A : i32
      %jit3A_85 = arith.constant 8 : i32
      %eq3A_86 = arith.constant 0 : i32
      %eq3A_87 = arith.cmpi eq, %jit3A_85, %eq3A_86 : i32
      %jit3A_88 = arith.constant 1 : i32
      %select_n3A_89 = arith.select %eq3A_87, %jit3A_88, %jit3A_85 : i32
      %rem3A_90 = arith.remsi %scan3A_67, %select_n3A_89 : i32
      %ne3A_91 = arith.constant 0 : i32
      %ne3A_92 = arith.cmpi ne, %rem3A_90, %ne3A_91 : i32
      %lt3A_93 = arith.constant 0 : i32
      %lt3A_94 = arith.cmpi slt, %rem3A_90, %lt3A_93 : i32
      %lt3A_95 = arith.constant 0 : i32
      %lt3A_96 = arith.cmpi slt, %select_n3A_89, %lt3A_95 : i32
      %ne3A_97 = arith.xori %lt3A_94, %lt3A_96 : i1
      %and3A_98 = arith.andi %ne3A_97, %ne3A_92 : i1
      %add3A_99 = arith.addi %rem3A_90, %select_n3A_89 : i32
      %select_n3A_100 = arith.select %and3A_98, %add3A_99, %rem3A_90 : i32
      %mul3A_101 = arith.constant 16 : i32
      %mul3A_102 = arith.muli %select_n3A_100, %mul3A_101 : i32
      %swap3A = arith.index_cast %select_n3A : i32 to index
      %swap3A_103 = arith.index_cast %mul3A_102 : i32 to index
      %swap3A_104 = tpu.vector_load %arg6[%swap3A, %swap3A_103] {strides = array<i32>} : memref<256x128xf32, #tpu.memory_space<vmem>>, vector<1x16xf32>,
      %swap3A_105 = vector.shape_cast %swap3A_104 : vector<1x16xf32> to vector<16xf32>
      %swap3A_106 = vector.shape_cast %broadcast_in_dim3A_68 : vector<16xf32> to vector<1x16xf32>
      tpu.vector_store %arg6[%swap3A, %swap3A_103], %swap3A_106 {strides = array<i32>} : memref<256x128xf32, #tpu.memory_space<vmem>>, vector<1x16xf32>,
    }
    %scan3A_4 = arith.constant 1024 : i32
    %mul3A = arith.constant 632 : i32
    %mul3A_5 = arith.muli %arg1, %mul3A : i32
    %multiple_of3A = tpu.assume_multiple %mul3A_5, 8 : i32
    %add3A = arith.constant 0 : i32
    %add3A_6 = arith.addi %multiple_of3A, %add3A : i32
    "tpu.region"() ({
      %run_scoped3A_67 = tpu.sem_alloc : memref<!tpu.dma_semaphore, #tpu.memory_space<semaphore_mem>>
      %dma_start3A_68 = arith.constant 0 : i32
      %dma_start3A_69 = arith.constant 0 : i32
      %dma_start3A_70 = tpu.memref_slice %arg6[%dma_start3A_68, %dma_start3A_69] : memref<256x128xf32, #tpu.memory_space<vmem>> -> memref<128x128xf32, #tpu.memory_space<vmem>>
      %dma_start3A_71 = arith.constant 0 : i32
      %dma_start3A_72 = tpu.memref_slice %arg5[%add3A_6, %dma_start3A_71] : memref<10112x128xf32, #tpu.memory_space<vmem_shared>> -> memref<128x128xf32, #tpu.memory_space<vmem_shared>>
      %dma_start3A_73 = arith.constant 0 : i32
      %dma_start3A_74 = tpu.memref_slice %arg5[%add3A_6, %dma_start3A_73] : memref<10112x128xf32, #tpu.memory_space<vmem_shared>> -> memref<128x128xf32, #tpu.memory_space<vmem_shared>>
      %dma_start3A_75 = arith.constant 0 : i32
      %dma_start3A_76 = arith.constant 0 : i32
      %dma_start3A_77 = tpu.memref_slice %arg6[%dma_start3A_75, %dma_start3A_76] : memref<256x128xf32, #tpu.memory_space<vmem>> -> memref<128x128xf32, #tpu.memory_space<vmem>>
      tpu.enqueue_dma source(%dma_start3A_77 : memref<128x128xf32, #tpu.memory_space<vmem>>) target(%dma_start3A_74 : memref<128x128xf32, #tpu.memory_space<vmem_shared>>) target_semaphore(%run_scoped3A_67 : memref<!tpu.dma_semaphore, #tpu.memory_space<semaphore_mem>>)
      %dma_wait3A_78 = arith.constant 0 : i32
      %dma_wait3A_79 = arith.constant 0 : i32
      %dma_wait3A_80 = tpu.memref_slice %arg6[%dma_wait3A_78, %dma_wait3A_79] : memref<256x128xf32, #tpu.memory_space<vmem>> -> memref<128x128xf32, #tpu.memory_space<vmem>>
      %dma_wait3A_81 = arith.constant 0 : i32
      %dma_wait3A_82 = tpu.memref_slice %arg5[%add3A_6, %dma_wait3A_81] : memref<10112x128xf32, #tpu.memory_space<vmem_shared>> -> memref<128x128xf32, #tpu.memory_space<vmem_shared>>
      %dma_wait3A_83 = arith.constant 0 : i32
      %dma_wait3A_84 = tpu.memref_slice %arg5[%add3A_6, %dma_wait3A_83] : memref<10112x128xf32, #tpu.memory_space<vmem_shared>> -> memref<128x128xf32, #tpu.memory_space<vmem_shared>>
      %dma_wait3A_85 = arith.constant 0 : i32
      %dma_wait3A_86 = arith.constant 0 : i32
      %dma_wait3A_87 = tpu.memref_slice %arg6[%dma_wait3A_85, %dma_wait3A_86] : memref<256x128xf32, #tpu.memory_space<vmem>> -> memref<128x128xf32, #tpu.memory_space<vmem>>
      tpu.wait_dma2 semaphore(%run_scoped3A_67 : memref<!tpu.dma_semaphore, #tpu.memory_space<semaphore_mem>>) src(%dma_wait3A_87 : memref<128x128xf32, #tpu.memory_space<vmem>>) dst(%dma_wait3A_84 : memref<128x128xf32, #tpu.memory_space<vmem_shared>>)
      tpu.yield
    }) : () -> ()
    %add3A_7 = arith.constant 128 : i32
    %add3A_8 = arith.addi %multiple_of3A, %add3A_7 : i32
    "tpu.region"() ({
      %run_scoped3A_67 = tpu.sem_alloc : memref<!tpu.dma_semaphore, #tpu.memory_space<semaphore_mem>>
      %dma_start3A_68 = arith.constant 0 : i32
      %dma_start3A_69 = arith.constant 0 : i32
      %dma_start3A_70 = tpu.memref_slice %arg6[%dma_start3A_68, %dma_start3A_69] : memref<256x128xf32, #tpu.memory_space<vmem>> -> memref<128x128xf32, #tpu.memory_space<vmem>>
      %dma_start3A_71 = arith.constant 0 : i32
      %dma_start3A_72 = tpu.memref_slice %arg5[%add3A_8, %dma_start3A_71] : memref<10112x128xf32, #tpu.memory_space<vmem_shared>> -> memref<128x128xf32, #tpu.memory_space<vmem_shared>>
      %dma_start3A_73 = arith.constant 0 : i32
      %dma_start3A_74 = tpu.memref_slice %arg5[%add3A_8, %dma_start3A_73] : memref<10112x128xf32, #tpu.memory_space<vmem_shared>> -> memref<128x128xf32, #tpu.memory_space<vmem_shared>>
      %dma_start3A_75 = arith.constant 0 : i32
      %dma_start3A_76 = arith.constant 0 : i32
      %dma_start3A_77 = tpu.memref_slice %arg6[%dma_start3A_75, %dma_start3A_76] : memref<256x128xf32, #tpu.memory_space<vmem>> -> memref<128x128xf32, #tpu.memory_space<vmem>>
      tpu.enqueue_dma source(%dma_start3A_77 : memref<128x128xf32, #tpu.memory_space<vmem>>) target(%dma_start3A_74 : memref<128x128xf32, #tpu.memory_space<vmem_shared>>) target_semaphore(%run_scoped3A_67 : memref<!tpu.dma_semaphore, #tpu.memory_space<semaphore_mem>>)
      %dma_wait3A_78 = arith.constant 0 : i32
      %dma_wait3A_79 = arith.constant 0 : i32
      %dma_wait3A_80 = tpu.memref_slice %arg6[%dma_wait3A_78, %dma_wait3A_79] : memref<256x128xf32, #tpu.memory_space<vmem>> -> memref<128x128xf32, #tpu.memory_space<vmem>>
      %dma_wait3A_81 = arith.constant 0 : i32
      %dma_wait3A_82 = tpu.memref_slice %arg5[%add3A_8, %dma_wait3A_81] : memref<10112x128xf32, #tpu.memory_space<vmem_shared>> -> memref<128x128xf32, #tpu.memory_space<vmem_shared>>
      %dma_wait3A_83 = arith.constant 0 : i32
      %dma_wait3A_84 = tpu.memref_slice %arg5[%add3A_8, %dma_wait3A_83] : memref<10112x128xf32, #tpu.memory_space<vmem_shared>> -> memref<128x128xf32, #tpu.memory_space<vmem_shared>>
      %dma_wait3A_85 = arith.constant 0 : i32
      %dma_wait3A_86 = arith.constant 0 : i32
      %dma_wait3A_87 = tpu.memref_slice %arg6[%dma_wait3A_85, %dma_wait3A_86] : memref<256x128xf32, #tpu.memory_space<vmem>> -> memref<128x128xf32, #tpu.memory_space<vmem>>
      tpu.wait_dma2 semaphore(%run_scoped3A_67 : memref<!tpu.dma_semaphore, #tpu.memory_space<semaphore_mem>>) src(%dma_wait3A_87 : memref<128x128xf32, #tpu.memory_space<vmem>>) dst(%dma_wait3A_84 : memref<128x128xf32, #tpu.memory_space<vmem_shared>>)
      tpu.yield
    }) : () -> ()
    %add3A_9 = arith.constant 256 : i32
    %add3A_10 = arith.addi %multiple_of3A, %add3A_9 : i32
    "tpu.region"() ({
      %run_scoped3A_67 = tpu.sem_alloc : memref<!tpu.dma_semaphore, #tpu.memory_space<semaphore_mem>>
      %dma_start3A_68 = arith.constant 0 : i32
      %dma_start3A_69 = arith.constant 0 : i32
      %dma_start3A_70 = tpu.memref_slice %arg6[%dma_start3A_68, %dma_start3A_69] : memref<256x128xf32, #tpu.memory_space<vmem>> -> memref<128x128xf32, #tpu.memory_space<vmem>>
      %dma_start3A_71 = arith.constant 0 : i32
      %dma_start3A_72 = tpu.memref_slice %arg5[%add3A_10, %dma_start3A_71] : memref<10112x128xf32, #tpu.memory_space<vmem_shared>> -> memref<128x128xf32, #tpu.memory_space<vmem_shared>>
      %dma_start3A_73 = arith.constant 0 : i32
      %dma_start3A_74 = tpu.memref_slice %arg5[%add3A_10, %dma_start3A_73] : memref<10112x128xf32, #tpu.memory_space<vmem_shared>> -> memref<128x128xf32, #tpu.memory_space<vmem_shared>>
      %dma_start3A_75 = arith.constant 0 : i32
      %dma_start3A_76 = arith.constant 0 : i32
      %dma_start3A_77 = tpu.memref_slice %arg6[%dma_start3A_75, %dma_start3A_76] : memref<256x128xf32, #tpu.memory_space<vmem>> -> memref<128x128xf32, #tpu.memory_space<vmem>>
      tpu.enqueue_dma source(%dma_start3A_77 : memref<128x128xf32, #tpu.memory_space<vmem>>) target(%dma_start3A_74 : memref<128x128xf32, #tpu.memory_space<vmem_shared>>) target_semaphore(%run_scoped3A_67 : memref<!tpu.dma_semaphore, #tpu.memory_space<semaphore_mem>>)
      %dma_wait3A_78 = arith.constant 0 : i32
      %dma_wait3A_79 = arith.constant 0 : i32
      %dma_wait3A_80 = tpu.memref_slice %arg6[%dma_wait3A_78, %dma_wait3A_79] : memref<256x128xf32, #tpu.memory_space<vmem>> -> memref<128x128xf32, #tpu.memory_space<vmem>>
      %dma_wait3A_81 = arith.constant 0 : i32
      %dma_wait3A_82 = tpu.memref_slice %arg5[%add3A_10, %dma_wait3A_81] : memref<10112x128xf32, #tpu.memory_space<vmem_shared>> -> memref<128x128xf32, #tpu.memory_space<vmem_shared>>
      %dma_wait3A_83 = arith.constant 0 : i32
      %dma_wait3A_84 = tpu.memref_slice %arg5[%add3A_10, %dma_wait3A_83] : memref<10112x128xf32, #tpu.memory_space<vmem_shared>> -> memref<128x128xf32, #tpu.memory_space<vmem_shared>>
      %dma_wait3A_85 = arith.constant 0 : i32
      %dma_wait3A_86 = arith.constant 0 : i32
      %dma_wait3A_87 = tpu.memref_slice %arg6[%dma_wait3A_85, %dma_wait3A_86] : memref<256x128xf32, #tpu.memory_space<vmem>> -> memref<128x128xf32, #tpu.memory_space<vmem>>
      tpu.wait_dma2 semaphore(%run_scoped3A_67 : memref<!tpu.dma_semaphore, #tpu.memory_space<semaphore_mem>>) src(%dma_wait3A_87 : memref<128x128xf32, #tpu.memory_space<vmem>>) dst(%dma_wait3A_84 : memref<128x128xf32, #tpu.memory_space<vmem_shared>>)
      tpu.yield
    }) : () -> ()
    %add3A_11 = arith.constant 384 : i32
    %add3A_12 = arith.addi %multiple_of3A, %add3A_11 : i32
    "tpu.region"() ({
      %run_scoped3A_67 = tpu.sem_alloc : memref<!tpu.dma_semaphore, #tpu.memory_space<semaphore_mem>>
      %dma_start3A_68 = arith.constant 0 : i32
      %dma_start3A_69 = arith.constant 0 : i32
      %dma_start3A_70 = tpu.memref_slice %arg6[%dma_start3A_68, %dma_start3A_69] : memref<256x128xf32, #tpu.memory_space<vmem>> -> memref<128x128xf32, #tpu.memory_space<vmem>>
      %dma_start3A_71 = arith.constant 0 : i32
      %dma_start3A_72 = tpu.memref_slice %arg5[%add3A_12, %dma_start3A_71] : memref<10112x128xf32, #tpu.memory_space<vmem_shared>> -> memref<128x128xf32, #tpu.memory_space<vmem_shared>>
      %dma_start3A_73 = arith.constant 0 : i32
      %dma_start3A_74 = tpu.memref_slice %arg5[%add3A_12, %dma_start3A_73] : memref<10112x128xf32, #tpu.memory_space<vmem_shared>> -> memref<128x128xf32, #tpu.memory_space<vmem_shared>>
      %dma_start3A_75 = arith.constant 0 : i32
      %dma_start3A_76 = arith.constant 0 : i32
      %dma_start3A_77 = tpu.memref_slice %arg6[%dma_start3A_75, %dma_start3A_76] : memref<256x128xf32, #tpu.memory_space<vmem>> -> memref<128x128xf32, #tpu.memory_space<vmem>>
      tpu.enqueue_dma source(%dma_start3A_77 : memref<128x128xf32, #tpu.memory_space<vmem>>) target(%dma_start3A_74 : memref<128x128xf32, #tpu.memory_space<vmem_shared>>) target_semaphore(%run_scoped3A_67 : memref<!tpu.dma_semaphore, #tpu.memory_space<semaphore_mem>>)
      %dma_wait3A_78 = arith.constant 0 : i32
      %dma_wait3A_79 = arith.constant 0 : i32
      %dma_wait3A_80 = tpu.memref_slice %arg6[%dma_wait3A_78, %dma_wait3A_79] : memref<256x128xf32, #tpu.memory_space<vmem>> -> memref<128x128xf32, #tpu.memory_space<vmem>>
      %dma_wait3A_81 = arith.constant 0 : i32
      %dma_wait3A_82 = tpu.memref_slice %arg5[%add3A_12, %dma_wait3A_81] : memref<10112x128xf32, #tpu.memory_space<vmem_shared>> -> memref<128x128xf32, #tpu.memory_space<vmem_shared>>
      %dma_wait3A_83 = arith.constant 0 : i32
      %dma_wait3A_84 = tpu.memref_slice %arg5[%add3A_12, %dma_wait3A_83] : memref<10112x128xf32, #tpu.memory_space<vmem_shared>> -> memref<128x128xf32, #tpu.memory_space<vmem_shared>>
      %dma_wait3A_85 = arith.constant 0 : i32
      %dma_wait3A_86 = arith.constant 0 : i32
      %dma_wait3A_87 = tpu.memref_slice %arg6[%dma_wait3A_85, %dma_wait3A_86] : memref<256x128xf32, #tpu.memory_space<vmem>> -> memref<128x128xf32, #tpu.memory_space<vmem>>
      tpu.wait_dma2 semaphore(%run_scoped3A_67 : memref<!tpu.dma_semaphore, #tpu.memory_space<semaphore_mem>>) src(%dma_wait3A_87 : memref<128x128xf32, #tpu.memory_space<vmem>>) dst(%dma_wait3A_84 : memref<128x128xf32, #tpu.memory_space<vmem_shared>>)
      tpu.yield
    }) : () -> ()
    %add3A_13 = arith.constant 512 : i32
    %add3A_14 = arith.addi %multiple_of3A, %add3A_13 : i32
    "tpu.region"() ({
      %run_scoped3A_67 = tpu.sem_alloc : memref<!tpu.dma_semaphore, #tpu.memory_space<semaphore_mem>>
      %dma_start3A_68 = arith.constant 0 : i32
      %dma_start3A_69 = arith.constant 0 : i32
      %dma_start3A_70 = tpu.memref_slice %arg6[%dma_start3A_68, %dma_start3A_69] : memref<256x128xf32, #tpu.memory_space<vmem>> -> memref<120x128xf32, #tpu.memory_space<vmem>>
      %dma_start3A_71 = arith.constant 0 : i32
      %dma_start3A_72 = tpu.memref_slice %arg5[%add3A_14, %dma_start3A_71] : memref<10112x128xf32, #tpu.memory_space<vmem_shared>> -> memref<120x128xf32, #tpu.memory_space<vmem_shared>>
      %dma_start3A_73 = arith.constant 0 : i32
      %dma_start3A_74 = tpu.memref_slice %arg5[%add3A_14, %dma_start3A_73] : memref<10112x128xf32, #tpu.memory_space<vmem_shared>> -> memref<120x128xf32, #tpu.memory_space<vmem_shared>>
      %dma_start3A_75 = arith.constant 0 : i32
      %dma_start3A_76 = arith.constant 0 : i32
      %dma_start3A_77 = tpu.memref_slice %arg6[%dma_start3A_75, %dma_start3A_76] : memref<256x128xf32, #tpu.memory_space<vmem>> -> memref<120x128xf32, #tpu.memory_space<vmem>>
      tpu.enqueue_dma source(%dma_start3A_77 : memref<120x128xf32, #tpu.memory_space<vmem>>) target(%dma_start3A_74 : memref<120x128xf32, #tpu.memory_space<vmem_shared>>) target_semaphore(%run_scoped3A_67 : memref<!tpu.dma_semaphore, #tpu.memory_space<semaphore_mem>>)
      %dma_wait3A_78 = arith.constant 0 : i32
      %dma_wait3A_79 = arith.constant 0 : i32
      %dma_wait3A_80 = tpu.memref_slice %arg6[%dma_wait3A_78, %dma_wait3A_79] : memref<256x128xf32, #tpu.memory_space<vmem>> -> memref<120x128xf32, #tpu.memory_space<vmem>>
      %dma_wait3A_81 = arith.constant 0 : i32
      %dma_wait3A_82 = tpu.memref_slice %arg5[%add3A_14, %dma_wait3A_81] : memref<10112x128xf32, #tpu.memory_space<vmem_shared>> -> memref<120x128xf32, #tpu.memory_space<vmem_shared>>
      %dma_wait3A_83 = arith.constant 0 : i32
      %dma_wait3A_84 = tpu.memref_slice %arg5[%add3A_14, %dma_wait3A_83] : memref<10112x128xf32, #tpu.memory_space<vmem_shared>> -> memref<120x128xf32, #tpu.memory_space<vmem_shared>>
      %dma_wait3A_85 = arith.constant 0 : i32
      %dma_wait3A_86 = arith.constant 0 : i32
      %dma_wait3A_87 = tpu.memref_slice %arg6[%dma_wait3A_85, %dma_wait3A_86] : memref<256x128xf32, #tpu.memory_space<vmem>> -> memref<120x128xf32, #tpu.memory_space<vmem>>
      tpu.wait_dma2 semaphore(%run_scoped3A_67 : memref<!tpu.dma_semaphore, #tpu.memory_space<semaphore_mem>>) src(%dma_wait3A_87 : memref<120x128xf32, #tpu.memory_space<vmem>>) dst(%dma_wait3A_84 : memref<120x128xf32, #tpu.memory_space<vmem_shared>>)
      tpu.yield
    }) : () -> ()
    %barrier3A = arith.constant 0 : index
    tpu.barrier barrier_id(%barrier3A)
    %mul3A_15 = arith.constant 20 : i32
    %mul3A_16 = arith.muli %arg1, %mul3A_15 : i32
    %add3A_17 = arith.constant 0 : i32
    %add3A_18 = arith.addi %mul3A_16, %add3A_17 : i32
    %mul3A_19 = arith.constant 2 : i32
    %mul3A_20 = arith.muli %add3A_18, %mul3A_19 : i32
    %mul3A_21 = arith.constant 8 : i32
    %mul3A_22 = arith.muli %mul3A_20, %mul3A_21 : i32
    %multiple_of3A_23 = tpu.assume_multiple %mul3A_22, 8 : i32
    %run_scoped3A = arith.constant 0 : i32
    "tpu.region"() ({
      %run_scoped3A_67 = tpu.sem_alloc : memref<!tpu.dma_semaphore, #tpu.memory_space<semaphore_mem>>
      %dma_start3A_68 = arith.constant 0 : i32
      %dma_start3A_69 = arith.constant 0 : i32
      %dma_start3A_70 = tpu.memref_slice %arg7[%run_scoped3A, %dma_start3A_68, %dma_start3A_69] : memref<3x16x128xi32, #tpu.memory_space<vmem>> -> memref<1x16x128xi32, #tpu.memory_space<vmem>>
      %dma_start3A_71 = tpu.memref_squeeze %dma_start3A_70 : memref<1x16x128xi32, #tpu.memory_space<vmem>> -> memref<16x128xi32, #tpu.memory_space<vmem>>
      %dma_start3A_72 = arith.constant 0 : i32
      %dma_start3A_73 = tpu.memref_slice %arg3[%arg0, %multiple_of3A_23, %dma_start3A_72] : memref<2x5120x128xi32, #tpu.memory_space<hbm>> -> memref<1x16x128xi32, #tpu.memory_space<hbm>>
      %dma_start3A_74 = tpu.memref_squeeze %dma_start3A_73 : memref<1x16x128xi32, #tpu.memory_space<hbm>> -> memref<16x128xi32, #tpu.memory_space<hbm>>
      %dma_start3A_75 = arith.constant 0 : i32
      %dma_start3A_76 = arith.constant 0 : i32
      %dma_start3A_77 = tpu.memref_slice %arg7[%run_scoped3A, %dma_start3A_75, %dma_start3A_76] : memref<3x16x128xi32, #tpu.memory_space<vmem>> -> memref<1x16x128xi32, #tpu.memory_space<vmem>>
      %dma_start3A_78 = tpu.memref_squeeze %dma_start3A_77 : memref<1x16x128xi32, #tpu.memory_space<vmem>> -> memref<16x128xi32, #tpu.memory_space<vmem>>
      %dma_start3A_79 = arith.constant 0 : i32
      %dma_start3A_80 = tpu.memref_slice %arg3[%arg0, %multiple_of3A_23, %dma_start3A_79] : memref<2x5120x128xi32, #tpu.memory_space<hbm>> -> memref<1x16x128xi32, #tpu.memory_space<hbm>>
      %dma_start3A_81 = tpu.memref_squeeze %dma_start3A_80 : memref<1x16x128xi32, #tpu.memory_space<hbm>> -> memref<16x128xi32, #tpu.memory_space<hbm>>
      tpu.enqueue_dma source(%dma_start3A_81 : memref<16x128xi32, #tpu.memory_space<hbm>>) target(%dma_start3A_78 : memref<16x128xi32, #tpu.memory_space<vmem>>) target_semaphore(%run_scoped3A_67 : memref<!tpu.dma_semaphore, #tpu.memory_space<semaphore_mem>>)
      %dma_wait3A_82 = arith.constant 0 : i32
      %dma_wait3A_83 = arith.constant 0 : i32
      %dma_wait3A_84 = tpu.memref_slice %arg7[%run_scoped3A, %dma_wait3A_82, %dma_wait3A_83] : memref<3x16x128xi32, #tpu.memory_space<vmem>> -> memref<1x16x128xi32, #tpu.memory_space<vmem>>
      %dma_wait3A_85 = tpu.memref_squeeze %dma_wait3A_84 : memref<1x16x128xi32, #tpu.memory_space<vmem>> -> memref<16x128xi32, #tpu.memory_space<vmem>>
      %dma_wait3A_86 = arith.constant 0 : i32
      %dma_wait3A_87 = tpu.memref_slice %arg3[%arg0, %multiple_of3A_23, %dma_wait3A_86] : memref<2x5120x128xi32, #tpu.memory_space<hbm>> -> memref<1x16x128xi32, #tpu.memory_space<hbm>>
      %dma_wait3A_88 = tpu.memref_squeeze %dma_wait3A_87 : memref<1x16x128xi32, #tpu.memory_space<hbm>> -> memref<16x128xi32, #tpu.memory_space<hbm>>
      %dma_wait3A_89 = arith.constant 0 : i32
      %dma_wait3A_90 = arith.constant 0 : i32
      %dma_wait3A_91 = tpu.memref_slice %arg7[%run_scoped3A, %dma_wait3A_89, %dma_wait3A_90] : memref<3x16x128xi32, #tpu.memory_space<vmem>> -> memref<1x16x128xi32, #tpu.memory_space<vmem>>
      %dma_wait3A_92 = tpu.memref_squeeze %dma_wait3A_91 : memref<1x16x128xi32, #tpu.memory_space<vmem>> -> memref<16x128xi32, #tpu.memory_space<vmem>>
      %dma_wait3A_93 = arith.constant 0 : i32
      %dma_wait3A_94 = tpu.memref_slice %arg3[%arg0, %multiple_of3A_23, %dma_wait3A_93] : memref<2x5120x128xi32, #tpu.memory_space<hbm>> -> memref<1x16x128xi32, #tpu.memory_space<hbm>>
      %dma_wait3A_95 = tpu.memref_squeeze %dma_wait3A_94 : memref<1x16x128xi32, #tpu.memory_space<hbm>> -> memref<16x128xi32, #tpu.memory_space<hbm>>
      tpu.wait_dma2 semaphore(%run_scoped3A_67 : memref<!tpu.dma_semaphore, #tpu.memory_space<semaphore_mem>>) src(%dma_wait3A_95 : memref<16x128xi32, #tpu.memory_space<hbm>>) dst(%dma_wait3A_92 : memref<16x128xi32, #tpu.memory_space<vmem>>)
      tpu.yield
    }) : () -> ()
    %dma_start3A = arith.constant 0 : i32
    %dma_start3A_24 = arith.constant 0 : i32
    %dma_start3A_25 = arith.constant 0 : i32
    %dma_start3A_26 = arith.constant 0 : i32
    %dma_start3A_27 = tpu.memref_slice %arg6[%dma_start3A_25, %dma_start3A_26] : memref<256x128xf32, #tpu.memory_space<vmem>> -> memref<128x128xf32, #tpu.memory_space<vmem>>
    %dma_start3A_28 = arith.constant 0 : i32
    %dma_start3A_29 = tpu.memref_slice %arg7[%dma_start3A, %dma_start3A_24, %dma_start3A_28] : memref<3x16x128xi32, #tpu.memory_space<vmem>> -> memref<1x1x128xi32, #tpu.memory_space<vmem>>
    %dma_start3A_30 = tpu.memref_squeeze %dma_start3A_29 : memref<1x1x128xi32, #tpu.memory_space<vmem>> -> memref<128xi32, #tpu.memory_space<vmem>>
    %dma_start3A_31 = arith.constant 0 : i32
    %dma_start3A_32 = arith.constant 0 : i32
    %dma_start3A_33 = tpu.memref_slice %arg2[%dma_start3A_31, %dma_start3A_32] : memref<20000x128xf32, #tpu.memory_space<hbm>> -> memref<20000x128xf32, #tpu.memory_space<hbm>>
    tpu.enqueue_indirect_dma source(%dma_start3A_33 : memref<20000x128xf32, #tpu.memory_space<hbm>>) target(%dma_start3A_27 : memref<128x128xf32, #tpu.memory_space<vmem>>) offsets(%dma_start3A_30 : memref<128xi32, #tpu.memory_space<vmem>>) semaphore(%arg8 : memref<!tpu.dma_semaphore, #tpu.memory_space<semaphore_mem>>)
    %scan3A_34 = arith.constant 0 : i32
    %scan3A_35 = arith.constant 0 : i32
    %scan3A_36 = arith.constant 20 : i32
    %scan3A_37 = arith.addi %scan3A_35, %scan3A_36 : i32
    %scan3A_38 = arith.constant 1 : i32
    scf.for %scan3A_67 = %scan3A_35 to %scan3A_37 step %scan3A_38  : i32 {
      %jit3A = arith.constant 3 : i32
      %eq3A_68 = arith.constant 0 : i32
      %eq3A_69 = arith.cmpi eq, %jit3A, %eq3A_68 : i32
      %jit3A_70 = arith.constant 1 : i32
      %select_n3A = arith.select %eq3A_69, %jit3A_70, %jit3A : i32
      %rem3A = arith.remsi %scan3A_67, %select_n3A : i32
      %ne3A = arith.constant 0 : i32
      %ne3A_71 = arith.cmpi ne, %rem3A, %ne3A : i32
      %lt3A_72 = arith.constant 0 : i32
      %lt3A_73 = arith.cmpi slt, %rem3A, %lt3A_72 : i32
      %lt3A_74 = arith.constant 0 : i32
      %lt3A_75 = arith.cmpi slt, %select_n3A, %lt3A_74 : i32
      %ne3A_76 = arith.xori %lt3A_73, %lt3A_75 : i1
      %and3A = arith.andi %ne3A_76, %ne3A_71 : i1
      %add3A_77 = arith.addi %rem3A, %select_n3A : i32
      %select_n3A_78 = arith.select %and3A, %add3A_77, %rem3A : i32
      %lt3A_79 = arith.constant 19 : i32
      %lt3A_80 = arith.cmpi slt, %scan3A_67, %lt3A_79 : i32
      %convert_element_type3A_81 = arith.extui %lt3A_80 : i1 to i32
      %cond3A_82 = arith.constant 0 : i32
      %cond3A_83 = arith.cmpi ne, %convert_element_type3A_81, %cond3A_82 : i32
      scf.if %cond3A_83 {
        %add3A_375 = arith.constant 1 : i32
        %add3A_376 = arith.addi %scan3A_67, %add3A_375 : i32
        %add3A_377 = arith.constant 1 : i32
        %add3A_378 = arith.addi %scan3A_67, %add3A_377 : i32
        %jit3A_379 = arith.constant 3 : i32
        %eq3A_380 = arith.constant 0 : i32
        %eq3A_381 = arith.cmpi eq, %jit3A_379, %eq3A_380 : i32
        %jit3A_382 = arith.constant 1 : i32
        %select_n3A_383 = arith.select %eq3A_381, %jit3A_382, %jit3A_379 : i32
        %rem3A_384 = arith.remsi %add3A_378, %select_n3A_383 : i32
        %ne3A_385 = arith.constant 0 : i32
        %ne3A_386 = arith.cmpi ne, %rem3A_384, %ne3A_385 : i32
        %lt3A_387 = arith.constant 0 : i32
        %lt3A_388 = arith.cmpi slt, %rem3A_384, %lt3A_387 : i32
        %lt3A_389 = arith.constant 0 : i32
        %lt3A_390 = arith.cmpi slt, %select_n3A_383, %lt3A_389 : i32
        %ne3A_391 = arith.xori %lt3A_388, %lt3A_390 : i1
        %and3A_392 = arith.andi %ne3A_391, %ne3A_386 : i1
        %add3A_393 = arith.addi %rem3A_384, %select_n3A_383 : i32
        %select_n3A_394 = arith.select %and3A_392, %add3A_393, %rem3A_384 : i32
        %mul3A_395 = arith.constant 20 : i32
        %mul3A_396 = arith.muli %arg1, %mul3A_395 : i32
        %add3A_397 = arith.addi %mul3A_396, %add3A_376 : i32
        %mul3A_398 = arith.constant 2 : i32
        %mul3A_399 = arith.muli %add3A_397, %mul3A_398 : i32
        %mul3A_400 = arith.constant 8 : i32
        %mul3A_401 = arith.muli %mul3A_399, %mul3A_400 : i32
        %multiple_of3A_402 = tpu.assume_multiple %mul3A_401, 8 : i32
        "tpu.region"() ({
          %run_scoped3A_403 = tpu.sem_alloc : memref<!tpu.dma_semaphore, #tpu.memory_space<semaphore_mem>>
          %dma_start3A_404 = arith.constant 0 : i32
          %dma_start3A_405 = arith.constant 0 : i32
          %dma_start3A_406 = tpu.memref_slice %arg7[%select_n3A_394, %dma_start3A_404, %dma_start3A_405] : memref<3x16x128xi32, #tpu.memory_space<vmem>> -> memref<1x16x128xi32, #tpu.memory_space<vmem>>
          %dma_start3A_407 = tpu.memref_squeeze %dma_start3A_406 : memref<1x16x128xi32, #tpu.memory_space<vmem>> -> memref<16x128xi32, #tpu.memory_space<vmem>>
          %dma_start3A_408 = arith.constant 0 : i32
          %dma_start3A_409 = tpu.memref_slice %arg3[%arg0, %multiple_of3A_402, %dma_start3A_408] : memref<2x5120x128xi32, #tpu.memory_space<hbm>> -> memref<1x16x128xi32, #tpu.memory_space<hbm>>
          %dma_start3A_410 = tpu.memref_squeeze %dma_start3A_409 : memref<1x16x128xi32, #tpu.memory_space<hbm>> -> memref<16x128xi32, #tpu.memory_space<hbm>>
          %dma_start3A_411 = arith.constant 0 : i32
          %dma_start3A_412 = arith.constant 0 : i32
          %dma_start3A_413 = tpu.memref_slice %arg7[%select_n3A_394, %dma_start3A_411, %dma_start3A_412] : memref<3x16x128xi32, #tpu.memory_space<vmem>> -> memref<1x16x128xi32, #tpu.memory_space<vmem>>
          %dma_start3A_414 = tpu.memref_squeeze %dma_start3A_413 : memref<1x16x128xi32, #tpu.memory_space<vmem>> -> memref<16x128xi32, #tpu.memory_space<vmem>>
          %dma_start3A_415 = arith.constant 0 : i32
          %dma_start3A_416 = tpu.memref_slice %arg3[%arg0, %multiple_of3A_402, %dma_start3A_415] : memref<2x5120x128xi32, #tpu.memory_space<hbm>> -> memref<1x16x128xi32, #tpu.memory_space<hbm>>
          %dma_start3A_417 = tpu.memref_squeeze %dma_start3A_416 : memref<1x16x128xi32, #tpu.memory_space<hbm>> -> memref<16x128xi32, #tpu.memory_space<hbm>>
          tpu.enqueue_dma source(%dma_start3A_417 : memref<16x128xi32, #tpu.memory_space<hbm>>) target(%dma_start3A_414 : memref<16x128xi32, #tpu.memory_space<vmem>>) target_semaphore(%run_scoped3A_403 : memref<!tpu.dma_semaphore, #tpu.memory_space<semaphore_mem>>)
          %dma_wait3A_418 = arith.constant 0 : i32
          %dma_wait3A_419 = arith.constant 0 : i32
          %dma_wait3A_420 = tpu.memref_slice %arg7[%select_n3A_394, %dma_wait3A_418, %dma_wait3A_419] : memref<3x16x128xi32, #tpu.memory_space<vmem>> -> memref<1x16x128xi32, #tpu.memory_space<vmem>>
          %dma_wait3A_421 = tpu.memref_squeeze %dma_wait3A_420 : memref<1x16x128xi32, #tpu.memory_space<vmem>> -> memref<16x128xi32, #tpu.memory_space<vmem>>
          %dma_wait3A_422 = arith.constant 0 : i32
          %dma_wait3A_423 = tpu.memref_slice %arg3[%arg0, %multiple_of3A_402, %dma_wait3A_422] : memref<2x5120x128xi32, #tpu.memory_space<hbm>> -> memref<1x16x128xi32, #tpu.memory_space<hbm>>
          %dma_wait3A_424 = tpu.memref_squeeze %dma_wait3A_423 : memref<1x16x128xi32, #tpu.memory_space<hbm>> -> memref<16x128xi32, #tpu.memory_space<hbm>>
          %dma_wait3A_425 = arith.constant 0 : i32
          %dma_wait3A_426 = arith.constant 0 : i32
          %dma_wait3A_427 = tpu.memref_slice %arg7[%select_n3A_394, %dma_wait3A_425, %dma_wait3A_426] : memref<3x16x128xi32, #tpu.memory_space<vmem>> -> memref<1x16x128xi32, #tpu.memory_space<vmem>>
          %dma_wait3A_428 = tpu.memref_squeeze %dma_wait3A_427 : memref<1x16x128xi32, #tpu.memory_space<vmem>> -> memref<16x128xi32, #tpu.memory_space<vmem>>
          %dma_wait3A_429 = arith.constant 0 : i32
          %dma_wait3A_430 = tpu.memref_slice %arg3[%arg0, %multiple_of3A_402, %dma_wait3A_429] : memref<2x5120x128xi32, #tpu.memory_space<hbm>> -> memref<1x16x128xi32, #tpu.memory_space<hbm>>
          %dma_wait3A_431 = tpu.memref_squeeze %dma_wait3A_430 : memref<1x16x128xi32, #tpu.memory_space<hbm>> -> memref<16x128xi32, #tpu.memory_space<hbm>>
          tpu.wait_dma2 semaphore(%run_scoped3A_403 : memref<!tpu.dma_semaphore, #tpu.memory_space<semaphore_mem>>) src(%dma_wait3A_431 : memref<16x128xi32, #tpu.memory_space<hbm>>) dst(%dma_wait3A_428 : memref<16x128xi32, #tpu.memory_space<vmem>>)
          tpu.yield
        }) : () -> ()
      } else {
      }
      %dma_wait3A_84 = arith.constant 0 : i32
      %dma_wait3A_85 = arith.constant 0 : i32
      %dma_wait3A_86 = tpu.memref_slice %arg6[%dma_wait3A_84, %dma_wait3A_85] : memref<256x128xf32, #tpu.memory_space<vmem>> -> memref<128x128xf32, #tpu.memory_space<vmem>>
      %dma_wait3A_87 = arith.constant 0 : i32
      %dma_wait3A_88 = arith.constant 0 : i32
      %dma_wait3A_89 = tpu.memref_slice %arg2[%dma_wait3A_87, %dma_wait3A_88] : memref<20000x128xf32, #tpu.memory_space<hbm>> -> memref<128x128xf32, #tpu.memory_space<hbm>>
      %dma_wait3A_90 = arith.constant 0 : i32
      %dma_wait3A_91 = arith.constant 0 : i32
      %dma_wait3A_92 = tpu.memref_slice %arg6[%dma_wait3A_90, %dma_wait3A_91] : memref<256x128xf32, #tpu.memory_space<vmem>> -> memref<128x128xf32, #tpu.memory_space<vmem>>
      %dma_wait3A_93 = arith.constant 0 : i32
      %dma_wait3A_94 = arith.constant 0 : i32
      %dma_wait3A_95 = tpu.memref_slice %arg2[%dma_wait3A_93, %dma_wait3A_94] : memref<20000x128xf32, #tpu.memory_space<hbm>> -> memref<128x128xf32, #tpu.memory_space<hbm>>
      tpu.wait_dma2 semaphore(%arg8 : memref<!tpu.dma_semaphore, #tpu.memory_space<semaphore_mem>>) src(%dma_wait3A_95 : memref<128x128xf32, #tpu.memory_space<hbm>>) dst(%dma_wait3A_92 : memref<128x128xf32, #tpu.memory_space<vmem>>)
      %dma_start3A_96 = arith.constant 1 : i32
      %dma_start3A_97 = arith.constant 0 : i32
      %dma_start3A_98 = arith.constant 0 : i32
      %dma_start3A_99 = tpu.memref_slice %arg6[%dma_start3A_97, %dma_start3A_98] : memref<256x128xf32, #tpu.memory_space<vmem>> -> memref<128x128xf32, #tpu.memory_space<vmem>>
      %dma_start3A_100 = arith.constant 0 : i32
      %dma_start3A_101 = tpu.memref_slice %arg7[%select_n3A_78, %dma_start3A_96, %dma_start3A_100] : memref<3x16x128xi32, #tpu.memory_space<vmem>> -> memref<1x1x128xi32, #tpu.memory_space<vmem>>
      %dma_start3A_102 = tpu.memref_squeeze %dma_start3A_101 : memref<1x1x128xi32, #tpu.memory_space<vmem>> -> memref<128xi32, #tpu.memory_space<vmem>>
      %dma_start3A_103 = arith.constant 0 : i32
      %dma_start3A_104 = arith.constant 0 : i32
      %dma_start3A_105 = tpu.memref_slice %arg5[%dma_start3A_103, %dma_start3A_104] : memref<10112x128xf32, #tpu.memory_space<vmem_shared>> -> memref<10112x128xf32, #tpu.memory_space<vmem_shared>>
      tpu.enqueue_indirect_dma source(%dma_start3A_99 : memref<128x128xf32, #tpu.memory_space<vmem>>) target(%dma_start3A_105 : memref<10112x128xf32, #tpu.memory_space<vmem_shared>>) offsets(%dma_start3A_102 : memref<128xi32, #tpu.memory_space<vmem>>) semaphore(%arg10 : memref<!tpu.dma_semaphore, #tpu.memory_space<semaphore_mem>>) {add = true}
      %gt3A = arith.constant 0 : i32
      %gt3A_106 = arith.cmpi sgt, %scan3A_67, %gt3A : i32
      %convert_element_type3A_107 = arith.extui %gt3A_106 : i1 to i32
      %cond3A_108 = arith.constant 0 : i32
      %cond3A_109 = arith.cmpi ne, %convert_element_type3A_107, %cond3A_108 : i32
      scf.if %cond3A_109 {
        %dma_wait3A_375 = arith.constant 0 : i32
        %dma_wait3A_376 = arith.constant 0 : i32
        %dma_wait3A_377 = tpu.memref_slice %arg5[%dma_wait3A_375, %dma_wait3A_376] : memref<10112x128xf32, #tpu.memory_space<vmem_shared>> -> memref<128x128xf32, #tpu.memory_space<vmem_shared>>
        %dma_wait3A_378 = arith.constant 0 : i32
        %dma_wait3A_379 = arith.constant 0 : i32
        %dma_wait3A_380 = tpu.memref_slice %arg2[%dma_wait3A_378, %dma_wait3A_379] : memref<20000x128xf32, #tpu.memory_space<hbm>> -> memref<128x128xf32, #tpu.memory_space<hbm>>
        tpu.wait_dma2 semaphore(%arg11 : memref<!tpu.dma_semaphore, #tpu.memory_space<semaphore_mem>>) src(%dma_wait3A_380 : memref<128x128xf32, #tpu.memory_space<hbm>>) dst(%dma_wait3A_377 : memref<128x128xf32, #tpu.memory_space<vmem_shared>>)
      } else {
      }
      %dma_start3A_110 = arith.constant 2 : i32
      %dma_start3A_111 = arith.constant 128 : i32
      %dma_start3A_112 = arith.constant 0 : i32
      %dma_start3A_113 = tpu.memref_slice %arg6[%dma_start3A_111, %dma_start3A_112] : memref<256x128xf32, #tpu.memory_space<vmem>> -> memref<128x128xf32, #tpu.memory_space<vmem>>
      %dma_start3A_114 = arith.constant 0 : i32
      %dma_start3A_115 = tpu.memref_slice %arg7[%select_n3A_78, %dma_start3A_110, %dma_start3A_114] : memref<3x16x128xi32, #tpu.memory_space<vmem>> -> memref<1x1x128xi32, #tpu.memory_space<vmem>>
      %dma_start3A_116 = tpu.memref_squeeze %dma_start3A_115 : memref<1x1x128xi32, #tpu.memory_space<vmem>> -> memref<128xi32, #tpu.memory_space<vmem>>
      %dma_start3A_117 = arith.constant 0 : i32
      %dma_start3A_118 = arith.constant 0 : i32
      %dma_start3A_119 = tpu.memref_slice %arg2[%dma_start3A_117, %dma_start3A_118] : memref<20000x128xf32, #tpu.memory_space<hbm>> -> memref<20000x128xf32, #tpu.memory_space<hbm>>
      tpu.enqueue_indirect_dma source(%dma_start3A_119 : memref<20000x128xf32, #tpu.memory_space<hbm>>) target(%dma_start3A_113 : memref<128x128xf32, #tpu.memory_space<vmem>>) offsets(%dma_start3A_116 : memref<128xi32, #tpu.memory_space<vmem>>) semaphore(%arg9 : memref<!tpu.dma_semaphore, #tpu.memory_space<semaphore_mem>>)
      %dma_wait3A_120 = arith.constant 128 : i32
      %dma_wait3A_121 = arith.constant 0 : i32
      %dma_wait3A_122 = tpu.memref_slice %arg6[%dma_wait3A_120, %dma_wait3A_121] : memref<256x128xf32, #tpu.memory_space<vmem>> -> memref<128x128xf32, #tpu.memory_space<vmem>>
      %dma_wait3A_123 = arith.constant 0 : i32
      %dma_wait3A_124 = arith.constant 0 : i32
      %dma_wait3A_125 = tpu.memref_slice %arg2[%dma_wait3A_123, %dma_wait3A_124] : memref<20000x128xf32, #tpu.memory_space<hbm>> -> memref<128x128xf32, #tpu.memory_space<hbm>>
      %dma_wait3A_126 = arith.constant 128 : i32
      %dma_wait3A_127 = arith.constant 0 : i32
      %dma_wait3A_128 = tpu.memref_slice %arg6[%dma_wait3A_126, %dma_wait3A_127] : memref<256x128xf32, #tpu.memory_space<vmem>> -> memref<128x128xf32, #tpu.memory_space<vmem>>
      %dma_wait3A_129 = arith.constant 0 : i32
      %dma_wait3A_130 = arith.constant 0 : i32
      %dma_wait3A_131 = tpu.memref_slice %arg2[%dma_wait3A_129, %dma_wait3A_130] : memref<20000x128xf32, #tpu.memory_space<hbm>> -> memref<128x128xf32, #tpu.memory_space<hbm>>
      tpu.wait_dma2 semaphore(%arg9 : memref<!tpu.dma_semaphore, #tpu.memory_space<semaphore_mem>>) src(%dma_wait3A_131 : memref<128x128xf32, #tpu.memory_space<hbm>>) dst(%dma_wait3A_128 : memref<128x128xf32, #tpu.memory_space<vmem>>)
      %dma_start3A_132 = arith.constant 3 : i32
      %dma_start3A_133 = arith.constant 128 : i32
      %dma_start3A_134 = arith.constant 0 : i32
      %dma_start3A_135 = tpu.memref_slice %arg6[%dma_start3A_133, %dma_start3A_134] : memref<256x128xf32, #tpu.memory_space<vmem>> -> memref<128x128xf32, #tpu.memory_space<vmem>>
      %dma_start3A_136 = arith.constant 0 : i32
      %dma_start3A_137 = tpu.memref_slice %arg7[%select_n3A_78, %dma_start3A_132, %dma_start3A_136] : memref<3x16x128xi32, #tpu.memory_space<vmem>> -> memref<1x1x128xi32, #tpu.memory_space<vmem>>
      %dma_start3A_138 = tpu.memref_squeeze %dma_start3A_137 : memref<1x1x128xi32, #tpu.memory_space<vmem>> -> memref<128xi32, #tpu.memory_space<vmem>>
      %dma_start3A_139 = arith.constant 0 : i32
      %dma_start3A_140 = arith.constant 0 : i32
      %dma_start3A_141 = tpu.memref_slice %arg5[%dma_start3A_139, %dma_start3A_140] : memref<10112x128xf32, #tpu.memory_space<vmem_shared>> -> memref<10112x128xf32, #tpu.memory_space<vmem_shared>>
      tpu.enqueue_indirect_dma source(%dma_start3A_135 : memref<128x128xf32, #tpu.memory_space<vmem>>) target(%dma_start3A_141 : memref<10112x128xf32, #tpu.memory_space<vmem_shared>>) offsets(%dma_start3A_138 : memref<128xi32, #tpu.memory_space<vmem>>) semaphore(%arg11 : memref<!tpu.dma_semaphore, #tpu.memory_space<semaphore_mem>>) {add = true}
      %dma_wait3A_142 = arith.constant 0 : i32
      %dma_wait3A_143 = arith.constant 0 : i32
      %dma_wait3A_144 = tpu.memref_slice %arg5[%dma_wait3A_142, %dma_wait3A_143] : memref<10112x128xf32, #tpu.memory_space<vmem_shared>> -> memref<128x128xf32, #tpu.memory_space<vmem_shared>>
      %dma_wait3A_145 = arith.constant 0 : i32
      %dma_wait3A_146 = arith.constant 0 : i32
      %dma_wait3A_147 = tpu.memref_slice %arg2[%dma_wait3A_145, %dma_wait3A_146] : memref<20000x128xf32, #tpu.memory_space<hbm>> -> memref<128x128xf32, #tpu.memory_space<hbm>>
      tpu.wait_dma2 semaphore(%arg10 : memref<!tpu.dma_semaphore, #tpu.memory_space<semaphore_mem>>) src(%dma_wait3A_147 : memref<128x128xf32, #tpu.memory_space<hbm>>) dst(%dma_wait3A_144 : memref<128x128xf32, #tpu.memory_space<vmem_shared>>)
      %dma_start3A_148 = arith.constant 4 : i32
      %dma_start3A_149 = arith.constant 0 : i32
      %dma_start3A_150 = arith.constant 0 : i32
      %dma_start3A_151 = tpu.memref_slice %arg6[%dma_start3A_149, %dma_start3A_150] : memref<256x128xf32, #tpu.memory_space<vmem>> -> memref<128x128xf32, #tpu.memory_space<vmem>>
      %dma_start3A_152 = arith.constant 0 : i32
      %dma_start3A_153 = tpu.memref_slice %arg7[%select_n3A_78, %dma_start3A_148, %dma_start3A_152] : memref<3x16x128xi32, #tpu.memory_space<vmem>> -> memref<1x1x128xi32, #tpu.memory_space<vmem>>
      %dma_start3A_154 = tpu.memref_squeeze %dma_start3A_153 : memref<1x1x128xi32, #tpu.memory_space<vmem>> -> memref<128xi32, #tpu.memory_space<vmem>>
      %dma_start3A_155 = arith.constant 0 : i32
      %dma_start3A_156 = arith.constant 0 : i32
      %dma_start3A_157 = tpu.memref_slice %arg2[%dma_start3A_155, %dma_start3A_156] : memref<20000x128xf32, #tpu.memory_space<hbm>> -> memref<20000x128xf32, #tpu.memory_space<hbm>>
      tpu.enqueue_indirect_dma source(%dma_start3A_157 : memref<20000x128xf32, #tpu.memory_space<hbm>>) target(%dma_start3A_151 : memref<128x128xf32, #tpu.memory_space<vmem>>) offsets(%dma_start3A_154 : memref<128xi32, #tpu.memory_space<vmem>>) semaphore(%arg8 : memref<!tpu.dma_semaphore, #tpu.memory_space<semaphore_mem>>)
      %dma_wait3A_158 = arith.constant 0 : i32
      %dma_wait3A_159 = arith.constant 0 : i32
      %dma_wait3A_160 = tpu.memref_slice %arg6[%dma_wait3A_158, %dma_wait3A_159] : memref<256x128xf32, #tpu.memory_space<vmem>> -> memref<128x128xf32, #tpu.memory_space<vmem>>
      %dma_wait3A_161 = arith.constant 0 : i32
      %dma_wait3A_162 = arith.constant 0 : i32
      %dma_wait3A_163 = tpu.memref_slice %arg2[%dma_wait3A_161, %dma_wait3A_162] : memref<20000x128xf32, #tpu.memory_space<hbm>> -> memref<128x128xf32, #tpu.memory_space<hbm>>
      %dma_wait3A_164 = arith.constant 0 : i32
      %dma_wait3A_165 = arith.constant 0 : i32
      %dma_wait3A_166 = tpu.memref_slice %arg6[%dma_wait3A_164, %dma_wait3A_165] : memref<256x128xf32, #tpu.memory_space<vmem>> -> memref<128x128xf32, #tpu.memory_space<vmem>>
      %dma_wait3A_167 = arith.constant 0 : i32
      %dma_wait3A_168 = arith.constant 0 : i32
      %dma_wait3A_169 = tpu.memref_slice %arg2[%dma_wait3A_167, %dma_wait3A_168] : memref<20000x128xf32, #tpu.memory_space<hbm>> -> memref<128x128xf32, #tpu.memory_space<hbm>>
      tpu.wait_dma2 semaphore(%arg8 : memref<!tpu.dma_semaphore, #tpu.memory_space<semaphore_mem>>) src(%dma_wait3A_169 : memref<128x128xf32, #tpu.memory_space<hbm>>) dst(%dma_wait3A_166 : memref<128x128xf32, #tpu.memory_space<vmem>>)
      %dma_start3A_170 = arith.constant 5 : i32
      %dma_start3A_171 = arith.constant 0 : i32
      %dma_start3A_172 = arith.constant 0 : i32
      %dma_start3A_173 = tpu.memref_slice %arg6[%dma_start3A_171, %dma_start3A_172] : memref<256x128xf32, #tpu.memory_space<vmem>> -> memref<128x128xf32, #tpu.memory_space<vmem>>
      %dma_start3A_174 = arith.constant 0 : i32
      %dma_start3A_175 = tpu.memref_slice %arg7[%select_n3A_78, %dma_start3A_170, %dma_start3A_174] : memref<3x16x128xi32, #tpu.memory_space<vmem>> -> memref<1x1x128xi32, #tpu.memory_space<vmem>>
      %dma_start3A_176 = tpu.memref_squeeze %dma_start3A_175 : memref<1x1x128xi32, #tpu.memory_space<vmem>> -> memref<128xi32, #tpu.memory_space<vmem>>
      %dma_start3A_177 = arith.constant 0 : i32
      %dma_start3A_178 = arith.constant 0 : i32
      %dma_start3A_179 = tpu.memref_slice %arg5[%dma_start3A_177, %dma_start3A_178] : memref<10112x128xf32, #tpu.memory_space<vmem_shared>> -> memref<10112x128xf32, #tpu.memory_space<vmem_shared>>
      tpu.enqueue_indirect_dma source(%dma_start3A_173 : memref<128x128xf32, #tpu.memory_space<vmem>>) target(%dma_start3A_179 : memref<10112x128xf32, #tpu.memory_space<vmem_shared>>) offsets(%dma_start3A_176 : memref<128xi32, #tpu.memory_space<vmem>>) semaphore(%arg10 : memref<!tpu.dma_semaphore, #tpu.memory_space<semaphore_mem>>) {add = true}
      %dma_wait3A_180 = arith.constant 0 : i32
      %dma_wait3A_181 = arith.constant 0 : i32
      %dma_wait3A_182 = tpu.memref_slice %arg5[%dma_wait3A_180, %dma_wait3A_181] : memref<10112x128xf32, #tpu.memory_space<vmem_shared>> -> memref<128x128xf32, #tpu.memory_space<vmem_shared>>
      %dma_wait3A_183 = arith.constant 0 : i32
      %dma_wait3A_184 = arith.constant 0 : i32
      %dma_wait3A_185 = tpu.memref_slice %arg2[%dma_wait3A_183, %dma_wait3A_184] : memref<20000x128xf32, #tpu.memory_space<hbm>> -> memref<128x128xf32, #tpu.memory_space<hbm>>
      tpu.wait_dma2 semaphore(%arg11 : memref<!tpu.dma_semaphore, #tpu.memory_space<semaphore_mem>>) src(%dma_wait3A_185 : memref<128x128xf32, #tpu.memory_space<hbm>>) dst(%dma_wait3A_182 : memref<128x128xf32, #tpu.memory_space<vmem_shared>>)
      %dma_start3A_186 = arith.constant 6 : i32
      %dma_start3A_187 = arith.constant 128 : i32
      %dma_start3A_188 = arith.constant 0 : i32
      %dma_start3A_189 = tpu.memref_slice %arg6[%dma_start3A_187, %dma_start3A_188] : memref<256x128xf32, #tpu.memory_space<vmem>> -> memref<128x128xf32, #tpu.memory_space<vmem>>
      %dma_start3A_190 = arith.constant 0 : i32
      %dma_start3A_191 = tpu.memref_slice %arg7[%select_n3A_78, %dma_start3A_186, %dma_start3A_190] : memref<3x16x128xi32, #tpu.memory_space<vmem>> -> memref<1x1x128xi32, #tpu.memory_space<vmem>>
      %dma_start3A_192 = tpu.memref_squeeze %dma_start3A_191 : memref<1x1x128xi32, #tpu.memory_space<vmem>> -> memref<128xi32, #tpu.memory_space<vmem>>
      %dma_start3A_193 = arith.constant 0 : i32
      %dma_start3A_194 = arith.constant 0 : i32
      %dma_start3A_195 = tpu.memref_slice %arg2[%dma_start3A_193, %dma_start3A_194] : memref<20000x128xf32, #tpu.memory_space<hbm>> -> memref<20000x128xf32, #tpu.memory_space<hbm>>
      tpu.enqueue_indirect_dma source(%dma_start3A_195 : memref<20000x128xf32, #tpu.memory_space<hbm>>) target(%dma_start3A_189 : memref<128x128xf32, #tpu.memory_space<vmem>>) offsets(%dma_start3A_192 : memref<128xi32, #tpu.memory_space<vmem>>) semaphore(%arg9 : memref<!tpu.dma_semaphore, #tpu.memory_space<semaphore_mem>>)
      %dma_wait3A_196 = arith.constant 128 : i32
      %dma_wait3A_197 = arith.constant 0 : i32
      %dma_wait3A_198 = tpu.memref_slice %arg6[%dma_wait3A_196, %dma_wait3A_197] : memref<256x128xf32, #tpu.memory_space<vmem>> -> memref<128x128xf32, #tpu.memory_space<vmem>>
      %dma_wait3A_199 = arith.constant 0 : i32
      %dma_wait3A_200 = arith.constant 0 : i32
      %dma_wait3A_201 = tpu.memref_slice %arg2[%dma_wait3A_199, %dma_wait3A_200] : memref<20000x128xf32, #tpu.memory_space<hbm>> -> memref<128x128xf32, #tpu.memory_space<hbm>>
      %dma_wait3A_202 = arith.constant 128 : i32
      %dma_wait3A_203 = arith.constant 0 : i32
      %dma_wait3A_204 = tpu.memref_slice %arg6[%dma_wait3A_202, %dma_wait3A_203] : memref<256x128xf32, #tpu.memory_space<vmem>> -> memref<128x128xf32, #tpu.memory_space<vmem>>
      %dma_wait3A_205 = arith.constant 0 : i32
      %dma_wait3A_206 = arith.constant 0 : i32
      %dma_wait3A_207 = tpu.memref_slice %arg2[%dma_wait3A_205, %dma_wait3A_206] : memref<20000x128xf32, #tpu.memory_space<hbm>> -> memref<128x128xf32, #tpu.memory_space<hbm>>
      tpu.wait_dma2 semaphore(%arg9 : memref<!tpu.dma_semaphore, #tpu.memory_space<semaphore_mem>>) src(%dma_wait3A_207 : memref<128x128xf32, #tpu.memory_space<hbm>>) dst(%dma_wait3A_204 : memref<128x128xf32, #tpu.memory_space<vmem>>)
      %dma_start3A_208 = arith.constant 7 : i32
      %dma_start3A_209 = arith.constant 128 : i32
      %dma_start3A_210 = arith.constant 0 : i32
      %dma_start3A_211 = tpu.memref_slice %arg6[%dma_start3A_209, %dma_start3A_210] : memref<256x128xf32, #tpu.memory_space<vmem>> -> memref<128x128xf32, #tpu.memory_space<vmem>>
      %dma_start3A_212 = arith.constant 0 : i32
      %dma_start3A_213 = tpu.memref_slice %arg7[%select_n3A_78, %dma_start3A_208, %dma_start3A_212] : memref<3x16x128xi32, #tpu.memory_space<vmem>> -> memref<1x1x128xi32, #tpu.memory_space<vmem>>
      %dma_start3A_214 = tpu.memref_squeeze %dma_start3A_213 : memref<1x1x128xi32, #tpu.memory_space<vmem>> -> memref<128xi32, #tpu.memory_space<vmem>>
      %dma_start3A_215 = arith.constant 0 : i32
      %dma_start3A_216 = arith.constant 0 : i32
      %dma_start3A_217 = tpu.memref_slice %arg5[%dma_start3A_215, %dma_start3A_216] : memref<10112x128xf32, #tpu.memory_space<vmem_shared>> -> memref<10112x128xf32, #tpu.memory_space<vmem_shared>>
      tpu.enqueue_indirect_dma source(%dma_start3A_211 : memref<128x128xf32, #tpu.memory_space<vmem>>) target(%dma_start3A_217 : memref<10112x128xf32, #tpu.memory_space<vmem_shared>>) offsets(%dma_start3A_214 : memref<128xi32, #tpu.memory_space<vmem>>) semaphore(%arg11 : memref<!tpu.dma_semaphore, #tpu.memory_space<semaphore_mem>>) {add = true}
      %dma_wait3A_218 = arith.constant 0 : i32
      %dma_wait3A_219 = arith.constant 0 : i32
      %dma_wait3A_220 = tpu.memref_slice %arg5[%dma_wait3A_218, %dma_wait3A_219] : memref<10112x128xf32, #tpu.memory_space<vmem_shared>> -> memref<128x128xf32, #tpu.memory_space<vmem_shared>>
      %dma_wait3A_221 = arith.constant 0 : i32
      %dma_wait3A_222 = arith.constant 0 : i32
      %dma_wait3A_223 = tpu.memref_slice %arg2[%dma_wait3A_221, %dma_wait3A_222] : memref<20000x128xf32, #tpu.memory_space<hbm>> -> memref<128x128xf32, #tpu.memory_space<hbm>>
      tpu.wait_dma2 semaphore(%arg10 : memref<!tpu.dma_semaphore, #tpu.memory_space<semaphore_mem>>) src(%dma_wait3A_223 : memref<128x128xf32, #tpu.memory_space<hbm>>) dst(%dma_wait3A_220 : memref<128x128xf32, #tpu.memory_space<vmem_shared>>)
      %dma_start3A_224 = arith.constant 8 : i32
      %dma_start3A_225 = arith.constant 0 : i32
      %dma_start3A_226 = arith.constant 0 : i32
      %dma_start3A_227 = tpu.memref_slice %arg6[%dma_start3A_225, %dma_start3A_226] : memref<256x128xf32, #tpu.memory_space<vmem>> -> memref<128x128xf32, #tpu.memory_space<vmem>>
      %dma_start3A_228 = arith.constant 0 : i32
      %dma_start3A_229 = tpu.memref_slice %arg7[%select_n3A_78, %dma_start3A_224, %dma_start3A_228] : memref<3x16x128xi32, #tpu.memory_space<vmem>> -> memref<1x1x128xi32, #tpu.memory_space<vmem>>
      %dma_start3A_230 = tpu.memref_squeeze %dma_start3A_229 : memref<1x1x128xi32, #tpu.memory_space<vmem>> -> memref<128xi32, #tpu.memory_space<vmem>>
      %dma_start3A_231 = arith.constant 0 : i32
      %dma_start3A_232 = arith.constant 0 : i32
      %dma_start3A_233 = tpu.memref_slice %arg2[%dma_start3A_231, %dma_start3A_232] : memref<20000x128xf32, #tpu.memory_space<hbm>> -> memref<20000x128xf32, #tpu.memory_space<hbm>>
      tpu.enqueue_indirect_dma source(%dma_start3A_233 : memref<20000x128xf32, #tpu.memory_space<hbm>>) target(%dma_start3A_227 : memref<128x128xf32, #tpu.memory_space<vmem>>) offsets(%dma_start3A_230 : memref<128xi32, #tpu.memory_space<vmem>>) semaphore(%arg8 : memref<!tpu.dma_semaphore, #tpu.memory_space<semaphore_mem>>)
      %dma_wait3A_234 = arith.constant 0 : i32
      %dma_wait3A_235 = arith.constant 0 : i32
      %dma_wait3A_236 = tpu.memref_slice %arg6[%dma_wait3A_234, %dma_wait3A_235] : memref<256x128xf32, #tpu.memory_space<vmem>> -> memref<128x128xf32, #tpu.memory_space<vmem>>
      %dma_wait3A_237 = arith.constant 0 : i32
      %dma_wait3A_238 = arith.constant 0 : i32
      %dma_wait3A_239 = tpu.memref_slice %arg2[%dma_wait3A_237, %dma_wait3A_238] : memref<20000x128xf32, #tpu.memory_space<hbm>> -> memref<128x128xf32, #tpu.memory_space<hbm>>
      %dma_wait3A_240 = arith.constant 0 : i32
      %dma_wait3A_241 = arith.constant 0 : i32
      %dma_wait3A_242 = tpu.memref_slice %arg6[%dma_wait3A_240, %dma_wait3A_241] : memref<256x128xf32, #tpu.memory_space<vmem>> -> memref<128x128xf32, #tpu.memory_space<vmem>>
      %dma_wait3A_243 = arith.constant 0 : i32
      %dma_wait3A_244 = arith.constant 0 : i32
      %dma_wait3A_245 = tpu.memref_slice %arg2[%dma_wait3A_243, %dma_wait3A_244] : memref<20000x128xf32, #tpu.memory_space<hbm>> -> memref<128x128xf32, #tpu.memory_space<hbm>>
      tpu.wait_dma2 semaphore(%arg8 : memref<!tpu.dma_semaphore, #tpu.memory_space<semaphore_mem>>) src(%dma_wait3A_245 : memref<128x128xf32, #tpu.memory_space<hbm>>) dst(%dma_wait3A_242 : memref<128x128xf32, #tpu.memory_space<vmem>>)
      %dma_start3A_246 = arith.constant 9 : i32
      %dma_start3A_247 = arith.constant 0 : i32
      %dma_start3A_248 = arith.constant 0 : i32
      %dma_start3A_249 = tpu.memref_slice %arg6[%dma_start3A_247, %dma_start3A_248] : memref<256x128xf32, #tpu.memory_space<vmem>> -> memref<128x128xf32, #tpu.memory_space<vmem>>
      %dma_start3A_250 = arith.constant 0 : i32
      %dma_start3A_251 = tpu.memref_slice %arg7[%select_n3A_78, %dma_start3A_246, %dma_start3A_250] : memref<3x16x128xi32, #tpu.memory_space<vmem>> -> memref<1x1x128xi32, #tpu.memory_space<vmem>>
      %dma_start3A_252 = tpu.memref_squeeze %dma_start3A_251 : memref<1x1x128xi32, #tpu.memory_space<vmem>> -> memref<128xi32, #tpu.memory_space<vmem>>
      %dma_start3A_253 = arith.constant 0 : i32
      %dma_start3A_254 = arith.constant 0 : i32
      %dma_start3A_255 = tpu.memref_slice %arg5[%dma_start3A_253, %dma_start3A_254] : memref<10112x128xf32, #tpu.memory_space<vmem_shared>> -> memref<10112x128xf32, #tpu.memory_space<vmem_shared>>
      tpu.enqueue_indirect_dma source(%dma_start3A_249 : memref<128x128xf32, #tpu.memory_space<vmem>>) target(%dma_start3A_255 : memref<10112x128xf32, #tpu.memory_space<vmem_shared>>) offsets(%dma_start3A_252 : memref<128xi32, #tpu.memory_space<vmem>>) semaphore(%arg10 : memref<!tpu.dma_semaphore, #tpu.memory_space<semaphore_mem>>) {add = true}
      %dma_wait3A_256 = arith.constant 0 : i32
      %dma_wait3A_257 = arith.constant 0 : i32
      %dma_wait3A_258 = tpu.memref_slice %arg5[%dma_wait3A_256, %dma_wait3A_257] : memref<10112x128xf32, #tpu.memory_space<vmem_shared>> -> memref<128x128xf32, #tpu.memory_space<vmem_shared>>
      %dma_wait3A_259 = arith.constant 0 : i32
      %dma_wait3A_260 = arith.constant 0 : i32
      %dma_wait3A_261 = tpu.memref_slice %arg2[%dma_wait3A_259, %dma_wait3A_260] : memref<20000x128xf32, #tpu.memory_space<hbm>> -> memref<128x128xf32, #tpu.memory_space<hbm>>
      tpu.wait_dma2 semaphore(%arg11 : memref<!tpu.dma_semaphore, #tpu.memory_space<semaphore_mem>>) src(%dma_wait3A_261 : memref<128x128xf32, #tpu.memory_space<hbm>>) dst(%dma_wait3A_258 : memref<128x128xf32, #tpu.memory_space<vmem_shared>>)
      %dma_start3A_262 = arith.constant 10 : i32
      %dma_start3A_263 = arith.constant 128 : i32
      %dma_start3A_264 = arith.constant 0 : i32
      %dma_start3A_265 = tpu.memref_slice %arg6[%dma_start3A_263, %dma_start3A_264] : memref<256x128xf32, #tpu.memory_space<vmem>> -> memref<128x128xf32, #tpu.memory_space<vmem>>
      %dma_start3A_266 = arith.constant 0 : i32
      %dma_start3A_267 = tpu.memref_slice %arg7[%select_n3A_78, %dma_start3A_262, %dma_start3A_266] : memref<3x16x128xi32, #tpu.memory_space<vmem>> -> memref<1x1x128xi32, #tpu.memory_space<vmem>>
      %dma_start3A_268 = tpu.memref_squeeze %dma_start3A_267 : memref<1x1x128xi32, #tpu.memory_space<vmem>> -> memref<128xi32, #tpu.memory_space<vmem>>
      %dma_start3A_269 = arith.constant 0 : i32
      %dma_start3A_270 = arith.constant 0 : i32
      %dma_start3A_271 = tpu.memref_slice %arg2[%dma_start3A_269, %dma_start3A_270] : memref<20000x128xf32, #tpu.memory_space<hbm>> -> memref<20000x128xf32, #tpu.memory_space<hbm>>
      tpu.enqueue_indirect_dma source(%dma_start3A_271 : memref<20000x128xf32, #tpu.memory_space<hbm>>) target(%dma_start3A_265 : memref<128x128xf32, #tpu.memory_space<vmem>>) offsets(%dma_start3A_268 : memref<128xi32, #tpu.memory_space<vmem>>) semaphore(%arg9 : memref<!tpu.dma_semaphore, #tpu.memory_space<semaphore_mem>>)
      %dma_wait3A_272 = arith.constant 128 : i32
      %dma_wait3A_273 = arith.constant 0 : i32
      %dma_wait3A_274 = tpu.memref_slice %arg6[%dma_wait3A_272, %dma_wait3A_273] : memref<256x128xf32, #tpu.memory_space<vmem>> -> memref<128x128xf32, #tpu.memory_space<vmem>>
      %dma_wait3A_275 = arith.constant 0 : i32
      %dma_wait3A_276 = arith.constant 0 : i32
      %dma_wait3A_277 = tpu.memref_slice %arg2[%dma_wait3A_275, %dma_wait3A_276] : memref<20000x128xf32, #tpu.memory_space<hbm>> -> memref<128x128xf32, #tpu.memory_space<hbm>>
      %dma_wait3A_278 = arith.constant 128 : i32
      %dma_wait3A_279 = arith.constant 0 : i32
      %dma_wait3A_280 = tpu.memref_slice %arg6[%dma_wait3A_278, %dma_wait3A_279] : memref<256x128xf32, #tpu.memory_space<vmem>> -> memref<128x128xf32, #tpu.memory_space<vmem>>
      %dma_wait3A_281 = arith.constant 0 : i32
      %dma_wait3A_282 = arith.constant 0 : i32
      %dma_wait3A_283 = tpu.memref_slice %arg2[%dma_wait3A_281, %dma_wait3A_282] : memref<20000x128xf32, #tpu.memory_space<hbm>> -> memref<128x128xf32, #tpu.memory_space<hbm>>
      tpu.wait_dma2 semaphore(%arg9 : memref<!tpu.dma_semaphore, #tpu.memory_space<semaphore_mem>>) src(%dma_wait3A_283 : memref<128x128xf32, #tpu.memory_space<hbm>>) dst(%dma_wait3A_280 : memref<128x128xf32, #tpu.memory_space<vmem>>)
      %dma_start3A_284 = arith.constant 11 : i32
      %dma_start3A_285 = arith.constant 128 : i32
      %dma_start3A_286 = arith.constant 0 : i32
      %dma_start3A_287 = tpu.memref_slice %arg6[%dma_start3A_285, %dma_start3A_286] : memref<256x128xf32, #tpu.memory_space<vmem>> -> memref<128x128xf32, #tpu.memory_space<vmem>>
      %dma_start3A_288 = arith.constant 0 : i32
      %dma_start3A_289 = tpu.memref_slice %arg7[%select_n3A_78, %dma_start3A_284, %dma_start3A_288] : memref<3x16x128xi32, #tpu.memory_space<vmem>> -> memref<1x1x128xi32, #tpu.memory_space<vmem>>
      %dma_start3A_290 = tpu.memref_squeeze %dma_start3A_289 : memref<1x1x128xi32, #tpu.memory_space<vmem>> -> memref<128xi32, #tpu.memory_space<vmem>>
      %dma_start3A_291 = arith.constant 0 : i32
      %dma_start3A_292 = arith.constant 0 : i32
      %dma_start3A_293 = tpu.memref_slice %arg5[%dma_start3A_291, %dma_start3A_292] : memref<10112x128xf32, #tpu.memory_space<vmem_shared>> -> memref<10112x128xf32, #tpu.memory_space<vmem_shared>>
      tpu.enqueue_indirect_dma source(%dma_start3A_287 : memref<128x128xf32, #tpu.memory_space<vmem>>) target(%dma_start3A_293 : memref<10112x128xf32, #tpu.memory_space<vmem_shared>>) offsets(%dma_start3A_290 : memref<128xi32, #tpu.memory_space<vmem>>) semaphore(%arg11 : memref<!tpu.dma_semaphore, #tpu.memory_space<semaphore_mem>>) {add = true}
      %dma_wait3A_294 = arith.constant 0 : i32
      %dma_wait3A_295 = arith.constant 0 : i32
      %dma_wait3A_296 = tpu.memref_slice %arg5[%dma_wait3A_294, %dma_wait3A_295] : memref<10112x128xf32, #tpu.memory_space<vmem_shared>> -> memref<128x128xf32, #tpu.memory_space<vmem_shared>>
      %dma_wait3A_297 = arith.constant 0 : i32
      %dma_wait3A_298 = arith.constant 0 : i32
      %dma_wait3A_299 = tpu.memref_slice %arg2[%dma_wait3A_297, %dma_wait3A_298] : memref<20000x128xf32, #tpu.memory_space<hbm>> -> memref<128x128xf32, #tpu.memory_space<hbm>>
      tpu.wait_dma2 semaphore(%arg10 : memref<!tpu.dma_semaphore, #tpu.memory_space<semaphore_mem>>) src(%dma_wait3A_299 : memref<128x128xf32, #tpu.memory_space<hbm>>) dst(%dma_wait3A_296 : memref<128x128xf32, #tpu.memory_space<vmem_shared>>)
      %dma_start3A_300 = arith.constant 12 : i32
      %dma_start3A_301 = arith.constant 0 : i32
      %dma_start3A_302 = arith.constant 0 : i32
      %dma_start3A_303 = tpu.memref_slice %arg6[%dma_start3A_301, %dma_start3A_302] : memref<256x128xf32, #tpu.memory_space<vmem>> -> memref<128x128xf32, #tpu.memory_space<vmem>>
      %dma_start3A_304 = arith.constant 0 : i32
      %dma_start3A_305 = tpu.memref_slice %arg7[%select_n3A_78, %dma_start3A_300, %dma_start3A_304] : memref<3x16x128xi32, #tpu.memory_space<vmem>> -> memref<1x1x128xi32, #tpu.memory_space<vmem>>
      %dma_start3A_306 = tpu.memref_squeeze %dma_start3A_305 : memref<1x1x128xi32, #tpu.memory_space<vmem>> -> memref<128xi32, #tpu.memory_space<vmem>>
      %dma_start3A_307 = arith.constant 0 : i32
      %dma_start3A_308 = arith.constant 0 : i32
      %dma_start3A_309 = tpu.memref_slice %arg2[%dma_start3A_307, %dma_start3A_308] : memref<20000x128xf32, #tpu.memory_space<hbm>> -> memref<20000x128xf32, #tpu.memory_space<hbm>>
      tpu.enqueue_indirect_dma source(%dma_start3A_309 : memref<20000x128xf32, #tpu.memory_space<hbm>>) target(%dma_start3A_303 : memref<128x128xf32, #tpu.memory_space<vmem>>) offsets(%dma_start3A_306 : memref<128xi32, #tpu.memory_space<vmem>>) semaphore(%arg8 : memref<!tpu.dma_semaphore, #tpu.memory_space<semaphore_mem>>)
      %dma_wait3A_310 = arith.constant 0 : i32
      %dma_wait3A_311 = arith.constant 0 : i32
      %dma_wait3A_312 = tpu.memref_slice %arg6[%dma_wait3A_310, %dma_wait3A_311] : memref<256x128xf32, #tpu.memory_space<vmem>> -> memref<128x128xf32, #tpu.memory_space<vmem>>
      %dma_wait3A_313 = arith.constant 0 : i32
      %dma_wait3A_314 = arith.constant 0 : i32
      %dma_wait3A_315 = tpu.memref_slice %arg2[%dma_wait3A_313, %dma_wait3A_314] : memref<20000x128xf32, #tpu.memory_space<hbm>> -> memref<128x128xf32, #tpu.memory_space<hbm>>
      %dma_wait3A_316 = arith.constant 0 : i32
      %dma_wait3A_317 = arith.constant 0 : i32
      %dma_wait3A_318 = tpu.memref_slice %arg6[%dma_wait3A_316, %dma_wait3A_317] : memref<256x128xf32, #tpu.memory_space<vmem>> -> memref<128x128xf32, #tpu.memory_space<vmem>>
      %dma_wait3A_319 = arith.constant 0 : i32
      %dma_wait3A_320 = arith.constant 0 : i32
      %dma_wait3A_321 = tpu.memref_slice %arg2[%dma_wait3A_319, %dma_wait3A_320] : memref<20000x128xf32, #tpu.memory_space<hbm>> -> memref<128x128xf32, #tpu.memory_space<hbm>>
      tpu.wait_dma2 semaphore(%arg8 : memref<!tpu.dma_semaphore, #tpu.memory_space<semaphore_mem>>) src(%dma_wait3A_321 : memref<128x128xf32, #tpu.memory_space<hbm>>) dst(%dma_wait3A_318 : memref<128x128xf32, #tpu.memory_space<vmem>>)
      %dma_start3A_322 = arith.constant 13 : i32
      %dma_start3A_323 = arith.constant 0 : i32
      %dma_start3A_324 = arith.constant 0 : i32
      %dma_start3A_325 = tpu.memref_slice %arg6[%dma_start3A_323, %dma_start3A_324] : memref<256x128xf32, #tpu.memory_space<vmem>> -> memref<128x128xf32, #tpu.memory_space<vmem>>
      %dma_start3A_326 = arith.constant 0 : i32
      %dma_start3A_327 = tpu.memref_slice %arg7[%select_n3A_78, %dma_start3A_322, %dma_start3A_326] : memref<3x16x128xi32, #tpu.memory_space<vmem>> -> memref<1x1x128xi32, #tpu.memory_space<vmem>>
      %dma_start3A_328 = tpu.memref_squeeze %dma_start3A_327 : memref<1x1x128xi32, #tpu.memory_space<vmem>> -> memref<128xi32, #tpu.memory_space<vmem>>
      %dma_start3A_329 = arith.constant 0 : i32
      %dma_start3A_330 = arith.constant 0 : i32
      %dma_start3A_331 = tpu.memref_slice %arg5[%dma_start3A_329, %dma_start3A_330] : memref<10112x128xf32, #tpu.memory_space<vmem_shared>> -> memref<10112x128xf32, #tpu.memory_space<vmem_shared>>
      tpu.enqueue_indirect_dma source(%dma_start3A_325 : memref<128x128xf32, #tpu.memory_space<vmem>>) target(%dma_start3A_331 : memref<10112x128xf32, #tpu.memory_space<vmem_shared>>) offsets(%dma_start3A_328 : memref<128xi32, #tpu.memory_space<vmem>>) semaphore(%arg10 : memref<!tpu.dma_semaphore, #tpu.memory_space<semaphore_mem>>) {add = true}
      %dma_wait3A_332 = arith.constant 0 : i32
      %dma_wait3A_333 = arith.constant 0 : i32
      %dma_wait3A_334 = tpu.memref_slice %arg5[%dma_wait3A_332, %dma_wait3A_333] : memref<10112x128xf32, #tpu.memory_space<vmem_shared>> -> memref<128x128xf32, #tpu.memory_space<vmem_shared>>
      %dma_wait3A_335 = arith.constant 0 : i32
      %dma_wait3A_336 = arith.constant 0 : i32
      %dma_wait3A_337 = tpu.memref_slice %arg2[%dma_wait3A_335, %dma_wait3A_336] : memref<20000x128xf32, #tpu.memory_space<hbm>> -> memref<128x128xf32, #tpu.memory_space<hbm>>
      tpu.wait_dma2 semaphore(%arg11 : memref<!tpu.dma_semaphore, #tpu.memory_space<semaphore_mem>>) src(%dma_wait3A_337 : memref<128x128xf32, #tpu.memory_space<hbm>>) dst(%dma_wait3A_334 : memref<128x128xf32, #tpu.memory_space<vmem_shared>>)
      %dma_start3A_338 = arith.constant 14 : i32
      %dma_start3A_339 = arith.constant 128 : i32
      %dma_start3A_340 = arith.constant 0 : i32
      %dma_start3A_341 = tpu.memref_slice %arg6[%dma_start3A_339, %dma_start3A_340] : memref<256x128xf32, #tpu.memory_space<vmem>> -> memref<128x128xf32, #tpu.memory_space<vmem>>
      %dma_start3A_342 = arith.constant 0 : i32
      %dma_start3A_343 = tpu.memref_slice %arg7[%select_n3A_78, %dma_start3A_338, %dma_start3A_342] : memref<3x16x128xi32, #tpu.memory_space<vmem>> -> memref<1x1x128xi32, #tpu.memory_space<vmem>>
      %dma_start3A_344 = tpu.memref_squeeze %dma_start3A_343 : memref<1x1x128xi32, #tpu.memory_space<vmem>> -> memref<128xi32, #tpu.memory_space<vmem>>
      %dma_start3A_345 = arith.constant 0 : i32
      %dma_start3A_346 = arith.constant 0 : i32
      %dma_start3A_347 = tpu.memref_slice %arg2[%dma_start3A_345, %dma_start3A_346] : memref<20000x128xf32, #tpu.memory_space<hbm>> -> memref<20000x128xf32, #tpu.memory_space<hbm>>
      tpu.enqueue_indirect_dma source(%dma_start3A_347 : memref<20000x128xf32, #tpu.memory_space<hbm>>) target(%dma_start3A_341 : memref<128x128xf32, #tpu.memory_space<vmem>>) offsets(%dma_start3A_344 : memref<128xi32, #tpu.memory_space<vmem>>) semaphore(%arg9 : memref<!tpu.dma_semaphore, #tpu.memory_space<semaphore_mem>>)
      %dma_wait3A_348 = arith.constant 128 : i32
      %dma_wait3A_349 = arith.constant 0 : i32
      %dma_wait3A_350 = tpu.memref_slice %arg6[%dma_wait3A_348, %dma_wait3A_349] : memref<256x128xf32, #tpu.memory_space<vmem>> -> memref<128x128xf32, #tpu.memory_space<vmem>>
      %dma_wait3A_351 = arith.constant 0 : i32
      %dma_wait3A_352 = arith.constant 0 : i32
      %dma_wait3A_353 = tpu.memref_slice %arg2[%dma_wait3A_351, %dma_wait3A_352] : memref<20000x128xf32, #tpu.memory_space<hbm>> -> memref<128x128xf32, #tpu.memory_space<hbm>>
      %dma_wait3A_354 = arith.constant 128 : i32
      %dma_wait3A_355 = arith.constant 0 : i32
      %dma_wait3A_356 = tpu.memref_slice %arg6[%dma_wait3A_354, %dma_wait3A_355] : memref<256x128xf32, #tpu.memory_space<vmem>> -> memref<128x128xf32, #tpu.memory_space<vmem>>
      %dma_wait3A_357 = arith.constant 0 : i32
      %dma_wait3A_358 = arith.constant 0 : i32
      %dma_wait3A_359 = tpu.memref_slice %arg2[%dma_wait3A_357, %dma_wait3A_358] : memref<20000x128xf32, #tpu.memory_space<hbm>> -> memref<128x128xf32, #tpu.memory_space<hbm>>
      tpu.wait_dma2 semaphore(%arg9 : memref<!tpu.dma_semaphore, #tpu.memory_space<semaphore_mem>>) src(%dma_wait3A_359 : memref<128x128xf32, #tpu.memory_space<hbm>>) dst(%dma_wait3A_356 : memref<128x128xf32, #tpu.memory_space<vmem>>)
      %dma_start3A_360 = arith.constant 15 : i32
      %dma_start3A_361 = arith.constant 128 : i32
      %dma_start3A_362 = arith.constant 0 : i32
      %dma_start3A_363 = tpu.memref_slice %arg6[%dma_start3A_361, %dma_start3A_362] : memref<256x128xf32, #tpu.memory_space<vmem>> -> memref<128x128xf32, #tpu.memory_space<vmem>>
      %dma_start3A_364 = arith.constant 0 : i32
      %dma_start3A_365 = tpu.memref_slice %arg7[%select_n3A_78, %dma_start3A_360, %dma_start3A_364] : memref<3x16x128xi32, #tpu.memory_space<vmem>> -> memref<1x1x128xi32, #tpu.memory_space<vmem>>
      %dma_start3A_366 = tpu.memref_squeeze %dma_start3A_365 : memref<1x1x128xi32, #tpu.memory_space<vmem>> -> memref<128xi32, #tpu.memory_space<vmem>>
      %dma_start3A_367 = arith.constant 0 : i32
      %dma_start3A_368 = arith.constant 0 : i32
      %dma_start3A_369 = tpu.memref_slice %arg5[%dma_start3A_367, %dma_start3A_368] : memref<10112x128xf32, #tpu.memory_space<vmem_shared>> -> memref<10112x128xf32, #tpu.memory_space<vmem_shared>>
      tpu.enqueue_indirect_dma source(%dma_start3A_363 : memref<128x128xf32, #tpu.memory_space<vmem>>) target(%dma_start3A_369 : memref<10112x128xf32, #tpu.memory_space<vmem_shared>>) offsets(%dma_start3A_366 : memref<128xi32, #tpu.memory_space<vmem>>) semaphore(%arg11 : memref<!tpu.dma_semaphore, #tpu.memory_space<semaphore_mem>>) {add = true}
      %lt3A_370 = arith.constant 19 : i32
      %lt3A_371 = arith.cmpi slt, %scan3A_67, %lt3A_370 : i32
      %convert_element_type3A_372 = arith.extui %lt3A_371 : i1 to i32
      %cond3A_373 = arith.constant 0 : i32
      %cond3A_374 = arith.cmpi ne, %convert_element_type3A_372, %cond3A_373 : i32
      scf.if %cond3A_374 {
        %dma_wait3A_375 = arith.constant 0 : i32
        %dma_wait3A_376 = arith.constant 0 : i32
        %dma_wait3A_377 = tpu.memref_slice %arg5[%dma_wait3A_375, %dma_wait3A_376] : memref<10112x128xf32, #tpu.memory_space<vmem_shared>> -> memref<128x128xf32, #tpu.memory_space<vmem_shared>>
        %dma_wait3A_378 = arith.constant 0 : i32
        %dma_wait3A_379 = arith.constant 0 : i32
        %dma_wait3A_380 = tpu.memref_slice %arg2[%dma_wait3A_378, %dma_wait3A_379] : memref<20000x128xf32, #tpu.memory_space<hbm>> -> memref<128x128xf32, #tpu.memory_space<hbm>>
        tpu.wait_dma2 semaphore(%arg10 : memref<!tpu.dma_semaphore, #tpu.memory_space<semaphore_mem>>) src(%dma_wait3A_380 : memref<128x128xf32, #tpu.memory_space<hbm>>) dst(%dma_wait3A_377 : memref<128x128xf32, #tpu.memory_space<vmem_shared>>)
        %add3A_381 = arith.constant 1 : i32
        %add3A_382 = arith.addi %scan3A_67, %add3A_381 : i32
        %jit3A_383 = arith.constant 3 : i32
        %eq3A_384 = arith.constant 0 : i32
        %eq3A_385 = arith.cmpi eq, %jit3A_383, %eq3A_384 : i32
        %jit3A_386 = arith.constant 1 : i32
        %select_n3A_387 = arith.select %eq3A_385, %jit3A_386, %jit3A_383 : i32
        %rem3A_388 = arith.remsi %add3A_382, %select_n3A_387 : i32
        %ne3A_389 = arith.constant 0 : i32
        %ne3A_390 = arith.cmpi ne, %rem3A_388, %ne3A_389 : i32
        %lt3A_391 = arith.constant 0 : i32
        %lt3A_392 = arith.cmpi slt, %rem3A_388, %lt3A_391 : i32
        %lt3A_393 = arith.constant 0 : i32
        %lt3A_394 = arith.cmpi slt, %select_n3A_387, %lt3A_393 : i32
        %ne3A_395 = arith.xori %lt3A_392, %lt3A_394 : i1
        %and3A_396 = arith.andi %ne3A_395, %ne3A_390 : i1
        %add3A_397 = arith.addi %rem3A_388, %select_n3A_387 : i32
        %select_n3A_398 = arith.select %and3A_396, %add3A_397, %rem3A_388 : i32
        %dma_start3A_399 = arith.constant 0 : i32
        %dma_start3A_400 = arith.constant 0 : i32
        %dma_start3A_401 = arith.constant 0 : i32
        %dma_start3A_402 = tpu.memref_slice %arg6[%dma_start3A_400, %dma_start3A_401] : memref<256x128xf32, #tpu.memory_space<vmem>> -> memref<128x128xf32, #tpu.memory_space<vmem>>
        %dma_start3A_403 = arith.constant 0 : i32
        %dma_start3A_404 = tpu.memref_slice %arg7[%select_n3A_398, %dma_start3A_399, %dma_start3A_403] : memref<3x16x128xi32, #tpu.memory_space<vmem>> -> memref<1x1x128xi32, #tpu.memory_space<vmem>>
        %dma_start3A_405 = tpu.memref_squeeze %dma_start3A_404 : memref<1x1x128xi32, #tpu.memory_space<vmem>> -> memref<128xi32, #tpu.memory_space<vmem>>
        %dma_start3A_406 = arith.constant 0 : i32
        %dma_start3A_407 = arith.constant 0 : i32
        %dma_start3A_408 = tpu.memref_slice %arg2[%dma_start3A_406, %dma_start3A_407] : memref<20000x128xf32, #tpu.memory_space<hbm>> -> memref<20000x128xf32, #tpu.memory_space<hbm>>
        tpu.enqueue_indirect_dma source(%dma_start3A_408 : memref<20000x128xf32, #tpu.memory_space<hbm>>) target(%dma_start3A_402 : memref<128x128xf32, #tpu.memory_space<vmem>>) offsets(%dma_start3A_405 : memref<128xi32, #tpu.memory_space<vmem>>) semaphore(%arg8 : memref<!tpu.dma_semaphore, #tpu.memory_space<semaphore_mem>>)
      } else {
      }
    }
    %scan3A_39 = arith.constant 20 : i32
    %dma_wait3A = arith.constant 0 : i32
    %dma_wait3A_40 = arith.constant 0 : i32
    %dma_wait3A_41 = tpu.memref_slice %arg5[%dma_wait3A, %dma_wait3A_40] : memref<10112x128xf32, #tpu.memory_space<vmem_shared>> -> memref<128x128xf32, #tpu.memory_space<vmem_shared>>
    %dma_wait3A_42 = arith.constant 0 : i32
    %dma_wait3A_43 = arith.constant 0 : i32
    %dma_wait3A_44 = tpu.memref_slice %arg2[%dma_wait3A_42, %dma_wait3A_43] : memref<20000x128xf32, #tpu.memory_space<hbm>> -> memref<128x128xf32, #tpu.memory_space<hbm>>
    tpu.wait_dma2 semaphore(%arg10 : memref<!tpu.dma_semaphore, #tpu.memory_space<semaphore_mem>>) src(%dma_wait3A_44 : memref<128x128xf32, #tpu.memory_space<hbm>>) dst(%dma_wait3A_41 : memref<128x128xf32, #tpu.memory_space<vmem_shared>>)
    %dma_wait3A_45 = arith.constant 0 : i32
    %dma_wait3A_46 = arith.constant 0 : i32
    %dma_wait3A_47 = tpu.memref_slice %arg5[%dma_wait3A_45, %dma_wait3A_46] : memref<10112x128xf32, #tpu.memory_space<vmem_shared>> -> memref<128x128xf32, #tpu.memory_space<vmem_shared>>
    %dma_wait3A_48 = arith.constant 0 : i32
    %dma_wait3A_49 = arith.constant 0 : i32
    %dma_wait3A_50 = tpu.memref_slice %arg2[%dma_wait3A_48, %dma_wait3A_49] : memref<20000x128xf32, #tpu.memory_space<hbm>> -> memref<128x128xf32, #tpu.memory_space<hbm>>
    tpu.wait_dma2 semaphore(%arg11 : memref<!tpu.dma_semaphore, #tpu.memory_space<semaphore_mem>>) src(%dma_wait3A_50 : memref<128x128xf32, #tpu.memory_space<hbm>>) dst(%dma_wait3A_47 : memref<128x128xf32, #tpu.memory_space<vmem_shared>>)
    %barrier3A_51 = arith.constant 0 : index
    tpu.barrier barrier_id(%barrier3A_51)
    %mul3A_52 = arith.constant 632 : i32
    %mul3A_53 = arith.muli %arg1, %mul3A_52 : i32
    %multiple_of3A_54 = tpu.assume_multiple %mul3A_53, 8 : i32
    %mul3A_55 = arith.constant 10000 : i32
    %mul3A_56 = arith.muli %arg0, %mul3A_55 : i32
    %mul3A_57 = arith.constant 632 : i32
    %mul3A_58 = arith.muli %arg1, %mul3A_57 : i32
    %add3A_59 = arith.addi %mul3A_56, %mul3A_58 : i32
    %multiple_of3A_60 = tpu.assume_multiple %add3A_59, 8 : i32
    %lt3A = arith.constant 15 : i32
    %lt3A_61 = arith.cmpi slt, %arg1, %lt3A : i32
    %convert_element_type3A = arith.extui %lt3A_61 : i1 to i32
    %cond3A = arith.constant 0 : i32
    %cond3A_62 = arith.cmpi ne, %convert_element_type3A, %cond3A : i32
    scf.if %cond3A_62 {
      "tpu.region"() ({
        %run_scoped3A_67 = tpu.sem_alloc : memref<!tpu.dma_semaphore, #tpu.memory_space<semaphore_mem>>
        %dma_start3A_68 = arith.constant 0 : i32
        %dma_start3A_69 = tpu.memref_slice %arg4[%multiple_of3A_60, %dma_start3A_68] : memref<20000x128xf32, #tpu.memory_space<hbm>> -> memref<632x128xf32, #tpu.memory_space<hbm>>
        %dma_start3A_70 = arith.constant 0 : i32
        %dma_start3A_71 = tpu.memref_slice %arg5[%multiple_of3A_54, %dma_start3A_70] : memref<10112x128xf32, #tpu.memory_space<vmem_shared>> -> memref<632x128xf32, #tpu.memory_space<vmem_shared>>
        tpu.enqueue_dma source(%dma_start3A_71 : memref<632x128xf32, #tpu.memory_space<vmem_shared>>) target(%dma_start3A_69 : memref<632x128xf32, #tpu.memory_space<hbm>>) target_semaphore(%run_scoped3A_67 : memref<!tpu.dma_semaphore, #tpu.memory_space<semaphore_mem>>)
        %dma_wait3A_72 = arith.constant 0 : i32
        %dma_wait3A_73 = tpu.memref_slice %arg4[%multiple_of3A_60, %dma_wait3A_72] : memref<20000x128xf32, #tpu.memory_space<hbm>> -> memref<632x128xf32, #tpu.memory_space<hbm>>
        %dma_wait3A_74 = arith.constant 0 : i32
        %dma_wait3A_75 = tpu.memref_slice %arg5[%multiple_of3A_54, %dma_wait3A_74] : memref<10112x128xf32, #tpu.memory_space<vmem_shared>> -> memref<632x128xf32, #tpu.memory_space<vmem_shared>>
        tpu.wait_dma2 semaphore(%run_scoped3A_67 : memref<!tpu.dma_semaphore, #tpu.memory_space<semaphore_mem>>) src(%dma_wait3A_75 : memref<632x128xf32, #tpu.memory_space<vmem_shared>>) dst(%dma_wait3A_73 : memref<632x128xf32, #tpu.memory_space<hbm>>)
        tpu.yield
      }) : () -> ()
    } else {
    }
    %eq3A = arith.constant 15 : i32
    %eq3A_63 = arith.cmpi eq, %arg1, %eq3A : i32
    %convert_element_type3A_64 = arith.extui %eq3A_63 : i1 to i32
    %cond3A_65 = arith.constant 0 : i32
    %cond3A_66 = arith.cmpi ne, %convert_element_type3A_64, %cond3A_65 : i32
    scf.if %cond3A_66 {
      "tpu.region"() ({
        %run_scoped3A_67 = tpu.sem_alloc : memref<!tpu.dma_semaphore, #tpu.memory_space<semaphore_mem>>
        %dma_start3A_68 = arith.constant 0 : i32
        %dma_start3A_69 = tpu.memref_slice %arg4[%multiple_of3A_60, %dma_start3A_68] : memref<20000x128xf32, #tpu.memory_space<hbm>> -> memref<520x128xf32, #tpu.memory_space<hbm>>
        %dma_start3A_70 = arith.constant 0 : i32
        %dma_start3A_71 = tpu.memref_slice %arg5[%multiple_of3A_54, %dma_start3A_70] : memref<10112x128xf32, #tpu.memory_space<vmem_shared>> -> memref<520x128xf32, #tpu.memory_space<vmem_shared>>
        tpu.enqueue_dma source(%dma_start3A_71 : memref<520x128xf32, #tpu.memory_space<vmem_shared>>) target(%dma_start3A_69 : memref<520x128xf32, #tpu.memory_space<hbm>>) target_semaphore(%run_scoped3A_67 : memref<!tpu.dma_semaphore, #tpu.memory_space<semaphore_mem>>)
        %dma_wait3A_72 = arith.constant 0 : i32
        %dma_wait3A_73 = tpu.memref_slice %arg4[%multiple_of3A_60, %dma_wait3A_72] : memref<20000x128xf32, #tpu.memory_space<hbm>> -> memref<520x128xf32, #tpu.memory_space<hbm>>
        %dma_wait3A_74 = arith.constant 0 : i32
        %dma_wait3A_75 = tpu.memref_slice %arg5[%multiple_of3A_54, %dma_wait3A_74] : memref<10112x128xf32, #tpu.memory_space<vmem_shared>> -> memref<520x128xf32, #tpu.memory_space<vmem_shared>>
        tpu.wait_dma2 semaphore(%run_scoped3A_67 : memref<!tpu.dma_semaphore, #tpu.memory_space<semaphore_mem>>) src(%dma_wait3A_75 : memref<520x128xf32, #tpu.memory_space<vmem_shared>>) dst(%dma_wait3A_73 : memref<520x128xf32, #tpu.memory_space<hbm>>)
        tpu.yield
      }) : () -> ()
    } else {
    }
    return
  }
}

module attributes {stable_mosaic.version = 14 : i64} {
  func.func @body(%arg0: i32, %arg1: memref<32x10112xf32, #tpu.memory_space<vmem>>, %arg2: memref<10000x1xf32, #tpu.memory_space<vmem>>) attributes {dimension_semantics = [#tpu.dimension_semantics<arbitrary>], iteration_bounds = array<i64: 1>, scalar_prefetch = 0 : i64, scratch_operands = 0 : i64, tpu.core_type = #tpu.core_type<tc>, window_params = [{pipeline_mode = #tpu.pipeline_mode<synchronous>, transform_indices = @transform_0, window_bounds = array<i64: 32, 10112>}, {pipeline_mode = #tpu.pipeline_mode<synchronous>, transform_indices = @transform_1, window_bounds = array<i64: 10000, 1>}]} {
    %get3A = arith.constant 0 : index
    %get3A_0 = arith.constant 0 : index
    %get3A_1 = vector.load %arg1[%get3A, %get3A_0] : memref<32x10112xf32, #tpu.memory_space<vmem>>, vector<32x10112xf32>
    %reduce_sum3A = arith.constant dense<0.000000e+00> : vector<10112xf32>
    %reduce_sum3A_2 = vector.multi_reduction <add>, %get3A_1, %reduce_sum3A [0] : vector<32x10112xf32> to vector<10112xf32>
    %slice3A = vector.extract_strided_slice %reduce_sum3A_2 {offsets = [0], sizes = [10000], strides = [1]} : vector<10112xf32> to vector<10000xf32>
    %add3A = arith.constant 1.000000e+00 : f32
    %add3A_3 = vector.broadcast %add3A : f32 to vector<10000xf32>
    %add3A_4 = arith.addf %add3A_3, %slice3A : vector<10000xf32>
    %rsqrt3A = math.rsqrt %add3A_4 : vector<10000xf32>
    %broadcast_in_dim3A = vector.shape_cast %rsqrt3A : vector<10000xf32> to vector<10000x1xf32>
    %swap3A = arith.constant 0 : index
    %swap3A_5 = arith.constant 0 : index
    %swap3A_6 = vector.load %arg2[%swap3A, %swap3A_5] : memref<10000x1xf32, #tpu.memory_space<vmem>>, vector<10000x1xf32>
    tpu.vector_store %arg2[%swap3A, %swap3A_5], %broadcast_in_dim3A {strides = array<i32>} : memref<10000x1xf32, #tpu.memory_space<vmem>>, vector<10000x1xf32>,
    return
  }
  func.func @transform_0(%arg0: i32) -> (i32, i32) {
    %c0_i32 = arith.constant 0 : i32
    %c0_i32_0 = arith.constant 0 : i32
    %c0_i32_1 = arith.constant 0 : i32
    return %c0_i32, %c0_i32_0 : i32, i32
  }
  func.func @transform_1(%arg0: i32) -> (i32, i32) {
    %c0_i32 = arith.constant 0 : i32
    %c0_i32_0 = arith.constant 0 : i32
    %c0_i32_1 = arith.constant 0 : i32
    return %c0_i32, %c0_i32_0 : i32, i32
  }
}

module attributes {stable_mosaic.version = 14 : i64} {
  func.func @body(%arg0: i32, %arg1: i32, %arg2: memref<1000x128xf32, #tpu.memory_space<vmem>>, %arg3: memref<128x128xf32, #tpu.memory_space<vmem>>, %arg4: memref<1000x1xf32, #tpu.memory_space<vmem>>, %arg5: memref<1000x128xf32, #tpu.memory_space<vmem>>) attributes {dimension_semantics = [#tpu.dimension_semantics<arbitrary>, #tpu.dimension_semantics<arbitrary>], iteration_bounds = array<i64: 10, 2>, scalar_prefetch = 0 : i64, scratch_operands = 0 : i64, tpu.core_type = #tpu.core_type<tc>, window_params = [{transform_indices = @transform_0, window_bounds = array<i64: 1000, 128>}, {transform_indices = @transform_1, window_bounds = array<i64: 128, 128>}, {transform_indices = @transform_2, window_bounds = array<i64: 1000, 1>}, {transform_indices = @transform_3, window_bounds = array<i64: 1000, 128>}]} {
    %get3A = arith.constant 0 : index
    %get3A_0 = arith.constant 0 : index
    %get3A_1 = vector.load %arg2[%get3A, %get3A_0] : memref<1000x128xf32, #tpu.memory_space<vmem>>, vector<1000x128xf32>
    %get3A_2 = arith.constant 0 : index
    %get3A_3 = arith.constant 0 : index
    %get3A_4 = vector.load %arg3[%get3A_2, %get3A_3] : memref<128x128xf32, #tpu.memory_space<vmem>>, vector<128x128xf32>
    %dot_general3A = arith.constant dense<0.000000e+00> : vector<1000x128xf32>
    %dot_general3A_5 = tpu.matmul %get3A_1, %get3A_4, %dot_general3A {dimension_numbers = #tpu.dot_dimension_numbers<[1], [0], [0], [1], [0, 0, 1, 1], [], []>, transpose_lhs_hint = false} : vector<1000x128xf32>, vector<128x128xf32>, vector<1000x128xf32> -> vector<1000x128xf32>
    %get3A_6 = arith.constant 0 : index
    %get3A_7 = arith.constant 0 : index
    %get3A_8 = vector.load %arg4[%get3A_6, %get3A_7] : memref<1000x1xf32, #tpu.memory_space<vmem>>, vector<1000x1xf32>
    %mul3A = vector.broadcast %get3A_8 : vector<1000x1xf32> to vector<1000x128xf32>
    %mul3A_9 = arith.mulf %dot_general3A_5, %mul3A : vector<1000x128xf32>
    %swap3A = arith.constant 0 : index
    %swap3A_10 = arith.constant 0 : index
    %swap3A_11 = vector.load %arg5[%swap3A, %swap3A_10] : memref<1000x128xf32, #tpu.memory_space<vmem>>, vector<1000x128xf32>
    tpu.vector_store %arg5[%swap3A, %swap3A_10], %mul3A_9 {strides = array<i32>} : memref<1000x128xf32, #tpu.memory_space<vmem>>, vector<1000x128xf32>,
    return
  }
  func.func @transform_0(%arg0: i32, %arg1: i32) -> (i32, i32) {
    %c0_i32 = arith.constant 0 : i32
    %c0_i32_0 = arith.constant 0 : i32
    return %arg0, %c0_i32 : i32, i32
  }
  func.func @transform_1(%arg0: i32, %arg1: i32) -> (i32, i32) {
    %c0_i32 = arith.constant 0 : i32
    %c0_i32_0 = arith.constant 0 : i32
    return %c0_i32, %arg1 : i32, i32
  }
  func.func @transform_2(%arg0: i32, %arg1: i32) -> (i32, i32) {
    %c0_i32 = arith.constant 0 : i32
    %c0_i32_0 = arith.constant 0 : i32
    return %arg0, %c0_i32 : i32, i32
  }
  func.func @transform_3(%arg0: i32, %arg1: i32) -> (i32, i32) {
    %mul3A = arith.constant 10 : i32
    %mul3A_0 = arith.muli %arg1, %mul3A : i32
    %add3A = arith.addi %mul3A_0, %arg0 : i32
    %c0_i32 = arith.constant 0 : i32
    %c0_i32_1 = arith.constant 0 : i32
    return %add3A, %c0_i32 : i32, i32
  }
}

module attributes {stable_mosaic.version = 14 : i64} {
  func.func @body(%arg0: i32, %arg1: i32, %arg2: memref<1000x128xf32, #tpu.memory_space<vmem>>, %arg3: memref<1000x128xf32, #tpu.memory_space<vmem>>, %arg4: memref<1000x128xf32, #tpu.memory_space<vmem>>, %arg5: memref<1000x128xf32, #tpu.memory_space<vmem>>, %arg6: memref<256x128xf32, #tpu.memory_space<vmem>>, %arg7: memref<1000x1xf32, #tpu.memory_space<vmem>>, %arg8: memref<1000x128xf32, #tpu.memory_space<vmem>>) attributes {dimension_semantics = [#tpu.dimension_semantics<arbitrary>, #tpu.dimension_semantics<arbitrary>], iteration_bounds = array<i64: 10, 2>, scalar_prefetch = 0 : i64, scratch_operands = 0 : i64, tpu.core_type = #tpu.core_type<tc>, window_params = [{transform_indices = @transform_0, window_bounds = array<i64: 1000, 128>}, {transform_indices = @transform_1, window_bounds = array<i64: 1000, 128>}, {transform_indices = @transform_2, window_bounds = array<i64: 1000, 128>}, {transform_indices = @transform_3, window_bounds = array<i64: 1000, 128>}, {transform_indices = @transform_4, window_bounds = array<i64: 256, 128>}, {transform_indices = @transform_5, window_bounds = array<i64: 1000, 1>}, {transform_indices = @transform_6, window_bounds = array<i64: 1000, 128>}]} {
    %get3A = arith.constant 0 : index
    %get3A_0 = arith.constant 0 : index
    %get3A_1 = vector.load %arg7[%get3A, %get3A_0] : memref<1000x1xf32, #tpu.memory_space<vmem>>, vector<1000x1xf32>
    %get3A_2 = arith.constant 0 : index
    %get3A_3 = arith.constant 0 : index
    %get3A_4 = vector.load %arg2[%get3A_2, %get3A_3] : memref<1000x128xf32, #tpu.memory_space<vmem>>, vector<1000x128xf32>
    %get3A_5 = arith.constant 0 : index
    %get3A_6 = arith.constant 0 : index
    %get3A_7 = vector.load %arg4[%get3A_5, %get3A_6] : memref<1000x128xf32, #tpu.memory_space<vmem>>, vector<1000x128xf32>
    %add3A = arith.addf %get3A_4, %get3A_7 : vector<1000x128xf32>
    %mul3A = vector.broadcast %get3A_1 : vector<1000x1xf32> to vector<1000x128xf32>
    %mul3A_8 = arith.mulf %add3A, %mul3A : vector<1000x128xf32>
    %max3A = arith.constant 0.000000e+00 : f32
    %max3A_9 = vector.broadcast %max3A : f32 to vector<1000x128xf32>
    %max3A_10 = arith.maximumf %mul3A_8, %max3A_9 : vector<1000x128xf32>
    %get3A_11 = arith.constant 0 : index
    %get3A_12 = arith.constant 0 : index
    %get3A_13 = vector.load %arg3[%get3A_11, %get3A_12] : memref<1000x128xf32, #tpu.memory_space<vmem>>, vector<1000x128xf32>
    %get3A_14 = arith.constant 0 : index
    %get3A_15 = arith.constant 0 : index
    %get3A_16 = vector.load %arg5[%get3A_14, %get3A_15] : memref<1000x128xf32, #tpu.memory_space<vmem>>, vector<1000x128xf32>
    %add3A_17 = arith.addf %get3A_13, %get3A_16 : vector<1000x128xf32>
    %mul3A_18 = vector.broadcast %get3A_1 : vector<1000x1xf32> to vector<1000x128xf32>
    %mul3A_19 = arith.mulf %add3A_17, %mul3A_18 : vector<1000x128xf32>
    %max3A_20 = arith.constant 0.000000e+00 : f32
    %max3A_21 = vector.broadcast %max3A_20 : f32 to vector<1000x128xf32>
    %max3A_22 = arith.maximumf %mul3A_19, %max3A_21 : vector<1000x128xf32>
    %get3A_23 = arith.constant 0 : index
    %get3A_24 = arith.constant 0 : index
    %get3A_25 = vector.load %arg6[%get3A_23, %get3A_24] : memref<256x128xf32, #tpu.memory_space<vmem>>, vector<128x128xf32>
    %dot_general3A = arith.constant dense<0.000000e+00> : vector<1000x128xf32>
    %dot_general3A_26 = tpu.matmul %max3A_10, %get3A_25, %dot_general3A {dimension_numbers = #tpu.dot_dimension_numbers<[1], [0], [0], [1], [0, 0, 1, 1], [], []>, transpose_lhs_hint = false} : vector<1000x128xf32>, vector<128x128xf32>, vector<1000x128xf32> -> vector<1000x128xf32>
    %get3A_27 = arith.constant 128 : index
    %get3A_28 = arith.constant 0 : index
    %get3A_29 = vector.load %arg6[%get3A_27, %get3A_28] : memref<256x128xf32, #tpu.memory_space<vmem>>, vector<128x128xf32>
    %dot_general3A_30 = arith.constant dense<0.000000e+00> : vector<1000x128xf32>
    %dot_general3A_31 = tpu.matmul %max3A_22, %get3A_29, %dot_general3A_30 {dimension_numbers = #tpu.dot_dimension_numbers<[1], [0], [0], [1], [0, 0, 1, 1], [], []>, transpose_lhs_hint = false} : vector<1000x128xf32>, vector<128x128xf32>, vector<1000x128xf32> -> vector<1000x128xf32>
    %add3A_32 = arith.addf %dot_general3A_26, %dot_general3A_31 : vector<1000x128xf32>
    %mul3A_33 = vector.broadcast %get3A_1 : vector<1000x1xf32> to vector<1000x128xf32>
    %mul3A_34 = arith.mulf %add3A_32, %mul3A_33 : vector<1000x128xf32>
    %swap3A = arith.constant 0 : index
    %swap3A_35 = arith.constant 0 : index
    %swap3A_36 = vector.load %arg8[%swap3A, %swap3A_35] : memref<1000x128xf32, #tpu.memory_space<vmem>>, vector<1000x128xf32>
    tpu.vector_store %arg8[%swap3A, %swap3A_35], %mul3A_34 {strides = array<i32>} : memref<1000x128xf32, #tpu.memory_space<vmem>>, vector<1000x128xf32>,
    return
  }
  func.func @transform_0(%arg0: i32, %arg1: i32) -> (i32, i32) {
    %c0_i32 = arith.constant 0 : i32
    %c0_i32_0 = arith.constant 0 : i32
    return %arg0, %c0_i32 : i32, i32
  }
  func.func @transform_1(%arg0: i32, %arg1: i32) -> (i32, i32) {
    %add3A = arith.constant 10 : i32
    %add3A_0 = arith.addi %add3A, %arg0 : i32
    %c0_i32 = arith.constant 0 : i32
    %c0_i32_1 = arith.constant 0 : i32
    return %add3A_0, %c0_i32 : i32, i32
  }
  func.func @transform_2(%arg0: i32, %arg1: i32) -> (i32, i32) {
    %c0_i32 = arith.constant 0 : i32
    %c0_i32_0 = arith.constant 0 : i32
    return %arg0, %c0_i32 : i32, i32
  }
  func.func @transform_3(%arg0: i32, %arg1: i32) -> (i32, i32) {
    %add3A = arith.constant 10 : i32
    %add3A_0 = arith.addi %add3A, %arg0 : i32
    %c0_i32 = arith.constant 0 : i32
    %c0_i32_1 = arith.constant 0 : i32
    return %add3A_0, %c0_i32 : i32, i32
  }
  func.func @transform_4(%arg0: i32, %arg1: i32) -> (i32, i32) {
    %c0_i32 = arith.constant 0 : i32
    %c0_i32_0 = arith.constant 0 : i32
    return %c0_i32, %arg1 : i32, i32
  }
  func.func @transform_5(%arg0: i32, %arg1: i32) -> (i32, i32) {
    %c0_i32 = arith.constant 0 : i32
    %c0_i32_0 = arith.constant 0 : i32
    return %arg0, %c0_i32 : i32, i32
  }
  func.func @transform_6(%arg0: i32, %arg1: i32) -> (i32, i32) {
    %mul3A = arith.constant 10 : i32
    %mul3A_0 = arith.muli %arg1, %mul3A : i32
    %add3A = arith.addi %mul3A_0, %arg0 : i32
    %c0_i32 = arith.constant 0 : i32
    %c0_i32_1 = arith.constant 0 : i32
    return %add3A, %c0_i32 : i32, i32
  }
}

module attributes {stable_mosaic.version = 14 : i64} {
  func.func @body(%arg0: i32, %arg1: memref<1000x128xf32, #tpu.memory_space<vmem>>, %arg2: memref<1000x128xf32, #tpu.memory_space<vmem>>, %arg3: memref<1000x128xf32, #tpu.memory_space<vmem>>, %arg4: memref<1000x128xf32, #tpu.memory_space<vmem>>, %arg5: memref<1000x1xf32, #tpu.memory_space<vmem>>, %arg6: memref<1000x256xf32, #tpu.memory_space<vmem>>) attributes {dimension_semantics = [#tpu.dimension_semantics<arbitrary>], iteration_bounds = array<i64: 10>, scalar_prefetch = 0 : i64, scratch_operands = 0 : i64, tpu.core_type = #tpu.core_type<tc>, window_params = [{transform_indices = @transform_0, window_bounds = array<i64: 1000, 128>}, {transform_indices = @transform_1, window_bounds = array<i64: 1000, 128>}, {transform_indices = @transform_2, window_bounds = array<i64: 1000, 128>}, {transform_indices = @transform_3, window_bounds = array<i64: 1000, 128>}, {transform_indices = @transform_4, window_bounds = array<i64: 1000, 1>}, {transform_indices = @transform_5, window_bounds = array<i64: 1000, 256>}]} {
    %get3A = arith.constant 0 : index
    %get3A_0 = arith.constant 0 : index
    %get3A_1 = vector.load %arg5[%get3A, %get3A_0] : memref<1000x1xf32, #tpu.memory_space<vmem>>, vector<1000x1xf32>
    %get3A_2 = arith.constant 0 : index
    %get3A_3 = arith.constant 0 : index
    %get3A_4 = vector.load %arg1[%get3A_2, %get3A_3] : memref<1000x128xf32, #tpu.memory_space<vmem>>, vector<1000x128xf32>
    %get3A_5 = arith.constant 0 : index
    %get3A_6 = arith.constant 0 : index
    %get3A_7 = vector.load %arg3[%get3A_5, %get3A_6] : memref<1000x128xf32, #tpu.memory_space<vmem>>, vector<1000x128xf32>
    %add3A = arith.addf %get3A_4, %get3A_7 : vector<1000x128xf32>
    %mul3A = vector.broadcast %get3A_1 : vector<1000x1xf32> to vector<1000x128xf32>
    %mul3A_8 = arith.mulf %add3A, %mul3A : vector<1000x128xf32>
    %swap3A = arith.constant 0 : index
    %swap3A_9 = arith.constant 0 : index
    %swap3A_10 = vector.load %arg6[%swap3A, %swap3A_9] : memref<1000x256xf32, #tpu.memory_space<vmem>>, vector<1000x128xf32>
    tpu.vector_store %arg6[%swap3A, %swap3A_9], %mul3A_8 {strides = array<i32>} : memref<1000x256xf32, #tpu.memory_space<vmem>>, vector<1000x128xf32>,
    %get3A_11 = arith.constant 0 : index
    %get3A_12 = arith.constant 0 : index
    %get3A_13 = vector.load %arg2[%get3A_11, %get3A_12] : memref<1000x128xf32, #tpu.memory_space<vmem>>, vector<1000x128xf32>
    %get3A_14 = arith.constant 0 : index
    %get3A_15 = arith.constant 0 : index
    %get3A_16 = vector.load %arg4[%get3A_14, %get3A_15] : memref<1000x128xf32, #tpu.memory_space<vmem>>, vector<1000x128xf32>
    %add3A_17 = arith.addf %get3A_13, %get3A_16 : vector<1000x128xf32>
    %mul3A_18 = vector.broadcast %get3A_1 : vector<1000x1xf32> to vector<1000x128xf32>
    %mul3A_19 = arith.mulf %add3A_17, %mul3A_18 : vector<1000x128xf32>
    %swap3A_20 = arith.constant 0 : index
    %swap3A_21 = arith.constant 128 : index
    %swap3A_22 = vector.load %arg6[%swap3A_20, %swap3A_21] : memref<1000x256xf32, #tpu.memory_space<vmem>>, vector<1000x128xf32>
    tpu.vector_store %arg6[%swap3A_20, %swap3A_21], %mul3A_19 {strides = array<i32>} : memref<1000x256xf32, #tpu.memory_space<vmem>>, vector<1000x128xf32>,
    return
  }
  func.func @transform_0(%arg0: i32) -> (i32, i32) {
    %c0_i32 = arith.constant 0 : i32
    %c0_i32_0 = arith.constant 0 : i32
    return %arg0, %c0_i32 : i32, i32
  }
  func.func @transform_1(%arg0: i32) -> (i32, i32) {
    %add3A = arith.constant 10 : i32
    %add3A_0 = arith.addi %add3A, %arg0 : i32
    %c0_i32 = arith.constant 0 : i32
    %c0_i32_1 = arith.constant 0 : i32
    return %add3A_0, %c0_i32 : i32, i32
  }
  func.func @transform_2(%arg0: i32) -> (i32, i32) {
    %c0_i32 = arith.constant 0 : i32
    %c0_i32_0 = arith.constant 0 : i32
    return %arg0, %c0_i32 : i32, i32
  }
  func.func @transform_3(%arg0: i32) -> (i32, i32) {
    %add3A = arith.constant 10 : i32
    %add3A_0 = arith.addi %add3A, %arg0 : i32
    %c0_i32 = arith.constant 0 : i32
    %c0_i32_1 = arith.constant 0 : i32
    return %add3A_0, %c0_i32 : i32, i32
  }
  func.func @transform_4(%arg0: i32) -> (i32, i32) {
    %c0_i32 = arith.constant 0 : i32
    %c0_i32_0 = arith.constant 0 : i32
    return %arg0, %c0_i32 : i32, i32
  }
  func.func @transform_5(%arg0: i32) -> (i32, i32) {
    %c0_i32 = arith.constant 0 : i32
    %c0_i32_0 = arith.constant 0 : i32
    return %arg0, %c0_i32 : i32, i32
  }
}

</mosaic_0001>

<sc_bundles>
// kernel: kernel.11.cloned.1.call-start
scs
__scs_entry_jumppad:
0x0: {  	(pc) =	sbr.rel $0x88, $3  }
0x1: {  	(tag) =	ssettag $0x0;
	lr =	simm.s32 $0x1  }
0x2: {  	[smem:$0x3F9C] =	sst lr;
	_ =	strace $0xD0000000  }
0x3: {  	_ = 	snop  }
0x4: {  	_ = 	snop  }
0x5: {  	_ = 	snop  }
0x6: {  	_ = 	snop  }
0x7: {  	_ = 	snop  }
__scs_overlays_trampoline_lowered:
0x8: {  	[smem:$0x3FAB] =	sst s0  }
0x9: {  	[smem:$0x3FAC] =	sst s1  }
0xa: {  	[smem:$0x3FAD] =	sst s2  }
0xb: {  	[smem:$0x3FAE] =	sst s3  }
0xc: {  	[smem:$0x3FAF] =	sst s4  }
0xd: {  	[smem:$0x3FB0] =	sst s5  }
0xe: {  	[smem:$0x3FB1] =	sst s6  }
0xf: {  	[smem:$0x3FB2] =	sst s7  }
0x10: {  	[smem:$0x3FB3] =	sst s8  }
0x11: {  	[smem:$0x3FB4] =	sst s9;
	s0 =	simm.s32 @!p0 $0x0  }
0x12: {  	s1 =	sld [smem:$0x3F9A];
	s0 =	simm.s32 @p0 $0x1  }
0x13: {  	[smem:$0x3FB5] =	sst s0;
	s0 =	simm.s32 @!p1 $0x0  }
0x14: {  	s2 =	sld [smem:$0x3F99];
	s0 =	simm.s32 @p1 $0x1  }
0x15: {  	[smem:$0x3FB6] =	sst s0;
	s0 =	simm.s32 @!p2 $0x0  }
0x16: {  	s3 =	sld [smem:$0x3FDB];
	s0 =	simm.s32 @p2 $0x1  }
0x17: {  	s4 =	simm.s32 $0x1BF5;
	[smem:$0x3FB8] =	sst s0  }
0x18: {  	s0 =	sld [smem:$0x3F9B];
	_ =	swait.ge [sflag:s4], $0x0  }
0x19: {  	s7 =	sld [smem:$0x3F9C]  }
0x1a: {  	s8 =	sadd.s32 $0xFFFFE003, lr  }
0x1b: {  	s9 =	sadd.s32 $0xFFFFFEF7, lr;
	s5 =	simm.s32 $0xFFFFFFFF;
	p2 =	slt.u32 s8, $0xFFFFF086  }
0x1c: {  	p1 =	slt.u32 s9, $0xF7A;
	s5 =	simm.s32 @!p2 $0x0  }
0x1d: {  	s5 =	simm.s32 @p1 $0x1;
	p0 =	seq.s32 s7, s2  }
0x1e: {  	s7 =	smul.u32 @!p0 $0xF7A, s2;
	p2 =	seq.s32 @!p0 s5, $0x0  }
0x1f: {  	s9 =	smul.u32 $0xF7A, s1;
	s8 =	simm.s32 @!p0 $0x1BF5;
	p2 =	por !p2, p0  }
0x20: {  	[sflag:s8] =	ssyncset.s32 @!p0 $0xFFFFF086;
	s6 =	sadd.s32 @!p0 s3, s7;
	s7 =	simm.s32 @!p0 $0x108  }
0x21: {  	s3 =	sadd.s32 s3, s9;
	s6 =	sadd.s32 @!p0 $0x88, s6;
	s7 =	simm.s32 @p2 $0x1082  }
0x22: {  	[simem:s7], [sflag:s8] =	dma.local @!p0 [hbm:s6], $0xF7A  }
0x23: {  	s9 =	sor.u32 $0xD0000000, s2;
	s6 =	simm.s32 $0x108;
	_ =	swait.ge @!p0 [sflag:s8], $0x0  }
0x24: {  	s3 =	sadd.s32 $0x88, s3;
	s6 =	simm.s32 @!p1 $0x1082;
	[sflag:s4] =	ssyncset.s32 $0xFFFFF086  }
0x25: {  	[simem:s6], [sflag:s4] =	dma.local [hbm:s3], $0xF7A  }
0x26: {  	[smem:$0x3F9C] =	sst s1;
	(tag) =	ssettag s2;
	_ =	strace s9  }
0x27: {  	s1 =	sld [smem:$0x3FAC]  }
0x28: {  	s2 =	sld [smem:$0x3FAD]  }
0x29: {  	s4 =	sld [smem:$0x3FAF]  }
0x2a: {  	p0 =	seq.s32 s5, $0x0;
	s5 =	sld [smem:$0x3FB0]  }
0x2b: {  	s6 =	sld [smem:$0x3FB1]  }
0x2c: {  	s7 =	sld [smem:$0x3FB2]  }
0x2d: {  	s3 =	simm.s32 $0x108;
	s8 =	sld [smem:$0x3FB3]  }
0x2e: {  	s3 =	simm.s32 @!p0 $0x1082;
	s9 =	sld [smem:$0x3FB4]  }
0x2f: {  	lr =	sadd.s32 s0, s3;
	s0 =	sld [smem:$0x3FAB]  }
0x30: {  	s3 =	sld [smem:$0x3FAE]  }
0x31: {  	[smem:$0x3FB7] =	sst s10  }
0x32: {  	s10 =	sld [smem:$0x3FB5];
	_ =	sdelay $0x3  }
0x33: {  	p0 =	seq.s32 s10, $0x1;
	s10 =	sld [smem:$0x3FB7];
	_ =	sdelay $0x3  }
0x34: {  	[smem:$0x3FB7] =	sst s10  }
0x35: {  	s10 =	sld [smem:$0x3FB6];
	_ =	sdelay $0x3  }
0x36: {  	p1 =	seq.s32 s10, $0x1;
	s10 =	sld [smem:$0x3FB7];
	_ =	sdelay $0x3  }
0x37: {  	[smem:$0x3FB7] =	sst s10  }
0x38: {  	s10 =	sld [smem:$0x3FB8]  }
0x39: {  	_ = 	snop;
	(pc) =	sbr.ind lr, $3  }
0x3a: {  	_ = 	snop  }
0x3b: {  	_ = 	snop  }
0x3c: {  	p2 =	seq.s32 s10, $0x1;
	s10 =	sld [smem:$0x3FB7]  }
0x3d: {  	_ =	shalt  }
0x3e: {  	_ =	shalt  }
0x3f: {  	_ =	shalt  }
0x40: {  	_ =	shalt  }
0x41: {  	_ =	shalt  }
0x42: {  	_ =	shalt  }
0x43: {  	_ =	shalt  }
0x44: {  	_ =	shalt  }
0x45: {  	_ =	shalt  }
0x46: {  	_ =	shalt  }
0x47: {  	_ =	shalt  }
0x48: {  	_ =	shalt  }
0x49: {  	_ =	shalt  }
0x4a: {  	_ =	shalt  }
0x4b: {  	_ =	shalt  }
0x4c: {  	_ =	shalt  }
0x4d: {  	_ =	shalt  }
0x4e: {  	_ =	shalt  }
0x4f: {  	_ =	shalt  }
0x50: {  	_ =	shalt  }
0x51: {  	_ =	shalt  }
0x52: {  	_ =	shalt  }
0x53: {  	_ =	shalt  }
0x54: {  	_ =	shalt  }
0x55: {  	_ =	shalt  }
0x56: {  	_ =	shalt  }
0x57: {  	_ =	shalt  }
0x58: {  	_ =	shalt  }
0x59: {  	_ =	shalt  }
0x5a: {  	_ =	shalt  }
0x5b: {  	_ =	shalt  }
0x5c: {  	_ =	shalt  }
0x5d: {  	_ =	shalt  }
0x5e: {  	_ =	shalt  }
0x5f: {  	_ =	shalt  }
0x60: {  	_ =	shalt  }
0x61: {  	_ =	shalt  }
0x62: {  	_ =	shalt  }
0x63: {  	_ =	shalt  }
0x64: {  	_ =	shalt  }
0x65: {  	_ =	shalt  }
0x66: {  	_ =	shalt  }
0x67: {  	_ =	shalt  }
0x68: {  	_ =	shalt  }
0x69: {  	_ =	shalt  }
0x6a: {  	_ =	shalt  }
0x6b: {  	_ =	shalt  }
0x6c: {  	_ =	shalt  }
0x6d: {  	_ =	shalt  }
0x6e: {  	_ =	shalt  }
0x6f: {  	_ =	shalt  }
0x70: {  	_ =	shalt  }
0x71: {  	_ =	shalt  }
0x72: {  	_ =	shalt  }
0x73: {  	_ =	shalt  }
0x74: {  	_ =	shalt  }
0x75: {  	_ =	shalt  }
0x76: {  	_ =	shalt  }
0x77: {  	_ =	shalt  }
0x78: {  	_ =	shalt  }
0x79: {  	_ =	shalt  }
0x7a: {  	_ =	shalt  }
0x7b: {  	_ =	shalt  }
0x7c: {  	_ =	shalt  }
0x7d: {  	_ =	shalt  }
0x7e: {  	_ =	shalt  }
0x7f: {  	_ =	shalt  }
0x80: {  	_ =	shalt  }
0x81: {  	_ =	shalt  }
0x82: {  	_ =	shalt  }
0x83: {  	_ =	shalt  }
0x84: {  	_ =	shalt  }
0x85: {  	_ =	shalt  }
0x86: {  	_ =	shalt  }
0x87: {  	_ =	shalt  }
.Lfunc_end0:
.L_simem_size_0:
called_computation_lowered:
.L_overlay_start_0:
0x88: {  	s2 =	sld [smem:$0x3FD9]  }
0x89: {  	s3 =	sld [smem:$0x3FFE];
	_ =	sdelay $0x1  }
0x8a: {  	s1 =	srdreg.scid  }
0x8b: {  	s0 =	sand.u32 $0x1, s1  }
0x8c: {  	s17 =	sshll.u32 s0, $0xA;
	s2 =	sadd.s32 s3, s2  }
0x8d: {  	s2 =	sadd.s32 s2, s17  }
0x8e: {  	[smem:$0x3FC3] =	sst s2  }
0x8f: {  	_ = 	snop  }
0x90: {  	s2 =	sld [smem:$0x3FD0];
	(tm) =	ssettm $0x1  }
0x91: {  	s18 =	sld [smem:$0x3FFB];
	_ =	sdelay $0x3  }
0x92: {  	_ =	strace s18  }
0x93: {  	s3 =	sld [smem:$0x3FFC];
	_ =	sdelay $0x3  }
0x94: {  	_ =	strace s3  }
0x95: {  	s3 =	sld [smem:$0x3FFD];
	_ =	sdelay $0x3  }
0x96: {  	_ =	strace s3  }
0x97: {  	_ =	strace $0x8FFFFFFF  }
0x98: {  	s19 =	sld [smem:$0x3FDB];
	_ =	sdelay $0x1  }
0x99: {  	s4 =	simm.s32 $_scs_section_size  }
0x9a: {  	s5 =	simm.s32 $_size__tile_overlayer_lowered;
	s6 =	simm.s32 $_tile_overlayer_lowered  }
0x9b: {  	s22 =	simm.s32 $0x1BFF;
	s21 =	sshll.u32 s6, $0x1;
	s3 =	sadd.s32 s4, s19  }
0x9c: {  	s7 =	simm.s32 $0x0;
	s20 =	sshll.u32 s5, $0x1;
	s5 =	sadd.s32 s21, s3  }
0x9d: {  	[timem:s7], [sflag:s22] =	dma.local [hbm:s5], s20  }
0x9e: {  	_ =	swait.ge [sflag:s22], s20  }
0x9f: {  	s4 =	ssub.s32 $0x0, s20;
	[sflag:s22] =	ssyncset.done $0x0  }
0xa0: {  	[sflag:s22] =	ssyncadd.s32 s4;
	_ =	sdelay $0x1  }
0xa1: {  	s23 =	simm.s32 $0x1B8B  }
0xa2: {  	_ =	swait.ge [sflag:s23], $0x1  }
0xa3: {  	[sflag:s23] =	ssyncset.done $0x0  }
0xa4: {  	s25 =	simm.s32 $0x1B8E;
	s24 =	sld [smem:$0x3FFE];
	[sflag:s23] =	ssyncadd.s32 $0xFFFFFFFF  }
0xa5: {  	s26 =	simm.s32 $execute0_lowered;
	[smem:$0x3FD2] =	sst s25  }
0xa6: {  	s5 =	sshll.u32 s26, $0x1;
	_ =	strace $0x80000046;
	[dreg:$0x1] =	wrdreg $0xFFFFFFFF  }
0xa7: {  	s28 =	simm.s32 $_size_execute0_lowered;
	s3 =	sadd.s32 s3, s5;
	[dreg:$0x0] =	wrdreg $0x0  }
0xa8: {  	s5 =	sshll.u32 s28, $0x1;
	[dreg:$0x2] =	wrdreg s3  }
0xa9: {  	[dreg:$0x3] =	wrdreg s5  }
0xaa: {  	[dreg:$0x4] =	wrdreg $0xC0  }
0xab: {  	_ =	task [dreg:s7], $0x5FFFF  }
0xac: {  	[dreg:$0x1] =	wrdreg $0xFFFFFFFF  }
0xad: {  	[dreg:$0x0] =	wrdreg $0x60  }
0xae: {  	[dreg:$0x2] =	wrdreg s2  }
0xaf: {  	[dreg:$0x3] =	wrdreg s24  }
0xb0: {  	[dreg:$0x4] =	wrdreg $0x9  }
0xb1: {  	_ =	task.clear_ibuf [dreg:s7], $0x5FFFF;
	_ =	strace $0x90000046  }
0xb2: {  	s29 =	simm.s32 $0x9;
	_ =	strace $0x80000048  }
0xb3: {  	_ =	swait.ge [sflag:s29], $0x1  }
0xb4: {  	[sflag:s29] =	ssyncadd.s32 $0xFFFFFFFF  }
0xb5: {  	_ =	strace $0x90000048  }
0xb6: {  	_ =	sfence  }
0xb7: {  	s30 =	sld [smem:$0x0];
	_ =	sdelay $0x2  }
0xb8: {  	s31 =	sshll.u32 s1, $0xD;
	s1 =	sshrl.u32 s1, $0x2  }
0xb9: {  	s3 =	sand.u32 $0x4000, s31;
	s1 =	sadd.s32 s1, s30  }
0xba: {  	s0 =	sor.u32 s3, s0;
	s1 =	sshll.u32 s1, $0x11  }
0xbb: {  	s0 =	sor.u32 s1, s0  }
0xbc: {  	s0 =	sadd.s32 $0x8F2B, s0  }
0xbd: {  	[sflag:s0] =	ssyncadd.remote.s32 $0x1  }
0xbe: {  	_ =	sfence.sel $0xFFFF  }
0xbf: {  	[dreg:$0x0] =	wrdreg $0xFFFFFFFF;
	(pc) =	sbr.abs _section_cstart, $3  }
0xc0: {  	[dreg:$0x1] =	wrdreg $0xFFFFFFFF  }
0xc1: {  	_ =	task.clear_ibuf [dreg:s7], $0x2FFFF;
	_ =	strace $0x9FFFFFFF  }
0xc2: {  	(tm) =	ssettm $0x7FFFFFFF  }
0xc3: {  	_ =	shalt  }
tec
execute0_lowered:
.L_overlay_start_1:
0x0: {  	(tag) =	ssettag $0x1  }
0x1: {  	s3 =	rddreg [dreg:$0x0];
	s1 =	srdreg.scid  }
0x2: {  	s0 =	stileid.u32;
	s4 =	rddreg [dreg:$0x1]  }
0x3: {  	s8 =	simm.s32 $0x0;
	s5 =	sand.u32 $0x1, s1;
	s2 =	sshll.u32 s0, $0x1  }
0x4: {  	s6 =	sor.u32 s5, s2;
	s2 =	simm.s32 $0x0;
	s5 =	ssub.s32 $0x2, s5  }
0x5: {  	s6 =	smul.u32 $0x500, s6;
	[smem:$0x7FF] =	sst s2;
	s7 =	sshrl.u32 s5, $0x1  }
0x6: {  	s1 =	rddreg [dreg:$0x2];
	_ =	strace $0x80000047;
	s5 =	ssub.s32 s5, s7  }
0x7: {  	s7 =	simm.s32 $0x1;
	s4 =	sadd.s32 s6, s4;
	s3 =	sadd.s32 s3, s6  }
0x8: {  	v0 =	vimm.f32 $0.0e+00;
	v1 =	vimm.f32 $1.000000000e+00;
	s5 =	smax.u32 s5, $0x1;
	s6 =	simm.s32 $0x2800;
	s4 =	sadd.s32 $0x2200, s4  }
.LBB2_1:
0x9: {  	s9 =	sand.u32 $0xFE00, s2  }
0xa: {  	s10 =	sand.u32 $0x70, s2;
	s11 =	sshrl.u32 s9, $0x2  }
0xb: {  	s9 =	simm.s32 $0x40;
	s11 =	sor.u32 s10, s11;
	s10 =	simm.s32 $0x0  }
.LBB2_2:
0xc: {  	p0 =	sne.s32 s9, $0x9DC0  }
0xd: {  	[tilespmem:s11+$0x0] =	vst v0;
	s10 =	sadd.s32 $0x10, s10;
	s11 =	smov.u32 s9;
	s9 =	sadd.s32 $0x40, s9  }
.Ltmp0:
0xe: {  	(pc) =	sbr.rel @p0 .LBB2_2-.Ltmp0, $4  }
0xf: {  	_ = 	snop  }
0x10: {  	s11 =	sand.u32 $0xFE00, s11  }
0x11: {  	s12 =	sand.u32 $0x70, s10;
	s11 =	sshrl.u32 s11, $0x2  }
0x12: {  	s11 =	sor.u32 s12, s11  }
0x13: {  	[tilespmem:s11+$0x0] =	vst v0;
	s9 =	simm.s32 $0x0  }
0x14: {  	[tilespmem:s6], [sflag:$0x1] =	stream.linear.gather [hbm4b:s3+s9], $0x2800, $0x38;
	[tilespmem:$0x5000] =	vst v63  }
0x15: {  	s10 =	sand.u32 $0xFE00, s9;
	_ =	swait.ge [sflag:s7], $0x2800  }
0x16: {  	s9 =	sand.u32 $0x70, s9;
	s10 =	sshrl.u32 s10, $0x2;
	[sflag:s7] =	ssyncset.done $0x0  }
0x17: {  	s9 =	sor.u32 s9, s10;
	[sflag:s7] =	ssyncadd.s32 $0xFFFFD800  }
0x18: {  	v2 =	vld [tilespmem:s9+$0x2800];
	_ =	sdelay $0x4  }
0x19: {  	s31 =	simm.s32 $0x40  }
0x1a: {  	s11 =	sand.u32 $0xFE00, s31;
	s10 =	simm.s32 $0x80;
	s9 =	simm.s32 $0x10  }
.LBB2_4:
0x1b: {  	p0 =	sne.s32 s10, $0x9FC0;
	s12 =	sand.u32 $0x70, s9;
	s11 =	sshrl.u32 s11, $0x2  }
0x1c: {  	s11 =	sor.u32 s12, s11;
	[tilespmem:v2+s2+$0x0] =	vst.idx.add.f32.msk $0xffff, v1  }
0x1d: {  	v2 =	vld [tilespmem:s11+$0x2800];
	_ =	sdelay $0x1  }
.Ltmp1:
0x1e: {  	(pc) =	sbr.rel @p0 .LBB2_4-.Ltmp1, $2  }
0x1f: {  	_ =	sdelay $0x2  }
0x20: {  	s9 =	sadd.s32 $0x10, s9;
	s11 =	sand.u32 $0xFE00, s10;
	s10 =	sadd.s32 $0x40, s10  }
0x21: {  	_ =	sdelay $0x2  }
0x22: {  	s9 =	sand.u32 $0x70, s9;
	s10 =	sshrl.u32 s11, $0x2  }
0x23: {  	[tilespmem:v2+s2+$0x0] =	vst.idx.add.f32.msk $0xffff, v1;
	s9 =	sor.u32 s9, s10  }
0x24: {  	v2 =	vld [tilespmem:s9+$0x2800];
	_ =	sdelay $0x5  }
0x25: {  	s8 =	sadd.s32 $0x1, s8  }
0x26: {  	p0 =	sne.s32 s8, s5  }
.Ltmp2:
0x27: {  	[tilespmem:v2+s2+$0x0] =	vst.idx.add.f32.msk $0xffff, v1;
	(pc) =	sbr.rel @p0 .LBB2_1-.Ltmp2, $4  }
0x28: {  	[hbm4b:s4+s2] =	stream.linear.scatter [tilespmem:s2], [sflag:$0x1], $0x2780, $0x38;
	[tilespmem:$0x5000] =	vst v63  }
0x29: {  	_ =	swait.ge [sflag:s7], $0x2780  }
0x2a: {  	[sflag:s7] =	ssyncset.done $0x0  }
0x2b: {  	[sflag:s7] =	ssyncadd.s32 $0xFFFFD880  }
0x2c: {  	_ =	sfence.sel $0x180000  }
0x2d: {  	[bflag:$0x0] =	sbarrier.arrive $0xFFFF  }
0x2e: {  	p0 =	sne.s32 s0, $0x0;
	_ =	strace $0x90000047  }
0x2f: {  	s0 =	sadd.s32 @!p0 $0x100000, s1;
	[bflag:$0x2] =	sbarrier.arrive $0xFFFF  }
0x30: {  	[sflag:s0] =	ssyncadd.tile.s32 @!p0 $0x1;
	_ =	shalt  }
.Lfunc_end2:
_tile_overlayer_lowered:
.L_overlay_start_2:
0x31: {  	(tag) =	ssettag $0x2  }
0x32: {  	s0 =	rddreg [dreg:$0x0];
	s2 =	stileid.u32  }
0x33: {  	s1 =	rddreg [dreg:$0x1];
	p0 =	sne.s32 s2, $0x0  }
0x34: {  	s3 =	rddreg [dreg:$0x2];
	[bflag:$0x3] =	sbarrier.arrive $0xFFFF;
	s2 =	simm.s32 @!p0 $0x1C01  }
0x35: {  	[timem:s3], [sflag:s2] =	dma.local @!p0 [hbm:s0], s1  }
0x36: {  	s0 =	simm.s32 @!p0 $0x1  }
0x37: {  	_ =	swait.ge @!p0 [sflag:s0], s1  }
0x38: {  	s1 =	ssub.s32 @!p0 $0x0, s1;
	[sflag:s0] =	ssyncset.done @!p0 $0x0  }
0x39: {  	[sflag:s0] =	ssyncadd.s32 @!p0 s1  }
0x3a: {  	[bflag:$0x3] =	sbarrier.arrive $0xFFFF  }
0x3b: {  	_ =	shalt  }

// kernel: kernel.14.cloned.1.call-start
scs
__scs_entry_jumppad:
0x0: {  	(pc) =	sbr.rel $0x88, $3  }
0x1: {  	(tag) =	ssettag $0x0;
	lr =	simm.s32 $0x1  }
0x2: {  	[smem:$0x3F9C] =	sst lr;
	_ =	strace $0xD0000000  }
0x3: {  	_ = 	snop  }
0x4: {  	_ = 	snop  }
0x5: {  	_ = 	snop  }
0x6: {  	_ = 	snop  }
0x7: {  	_ = 	snop  }
__scs_overlays_trampoline_lowered:
0x8: {  	[smem:$0x3FAB] =	sst s0  }
0x9: {  	[smem:$0x3FAC] =	sst s1  }
0xa: {  	[smem:$0x3FAD] =	sst s2  }
0xb: {  	[smem:$0x3FAE] =	sst s3  }
0xc: {  	[smem:$0x3FAF] =	sst s4  }
0xd: {  	[smem:$0x3FB0] =	sst s5  }
0xe: {  	[smem:$0x3FB1] =	sst s6  }
0xf: {  	[smem:$0x3FB2] =	sst s7  }
0x10: {  	[smem:$0x3FB3] =	sst s8  }
0x11: {  	[smem:$0x3FB4] =	sst s9;
	s0 =	simm.s32 @!p0 $0x0  }
0x12: {  	s1 =	sld [smem:$0x3F9A];
	s0 =	simm.s32 @p0 $0x1  }
0x13: {  	[smem:$0x3FB5] =	sst s0;
	s0 =	simm.s32 @!p1 $0x0  }
0x14: {  	s2 =	sld [smem:$0x3F99];
	s0 =	simm.s32 @p1 $0x1  }
0x15: {  	[smem:$0x3FB6] =	sst s0;
	s0 =	simm.s32 @!p2 $0x0  }
0x16: {  	s3 =	sld [smem:$0x3FDB];
	s0 =	simm.s32 @p2 $0x1  }
0x17: {  	s4 =	simm.s32 $0x1BF5;
	[smem:$0x3FB8] =	sst s0  }
0x18: {  	s0 =	sld [smem:$0x3F9B];
	_ =	swait.ge [sflag:s4], $0x0  }
0x19: {  	s7 =	sld [smem:$0x3F9C]  }
0x1a: {  	s8 =	sadd.s32 $0xFFFFE003, lr  }
0x1b: {  	s9 =	sadd.s32 $0xFFFFFEF7, lr;
	s5 =	simm.s32 $0xFFFFFFFF;
	p2 =	slt.u32 s8, $0xFFFFF086  }
0x1c: {  	p1 =	slt.u32 s9, $0xF7A;
	s5 =	simm.s32 @!p2 $0x0  }
0x1d: {  	s5 =	simm.s32 @p1 $0x1;
	p0 =	seq.s32 s7, s2  }
0x1e: {  	s7 =	smul.u32 @!p0 $0xF7A, s2;
	p2 =	seq.s32 @!p0 s5, $0x0  }
0x1f: {  	s9 =	smul.u32 $0xF7A, s1;
	s8 =	simm.s32 @!p0 $0x1BF5;
	p2 =	por !p2, p0  }
0x20: {  	[sflag:s8] =	ssyncset.s32 @!p0 $0xFFFFF086;
	s6 =	sadd.s32 @!p0 s3, s7;
	s7 =	simm.s32 @!p0 $0x108  }
0x21: {  	s3 =	sadd.s32 s3, s9;
	s6 =	sadd.s32 @!p0 $0x88, s6;
	s7 =	simm.s32 @p2 $0x1082  }
0x22: {  	[simem:s7], [sflag:s8] =	dma.local @!p0 [hbm:s6], $0xF7A  }
0x23: {  	s9 =	sor.u32 $0xD0000000, s2;
	s6 =	simm.s32 $0x108;
	_ =	swait.ge @!p0 [sflag:s8], $0x0  }
0x24: {  	s3 =	sadd.s32 $0x88, s3;
	s6 =	simm.s32 @!p1 $0x1082;
	[sflag:s4] =	ssyncset.s32 $0xFFFFF086  }
0x25: {  	[simem:s6], [sflag:s4] =	dma.local [hbm:s3], $0xF7A  }
0x26: {  	[smem:$0x3F9C] =	sst s1;
	(tag) =	ssettag s2;
	_ =	strace s9  }
0x27: {  	s1 =	sld [smem:$0x3FAC]  }
0x28: {  	s2 =	sld [smem:$0x3FAD]  }
0x29: {  	s4 =	sld [smem:$0x3FAF]  }
0x2a: {  	p0 =	seq.s32 s5, $0x0;
	s5 =	sld [smem:$0x3FB0]  }
0x2b: {  	s6 =	sld [smem:$0x3FB1]  }
0x2c: {  	s7 =	sld [smem:$0x3FB2]  }
0x2d: {  	s3 =	simm.s32 $0x108;
	s8 =	sld [smem:$0x3FB3]  }
0x2e: {  	s3 =	simm.s32 @!p0 $0x1082;
	s9 =	sld [smem:$0x3FB4]  }
0x2f: {  	lr =	sadd.s32 s0, s3;
	s0 =	sld [smem:$0x3FAB]  }
0x30: {  	s3 =	sld [smem:$0x3FAE]  }
0x31: {  	[smem:$0x3FB7] =	sst s10  }
0x32: {  	s10 =	sld [smem:$0x3FB5];
	_ =	sdelay $0x3  }
0x33: {  	p0 =	seq.s32 s10, $0x1;
	s10 =	sld [smem:$0x3FB7];
	_ =	sdelay $0x3  }
0x34: {  	[smem:$0x3FB7] =	sst s10  }
0x35: {  	s10 =	sld [smem:$0x3FB6];
	_ =	sdelay $0x3  }
0x36: {  	p1 =	seq.s32 s10, $0x1;
	s10 =	sld [smem:$0x3FB7];
	_ =	sdelay $0x3  }
0x37: {  	[smem:$0x3FB7] =	sst s10  }
0x38: {  	s10 =	sld [smem:$0x3FB8]  }
0x39: {  	_ = 	snop;
	(pc) =	sbr.ind lr, $3  }
0x3a: {  	_ = 	snop  }
0x3b: {  	_ = 	snop  }
0x3c: {  	p2 =	seq.s32 s10, $0x1;
	s10 =	sld [smem:$0x3FB7]  }
0x3d: {  	_ =	shalt  }
0x3e: {  	_ =	shalt  }
0x3f: {  	_ =	shalt  }
0x40: {  	_ =	shalt  }
0x41: {  	_ =	shalt  }
0x42: {  	_ =	shalt  }
0x43: {  	_ =	shalt  }
0x44: {  	_ =	shalt  }
0x45: {  	_ =	shalt  }
0x46: {  	_ =	shalt  }
0x47: {  	_ =	shalt  }
0x48: {  	_ =	shalt  }
0x49: {  	_ =	shalt  }
0x4a: {  	_ =	shalt  }
0x4b: {  	_ =	shalt  }
0x4c: {  	_ =	shalt  }
0x4d: {  	_ =	shalt  }
0x4e: {  	_ =	shalt  }
0x4f: {  	_ =	shalt  }
0x50: {  	_ =	shalt  }
0x51: {  	_ =	shalt  }
0x52: {  	_ =	shalt  }
0x53: {  	_ =	shalt  }
0x54: {  	_ =	shalt  }
0x55: {  	_ =	shalt  }
0x56: {  	_ =	shalt  }
0x57: {  	_ =	shalt  }
0x58: {  	_ =	shalt  }
0x59: {  	_ =	shalt  }
0x5a: {  	_ =	shalt  }
0x5b: {  	_ =	shalt  }
0x5c: {  	_ =	shalt  }
0x5d: {  	_ =	shalt  }
0x5e: {  	_ =	shalt  }
0x5f: {  	_ =	shalt  }
0x60: {  	_ =	shalt  }
0x61: {  	_ =	shalt  }
0x62: {  	_ =	shalt  }
0x63: {  	_ =	shalt  }
0x64: {  	_ =	shalt  }
0x65: {  	_ =	shalt  }
0x66: {  	_ =	shalt  }
0x67: {  	_ =	shalt  }
0x68: {  	_ =	shalt  }
0x69: {  	_ =	shalt  }
0x6a: {  	_ =	shalt  }
0x6b: {  	_ =	shalt  }
0x6c: {  	_ =	shalt  }
0x6d: {  	_ =	shalt  }
0x6e: {  	_ =	shalt  }
0x6f: {  	_ =	shalt  }
0x70: {  	_ =	shalt  }
0x71: {  	_ =	shalt  }
0x72: {  	_ =	shalt  }
0x73: {  	_ =	shalt  }
0x74: {  	_ =	shalt  }
0x75: {  	_ =	shalt  }
0x76: {  	_ =	shalt  }
0x77: {  	_ =	shalt  }
0x78: {  	_ =	shalt  }
0x79: {  	_ =	shalt  }
0x7a: {  	_ =	shalt  }
0x7b: {  	_ =	shalt  }
0x7c: {  	_ =	shalt  }
0x7d: {  	_ =	shalt  }
0x7e: {  	_ =	shalt  }
0x7f: {  	_ =	shalt  }
0x80: {  	_ =	shalt  }
0x81: {  	_ =	shalt  }
0x82: {  	_ =	shalt  }
0x83: {  	_ =	shalt  }
0x84: {  	_ =	shalt  }
0x85: {  	_ =	shalt  }
0x86: {  	_ =	shalt  }
0x87: {  	_ =	shalt  }
.Lfunc_end0:
.L_simem_size_0:
called_computation.1_lowered:
.L_overlay_start_0:
0x88: {  	s2 =	sld [smem:$0x3FD9]  }
0x89: {  	s3 =	sld [smem:$0x3FFE];
	_ =	sdelay $0x1  }
0x8a: {  	s1 =	srdreg.scid  }
0x8b: {  	s0 =	sand.u32 $0x1, s1  }
0x8c: {  	s17 =	sshll.u32 s0, $0xA;
	s2 =	sadd.s32 s3, s2  }
0x8d: {  	s2 =	sadd.s32 s2, s17  }
0x8e: {  	[smem:$0x3FC3] =	sst s2  }
0x8f: {  	_ = 	snop  }
0x90: {  	s2 =	sld [smem:$0x3FD0];
	(tm) =	ssettm $0x1  }
0x91: {  	s18 =	sld [smem:$0x3FFB];
	_ =	sdelay $0x3  }
0x92: {  	_ =	strace s18  }
0x93: {  	s3 =	sld [smem:$0x3FFC];
	_ =	sdelay $0x3  }
0x94: {  	_ =	strace s3  }
0x95: {  	s3 =	sld [smem:$0x3FFD];
	_ =	sdelay $0x3  }
0x96: {  	_ =	strace s3  }
0x97: {  	_ =	strace $0x8FFFFFFF  }
0x98: {  	s19 =	sld [smem:$0x3FDB];
	_ =	sdelay $0x1  }
0x99: {  	s4 =	simm.s32 $_scs_section_size  }
0x9a: {  	s5 =	simm.s32 $_size__tile_overlayer_lowered;
	s6 =	simm.s32 $_tile_overlayer_lowered  }
0x9b: {  	s22 =	simm.s32 $0x1BFF;
	s21 =	sshll.u32 s6, $0x1;
	s3 =	sadd.s32 s4, s19  }
0x9c: {  	s7 =	simm.s32 $0x0;
	s20 =	sshll.u32 s5, $0x1;
	s5 =	sadd.s32 s21, s3  }
0x9d: {  	[timem:s7], [sflag:s22] =	dma.local [hbm:s5], s20  }
0x9e: {  	_ =	swait.ge [sflag:s22], s20  }
0x9f: {  	s4 =	ssub.s32 $0x0, s20;
	[sflag:s22] =	ssyncset.done $0x0  }
0xa0: {  	[sflag:s22] =	ssyncadd.s32 s4;
	_ =	sdelay $0x1  }
0xa1: {  	s23 =	simm.s32 $0x1B8B  }
0xa2: {  	_ =	swait.ge [sflag:s23], $0x1  }
0xa3: {  	[sflag:s23] =	ssyncset.done $0x0  }
0xa4: {  	s25 =	simm.s32 $0x1B8E;
	s24 =	sld [smem:$0x3FFE];
	[sflag:s23] =	ssyncadd.s32 $0xFFFFFFFF  }
0xa5: {  	s26 =	simm.s32 $execute0_lowered;
	[smem:$0x3FD2] =	sst s25  }
0xa6: {  	s5 =	sshll.u32 s26, $0x1;
	_ =	strace $0x80000049;
	[dreg:$0x1] =	wrdreg $0xFFFFFFFF  }
0xa7: {  	s28 =	simm.s32 $_size_execute0_lowered;
	s3 =	sadd.s32 s3, s5;
	[dreg:$0x0] =	wrdreg $0x0  }
0xa8: {  	s5 =	sshll.u32 s28, $0x1;
	[dreg:$0x2] =	wrdreg s3  }
0xa9: {  	[dreg:$0x3] =	wrdreg s5  }
0xaa: {  	[dreg:$0x4] =	wrdreg $0xC0  }
0xab: {  	_ =	task [dreg:s7], $0x5FFFF  }
0xac: {  	[dreg:$0x1] =	wrdreg $0xFFFFFFFF  }
0xad: {  	[dreg:$0x0] =	wrdreg $0x60  }
0xae: {  	[dreg:$0x2] =	wrdreg s2  }
0xaf: {  	[dreg:$0x3] =	wrdreg s24  }
0xb0: {  	[dreg:$0x4] =	wrdreg $0x0  }
0xb1: {  	[dreg:$0x5] =	wrdreg $0x9  }
0xb2: {  	_ =	task.clear_ibuf [dreg:s7], $0x6FFFF;
	_ =	strace $0x90000049  }
0xb3: {  	s29 =	simm.s32 $0x9;
	_ =	strace $0x8000004B  }
0xb4: {  	_ =	swait.ge [sflag:s29], $0x1  }
0xb5: {  	[sflag:s29] =	ssyncadd.s32 $0xFFFFFFFF  }
0xb6: {  	_ =	strace $0x9000004B  }
0xb7: {  	_ =	sfence  }
0xb8: {  	s30 =	sld [smem:$0x0];
	_ =	sdelay $0x2  }
0xb9: {  	s31 =	sshll.u32 s1, $0xD;
	s1 =	sshrl.u32 s1, $0x2  }
0xba: {  	s3 =	sand.u32 $0x4000, s31;
	s1 =	sadd.s32 s1, s30  }
0xbb: {  	s0 =	sor.u32 s3, s0;
	s1 =	sshll.u32 s1, $0x11  }
0xbc: {  	s0 =	sor.u32 s1, s0  }
0xbd: {  	s0 =	sadd.s32 $0x8F2B, s0  }
0xbe: {  	[sflag:s0] =	ssyncadd.remote.s32 $0x1  }
0xbf: {  	_ =	sfence.sel $0xFFFF  }
0xc0: {  	[dreg:$0x0] =	wrdreg $0xFFFFFFFF;
	(pc) =	sbr.abs _section_cstart, $3  }
0xc1: {  	[dreg:$0x1] =	wrdreg $0xFFFFFFFF  }
0xc2: {  	_ =	task.clear_ibuf [dreg:s7], $0x2FFFF;
	_ =	strace $0x9FFFFFFF  }
0xc3: {  	(tm) =	ssettm $0x7FFFFFFF  }
tec
execute0_lowered:
.L_overlay_start_1:
0x0: {  	(tag) =	ssettag $0x1  }
0x1: {  	s1 =	rddreg [dreg:$0x0]  }
0x2: {  	s5 =	rddreg [dreg:$0x1];
	s2 =	srdreg.scid  }
0x3: {  	s0 =	stileid.u32;
	s3 =	rddreg [dreg:$0x2];
	s4 =	simm.s32 $0x0  }
0x4: {  	s15 =	simm.s32 $0x5;
	s16 =	simm.s32 $0x1BC00;
	s17 =	simm.s32 $0x80  }
0x5: {  	s18 =	simm.s32 $0x1;
	s19 =	simm.s32 $0x17C00;
	s20 =	simm.s32 $0x2  }
0x6: {  	s21 =	simm.s32 $0x3;
	s22 =	simm.s32 $0x4;
	s7 =	smul.u32 $0x278, s0  }
0x7: {  	s6 =	sand.u32 $0x1, s2;
	s2 =	rddreg [dreg:$0x3];
	s30 =	smul.u32 $0x4F000, s0  }
0x8: {  	s23 =	simm.s32 $0x0;
	[smem:$0x7FF] =	sst s4;
	s10 =	smul.u32 $0xA000, s0  }
0x9: {  	s13 =	sadd.s32 $0xC200, s5;
	p0 =	seq.s32 s0, $0xF;
	s8 =	smul.u32 $0x2710, s6  }
0xa: {  	_ =	strace $0x8000004A;
	s9 =	smul.u32 $0xA0000, s6;
	s6 =	ssub.s32 $0x2, s6  }
0xb: {  	s31 =	sshrl.u32 s6, $0x1;
	s7 =	sadd.s32 s7, s8;
	s8 =	sshrl.u32 s30, $0x2  }
0xc: {  	s12 =	ssub.s32 s6, s31;
	s14 =	sadd.s32 s10, s9;
	s7 =	sshll.u32 s7, $0x4  }
.Ltmp0:
0xd: {  	s10 =	sshrl.u32 s14, $0x3;
	s14 =	sor.u32 $0x800, s14;
	(pc) =	sbr.rel .LBB2_1-.Ltmp0, $4  }
0xe: {  	s12 =	smax.u32 s12, $0x1;
	s11 =	sadd.s32 s7, s5;
	s5 =	sadd.s32 s8, s3  }
0xf: {  	s10 =	sadd.s32 s13, s10;
	s14 =	sshrl.u32 s14, $0x3;
	s6 =	sadd.s32 $0x4000, s5  }
0x10: {  	s7 =	sadd.s32 $0x8000, s5;
	s8 =	sadd.s32 $0xC000, s5;
	s9 =	sadd.s32 $0x10000, s5  }
0x11: {  	v0 =	vimm.f32 $0.0e+00;
	s11 =	sadd.s32 $0x34200, s11;
	s13 =	sadd.s32 s14, s13;
	s14 =	simm.s32 $0x13C00  }
.LBB2_6:
0x12: {  	_ =	swait.ge [sflag:s22], $0x800  }
0x13: {  	[sflag:s22] =	ssyncset.done $0x0  }
0x14: {  	[sflag:s22] =	ssyncadd.s32 $0xFFFFF800  }
0x15: {  	s24 =	sshrl.u32 @p0 s5, $0x3;
	s25 =	simm.s32 @p0 $0x1FC5;
	[bflag:$0x0] =	sbarrier.arrive $0xFFFF  }
0x16: {  	[hbm:s11], [sflag:s25] =	dma.local @p0 [spmem:s24], $0x2080  }
0x17: {  	s24 =	simm.s32 @p0 $0x5  }
0x18: {  	s23 =	sadd.s32 $0x1, s23;
	_ =	swait.ge @p0 [sflag:s24], $0x2080  }
0x19: {  	p1 =	sne.s32 s23, s12;
	s25 =	sshll.u32 @!p0 s0, $0x6;
	[sflag:s24] =	ssyncset.done @p0 $0x0  }
0x1a: {  	[sflag:s24] =	ssyncadd.s32 @p0 $0xFFFFDF80;
	s24 =	sor.u32 @!p0 $0x1C05, s25;
	s25 =	sshrl.u32 @!p0 s5, $0x3  }
0x1b: {  	[hbm:s11], [sflag:s24] =	dma.local @!p0 [spmem:s25], $0x2780  }
.Ltmp1:
0x1c: {  	_ = 	snop;
	(pc) =	sbr.rel @!p1 .LBB2_7-.Ltmp1, $4  }
0x1d: {  	s24 =	simm.s32 @!p0 $0x5  }
0x1e: {  	_ =	swait.ge @!p0 [sflag:s24], $0x2780  }
0x1f: {  	[sflag:s24] =	ssyncset.done @!p0 $0x0  }
0x20: {  	[sflag:s24] =	ssyncadd.s32 @!p0 $0xFFFFD880  }
.LBB2_1:
0x21: {  	s24 =	sand.u32 $0xFE00, s4  }
0x22: {  	s25 =	sand.u32 $0x70, s4;
	s26 =	sshrl.u32 s24, $0x2  }
0x23: {  	s24 =	simm.s32 $0x40;
	s26 =	sor.u32 s25, s26;
	s25 =	simm.s32 $0x0  }
.LBB2_2:
0x24: {  	p1 =	sne.s32 s24, $0xFFC0  }
0x25: {  	[tilespmem:s26+$0x13C00] =	vst v0;
	s25 =	sadd.s32 $0x10, s25;
	s26 =	smov.u32 s24;
	s24 =	sadd.s32 $0x40, s24  }
.Ltmp2:
0x26: {  	(pc) =	sbr.rel @p1 .LBB2_2-.Ltmp2, $4  }
0x27: {  	_ = 	snop  }
0x28: {  	s26 =	sand.u32 $0xFE00, s26  }
0x29: {  	s28 =	sand.u32 $0x70, s25;
	s26 =	sshrl.u32 s26, $0x2  }
0x2a: {  	s26 =	sor.u32 s28, s26  }
0x2b: {  	[tilespmem:s26+$0x13C00] =	vst v0  }
0x2c: {  	[spmem:s5] =	stream.linear.scatter [tilespmem:s14], [sflag:$0x5], $0x4000, $0x38;
	[tilespmem:$0x1D400] =	vst v63  }
0x2d: {  	_ =	swait.ge [sflag:s15], $0x4000  }
0x2e: {  	[sflag:s15] =	ssyncset.done $0x0  }
0x2f: {  	[sflag:s15] =	ssyncadd.s32 $0xFFFFC000  }
0x30: {  	[spmem:s6] =	stream.linear.scatter [tilespmem:s14], [sflag:$0x5], $0x4000, $0x38;
	[tilespmem:$0x1D400] =	vst v63  }
0x31: {  	_ =	swait.ge [sflag:s15], $0x4000  }
0x32: {  	[sflag:s15] =	ssyncset.done $0x0  }
0x33: {  	[sflag:s15] =	ssyncadd.s32 $0xFFFFC000  }
0x34: {  	[spmem:s7] =	stream.linear.scatter [tilespmem:s14], [sflag:$0x5], $0x4000, $0x38;
	[tilespmem:$0x1D400] =	vst v63  }
0x35: {  	_ =	swait.ge [sflag:s15], $0x4000  }
0x36: {  	[sflag:s15] =	ssyncset.done $0x0  }
0x37: {  	[sflag:s15] =	ssyncadd.s32 $0xFFFFC000  }
0x38: {  	[spmem:s8] =	stream.linear.scatter [tilespmem:s14], [sflag:$0x5], $0x4000, $0x38;
	[tilespmem:$0x1D400] =	vst v63  }
0x39: {  	_ =	swait.ge [sflag:s15], $0x4000  }
0x3a: {  	[sflag:s15] =	ssyncset.done $0x0  }
0x3b: {  	[sflag:s15] =	ssyncadd.s32 $0xFFFFC000  }
0x3c: {  	[spmem:s9] =	stream.linear.scatter [tilespmem:s14], [sflag:$0x5], $0x3C00, $0x38;
	[tilespmem:$0x1D400] =	vst v63  }
0x3d: {  	_ =	swait.ge [sflag:s15], $0x3C00  }
0x3e: {  	[sflag:s15] =	ssyncset.done $0x0  }
0x3f: {  	[sflag:s15] =	ssyncadd.s32 $0xFFFFC400  }
0x40: {  	s24 =	simm.s32 $0x0;
	[bflag:$0x0] =	sbarrier.arrive $0xFFFF  }
0x41: {  	[tilespmem:s16], [sflag:$0x5] =	stream.linear.gather [hbm4b:s10+s24], $0x800, $0x38;
	[tilespmem:$0x1D400] =	vst v63  }
0x42: {  	_ =	swait.ge [sflag:s15], $0x800  }
0x43: {  	[sflag:s15] =	ssyncset.done $0x0  }
0x44: {  	s25 =	smov.u32 s13;
	[sflag:s15] =	ssyncadd.s32 $0xFFFFF800  }
0x45: {  	[tilespmem:s14], [sflag:$0x1] =	stream.indirect.gather [hbm4b:s1+s17], $0x80, s16, s17, $0xb8;
	[tilespmem:$0x1D400] =	vst v63  }
.LBB2_4:
0x46: {  	p1 =	seq.s32 s24, $0x13  }
0x47: {  	s26 =	sadd.s32 @!p1 $0x1, s24  }
0x48: {  	s28 =	smul.u32 @!p1 $0xAB, s26;
	_ =	sdelay $0x1  }
0x49: {  	s28 =	sshrl.u32 @!p1 s28, $0x9  }
0x4a: {  	s28 =	sand.u32 @!p1 $0x7F, s28  }
0x4b: {  	s28 =	smul.u32 @!p1 $0x3, s28;
	_ =	sdelay $0x1  }
0x4c: {  	s26 =	ssub.s32 @!p1 s26, s28  }
0x4d: {  	s31 =	smul.u32 $0xAB, s24;
	s26 =	sand.u32 @!p1 $0xFF, s26  }
0x4e: {  	s26 =	sshll.u32 @!p1 s26, $0xB  }
0x4f: {  	s29 =	simm.s32 @!p1 $0x0;
	s28 =	sshrl.u32 s31, $0x9;
	s26 =	sadd.s32 @!p1 $0x1BC00, s26  }
0x50: {  	[tilespmem:s26], [sflag:$0x5] =	stream.linear.gather @!p1 [hbm4b:s25+s29], $0x800, $0x38;
	[tilespmem:$0x1D400] =	vst v63  }
0x51: {  	s29 =	sand.u32 $0x7F, s28;
	s28 =	simm.s32 @!p1 $0x5  }
0x52: {  	s26 =	smul.u32 $0x3, s29;
	_ =	swait.ge @!p1 [sflag:s28], $0x800  }
0x53: {  	[sflag:s28] =	ssyncset.done @!p1 $0x0  }
0x54: {  	s26 =	ssub.s32 s24, s26;
	[sflag:s28] =	ssyncadd.s32 @!p1 $0xFFFFF800  }
0x55: {  	s26 =	sand.u32 $0xFF, s26;
	_ =	swait.ge [sflag:s18], $0x4000  }
0x56: {  	p2 =	seq.s32 s24, $0x0;
	[sflag:s18] =	ssyncset.done $0x0;
	s26 =	sshll.u32 s26, $0xB  }
0x57: {  	s28 =	simm.s32 @!p2 $0x4;
	[sflag:s18] =	ssyncadd.s32 $0xFFFFC000;
	s30 =	sadd.s32 $0x1BC80, s26  }
0x58: {  	[spmem:s3] =	stream.indirect.scatter.add.f32 [tilespmem:s14], [sflag:$0x3], $0x80, s30, s17, $0xb8;
	[tilespmem:$0x1D400] =	vst v63  }
0x59: {  	_ =	swait.ge @!p2 [sflag:s28], $0x800  }
0x5a: {  	[sflag:s28] =	ssyncset.done @!p2 $0x0  }
0x5b: {  	s31 =	sadd.s32 $0x1BD00, s26;
	[sflag:s28] =	ssyncadd.s32 @!p2 $0xFFFFF800  }
0x5c: {  	[tilespmem:s19], [sflag:$0x2] =	stream.indirect.gather [hbm4b:s1+s17], $0x80, s31, s17, $0xb8;
	[tilespmem:$0x1D400] =	vst v63  }
0x5d: {  	_ =	swait.ge [sflag:s20], $0x4000  }
0x5e: {  	[sflag:s20] =	ssyncset.done $0x0  }
0x5f: {  	s29 =	sadd.s32 $0x1BD80, s26;
	[sflag:s20] =	ssyncadd.s32 $0xFFFFC000  }
0x60: {  	[spmem:s3] =	stream.indirect.scatter.add.f32 [tilespmem:s19], [sflag:$0x4], $0x80, s29, s17, $0xb8;
	[tilespmem:$0x1D400] =	vst v63  }
0x61: {  	_ =	swait.ge [sflag:s21], $0x800  }
0x62: {  	[sflag:s21] =	ssyncset.done $0x0  }
0x63: {  	s30 =	sadd.s32 $0x1BE00, s26;
	[sflag:s21] =	ssyncadd.s32 $0xFFFFF800  }
0x64: {  	[tilespmem:s14], [sflag:$0x1] =	stream.indirect.gather [hbm4b:s1+s17], $0x80, s30, s17, $0xb8;
	[tilespmem:$0x1D400] =	vst v63  }
0x65: {  	_ =	swait.ge [sflag:s18], $0x4000  }
0x66: {  	[sflag:s18] =	ssyncset.done $0x0  }
0x67: {  	s31 =	sadd.s32 $0x1BE80, s26;
	[sflag:s18] =	ssyncadd.s32 $0xFFFFC000  }
0x68: {  	[spmem:s3] =	stream.indirect.scatter.add.f32 [tilespmem:s14], [sflag:$0x3], $0x80, s31, s17, $0xb8;
	[tilespmem:$0x1D400] =	vst v63  }
0x69: {  	_ =	swait.ge [sflag:s22], $0x800  }
0x6a: {  	[sflag:s22] =	ssyncset.done $0x0  }
0x6b: {  	s29 =	sadd.s32 $0x1BF00, s26;
	[sflag:s22] =	ssyncadd.s32 $0xFFFFF800  }
0x6c: {  	[tilespmem:s19], [sflag:$0x2] =	stream.indirect.gather [hbm4b:s1+s17], $0x80, s29, s17, $0xb8;
	[tilespmem:$0x1D400] =	vst v63  }
0x6d: {  	_ =	swait.ge [sflag:s20], $0x4000  }
0x6e: {  	[sflag:s20] =	ssyncset.done $0x0  }
0x6f: {  	s30 =	sadd.s32 $0x1BF80, s26;
	[sflag:s20] =	ssyncadd.s32 $0xFFFFC000  }
0x70: {  	[spmem:s3] =	stream.indirect.scatter.add.f32 [tilespmem:s19], [sflag:$0x4], $0x80, s30, s17, $0xb8;
	[tilespmem:$0x1D400] =	vst v63  }
0x71: {  	_ =	swait.ge [sflag:s21], $0x800  }
0x72: {  	[sflag:s21] =	ssyncset.done $0x0  }
0x73: {  	s31 =	sadd.s32 $0x1C000, s26;
	[sflag:s21] =	ssyncadd.s32 $0xFFFFF800  }
0x74: {  	[tilespmem:s14], [sflag:$0x1] =	stream.indirect.gather [hbm4b:s1+s17], $0x80, s31, s17, $0xb8;
	[tilespmem:$0x1D400] =	vst v63  }
0x75: {  	_ =	swait.ge [sflag:s18], $0x4000  }
0x76: {  	[sflag:s18] =	ssyncset.done $0x0  }
0x77: {  	s29 =	sadd.s32 $0x1C080, s26;
	[sflag:s18] =	ssyncadd.s32 $0xFFFFC000  }
0x78: {  	[spmem:s3] =	stream.indirect.scatter.add.f32 [tilespmem:s14], [sflag:$0x3], $0x80, s29, s17, $0xb8;
	[tilespmem:$0x1D400] =	vst v63  }
0x79: {  	_ =	swait.ge [sflag:s22], $0x800  }
0x7a: {  	[sflag:s22] =	ssyncset.done $0x0  }
0x7b: {  	s30 =	sadd.s32 $0x1C100, s26;
	[sflag:s22] =	ssyncadd.s32 $0xFFFFF800  }
0x7c: {  	[tilespmem:s19], [sflag:$0x2] =	stream.indirect.gather [hbm4b:s1+s17], $0x80, s30, s17, $0xb8;
	[tilespmem:$0x1D400] =	vst v63  }
0x7d: {  	_ =	swait.ge [sflag:s20], $0x4000  }
0x7e: {  	[sflag:s20] =	ssyncset.done $0x0  }
0x7f: {  	s31 =	sadd.s32 $0x1C180, s26;
	[sflag:s20] =	ssyncadd.s32 $0xFFFFC000  }
0x80: {  	[spmem:s3] =	stream.indirect.scatter.add.f32 [tilespmem:s19], [sflag:$0x4], $0x80, s31, s17, $0xb8;
	[tilespmem:$0x1D400] =	vst v63  }
0x81: {  	_ =	swait.ge [sflag:s21], $0x800  }
0x82: {  	[sflag:s21] =	ssyncset.done $0x0  }
0x83: {  	s29 =	sadd.s32 $0x1C200, s26;
	[sflag:s21] =	ssyncadd.s32 $0xFFFFF800  }
0x84: {  	[tilespmem:s14], [sflag:$0x1] =	stream.indirect.gather [hbm4b:s1+s17], $0x80, s29, s17, $0xb8;
	[tilespmem:$0x1D400] =	vst v63  }
0x85: {  	_ =	swait.ge [sflag:s18], $0x4000  }
0x86: {  	[sflag:s18] =	ssyncset.done $0x0  }
0x87: {  	s30 =	sadd.s32 $0x1C280, s26;
	[sflag:s18] =	ssyncadd.s32 $0xFFFFC000  }
0x88: {  	[spmem:s3] =	stream.indirect.scatter.add.f32 [tilespmem:s14], [sflag:$0x3], $0x80, s30, s17, $0xb8;
	[tilespmem:$0x1D400] =	vst v63  }
0x89: {  	_ =	swait.ge [sflag:s22], $0x800  }
0x8a: {  	[sflag:s22] =	ssyncset.done $0x0  }
0x8b: {  	s31 =	sadd.s32 $0x1C300, s26;
	[sflag:s22] =	ssyncadd.s32 $0xFFFFF800  }
0x8c: {  	[tilespmem:s19], [sflag:$0x2] =	stream.indirect.gather [hbm4b:s1+s17], $0x80, s31, s17, $0xb8;
	[tilespmem:$0x1D400] =	vst v63  }
0x8d: {  	_ =	swait.ge [sflag:s20], $0x4000  }
0x8e: {  	[sflag:s20] =	ssyncset.done $0x0  }
.Ltmp3:
0x8f: {  	s26 =	sadd.s32 $0x1C380, s26;
	[sflag:s20] =	ssyncadd.s32 $0xFFFFC000;
	(pc) =	sbr.rel @p1 .LBB2_6-.Ltmp3, $4  }
0x90: {  	[spmem:s3] =	stream.indirect.scatter.add.f32 [tilespmem:s19], [sflag:$0x4], $0x80, s26, s17, $0xb8;
	[tilespmem:$0x1D400] =	vst v63  }
0x91: {  	_ =	swait.ge [sflag:s21], $0x800  }
0x92: {  	[sflag:s21] =	ssyncset.done $0x0  }
0x93: {  	[sflag:s21] =	ssyncadd.s32 $0xFFFFF800  }
0x94: {  	s24 =	sadd.s32 $0x1, s24  }
0x95: {  	s26 =	sand.u32 $0xFF, s24  }
0x96: {  	s26 =	smul.u32 $0xAB, s26;
	_ =	sdelay $0x1  }
0x97: {  	s26 =	sshrl.u32 s26, $0x9  }
0x98: {  	s26 =	smul.u32 $0x3, s26;
	_ =	sdelay $0x1  }
.Ltmp4:
0x99: {  	s26 =	ssub.s32 s24, s26;
	(pc) =	sbr.rel .LBB2_4-.Ltmp4, $4  }
0x9a: {  	s26 =	sand.u32 $0xFF, s26  }
0x9b: {  	s26 =	sshll.u32 s26, $0xB  }
0x9c: {  	s25 =	sadd.s32 $0x100, s25;
	s26 =	sadd.s32 $0x1BC00, s26  }
0x9d: {  	[tilespmem:s14], [sflag:$0x1] =	stream.indirect.gather [hbm4b:s1+s17], $0x80, s26, s17, $0xb8;
	[tilespmem:$0x1D400] =	vst v63  }
.LBB2_7:
0x9e: {  	_ =	sfence.sel $0x180000  }
0x9f: {  	[bflag:$0x0] =	sbarrier.arrive $0xFFFF  }
0xa0: {  	p0 =	sne.s32 s0, $0x0;
	_ =	strace $0x9000004A  }
0xa1: {  	s0 =	sadd.s32 @!p0 $0x100000, s2;
	[bflag:$0x2] =	sbarrier.arrive $0xFFFF  }
0xa2: {  	[sflag:s0] =	ssyncadd.tile.s32 @!p0 $0x1;
	_ =	shalt  }
.Lfunc_end2:
_tile_overlayer_lowered:
.L_overlay_start_2:
0xa3: {  	(tag) =	ssettag $0x2  }
0xa4: {  	s0 =	rddreg [dreg:$0x0];
	s2 =	stileid.u32  }
0xa5: {  	s1 =	rddreg [dreg:$0x1];
	p0 =	sne.s32 s2, $0x0  }
0xa6: {  	s3 =	rddreg [dreg:$0x2];
	[bflag:$0x3] =	sbarrier.arrive $0xFFFF;
	s2 =	simm.s32 @!p0 $0x1C05  }
0xa7: {  	[timem:s3], [sflag:s2] =	dma.local @!p0 [hbm:s0], s1  }
0xa8: {  	s0 =	simm.s32 @!p0 $0x5  }
0xa9: {  	_ =	swait.ge @!p0 [sflag:s0], s1  }
0xaa: {  	s1 =	ssub.s32 @!p0 $0x0, s1;
	[sflag:s0] =	ssyncset.done @!p0 $0x0  }
0xab: {  	[sflag:s0] =	ssyncadd.s32 @!p0 s1  }
0xac: {  	[bflag:$0x3] =	sbarrier.arrive $0xFFFF  }
0xad: {  	_ =	shalt  }

// kernel: kernel.17.cloned.1.call-start
scs
__scs_entry_jumppad:
0x0: {  	(pc) =	sbr.rel $0x88, $3  }
0x1: {  	(tag) =	ssettag $0x0;
	lr =	simm.s32 $0x1  }
0x2: {  	[smem:$0x3F9C] =	sst lr;
	_ =	strace $0xD0000000  }
0x3: {  	_ = 	snop  }
0x4: {  	_ = 	snop  }
0x5: {  	_ = 	snop  }
0x6: {  	_ = 	snop  }
0x7: {  	_ = 	snop  }
__scs_overlays_trampoline_lowered:
0x8: {  	[smem:$0x3FAB] =	sst s0  }
0x9: {  	[smem:$0x3FAC] =	sst s1  }
0xa: {  	[smem:$0x3FAD] =	sst s2  }
0xb: {  	[smem:$0x3FAE] =	sst s3  }
0xc: {  	[smem:$0x3FAF] =	sst s4  }
0xd: {  	[smem:$0x3FB0] =	sst s5  }
0xe: {  	[smem:$0x3FB1] =	sst s6  }
0xf: {  	[smem:$0x3FB2] =	sst s7  }
0x10: {  	[smem:$0x3FB3] =	sst s8  }
0x11: {  	[smem:$0x3FB4] =	sst s9;
	s0 =	simm.s32 @!p0 $0x0  }
0x12: {  	s1 =	sld [smem:$0x3F9A];
	s0 =	simm.s32 @p0 $0x1  }
0x13: {  	[smem:$0x3FB5] =	sst s0;
	s0 =	simm.s32 @!p1 $0x0  }
0x14: {  	s2 =	sld [smem:$0x3F99];
	s0 =	simm.s32 @p1 $0x1  }
0x15: {  	[smem:$0x3FB6] =	sst s0;
	s0 =	simm.s32 @!p2 $0x0  }
0x16: {  	s3 =	sld [smem:$0x3FDB];
	s0 =	simm.s32 @p2 $0x1  }
0x17: {  	s4 =	simm.s32 $0x1BF5;
	[smem:$0x3FB8] =	sst s0  }
0x18: {  	s0 =	sld [smem:$0x3F9B];
	_ =	swait.ge [sflag:s4], $0x0  }
0x19: {  	s7 =	sld [smem:$0x3F9C]  }
0x1a: {  	s8 =	sadd.s32 $0xFFFFE003, lr  }
0x1b: {  	s9 =	sadd.s32 $0xFFFFFEF7, lr;
	s5 =	simm.s32 $0xFFFFFFFF;
	p2 =	slt.u32 s8, $0xFFFFF086  }
0x1c: {  	p1 =	slt.u32 s9, $0xF7A;
	s5 =	simm.s32 @!p2 $0x0  }
0x1d: {  	s5 =	simm.s32 @p1 $0x1;
	p0 =	seq.s32 s7, s2  }
0x1e: {  	s7 =	smul.u32 @!p0 $0xF7A, s2;
	p2 =	seq.s32 @!p0 s5, $0x0  }
0x1f: {  	s9 =	smul.u32 $0xF7A, s1;
	s8 =	simm.s32 @!p0 $0x1BF5;
	p2 =	por !p2, p0  }
0x20: {  	[sflag:s8] =	ssyncset.s32 @!p0 $0xFFFFF086;
	s6 =	sadd.s32 @!p0 s3, s7;
	s7 =	simm.s32 @!p0 $0x108  }
0x21: {  	s3 =	sadd.s32 s3, s9;
	s6 =	sadd.s32 @!p0 $0x88, s6;
	s7 =	simm.s32 @p2 $0x1082  }
0x22: {  	[simem:s7], [sflag:s8] =	dma.local @!p0 [hbm:s6], $0xF7A  }
0x23: {  	s9 =	sor.u32 $0xD0000000, s2;
	s6 =	simm.s32 $0x108;
	_ =	swait.ge @!p0 [sflag:s8], $0x0  }
0x24: {  	s3 =	sadd.s32 $0x88, s3;
	s6 =	simm.s32 @!p1 $0x1082;
	[sflag:s4] =	ssyncset.s32 $0xFFFFF086  }
0x25: {  	[simem:s6], [sflag:s4] =	dma.local [hbm:s3], $0xF7A  }
0x26: {  	[smem:$0x3F9C] =	sst s1;
	(tag) =	ssettag s2;
	_ =	strace s9  }
0x27: {  	s1 =	sld [smem:$0x3FAC]  }
0x28: {  	s2 =	sld [smem:$0x3FAD]  }
0x29: {  	s4 =	sld [smem:$0x3FAF]  }
0x2a: {  	p0 =	seq.s32 s5, $0x0;
	s5 =	sld [smem:$0x3FB0]  }
0x2b: {  	s6 =	sld [smem:$0x3FB1]  }
0x2c: {  	s7 =	sld [smem:$0x3FB2]  }
0x2d: {  	s3 =	simm.s32 $0x108;
	s8 =	sld [smem:$0x3FB3]  }
0x2e: {  	s3 =	simm.s32 @!p0 $0x1082;
	s9 =	sld [smem:$0x3FB4]  }
0x2f: {  	lr =	sadd.s32 s0, s3;
	s0 =	sld [smem:$0x3FAB]  }
0x30: {  	s3 =	sld [smem:$0x3FAE]  }
0x31: {  	[smem:$0x3FB7] =	sst s10  }
0x32: {  	s10 =	sld [smem:$0x3FB5];
	_ =	sdelay $0x3  }
0x33: {  	p0 =	seq.s32 s10, $0x1;
	s10 =	sld [smem:$0x3FB7];
	_ =	sdelay $0x3  }
0x34: {  	[smem:$0x3FB7] =	sst s10  }
0x35: {  	s10 =	sld [smem:$0x3FB6];
	_ =	sdelay $0x3  }
0x36: {  	p1 =	seq.s32 s10, $0x1;
	s10 =	sld [smem:$0x3FB7];
	_ =	sdelay $0x3  }
0x37: {  	[smem:$0x3FB7] =	sst s10  }
0x38: {  	s10 =	sld [smem:$0x3FB8]  }
0x39: {  	_ = 	snop;
	(pc) =	sbr.ind lr, $3  }
0x3a: {  	_ = 	snop  }
0x3b: {  	_ = 	snop  }
0x3c: {  	p2 =	seq.s32 s10, $0x1;
	s10 =	sld [smem:$0x3FB7]  }
0x3d: {  	_ =	shalt  }
0x3e: {  	_ =	shalt  }
0x3f: {  	_ =	shalt  }
0x40: {  	_ =	shalt  }
0x41: {  	_ =	shalt  }
0x42: {  	_ =	shalt  }
0x43: {  	_ =	shalt  }
0x44: {  	_ =	shalt  }
0x45: {  	_ =	shalt  }
0x46: {  	_ =	shalt  }
0x47: {  	_ =	shalt  }
0x48: {  	_ =	shalt  }
0x49: {  	_ =	shalt  }
0x4a: {  	_ =	shalt  }
0x4b: {  	_ =	shalt  }
0x4c: {  	_ =	shalt  }
0x4d: {  	_ =	shalt  }
0x4e: {  	_ =	shalt  }
0x4f: {  	_ =	shalt  }
0x50: {  	_ =	shalt  }
0x51: {  	_ =	shalt  }
0x52: {  	_ =	shalt  }
0x53: {  	_ =	shalt  }
0x54: {  	_ =	shalt  }
0x55: {  	_ =	shalt  }
0x56: {  	_ =	shalt  }
0x57: {  	_ =	shalt  }
0x58: {  	_ =	shalt  }
0x59: {  	_ =	shalt  }
0x5a: {  	_ =	shalt  }
0x5b: {  	_ =	shalt  }
0x5c: {  	_ =	shalt  }
0x5d: {  	_ =	shalt  }
0x5e: {  	_ =	shalt  }
0x5f: {  	_ =	shalt  }
0x60: {  	_ =	shalt  }
0x61: {  	_ =	shalt  }
0x62: {  	_ =	shalt  }
0x63: {  	_ =	shalt  }
0x64: {  	_ =	shalt  }
0x65: {  	_ =	shalt  }
0x66: {  	_ =	shalt  }
0x67: {  	_ =	shalt  }
0x68: {  	_ =	shalt  }
0x69: {  	_ =	shalt  }
0x6a: {  	_ =	shalt  }
0x6b: {  	_ =	shalt  }
0x6c: {  	_ =	shalt  }
0x6d: {  	_ =	shalt  }
0x6e: {  	_ =	shalt  }
0x6f: {  	_ =	shalt  }
0x70: {  	_ =	shalt  }
0x71: {  	_ =	shalt  }
0x72: {  	_ =	shalt  }
0x73: {  	_ =	shalt  }
0x74: {  	_ =	shalt  }
0x75: {  	_ =	shalt  }
0x76: {  	_ =	shalt  }
0x77: {  	_ =	shalt  }
0x78: {  	_ =	shalt  }
0x79: {  	_ =	shalt  }
0x7a: {  	_ =	shalt  }
0x7b: {  	_ =	shalt  }
0x7c: {  	_ =	shalt  }
0x7d: {  	_ =	shalt  }
0x7e: {  	_ =	shalt  }
0x7f: {  	_ =	shalt  }
0x80: {  	_ =	shalt  }
0x81: {  	_ =	shalt  }
0x82: {  	_ =	shalt  }
0x83: {  	_ =	shalt  }
0x84: {  	_ =	shalt  }
0x85: {  	_ =	shalt  }
0x86: {  	_ =	shalt  }
0x87: {  	_ =	shalt  }
.Lfunc_end0:
.L_simem_size_0:
called_computation.2_lowered:
.L_overlay_start_0:
0x88: {  	s2 =	sld [smem:$0x3FD9]  }
0x89: {  	s3 =	sld [smem:$0x3FFE];
	_ =	sdelay $0x1  }
0x8a: {  	s1 =	srdreg.scid  }
0x8b: {  	s0 =	sand.u32 $0x1, s1  }
0x8c: {  	s17 =	sshll.u32 s0, $0xA;
	s2 =	sadd.s32 s3, s2  }
0x8d: {  	s2 =	sadd.s32 s2, s17  }
0x8e: {  	[smem:$0x3FC3] =	sst s2  }
0x8f: {  	_ = 	snop  }
0x90: {  	s2 =	sld [smem:$0x3FD0];
	(tm) =	ssettm $0x1  }
0x91: {  	s18 =	sld [smem:$0x3FFB];
	_ =	sdelay $0x3  }
0x92: {  	_ =	strace s18  }
0x93: {  	s3 =	sld [smem:$0x3FFC];
	_ =	sdelay $0x3  }
0x94: {  	_ =	strace s3  }
0x95: {  	s3 =	sld [smem:$0x3FFD];
	_ =	sdelay $0x3  }
0x96: {  	_ =	strace s3  }
0x97: {  	_ =	strace $0x8FFFFFFF  }
0x98: {  	s19 =	sld [smem:$0x3FDB];
	_ =	sdelay $0x1  }
0x99: {  	s4 =	simm.s32 $_scs_section_size  }
0x9a: {  	s5 =	simm.s32 $_size__tile_overlayer_lowered;
	s6 =	simm.s32 $_tile_overlayer_lowered  }
0x9b: {  	s22 =	simm.s32 $0x1BFF;
	s21 =	sshll.u32 s6, $0x1;
	s3 =	sadd.s32 s4, s19  }
0x9c: {  	s7 =	simm.s32 $0x0;
	s20 =	sshll.u32 s5, $0x1;
	s5 =	sadd.s32 s21, s3  }
0x9d: {  	[timem:s7], [sflag:s22] =	dma.local [hbm:s5], s20  }
0x9e: {  	_ =	swait.ge [sflag:s22], s20  }
0x9f: {  	s4 =	ssub.s32 $0x0, s20;
	[sflag:s22] =	ssyncset.done $0x0  }
0xa0: {  	[sflag:s22] =	ssyncadd.s32 s4;
	_ =	sdelay $0x1  }
0xa1: {  	s23 =	simm.s32 $0x1B8B  }
0xa2: {  	_ =	swait.ge [sflag:s23], $0x1  }
0xa3: {  	[sflag:s23] =	ssyncset.done $0x0  }
0xa4: {  	s25 =	simm.s32 $0x1B8E;
	s24 =	sld [smem:$0x3FFE];
	[sflag:s23] =	ssyncadd.s32 $0xFFFFFFFF  }
0xa5: {  	s26 =	simm.s32 $execute0_lowered;
	[smem:$0x3FD2] =	sst s25  }
0xa6: {  	s5 =	sshll.u32 s26, $0x1;
	_ =	strace $0x8000004C;
	[dreg:$0x1] =	wrdreg $0xFFFFFFFF  }
0xa7: {  	s28 =	simm.s32 $_size_execute0_lowered;
	s3 =	sadd.s32 s3, s5;
	[dreg:$0x0] =	wrdreg $0x0  }
0xa8: {  	s5 =	sshll.u32 s28, $0x1;
	[dreg:$0x2] =	wrdreg s3  }
0xa9: {  	[dreg:$0x3] =	wrdreg s5  }
0xaa: {  	[dreg:$0x4] =	wrdreg $0xC0  }
0xab: {  	_ =	task [dreg:s7], $0x5FFFF  }
0xac: {  	[dreg:$0x1] =	wrdreg $0xFFFFFFFF  }
0xad: {  	[dreg:$0x0] =	wrdreg $0x60  }
0xae: {  	[dreg:$0x2] =	wrdreg s2  }
0xaf: {  	[dreg:$0x3] =	wrdreg s24  }
0xb0: {  	[dreg:$0x4] =	wrdreg $0x0  }
0xb1: {  	[dreg:$0x5] =	wrdreg $0x9  }
0xb2: {  	_ =	task.clear_ibuf [dreg:s7], $0x6FFFF;
	_ =	strace $0x9000004C  }
0xb3: {  	s29 =	simm.s32 $0x9;
	_ =	strace $0x8000004E  }
0xb4: {  	_ =	swait.ge [sflag:s29], $0x1  }
0xb5: {  	[sflag:s29] =	ssyncadd.s32 $0xFFFFFFFF  }
0xb6: {  	_ =	strace $0x9000004E  }
0xb7: {  	_ =	sfence  }
0xb8: {  	s30 =	sld [smem:$0x0];
	_ =	sdelay $0x2  }
0xb9: {  	s31 =	sshll.u32 s1, $0xD;
	s1 =	sshrl.u32 s1, $0x2  }
0xba: {  	s3 =	sand.u32 $0x4000, s31;
	s1 =	sadd.s32 s1, s30  }
0xbb: {  	s0 =	sor.u32 s3, s0;
	s1 =	sshll.u32 s1, $0x11  }
0xbc: {  	s0 =	sor.u32 s1, s0  }
0xbd: {  	s0 =	sadd.s32 $0x8F2B, s0  }
0xbe: {  	[sflag:s0] =	ssyncadd.remote.s32 $0x1  }
0xbf: {  	_ =	sfence.sel $0xFFFF  }
0xc0: {  	[dreg:$0x0] =	wrdreg $0xFFFFFFFF;
	(pc) =	sbr.abs _section_cstart, $3  }
0xc1: {  	[dreg:$0x1] =	wrdreg $0xFFFFFFFF  }
0xc2: {  	_ =	task.clear_ibuf [dreg:s7], $0x2FFFF;
	_ =	strace $0x9FFFFFFF  }
0xc3: {  	(tm) =	ssettm $0x7FFFFFFF  }
tec
execute0_lowered:
.L_overlay_start_1:
0x0: {  	(tag) =	ssettag $0x1  }
0x1: {  	s1 =	rddreg [dreg:$0x0]  }
0x2: {  	s5 =	rddreg [dreg:$0x1];
	s2 =	srdreg.scid  }
0x3: {  	s0 =	stileid.u32;
	s3 =	rddreg [dreg:$0x2];
	s4 =	simm.s32 $0x0  }
0x4: {  	s15 =	simm.s32 $0x5;
	s16 =	simm.s32 $0x1BC00;
	s17 =	simm.s32 $0x80  }
0x5: {  	s18 =	simm.s32 $0x1;
	s19 =	simm.s32 $0x17C00;
	s20 =	simm.s32 $0x2  }
0x6: {  	s21 =	simm.s32 $0x3;
	s22 =	simm.s32 $0x4;
	s7 =	smul.u32 $0x278, s0  }
0x7: {  	s6 =	sand.u32 $0x1, s2;
	s2 =	rddreg [dreg:$0x3];
	s30 =	smul.u32 $0x4F000, s0  }
0x8: {  	s23 =	simm.s32 $0x0;
	[smem:$0x7FF] =	sst s4;
	s10 =	smul.u32 $0xA000, s0  }
0x9: {  	s13 =	sadd.s32 $0xC200, s5;
	p0 =	seq.s32 s0, $0xF;
	s8 =	smul.u32 $0x2710, s6  }
0xa: {  	_ =	strace $0x8000004D;
	s9 =	smul.u32 $0xA0000, s6;
	s6 =	ssub.s32 $0x2, s6  }
0xb: {  	s31 =	sshrl.u32 s6, $0x1;
	s7 =	sadd.s32 s7, s8;
	s8 =	sshrl.u32 s30, $0x2  }
0xc: {  	s12 =	ssub.s32 s6, s31;
	s14 =	sadd.s32 s10, s9;
	s7 =	sshll.u32 s7, $0x4  }
.Ltmp0:
0xd: {  	s10 =	sshrl.u32 s14, $0x3;
	s14 =	sor.u32 $0x800, s14;
	(pc) =	sbr.rel .LBB2_1-.Ltmp0, $4  }
0xe: {  	s12 =	smax.u32 s12, $0x1;
	s11 =	sadd.s32 s7, s5;
	s5 =	sadd.s32 s8, s3  }
0xf: {  	s10 =	sadd.s32 s13, s10;
	s14 =	sshrl.u32 s14, $0x3;
	s6 =	sadd.s32 $0x4000, s5  }
0x10: {  	s7 =	sadd.s32 $0x8000, s5;
	s8 =	sadd.s32 $0xC000, s5;
	s9 =	sadd.s32 $0x10000, s5  }
0x11: {  	v0 =	vimm.f32 $0.0e+00;
	s11 =	sadd.s32 $0x34200, s11;
	s13 =	sadd.s32 s14, s13;
	s14 =	simm.s32 $0x13C00  }
.LBB2_6:
0x12: {  	_ =	swait.ge [sflag:s22], $0x800  }
0x13: {  	[sflag:s22] =	ssyncset.done $0x0  }
0x14: {  	[sflag:s22] =	ssyncadd.s32 $0xFFFFF800  }
0x15: {  	s24 =	sshrl.u32 @p0 s5, $0x3;
	s25 =	simm.s32 @p0 $0x1FC5;
	[bflag:$0x0] =	sbarrier.arrive $0xFFFF  }
0x16: {  	[hbm:s11], [sflag:s25] =	dma.local @p0 [spmem:s24], $0x2080  }
0x17: {  	s24 =	simm.s32 @p0 $0x5  }
0x18: {  	s23 =	sadd.s32 $0x1, s23;
	_ =	swait.ge @p0 [sflag:s24], $0x2080  }
0x19: {  	p1 =	sne.s32 s23, s12;
	s25 =	sshll.u32 @!p0 s0, $0x6;
	[sflag:s24] =	ssyncset.done @p0 $0x0  }
0x1a: {  	[sflag:s24] =	ssyncadd.s32 @p0 $0xFFFFDF80;
	s24 =	sor.u32 @!p0 $0x1C05, s25;
	s25 =	sshrl.u32 @!p0 s5, $0x3  }
0x1b: {  	[hbm:s11], [sflag:s24] =	dma.local @!p0 [spmem:s25], $0x2780  }
.Ltmp1:
0x1c: {  	_ = 	snop;
	(pc) =	sbr.rel @!p1 .LBB2_7-.Ltmp1, $4  }
0x1d: {  	s24 =	simm.s32 @!p0 $0x5  }
0x1e: {  	_ =	swait.ge @!p0 [sflag:s24], $0x2780  }
0x1f: {  	[sflag:s24] =	ssyncset.done @!p0 $0x0  }
0x20: {  	[sflag:s24] =	ssyncadd.s32 @!p0 $0xFFFFD880  }
.LBB2_1:
0x21: {  	s24 =	sand.u32 $0xFE00, s4  }
0x22: {  	s25 =	sand.u32 $0x70, s4;
	s26 =	sshrl.u32 s24, $0x2  }
0x23: {  	s24 =	simm.s32 $0x40;
	s26 =	sor.u32 s25, s26;
	s25 =	simm.s32 $0x0  }
.LBB2_2:
0x24: {  	p1 =	sne.s32 s24, $0xFFC0  }
0x25: {  	[tilespmem:s26+$0x13C00] =	vst v0;
	s25 =	sadd.s32 $0x10, s25;
	s26 =	smov.u32 s24;
	s24 =	sadd.s32 $0x40, s24  }
.Ltmp2:
0x26: {  	(pc) =	sbr.rel @p1 .LBB2_2-.Ltmp2, $4  }
0x27: {  	_ = 	snop  }
0x28: {  	s26 =	sand.u32 $0xFE00, s26  }
0x29: {  	s28 =	sand.u32 $0x70, s25;
	s26 =	sshrl.u32 s26, $0x2  }
0x2a: {  	s26 =	sor.u32 s28, s26  }
0x2b: {  	[tilespmem:s26+$0x13C00] =	vst v0  }
0x2c: {  	[spmem:s5] =	stream.linear.scatter [tilespmem:s14], [sflag:$0x5], $0x4000, $0x38;
	[tilespmem:$0x1D400] =	vst v63  }
0x2d: {  	_ =	swait.ge [sflag:s15], $0x4000  }
0x2e: {  	[sflag:s15] =	ssyncset.done $0x0  }
0x2f: {  	[sflag:s15] =	ssyncadd.s32 $0xFFFFC000  }
0x30: {  	[spmem:s6] =	stream.linear.scatter [tilespmem:s14], [sflag:$0x5], $0x4000, $0x38;
	[tilespmem:$0x1D400] =	vst v63  }
0x31: {  	_ =	swait.ge [sflag:s15], $0x4000  }
0x32: {  	[sflag:s15] =	ssyncset.done $0x0  }
0x33: {  	[sflag:s15] =	ssyncadd.s32 $0xFFFFC000  }
0x34: {  	[spmem:s7] =	stream.linear.scatter [tilespmem:s14], [sflag:$0x5], $0x4000, $0x38;
	[tilespmem:$0x1D400] =	vst v63  }
0x35: {  	_ =	swait.ge [sflag:s15], $0x4000  }
0x36: {  	[sflag:s15] =	ssyncset.done $0x0  }
0x37: {  	[sflag:s15] =	ssyncadd.s32 $0xFFFFC000  }
0x38: {  	[spmem:s8] =	stream.linear.scatter [tilespmem:s14], [sflag:$0x5], $0x4000, $0x38;
	[tilespmem:$0x1D400] =	vst v63  }
0x39: {  	_ =	swait.ge [sflag:s15], $0x4000  }
0x3a: {  	[sflag:s15] =	ssyncset.done $0x0  }
0x3b: {  	[sflag:s15] =	ssyncadd.s32 $0xFFFFC000  }
0x3c: {  	[spmem:s9] =	stream.linear.scatter [tilespmem:s14], [sflag:$0x5], $0x3C00, $0x38;
	[tilespmem:$0x1D400] =	vst v63  }
0x3d: {  	_ =	swait.ge [sflag:s15], $0x3C00  }
0x3e: {  	[sflag:s15] =	ssyncset.done $0x0  }
0x3f: {  	[sflag:s15] =	ssyncadd.s32 $0xFFFFC400  }
0x40: {  	s24 =	simm.s32 $0x0;
	[bflag:$0x0] =	sbarrier.arrive $0xFFFF  }
0x41: {  	[tilespmem:s16], [sflag:$0x5] =	stream.linear.gather [hbm4b:s10+s24], $0x800, $0x38;
	[tilespmem:$0x1D400] =	vst v63  }
0x42: {  	_ =	swait.ge [sflag:s15], $0x800  }
0x43: {  	[sflag:s15] =	ssyncset.done $0x0  }
0x44: {  	s25 =	smov.u32 s13;
	[sflag:s15] =	ssyncadd.s32 $0xFFFFF800  }
0x45: {  	[tilespmem:s14], [sflag:$0x1] =	stream.indirect.gather [hbm4b:s1+s17], $0x80, s16, s17, $0xb8;
	[tilespmem:$0x1D400] =	vst v63  }
.LBB2_4:
0x46: {  	p1 =	seq.s32 s24, $0x13  }
0x47: {  	s26 =	sadd.s32 @!p1 $0x1, s24  }
0x48: {  	s28 =	smul.u32 @!p1 $0xAB, s26;
	_ =	sdelay $0x1  }
0x49: {  	s28 =	sshrl.u32 @!p1 s28, $0x9  }
0x4a: {  	s28 =	sand.u32 @!p1 $0x7F, s28  }
0x4b: {  	s28 =	smul.u32 @!p1 $0x3, s28;
	_ =	sdelay $0x1  }
0x4c: {  	s26 =	ssub.s32 @!p1 s26, s28  }
0x4d: {  	s31 =	smul.u32 $0xAB, s24;
	s26 =	sand.u32 @!p1 $0xFF, s26  }
0x4e: {  	s26 =	sshll.u32 @!p1 s26, $0xB  }
0x4f: {  	s29 =	simm.s32 @!p1 $0x0;
	s28 =	sshrl.u32 s31, $0x9;
	s26 =	sadd.s32 @!p1 $0x1BC00, s26  }
0x50: {  	[tilespmem:s26], [sflag:$0x5] =	stream.linear.gather @!p1 [hbm4b:s25+s29], $0x800, $0x38;
	[tilespmem:$0x1D400] =	vst v63  }
0x51: {  	s29 =	sand.u32 $0x7F, s28;
	s28 =	simm.s32 @!p1 $0x5  }
0x52: {  	s26 =	smul.u32 $0x3, s29;
	_ =	swait.ge @!p1 [sflag:s28], $0x800  }
0x53: {  	[sflag:s28] =	ssyncset.done @!p1 $0x0  }
0x54: {  	s26 =	ssub.s32 s24, s26;
	[sflag:s28] =	ssyncadd.s32 @!p1 $0xFFFFF800  }
0x55: {  	s26 =	sand.u32 $0xFF, s26;
	_ =	swait.ge [sflag:s18], $0x4000  }
0x56: {  	p2 =	seq.s32 s24, $0x0;
	[sflag:s18] =	ssyncset.done $0x0;
	s26 =	sshll.u32 s26, $0xB  }
0x57: {  	s28 =	simm.s32 @!p2 $0x4;
	[sflag:s18] =	ssyncadd.s32 $0xFFFFC000;
	s30 =	sadd.s32 $0x1BC80, s26  }
0x58: {  	[spmem:s3] =	stream.indirect.scatter.add.f32 [tilespmem:s14], [sflag:$0x3], $0x80, s30, s17, $0xb8;
	[tilespmem:$0x1D400] =	vst v63  }
0x59: {  	_ =	swait.ge @!p2 [sflag:s28], $0x800  }
0x5a: {  	[sflag:s28] =	ssyncset.done @!p2 $0x0  }
0x5b: {  	s31 =	sadd.s32 $0x1BD00, s26;
	[sflag:s28] =	ssyncadd.s32 @!p2 $0xFFFFF800  }
0x5c: {  	[tilespmem:s19], [sflag:$0x2] =	stream.indirect.gather [hbm4b:s1+s17], $0x80, s31, s17, $0xb8;
	[tilespmem:$0x1D400] =	vst v63  }
0x5d: {  	_ =	swait.ge [sflag:s20], $0x4000  }
0x5e: {  	[sflag:s20] =	ssyncset.done $0x0  }
0x5f: {  	s29 =	sadd.s32 $0x1BD80, s26;
	[sflag:s20] =	ssyncadd.s32 $0xFFFFC000  }
0x60: {  	[spmem:s3] =	stream.indirect.scatter.add.f32 [tilespmem:s19], [sflag:$0x4], $0x80, s29, s17, $0xb8;
	[tilespmem:$0x1D400] =	vst v63  }
0x61: {  	_ =	swait.ge [sflag:s21], $0x800  }
0x62: {  	[sflag:s21] =	ssyncset.done $0x0  }
0x63: {  	s30 =	sadd.s32 $0x1BE00, s26;
	[sflag:s21] =	ssyncadd.s32 $0xFFFFF800  }
0x64: {  	[tilespmem:s14], [sflag:$0x1] =	stream.indirect.gather [hbm4b:s1+s17], $0x80, s30, s17, $0xb8;
	[tilespmem:$0x1D400] =	vst v63  }
0x65: {  	_ =	swait.ge [sflag:s18], $0x4000  }
0x66: {  	[sflag:s18] =	ssyncset.done $0x0  }
0x67: {  	s31 =	sadd.s32 $0x1BE80, s26;
	[sflag:s18] =	ssyncadd.s32 $0xFFFFC000  }
0x68: {  	[spmem:s3] =	stream.indirect.scatter.add.f32 [tilespmem:s14], [sflag:$0x3], $0x80, s31, s17, $0xb8;
	[tilespmem:$0x1D400] =	vst v63  }
0x69: {  	_ =	swait.ge [sflag:s22], $0x800  }
0x6a: {  	[sflag:s22] =	ssyncset.done $0x0  }
0x6b: {  	s29 =	sadd.s32 $0x1BF00, s26;
	[sflag:s22] =	ssyncadd.s32 $0xFFFFF800  }
0x6c: {  	[tilespmem:s19], [sflag:$0x2] =	stream.indirect.gather [hbm4b:s1+s17], $0x80, s29, s17, $0xb8;
	[tilespmem:$0x1D400] =	vst v63  }
0x6d: {  	_ =	swait.ge [sflag:s20], $0x4000  }
0x6e: {  	[sflag:s20] =	ssyncset.done $0x0  }
0x6f: {  	s30 =	sadd.s32 $0x1BF80, s26;
	[sflag:s20] =	ssyncadd.s32 $0xFFFFC000  }
0x70: {  	[spmem:s3] =	stream.indirect.scatter.add.f32 [tilespmem:s19], [sflag:$0x4], $0x80, s30, s17, $0xb8;
	[tilespmem:$0x1D400] =	vst v63  }
0x71: {  	_ =	swait.ge [sflag:s21], $0x800  }
0x72: {  	[sflag:s21] =	ssyncset.done $0x0  }
0x73: {  	s31 =	sadd.s32 $0x1C000, s26;
	[sflag:s21] =	ssyncadd.s32 $0xFFFFF800  }
0x74: {  	[tilespmem:s14], [sflag:$0x1] =	stream.indirect.gather [hbm4b:s1+s17], $0x80, s31, s17, $0xb8;
	[tilespmem:$0x1D400] =	vst v63  }
0x75: {  	_ =	swait.ge [sflag:s18], $0x4000  }
0x76: {  	[sflag:s18] =	ssyncset.done $0x0  }
0x77: {  	s29 =	sadd.s32 $0x1C080, s26;
	[sflag:s18] =	ssyncadd.s32 $0xFFFFC000  }
0x78: {  	[spmem:s3] =	stream.indirect.scatter.add.f32 [tilespmem:s14], [sflag:$0x3], $0x80, s29, s17, $0xb8;
	[tilespmem:$0x1D400] =	vst v63  }
0x79: {  	_ =	swait.ge [sflag:s22], $0x800  }
0x7a: {  	[sflag:s22] =	ssyncset.done $0x0  }
0x7b: {  	s30 =	sadd.s32 $0x1C100, s26;
	[sflag:s22] =	ssyncadd.s32 $0xFFFFF800  }
0x7c: {  	[tilespmem:s19], [sflag:$0x2] =	stream.indirect.gather [hbm4b:s1+s17], $0x80, s30, s17, $0xb8;
	[tilespmem:$0x1D400] =	vst v63  }
0x7d: {  	_ =	swait.ge [sflag:s20], $0x4000  }
0x7e: {  	[sflag:s20] =	ssyncset.done $0x0  }
0x7f: {  	s31 =	sadd.s32 $0x1C180, s26;
	[sflag:s20] =	ssyncadd.s32 $0xFFFFC000  }
0x80: {  	[spmem:s3] =	stream.indirect.scatter.add.f32 [tilespmem:s19], [sflag:$0x4], $0x80, s31, s17, $0xb8;
	[tilespmem:$0x1D400] =	vst v63  }
0x81: {  	_ =	swait.ge [sflag:s21], $0x800  }
0x82: {  	[sflag:s21] =	ssyncset.done $0x0  }
0x83: {  	s29 =	sadd.s32 $0x1C200, s26;
	[sflag:s21] =	ssyncadd.s32 $0xFFFFF800  }
0x84: {  	[tilespmem:s14], [sflag:$0x1] =	stream.indirect.gather [hbm4b:s1+s17], $0x80, s29, s17, $0xb8;
	[tilespmem:$0x1D400] =	vst v63  }
0x85: {  	_ =	swait.ge [sflag:s18], $0x4000  }
0x86: {  	[sflag:s18] =	ssyncset.done $0x0  }
0x87: {  	s30 =	sadd.s32 $0x1C280, s26;
	[sflag:s18] =	ssyncadd.s32 $0xFFFFC000  }
0x88: {  	[spmem:s3] =	stream.indirect.scatter.add.f32 [tilespmem:s14], [sflag:$0x3], $0x80, s30, s17, $0xb8;
	[tilespmem:$0x1D400] =	vst v63  }
0x89: {  	_ =	swait.ge [sflag:s22], $0x800  }
0x8a: {  	[sflag:s22] =	ssyncset.done $0x0  }
0x8b: {  	s31 =	sadd.s32 $0x1C300, s26;
	[sflag:s22] =	ssyncadd.s32 $0xFFFFF800  }
0x8c: {  	[tilespmem:s19], [sflag:$0x2] =	stream.indirect.gather [hbm4b:s1+s17], $0x80, s31, s17, $0xb8;
	[tilespmem:$0x1D400] =	vst v63  }
0x8d: {  	_ =	swait.ge [sflag:s20], $0x4000  }
0x8e: {  	[sflag:s20] =	ssyncset.done $0x0  }
.Ltmp3:
0x8f: {  	s26 =	sadd.s32 $0x1C380, s26;
	[sflag:s20] =	ssyncadd.s32 $0xFFFFC000;
	(pc) =	sbr.rel @p1 .LBB2_6-.Ltmp3, $4  }
0x90: {  	[spmem:s3] =	stream.indirect.scatter.add.f32 [tilespmem:s19], [sflag:$0x4], $0x80, s26, s17, $0xb8;
	[tilespmem:$0x1D400] =	vst v63  }
0x91: {  	_ =	swait.ge [sflag:s21], $0x800  }
0x92: {  	[sflag:s21] =	ssyncset.done $0x0  }
0x93: {  	[sflag:s21] =	ssyncadd.s32 $0xFFFFF800  }
0x94: {  	s24 =	sadd.s32 $0x1, s24  }
0x95: {  	s26 =	sand.u32 $0xFF, s24  }
0x96: {  	s26 =	smul.u32 $0xAB, s26;
	_ =	sdelay $0x1  }
0x97: {  	s26 =	sshrl.u32 s26, $0x9  }
0x98: {  	s26 =	smul.u32 $0x3, s26;
	_ =	sdelay $0x1  }
.Ltmp4:
0x99: {  	s26 =	ssub.s32 s24, s26;
	(pc) =	sbr.rel .LBB2_4-.Ltmp4, $4  }
0x9a: {  	s26 =	sand.u32 $0xFF, s26  }
0x9b: {  	s26 =	sshll.u32 s26, $0xB  }
0x9c: {  	s25 =	sadd.s32 $0x100, s25;
	s26 =	sadd.s32 $0x1BC00, s26  }
0x9d: {  	[tilespmem:s14], [sflag:$0x1] =	stream.indirect.gather [hbm4b:s1+s17], $0x80, s26, s17, $0xb8;
	[tilespmem:$0x1D400] =	vst v63  }
.LBB2_7:
0x9e: {  	_ =	sfence.sel $0x180000  }
0x9f: {  	[bflag:$0x0] =	sbarrier.arrive $0xFFFF  }
0xa0: {  	p0 =	sne.s32 s0, $0x0;
	_ =	strace $0x9000004D  }
0xa1: {  	s0 =	sadd.s32 @!p0 $0x100000, s2;
	[bflag:$0x2] =	sbarrier.arrive $0xFFFF  }
0xa2: {  	[sflag:s0] =	ssyncadd.tile.s32 @!p0 $0x1;
	_ =	shalt  }
.Lfunc_end2:
_tile_overlayer_lowered:
.L_overlay_start_2:
0xa3: {  	(tag) =	ssettag $0x2  }
0xa4: {  	s0 =	rddreg [dreg:$0x0];
	s2 =	stileid.u32  }
0xa5: {  	s1 =	rddreg [dreg:$0x1];
	p0 =	sne.s32 s2, $0x0  }
0xa6: {  	s3 =	rddreg [dreg:$0x2];
	[bflag:$0x3] =	sbarrier.arrive $0xFFFF;
	s2 =	simm.s32 @!p0 $0x1C05  }
0xa7: {  	[timem:s3], [sflag:s2] =	dma.local @!p0 [hbm:s0], s1  }
0xa8: {  	s0 =	simm.s32 @!p0 $0x5  }
0xa9: {  	_ =	swait.ge @!p0 [sflag:s0], s1  }
0xaa: {  	s1 =	ssub.s32 @!p0 $0x0, s1;
	[sflag:s0] =	ssyncset.done @!p0 $0x0  }
0xab: {  	[sflag:s0] =	ssyncadd.s32 @!p0 s1  }
0xac: {  	[bflag:$0x3] =	sbarrier.arrive $0xFFFF  }
0xad: {  	_ =	shalt  }

// kernel: kernel.20.cloned.1.call-start
scs
__scs_entry_jumppad:
0x0: {  	(pc) =	sbr.rel $0x88, $3  }
0x1: {  	(tag) =	ssettag $0x0;
	lr =	simm.s32 $0x1  }
0x2: {  	[smem:$0x3F9C] =	sst lr;
	_ =	strace $0xD0000000  }
0x3: {  	_ = 	snop  }
0x4: {  	_ = 	snop  }
0x5: {  	_ = 	snop  }
0x6: {  	_ = 	snop  }
0x7: {  	_ = 	snop  }
__scs_overlays_trampoline_lowered:
0x8: {  	[smem:$0x3FAB] =	sst s0  }
0x9: {  	[smem:$0x3FAC] =	sst s1  }
0xa: {  	[smem:$0x3FAD] =	sst s2  }
0xb: {  	[smem:$0x3FAE] =	sst s3  }
0xc: {  	[smem:$0x3FAF] =	sst s4  }
0xd: {  	[smem:$0x3FB0] =	sst s5  }
0xe: {  	[smem:$0x3FB1] =	sst s6  }
0xf: {  	[smem:$0x3FB2] =	sst s7  }
0x10: {  	[smem:$0x3FB3] =	sst s8  }
0x11: {  	[smem:$0x3FB4] =	sst s9;
	s0 =	simm.s32 @!p0 $0x0  }
0x12: {  	s1 =	sld [smem:$0x3F9A];
	s0 =	simm.s32 @p0 $0x1  }
0x13: {  	[smem:$0x3FB5] =	sst s0;
	s0 =	simm.s32 @!p1 $0x0  }
0x14: {  	s2 =	sld [smem:$0x3F99];
	s0 =	simm.s32 @p1 $0x1  }
0x15: {  	[smem:$0x3FB6] =	sst s0;
	s0 =	simm.s32 @!p2 $0x0  }
0x16: {  	s3 =	sld [smem:$0x3FDB];
	s0 =	simm.s32 @p2 $0x1  }
0x17: {  	s4 =	simm.s32 $0x1BF5;
	[smem:$0x3FB8] =	sst s0  }
0x18: {  	s0 =	sld [smem:$0x3F9B];
	_ =	swait.ge [sflag:s4], $0x0  }
0x19: {  	s7 =	sld [smem:$0x3F9C]  }
0x1a: {  	s8 =	sadd.s32 $0xFFFFE003, lr  }
0x1b: {  	s9 =	sadd.s32 $0xFFFFFEF7, lr;
	s5 =	simm.s32 $0xFFFFFFFF;
	p2 =	slt.u32 s8, $0xFFFFF086  }
0x1c: {  	p1 =	slt.u32 s9, $0xF7A;
	s5 =	simm.s32 @!p2 $0x0  }
0x1d: {  	s5 =	simm.s32 @p1 $0x1;
	p0 =	seq.s32 s7, s2  }
0x1e: {  	s7 =	smul.u32 @!p0 $0xF7A, s2;
	p2 =	seq.s32 @!p0 s5, $0x0  }
0x1f: {  	s9 =	smul.u32 $0xF7A, s1;
	s8 =	simm.s32 @!p0 $0x1BF5;
	p2 =	por !p2, p0  }
0x20: {  	[sflag:s8] =	ssyncset.s32 @!p0 $0xFFFFF086;
	s6 =	sadd.s32 @!p0 s3, s7;
	s7 =	simm.s32 @!p0 $0x108  }
0x21: {  	s3 =	sadd.s32 s3, s9;
	s6 =	sadd.s32 @!p0 $0x88, s6;
	s7 =	simm.s32 @p2 $0x1082  }
0x22: {  	[simem:s7], [sflag:s8] =	dma.local @!p0 [hbm:s6], $0xF7A  }
0x23: {  	s9 =	sor.u32 $0xD0000000, s2;
	s6 =	simm.s32 $0x108;
	_ =	swait.ge @!p0 [sflag:s8], $0x0  }
0x24: {  	s3 =	sadd.s32 $0x88, s3;
	s6 =	simm.s32 @!p1 $0x1082;
	[sflag:s4] =	ssyncset.s32 $0xFFFFF086  }
0x25: {  	[simem:s6], [sflag:s4] =	dma.local [hbm:s3], $0xF7A  }
0x26: {  	[smem:$0x3F9C] =	sst s1;
	(tag) =	ssettag s2;
	_ =	strace s9  }
0x27: {  	s1 =	sld [smem:$0x3FAC]  }
0x28: {  	s2 =	sld [smem:$0x3FAD]  }
0x29: {  	s4 =	sld [smem:$0x3FAF]  }
0x2a: {  	p0 =	seq.s32 s5, $0x0;
	s5 =	sld [smem:$0x3FB0]  }
0x2b: {  	s6 =	sld [smem:$0x3FB1]  }
0x2c: {  	s7 =	sld [smem:$0x3FB2]  }
0x2d: {  	s3 =	simm.s32 $0x108;
	s8 =	sld [smem:$0x3FB3]  }
0x2e: {  	s3 =	simm.s32 @!p0 $0x1082;
	s9 =	sld [smem:$0x3FB4]  }
0x2f: {  	lr =	sadd.s32 s0, s3;
	s0 =	sld [smem:$0x3FAB]  }
0x30: {  	s3 =	sld [smem:$0x3FAE]  }
0x31: {  	[smem:$0x3FB7] =	sst s10  }
0x32: {  	s10 =	sld [smem:$0x3FB5];
	_ =	sdelay $0x3  }
0x33: {  	p0 =	seq.s32 s10, $0x1;
	s10 =	sld [smem:$0x3FB7];
	_ =	sdelay $0x3  }
0x34: {  	[smem:$0x3FB7] =	sst s10  }
0x35: {  	s10 =	sld [smem:$0x3FB6];
	_ =	sdelay $0x3  }
0x36: {  	p1 =	seq.s32 s10, $0x1;
	s10 =	sld [smem:$0x3FB7];
	_ =	sdelay $0x3  }
0x37: {  	[smem:$0x3FB7] =	sst s10  }
0x38: {  	s10 =	sld [smem:$0x3FB8]  }
0x39: {  	_ = 	snop;
	(pc) =	sbr.ind lr, $3  }
0x3a: {  	_ = 	snop  }
0x3b: {  	_ = 	snop  }
0x3c: {  	p2 =	seq.s32 s10, $0x1;
	s10 =	sld [smem:$0x3FB7]  }
0x3d: {  	_ =	shalt  }
0x3e: {  	_ =	shalt  }
0x3f: {  	_ =	shalt  }
0x40: {  	_ =	shalt  }
0x41: {  	_ =	shalt  }
0x42: {  	_ =	shalt  }
0x43: {  	_ =	shalt  }
0x44: {  	_ =	shalt  }
0x45: {  	_ =	shalt  }
0x46: {  	_ =	shalt  }
0x47: {  	_ =	shalt  }
0x48: {  	_ =	shalt  }
0x49: {  	_ =	shalt  }
0x4a: {  	_ =	shalt  }
0x4b: {  	_ =	shalt  }
0x4c: {  	_ =	shalt  }
0x4d: {  	_ =	shalt  }
0x4e: {  	_ =	shalt  }
0x4f: {  	_ =	shalt  }
0x50: {  	_ =	shalt  }
0x51: {  	_ =	shalt  }
0x52: {  	_ =	shalt  }
0x53: {  	_ =	shalt  }
0x54: {  	_ =	shalt  }
0x55: {  	_ =	shalt  }
0x56: {  	_ =	shalt  }
0x57: {  	_ =	shalt  }
0x58: {  	_ =	shalt  }
0x59: {  	_ =	shalt  }
0x5a: {  	_ =	shalt  }
0x5b: {  	_ =	shalt  }
0x5c: {  	_ =	shalt  }
0x5d: {  	_ =	shalt  }
0x5e: {  	_ =	shalt  }
0x5f: {  	_ =	shalt  }
0x60: {  	_ =	shalt  }
0x61: {  	_ =	shalt  }
0x62: {  	_ =	shalt  }
0x63: {  	_ =	shalt  }
0x64: {  	_ =	shalt  }
0x65: {  	_ =	shalt  }
0x66: {  	_ =	shalt  }
0x67: {  	_ =	shalt  }
0x68: {  	_ =	shalt  }
0x69: {  	_ =	shalt  }
0x6a: {  	_ =	shalt  }
0x6b: {  	_ =	shalt  }
0x6c: {  	_ =	shalt  }
0x6d: {  	_ =	shalt  }
0x6e: {  	_ =	shalt  }
0x6f: {  	_ =	shalt  }
0x70: {  	_ =	shalt  }
0x71: {  	_ =	shalt  }
0x72: {  	_ =	shalt  }
0x73: {  	_ =	shalt  }
0x74: {  	_ =	shalt  }
0x75: {  	_ =	shalt  }
0x76: {  	_ =	shalt  }
0x77: {  	_ =	shalt  }
0x78: {  	_ =	shalt  }
0x79: {  	_ =	shalt  }
0x7a: {  	_ =	shalt  }
0x7b: {  	_ =	shalt  }
0x7c: {  	_ =	shalt  }
0x7d: {  	_ =	shalt  }
0x7e: {  	_ =	shalt  }
0x7f: {  	_ =	shalt  }
0x80: {  	_ =	shalt  }
0x81: {  	_ =	shalt  }
0x82: {  	_ =	shalt  }
0x83: {  	_ =	shalt  }
0x84: {  	_ =	shalt  }
0x85: {  	_ =	shalt  }
0x86: {  	_ =	shalt  }
0x87: {  	_ =	shalt  }
.Lfunc_end0:
.L_simem_size_0:
called_computation.3_lowered:
.L_overlay_start_0:
0x88: {  	s2 =	sld [smem:$0x3FD9]  }
0x89: {  	s3 =	sld [smem:$0x3FFE];
	_ =	sdelay $0x1  }
0x8a: {  	s1 =	srdreg.scid  }
0x8b: {  	s0 =	sand.u32 $0x1, s1  }
0x8c: {  	s17 =	sshll.u32 s0, $0xA;
	s2 =	sadd.s32 s3, s2  }
0x8d: {  	s2 =	sadd.s32 s2, s17  }
0x8e: {  	[smem:$0x3FC3] =	sst s2  }
0x8f: {  	_ = 	snop  }
0x90: {  	s2 =	sld [smem:$0x3FD0];
	(tm) =	ssettm $0x1  }
0x91: {  	s18 =	sld [smem:$0x3FFB];
	_ =	sdelay $0x3  }
0x92: {  	_ =	strace s18  }
0x93: {  	s3 =	sld [smem:$0x3FFC];
	_ =	sdelay $0x3  }
0x94: {  	_ =	strace s3  }
0x95: {  	s3 =	sld [smem:$0x3FFD];
	_ =	sdelay $0x3  }
0x96: {  	_ =	strace s3  }
0x97: {  	_ =	strace $0x8FFFFFFF  }
0x98: {  	s19 =	sld [smem:$0x3FDB];
	_ =	sdelay $0x1  }
0x99: {  	s4 =	simm.s32 $_scs_section_size  }
0x9a: {  	s5 =	simm.s32 $_size__tile_overlayer_lowered;
	s6 =	simm.s32 $_tile_overlayer_lowered  }
0x9b: {  	s22 =	simm.s32 $0x1BFF;
	s21 =	sshll.u32 s6, $0x1;
	s3 =	sadd.s32 s4, s19  }
0x9c: {  	s7 =	simm.s32 $0x0;
	s20 =	sshll.u32 s5, $0x1;
	s5 =	sadd.s32 s21, s3  }
0x9d: {  	[timem:s7], [sflag:s22] =	dma.local [hbm:s5], s20  }
0x9e: {  	_ =	swait.ge [sflag:s22], s20  }
0x9f: {  	s4 =	ssub.s32 $0x0, s20;
	[sflag:s22] =	ssyncset.done $0x0  }
0xa0: {  	[sflag:s22] =	ssyncadd.s32 s4;
	_ =	sdelay $0x1  }
0xa1: {  	s23 =	simm.s32 $0x1B8B  }
0xa2: {  	_ =	swait.ge [sflag:s23], $0x1  }
0xa3: {  	[sflag:s23] =	ssyncset.done $0x0  }
0xa4: {  	s25 =	simm.s32 $0x1B8E;
	s24 =	sld [smem:$0x3FFE];
	[sflag:s23] =	ssyncadd.s32 $0xFFFFFFFF  }
0xa5: {  	s26 =	simm.s32 $execute0_lowered;
	[smem:$0x3FD2] =	sst s25  }
0xa6: {  	s5 =	sshll.u32 s26, $0x1;
	_ =	strace $0x8000004F;
	[dreg:$0x1] =	wrdreg $0xFFFFFFFF  }
0xa7: {  	s28 =	simm.s32 $_size_execute0_lowered;
	s3 =	sadd.s32 s3, s5;
	[dreg:$0x0] =	wrdreg $0x0  }
0xa8: {  	s5 =	sshll.u32 s28, $0x1;
	[dreg:$0x2] =	wrdreg s3  }
0xa9: {  	[dreg:$0x3] =	wrdreg s5  }
0xaa: {  	[dreg:$0x4] =	wrdreg $0xC0  }
0xab: {  	_ =	task [dreg:s7], $0x5FFFF  }
0xac: {  	[dreg:$0x1] =	wrdreg $0xFFFFFFFF  }
0xad: {  	[dreg:$0x0] =	wrdreg $0x60  }
0xae: {  	[dreg:$0x2] =	wrdreg s24  }
0xaf: {  	[dreg:$0x3] =	wrdreg s2  }
0xb0: {  	[dreg:$0x4] =	wrdreg $0x0  }
0xb1: {  	[dreg:$0x5] =	wrdreg $0x9  }
0xb2: {  	_ =	task.clear_ibuf [dreg:s7], $0x6FFFF;
	_ =	strace $0x9000004F  }
0xb3: {  	s29 =	simm.s32 $0x9;
	_ =	strace $0x80000051  }
0xb4: {  	_ =	swait.ge [sflag:s29], $0x1  }
0xb5: {  	[sflag:s29] =	ssyncadd.s32 $0xFFFFFFFF  }
0xb6: {  	_ =	strace $0x90000051  }
0xb7: {  	_ =	sfence  }
0xb8: {  	s30 =	sld [smem:$0x0];
	_ =	sdelay $0x2  }
0xb9: {  	s31 =	sshll.u32 s1, $0xD;
	s1 =	sshrl.u32 s1, $0x2  }
0xba: {  	s3 =	sand.u32 $0x4000, s31;
	s1 =	sadd.s32 s1, s30  }
0xbb: {  	s0 =	sor.u32 s3, s0;
	s1 =	sshll.u32 s1, $0x11  }
0xbc: {  	s0 =	sor.u32 s1, s0  }
0xbd: {  	s0 =	sadd.s32 $0x8F2B, s0  }
0xbe: {  	[sflag:s0] =	ssyncadd.remote.s32 $0x1  }
0xbf: {  	_ =	sfence.sel $0xFFFF  }
0xc0: {  	[dreg:$0x0] =	wrdreg $0xFFFFFFFF;
	(pc) =	sbr.abs _section_cstart, $3  }
0xc1: {  	[dreg:$0x1] =	wrdreg $0xFFFFFFFF  }
0xc2: {  	_ =	task.clear_ibuf [dreg:s7], $0x2FFFF;
	_ =	strace $0x9FFFFFFF  }
0xc3: {  	(tm) =	ssettm $0x7FFFFFFF  }
tec
execute0_lowered:
.L_overlay_start_1:
0x0: {  	(tag) =	ssettag $0x1  }
0x1: {  	s5 =	rddreg [dreg:$0x0]  }
0x2: {  	s11 =	rddreg [dreg:$0x1]  }
0x3: {  	s1 =	rddreg [dreg:$0x2]  }
0x4: {  	s0 =	rddreg [dreg:$0x3];
	s3 =	simm.s32 $0x0;
	s2 =	stileid.u32  }
0x5: {  	s6 =	srdreg.scid;
	s17 =	simm.s32 $0x80;
	s18 =	simm.s32 $0x1  }
0x6: {  	s19 =	simm.s32 $0x17C00;
	s20 =	simm.s32 $0x2;
	s21 =	simm.s32 $0x3  }
0x7: {  	s22 =	simm.s32 $0x4;
	s23 =	simm.s32 $0x0;
	s7 =	smul.u32 $0x4F000, s2  }
0x8: {  	[smem:$0x7FF] =	sst s3;
	s4 =	sadd.s32 $0x34200, s5;
	s10 =	smul.u32 $0x278, s2  }
0x9: {  	s13 =	sadd.s32 $0xC200, s5;
	s8 =	sand.u32 $0x1, s6;
	s12 =	smul.u32 $0xA000, s2  }
0xa: {  	p0 =	seq.s32 s2, $0xF;
	s6 =	ssub.s32 $0x2, s8;
	s9 =	smul.u32 $0xA0000, s8  }
0xb: {  	s15 =	smul.u32 $0x2710, s8;
	s28 =	sshrl.u32 s7, $0x2;
	s29 =	sshrl.u32 s6, $0x1  }
0xc: {  	_ =	strace $0x80000050;
	s5 =	sadd.s32 s28, s1;
	s14 =	ssub.s32 s6, s29  }
0xd: {  	s12 =	sadd.s32 s12, s9;
	s15 =	sadd.s32 s10, s15;
	s6 =	sadd.s32 $0x4000, s5  }
.Ltmp0:
0xe: {  	s7 =	sadd.s32 $0x8000, s5;
	s8 =	sadd.s32 $0xC000, s5;
	(pc) =	sbr.rel .LBB2_1-.Ltmp0, $4  }
0xf: {  	s9 =	sadd.s32 $0x10000, s5;
	s16 =	sshrl.u32 s12, $0x3;
	s15 =	sshll.u32 s15, $0x4  }
0x10: {  	s30 =	sor.u32 $0x800, s12;
	s12 =	smax.u32 s14, $0x1;
	s14 =	simm.s32 $0x13C00  }
0x11: {  	s10 =	sadd.s32 s13, s16;
	s11 =	sadd.s32 s11, s15;
	s31 =	sshrl.u32 s30, $0x3  }
0x12: {  	v0 =	vimm.f32 $0.0e+00;
	s15 =	simm.s32 $0x5;
	s16 =	simm.s32 $0x1BC00;
	s13 =	sadd.s32 s31, s13  }
.LBB2_6:
0x13: {  	_ =	swait.ge [sflag:s22], $0x800  }
0x14: {  	[sflag:s22] =	ssyncset.done $0x0  }
0x15: {  	[sflag:s22] =	ssyncadd.s32 $0xFFFFF800  }
0x16: {  	s24 =	sshrl.u32 @p0 s5, $0x3;
	s25 =	simm.s32 @p0 $0x1FC5;
	[bflag:$0x0] =	sbarrier.arrive $0xFFFF  }
0x17: {  	[hbm:s11], [sflag:s25] =	dma.local @p0 [spmem:s24], $0x2080  }
0x18: {  	s24 =	simm.s32 @p0 $0x5  }
0x19: {  	s23 =	sadd.s32 $0x1, s23;
	_ =	swait.ge @p0 [sflag:s24], $0x2080  }
0x1a: {  	p1 =	sne.s32 s23, s12;
	s25 =	sshll.u32 @!p0 s2, $0x6;
	[sflag:s24] =	ssyncset.done @p0 $0x0  }
0x1b: {  	[sflag:s24] =	ssyncadd.s32 @p0 $0xFFFFDF80;
	s24 =	sor.u32 @!p0 $0x1C05, s25;
	s25 =	sshrl.u32 @!p0 s5, $0x3  }
0x1c: {  	[hbm:s11], [sflag:s24] =	dma.local @!p0 [spmem:s25], $0x2780  }
.Ltmp1:
0x1d: {  	_ = 	snop;
	(pc) =	sbr.rel @!p1 .LBB2_7-.Ltmp1, $4  }
0x1e: {  	s24 =	simm.s32 @!p0 $0x5  }
0x1f: {  	_ =	swait.ge @!p0 [sflag:s24], $0x2780  }
0x20: {  	[sflag:s24] =	ssyncset.done @!p0 $0x0  }
0x21: {  	[sflag:s24] =	ssyncadd.s32 @!p0 $0xFFFFD880  }
.LBB2_1:
0x22: {  	s24 =	sand.u32 $0xFE00, s3  }
0x23: {  	s25 =	sand.u32 $0x70, s3;
	s26 =	sshrl.u32 s24, $0x2  }
0x24: {  	s24 =	simm.s32 $0x40;
	s26 =	sor.u32 s25, s26;
	s25 =	simm.s32 $0x0  }
.LBB2_2:
0x25: {  	p1 =	sne.s32 s24, $0xFFC0  }
0x26: {  	[tilespmem:s26+$0x13C00] =	vst v0;
	s25 =	sadd.s32 $0x10, s25;
	s26 =	smov.u32 s24;
	s24 =	sadd.s32 $0x40, s24  }
.Ltmp2:
0x27: {  	(pc) =	sbr.rel @p1 .LBB2_2-.Ltmp2, $4  }
0x28: {  	_ = 	snop  }
0x29: {  	s26 =	sand.u32 $0xFE00, s26  }
0x2a: {  	s28 =	sand.u32 $0x70, s25;
	s26 =	sshrl.u32 s26, $0x2  }
0x2b: {  	s26 =	sor.u32 s28, s26  }
0x2c: {  	[tilespmem:s26+$0x13C00] =	vst v0  }
0x2d: {  	[spmem:s5] =	stream.linear.scatter [tilespmem:s14], [sflag:$0x5], $0x4000, $0x38;
	[tilespmem:$0x1D400] =	vst v63  }
0x2e: {  	_ =	swait.ge [sflag:s15], $0x4000  }
0x2f: {  	[sflag:s15] =	ssyncset.done $0x0  }
0x30: {  	[sflag:s15] =	ssyncadd.s32 $0xFFFFC000  }
0x31: {  	[spmem:s6] =	stream.linear.scatter [tilespmem:s14], [sflag:$0x5], $0x4000, $0x38;
	[tilespmem:$0x1D400] =	vst v63  }
0x32: {  	_ =	swait.ge [sflag:s15], $0x4000  }
0x33: {  	[sflag:s15] =	ssyncset.done $0x0  }
0x34: {  	[sflag:s15] =	ssyncadd.s32 $0xFFFFC000  }
0x35: {  	[spmem:s7] =	stream.linear.scatter [tilespmem:s14], [sflag:$0x5], $0x4000, $0x38;
	[tilespmem:$0x1D400] =	vst v63  }
0x36: {  	_ =	swait.ge [sflag:s15], $0x4000  }
0x37: {  	[sflag:s15] =	ssyncset.done $0x0  }
0x38: {  	[sflag:s15] =	ssyncadd.s32 $0xFFFFC000  }
0x39: {  	[spmem:s8] =	stream.linear.scatter [tilespmem:s14], [sflag:$0x5], $0x4000, $0x38;
	[tilespmem:$0x1D400] =	vst v63  }
0x3a: {  	_ =	swait.ge [sflag:s15], $0x4000  }
0x3b: {  	[sflag:s15] =	ssyncset.done $0x0  }
0x3c: {  	[sflag:s15] =	ssyncadd.s32 $0xFFFFC000  }
0x3d: {  	[spmem:s9] =	stream.linear.scatter [tilespmem:s14], [sflag:$0x5], $0x3C00, $0x38;
	[tilespmem:$0x1D400] =	vst v63  }
0x3e: {  	_ =	swait.ge [sflag:s15], $0x3C00  }
0x3f: {  	[sflag:s15] =	ssyncset.done $0x0  }
0x40: {  	[sflag:s15] =	ssyncadd.s32 $0xFFFFC400  }
0x41: {  	s24 =	simm.s32 $0x0;
	[bflag:$0x0] =	sbarrier.arrive $0xFFFF  }
0x42: {  	[tilespmem:s16], [sflag:$0x5] =	stream.linear.gather [hbm4b:s10+s24], $0x800, $0x38;
	[tilespmem:$0x1D400] =	vst v63  }
0x43: {  	_ =	swait.ge [sflag:s15], $0x800  }
0x44: {  	[sflag:s15] =	ssyncset.done $0x0  }
0x45: {  	s25 =	smov.u32 s13;
	[sflag:s15] =	ssyncadd.s32 $0xFFFFF800  }
0x46: {  	[tilespmem:s14], [sflag:$0x1] =	stream.indirect.gather [hbm4b:s4+s17], $0x80, s16, s17, $0xb8;
	[tilespmem:$0x1D400] =	vst v63  }
.LBB2_4:
0x47: {  	p1 =	seq.s32 s24, $0x13  }
0x48: {  	s26 =	sadd.s32 @!p1 $0x1, s24  }
0x49: {  	s28 =	smul.u32 @!p1 $0xAB, s26;
	_ =	sdelay $0x1  }
0x4a: {  	s28 =	sshrl.u32 @!p1 s28, $0x9  }
0x4b: {  	s28 =	sand.u32 @!p1 $0x7F, s28  }
0x4c: {  	s28 =	smul.u32 @!p1 $0x3, s28;
	_ =	sdelay $0x1  }
0x4d: {  	s26 =	ssub.s32 @!p1 s26, s28  }
0x4e: {  	s31 =	smul.u32 $0xAB, s24;
	s26 =	sand.u32 @!p1 $0xFF, s26  }
0x4f: {  	s26 =	sshll.u32 @!p1 s26, $0xB  }
0x50: {  	s29 =	simm.s32 @!p1 $0x0;
	s28 =	sshrl.u32 s31, $0x9;
	s26 =	sadd.s32 @!p1 $0x1BC00, s26  }
0x51: {  	[tilespmem:s26], [sflag:$0x5] =	stream.linear.gather @!p1 [hbm4b:s25+s29], $0x800, $0x38;
	[tilespmem:$0x1D400] =	vst v63  }
0x52: {  	s29 =	sand.u32 $0x7F, s28;
	s28 =	simm.s32 @!p1 $0x5  }
0x53: {  	s26 =	smul.u32 $0x3, s29;
	_ =	swait.ge @!p1 [sflag:s28], $0x800  }
0x54: {  	[sflag:s28] =	ssyncset.done @!p1 $0x0  }
0x55: {  	s26 =	ssub.s32 s24, s26;
	[sflag:s28] =	ssyncadd.s32 @!p1 $0xFFFFF800  }
0x56: {  	s26 =	sand.u32 $0xFF, s26;
	_ =	swait.ge [sflag:s18], $0x4000  }
0x57: {  	p2 =	seq.s32 s24, $0x0;
	[sflag:s18] =	ssyncset.done $0x0;
	s26 =	sshll.u32 s26, $0xB  }
0x58: {  	s28 =	simm.s32 @!p2 $0x4;
	[sflag:s18] =	ssyncadd.s32 $0xFFFFC000;
	s30 =	sadd.s32 $0x1BC80, s26  }
0x59: {  	[spmem:s1] =	stream.indirect.scatter.add.f32 [tilespmem:s14], [sflag:$0x3], $0x80, s30, s17, $0xb8;
	[tilespmem:$0x1D400] =	vst v63  }
0x5a: {  	_ =	swait.ge @!p2 [sflag:s28], $0x800  }
0x5b: {  	[sflag:s28] =	ssyncset.done @!p2 $0x0  }
0x5c: {  	s31 =	sadd.s32 $0x1BD00, s26;
	[sflag:s28] =	ssyncadd.s32 @!p2 $0xFFFFF800  }
0x5d: {  	[tilespmem:s19], [sflag:$0x2] =	stream.indirect.gather [hbm4b:s4+s17], $0x80, s31, s17, $0xb8;
	[tilespmem:$0x1D400] =	vst v63  }
0x5e: {  	_ =	swait.ge [sflag:s20], $0x4000  }
0x5f: {  	[sflag:s20] =	ssyncset.done $0x0  }
0x60: {  	s29 =	sadd.s32 $0x1BD80, s26;
	[sflag:s20] =	ssyncadd.s32 $0xFFFFC000  }
0x61: {  	[spmem:s1] =	stream.indirect.scatter.add.f32 [tilespmem:s19], [sflag:$0x4], $0x80, s29, s17, $0xb8;
	[tilespmem:$0x1D400] =	vst v63  }
0x62: {  	_ =	swait.ge [sflag:s21], $0x800  }
0x63: {  	[sflag:s21] =	ssyncset.done $0x0  }
0x64: {  	s30 =	sadd.s32 $0x1BE00, s26;
	[sflag:s21] =	ssyncadd.s32 $0xFFFFF800  }
0x65: {  	[tilespmem:s14], [sflag:$0x1] =	stream.indirect.gather [hbm4b:s4+s17], $0x80, s30, s17, $0xb8;
	[tilespmem:$0x1D400] =	vst v63  }
0x66: {  	_ =	swait.ge [sflag:s18], $0x4000  }
0x67: {  	[sflag:s18] =	ssyncset.done $0x0  }
0x68: {  	s31 =	sadd.s32 $0x1BE80, s26;
	[sflag:s18] =	ssyncadd.s32 $0xFFFFC000  }
0x69: {  	[spmem:s1] =	stream.indirect.scatter.add.f32 [tilespmem:s14], [sflag:$0x3], $0x80, s31, s17, $0xb8;
	[tilespmem:$0x1D400] =	vst v63  }
0x6a: {  	_ =	swait.ge [sflag:s22], $0x800  }
0x6b: {  	[sflag:s22] =	ssyncset.done $0x0  }
0x6c: {  	s29 =	sadd.s32 $0x1BF00, s26;
	[sflag:s22] =	ssyncadd.s32 $0xFFFFF800  }
0x6d: {  	[tilespmem:s19], [sflag:$0x2] =	stream.indirect.gather [hbm4b:s4+s17], $0x80, s29, s17, $0xb8;
	[tilespmem:$0x1D400] =	vst v63  }
0x6e: {  	_ =	swait.ge [sflag:s20], $0x4000  }
0x6f: {  	[sflag:s20] =	ssyncset.done $0x0  }
0x70: {  	s30 =	sadd.s32 $0x1BF80, s26;
	[sflag:s20] =	ssyncadd.s32 $0xFFFFC000  }
0x71: {  	[spmem:s1] =	stream.indirect.scatter.add.f32 [tilespmem:s19], [sflag:$0x4], $0x80, s30, s17, $0xb8;
	[tilespmem:$0x1D400] =	vst v63  }
0x72: {  	_ =	swait.ge [sflag:s21], $0x800  }
0x73: {  	[sflag:s21] =	ssyncset.done $0x0  }
0x74: {  	s31 =	sadd.s32 $0x1C000, s26;
	[sflag:s21] =	ssyncadd.s32 $0xFFFFF800  }
0x75: {  	[tilespmem:s14], [sflag:$0x1] =	stream.indirect.gather [hbm4b:s4+s17], $0x80, s31, s17, $0xb8;
	[tilespmem:$0x1D400] =	vst v63  }
0x76: {  	_ =	swait.ge [sflag:s18], $0x4000  }
0x77: {  	[sflag:s18] =	ssyncset.done $0x0  }
0x78: {  	s29 =	sadd.s32 $0x1C080, s26;
	[sflag:s18] =	ssyncadd.s32 $0xFFFFC000  }
0x79: {  	[spmem:s1] =	stream.indirect.scatter.add.f32 [tilespmem:s14], [sflag:$0x3], $0x80, s29, s17, $0xb8;
	[tilespmem:$0x1D400] =	vst v63  }
0x7a: {  	_ =	swait.ge [sflag:s22], $0x800  }
0x7b: {  	[sflag:s22] =	ssyncset.done $0x0  }
0x7c: {  	s30 =	sadd.s32 $0x1C100, s26;
	[sflag:s22] =	ssyncadd.s32 $0xFFFFF800  }
0x7d: {  	[tilespmem:s19], [sflag:$0x2] =	stream.indirect.gather [hbm4b:s4+s17], $0x80, s30, s17, $0xb8;
	[tilespmem:$0x1D400] =	vst v63  }
0x7e: {  	_ =	swait.ge [sflag:s20], $0x4000  }
0x7f: {  	[sflag:s20] =	ssyncset.done $0x0  }
0x80: {  	s31 =	sadd.s32 $0x1C180, s26;
	[sflag:s20] =	ssyncadd.s32 $0xFFFFC000  }
0x81: {  	[spmem:s1] =	stream.indirect.scatter.add.f32 [tilespmem:s19], [sflag:$0x4], $0x80, s31, s17, $0xb8;
	[tilespmem:$0x1D400] =	vst v63  }
0x82: {  	_ =	swait.ge [sflag:s21], $0x800  }
0x83: {  	[sflag:s21] =	ssyncset.done $0x0  }
0x84: {  	s29 =	sadd.s32 $0x1C200, s26;
	[sflag:s21] =	ssyncadd.s32 $0xFFFFF800  }
0x85: {  	[tilespmem:s14], [sflag:$0x1] =	stream.indirect.gather [hbm4b:s4+s17], $0x80, s29, s17, $0xb8;
	[tilespmem:$0x1D400] =	vst v63  }
0x86: {  	_ =	swait.ge [sflag:s18], $0x4000  }
0x87: {  	[sflag:s18] =	ssyncset.done $0x0  }
0x88: {  	s30 =	sadd.s32 $0x1C280, s26;
	[sflag:s18] =	ssyncadd.s32 $0xFFFFC000  }
0x89: {  	[spmem:s1] =	stream.indirect.scatter.add.f32 [tilespmem:s14], [sflag:$0x3], $0x80, s30, s17, $0xb8;
	[tilespmem:$0x1D400] =	vst v63  }
0x8a: {  	_ =	swait.ge [sflag:s22], $0x800  }
0x8b: {  	[sflag:s22] =	ssyncset.done $0x0  }
0x8c: {  	s31 =	sadd.s32 $0x1C300, s26;
	[sflag:s22] =	ssyncadd.s32 $0xFFFFF800  }
0x8d: {  	[tilespmem:s19], [sflag:$0x2] =	stream.indirect.gather [hbm4b:s4+s17], $0x80, s31, s17, $0xb8;
	[tilespmem:$0x1D400] =	vst v63  }
0x8e: {  	_ =	swait.ge [sflag:s20], $0x4000  }
0x8f: {  	[sflag:s20] =	ssyncset.done $0x0  }
.Ltmp3:
0x90: {  	s26 =	sadd.s32 $0x1C380, s26;
	[sflag:s20] =	ssyncadd.s32 $0xFFFFC000;
	(pc) =	sbr.rel @p1 .LBB2_6-.Ltmp3, $4  }
0x91: {  	[spmem:s1] =	stream.indirect.scatter.add.f32 [tilespmem:s19], [sflag:$0x4], $0x80, s26, s17, $0xb8;
	[tilespmem:$0x1D400] =	vst v63  }
0x92: {  	_ =	swait.ge [sflag:s21], $0x800  }
0x93: {  	[sflag:s21] =	ssyncset.done $0x0  }
0x94: {  	[sflag:s21] =	ssyncadd.s32 $0xFFFFF800  }
0x95: {  	s24 =	sadd.s32 $0x1, s24  }
0x96: {  	s26 =	sand.u32 $0xFF, s24  }
0x97: {  	s26 =	smul.u32 $0xAB, s26;
	_ =	sdelay $0x1  }
0x98: {  	s26 =	sshrl.u32 s26, $0x9  }
0x99: {  	s26 =	smul.u32 $0x3, s26;
	_ =	sdelay $0x1  }
.Ltmp4:
0x9a: {  	s26 =	ssub.s32 s24, s26;
	(pc) =	sbr.rel .LBB2_4-.Ltmp4, $4  }
0x9b: {  	s26 =	sand.u32 $0xFF, s26  }
0x9c: {  	s26 =	sshll.u32 s26, $0xB  }
0x9d: {  	s25 =	sadd.s32 $0x100, s25;
	s26 =	sadd.s32 $0x1BC00, s26  }
0x9e: {  	[tilespmem:s14], [sflag:$0x1] =	stream.indirect.gather [hbm4b:s4+s17], $0x80, s26, s17, $0xb8;
	[tilespmem:$0x1D400] =	vst v63  }
.LBB2_7:
0x9f: {  	_ =	sfence.sel $0x180000  }
0xa0: {  	[bflag:$0x0] =	sbarrier.arrive $0xFFFF  }
0xa1: {  	p0 =	sne.s32 s2, $0x0;
	_ =	strace $0x90000050  }
0xa2: {  	s0 =	sadd.s32 @!p0 $0x100000, s0;
	[bflag:$0x2] =	sbarrier.arrive $0xFFFF  }
0xa3: {  	[sflag:s0] =	ssyncadd.tile.s32 @!p0 $0x1;
	_ =	shalt  }
.Lfunc_end2:
_tile_overlayer_lowered:
.L_overlay_start_2:
0xa4: {  	(tag) =	ssettag $0x2  }
0xa5: {  	s0 =	rddreg [dreg:$0x0];
	s2 =	stileid.u32  }
0xa6: {  	s1 =	rddreg [dreg:$0x1];
	p0 =	sne.s32 s2, $0x0  }
0xa7: {  	s3 =	rddreg [dreg:$0x2];
	[bflag:$0x3] =	sbarrier.arrive $0xFFFF;
	s2 =	simm.s32 @!p0 $0x1C05  }
0xa8: {  	[timem:s3], [sflag:s2] =	dma.local @!p0 [hbm:s0], s1  }
0xa9: {  	s0 =	simm.s32 @!p0 $0x5  }
0xaa: {  	_ =	swait.ge @!p0 [sflag:s0], s1  }
0xab: {  	s1 =	ssub.s32 @!p0 $0x0, s1;
	[sflag:s0] =	ssyncset.done @!p0 $0x0  }
0xac: {  	[sflag:s0] =	ssyncadd.s32 @!p0 s1  }
0xad: {  	[bflag:$0x3] =	sbarrier.arrive $0xFFFF  }
0xae: {  	_ =	shalt  }

</sc_bundles>
